<compile_context>
chip_gen: v7x
topology: tpu7x:2x2x1
jax: 0.10.2.dev20260603
libtpu: 0.0.44.dev20260713+nightly
codegen_flags: <defaults>
</compile_context>

<pallas_src>
import jax
import jax.numpy as jnp
from jax import lax
from jax.experimental import pallas as pl
from jax.experimental.pallas import tpu as pltpu, tpu_sc as plsc

NUM_WORKERS = 32
L = 16
V = 1000
D = 32
C = 20

B, W = 4096, 50
N_WORDS = B * W
WORDS_PER_TILE = N_WORDS // NUM_WORKERS
CHUNK_WORDS = 640
NUM_CHUNKS = WORDS_PER_TILE // CHUNK_WORDS
CHUNK_IDS = CHUNK_WORDS * C


def _tree_sum(vals):
    while len(vals) > 1:
        nxt = [vals[i] + vals[i + 1] for i in range(0, len(vals) - 1, 2)]
        if len(vals) % 2:
            nxt.append(vals[-1])
        vals = nxt
    return vals[0]


def _sc_body(ids_hbm, table_hbm, out_hbm, table_v, ids_v, out_v,
             si0, si1, so0, so1):
    wid = lax.axis_index("s") * 2 + lax.axis_index("c")
    word_base = wid * WORDS_PER_TILE
    ids_sems = [si0, si1]
    out_sems = [so0, so1]

    def start_ids(g):
        cw0 = word_base + g * CHUNK_WORDS
        return pltpu.async_copy(
            ids_hbm.at[pl.ds(cw0 * C, CHUNK_IDS)],
            ids_v.at[g % 2, pl.ds(0, CHUNK_IDS)],
            ids_sems[g % 2],
        )

    in_descs = {0: start_ids(0)}
    out_descs = {}

    pltpu.sync_copy(table_hbm, table_v)
    table_v[0, pl.ds(0, L)] = jnp.zeros((L,), jnp.int32)

    for g in range(NUM_CHUNKS):
        if g + 1 < NUM_CHUNKS:
            in_descs[g + 1] = start_ids(g + 1)
        in_descs[g].wait()
        if g >= 2:
            out_descs[g - 2].wait()
        gb = g % 2

        @plsc.parallel_loop(0, CHUNK_WORDS, step=1, unroll=2)
        def word_body(w):
            base = w * C
            idv0 = ids_v[gb, pl.ds(base, L)]
            idv1 = ids_v[gb, pl.ds(base + L, L)]
            rows = []
            for c in range(C):
                idx = idv0[c] if c < L else idv1[c - L]
                packed = table_v[idx, pl.ds(0, L)]
                rows.append(plsc.bitcast(packed, jnp.bfloat16))
            s = _tree_sum(rows)
            lo, hi = plsc.unpack(s, format=plsc.PackFormat.INTERLEAVED)
            out_v[gb, pl.ds(w * D, L)] = lo
            out_v[gb, pl.ds(w * D + L, L)] = hi

        cw0 = word_base + g * CHUNK_WORDS
        out_descs[g] = pltpu.async_copy(
            out_v.at[gb],
            out_hbm.at[pl.ds(cw0 * D, CHUNK_WORDS * D)],
            out_sems[gb],
        )

    out_descs[NUM_CHUNKS - 2].wait()
    out_descs[NUM_CHUNKS - 1].wait()


@jax.jit
def kernel(token_ids, table):
    ids_flat = token_ids.astype(jnp.int32).reshape(-1)
    tb = table.astype(jnp.bfloat16)
    pairs = jnp.stack([tb[:, :L], tb[:, L:]], axis=-1)
    ti = lax.bitcast_convert_type(pairs, jnp.int32)
    sc_call = pl.kernel(
        _sc_body,
        out_type=jax.ShapeDtypeStruct((N_WORDS * D,), jnp.float32),
        mesh=plsc.VectorSubcoreMesh(core_axis_name="c", subcore_axis_name="s"),
        compiler_params=pltpu.CompilerParams(
            needs_layout_passes=False, use_tc_tiling_on_sc=False
        ),
        scratch_types=[
            pltpu.VMEM((V, L), jnp.int32),
            pltpu.VMEM((2, CHUNK_IDS + L), jnp.int32),
            pltpu.VMEM((2, CHUNK_WORDS * D), jnp.float32),
            pltpu.SemaphoreType.DMA,
            pltpu.SemaphoreType.DMA,
            pltpu.SemaphoreType.DMA,
            pltpu.SemaphoreType.DMA,
        ],
    )
    out = sc_call(ids_flat, ti)
    return out.reshape(B, W, D)

# --- scband reference (transcript-rebuilt; emitter-appended) ---
"""Pipeline reference for scband-character-level-word-embedding-17334488007266 (READ-ONLY COPY).

The authoritative reference and input builder live on the scoring server;
editing this copy changes nothing except your own understanding.
"""

import jax, jax.numpy as jnp
import numpy as np

NUM_EMBEDDINGS = 1000
EMBEDDING_DIM = 32
PADDING_IDX = 0


def setup_inputs(seed: int = 0) -> dict:
    key = jax.random.key(seed)
    k1, k2 = jax.random.split(key)
    token_ids = jax.random.randint(k1, (4096, 50, 20), 0, NUM_EMBEDDINGS, dtype=jnp.int64 if jax.config.jax_enable_x64 else jnp.int32)
    table = jax.random.normal(k2, (NUM_EMBEDDINGS, EMBEDDING_DIM), dtype=jnp.float32)
    return {"token_ids": token_ids, "table": table}


def reference(token_ids, table):
    # Embedding with padding_idx=0: row 0 is forced to zero (as in torch.nn.Embedding)
    table = table.at[PADDING_IDX].set(0.0)
    # gather: (B, W, L, D)
    word_vecs = jnp.take(table, token_ids, axis=0)
    # mode == 'sum': reduce over char dimension (dim=2)
    word_vecs = jnp.sum(word_vecs, axis=2)
    return word_vecs

if __name__ == "__main__":
    import jax
    _d = setup_inputs()
    print(jax.jit(kernel)(*tuple(_d.values())))

</pallas_src>

<mosaic_0001>
#map = affine_map<(d0, d1) -> (0)>
#map1 = affine_map<(d0, d1) -> (0, 0)>
module attributes {stable_mosaic.version = 14 : i64} {
  func.func @_sc_body(%arg0: i32, %arg1: i32, %arg2: memref<4096000xi32, #tpu.memory_space<hbm>>, %arg3: memref<1000x16xi32, #tpu.memory_space<hbm>>, %arg4: memref<6553600xf32, #tpu.memory_space<hbm>>, %arg5: memref<1000x16xi32, #tpu.memory_space<vmem>>, %arg6: memref<2x12816xi32, #tpu.memory_space<vmem>>, %arg7: memref<2x20480xf32, #tpu.memory_space<vmem>>, %arg8: memref<!tpu.dma_semaphore, #tpu.memory_space<semaphore_mem>>, %arg9: memref<!tpu.dma_semaphore, #tpu.memory_space<semaphore_mem>>, %arg10: memref<!tpu.dma_semaphore, #tpu.memory_space<semaphore_mem>>, %arg11: memref<!tpu.dma_semaphore, #tpu.memory_space<semaphore_mem>>) attributes {dimension_semantics = [#tpu.dimension_semantics<core_parallel>, #tpu.dimension_semantics<subcore_parallel>], iteration_bounds = array<i64: 2, 16>, scalar_prefetch = 0 : i64, scratch_operands = 7 : i64, tpu.core_type = #tpu.core_type<sc_vector_subcore>, window_params = [{transform_indices = #map}, {transform_indices = #map1}, {transform_indices = #map}]} {
    %mul3A = arith.constant 2 : i32
    %mul3A_0 = arith.muli %arg1, %mul3A : i32
    %add3A = arith.addi %mul3A_0, %arg0 : i32
    %mul3A_1 = arith.constant 6400 : i32
    %mul3A_2 = arith.muli %add3A, %mul3A_1 : i32
    %add3A_3 = arith.constant 0 : i32
    %add3A_4 = arith.addi %mul3A_2, %add3A_3 : i32
    %mul3A_5 = arith.constant 20 : i32
    %mul3A_6 = arith.muli %add3A_4, %mul3A_5 : i32
    %dma_start3A = arith.constant 0 : i32
    %dma_start3A_7 = arith.constant 0 : i32
    %dma_start3A_8 = tpu.memref_slice %arg6[%dma_start3A, %dma_start3A_7] : memref<2x12816xi32, #tpu.memory_space<vmem>> -> memref<1x12800xi32, #tpu.memory_space<vmem>>
    %dma_start3A_9 = tpu.memref_squeeze %dma_start3A_8 : memref<1x12800xi32, #tpu.memory_space<vmem>> -> memref<12800xi32, #tpu.memory_space<vmem>>
    %dma_start3A_10 = tpu.memref_slice %arg2[%mul3A_6] : memref<4096000xi32, #tpu.memory_space<hbm>> -> memref<12800xi32, #tpu.memory_space<hbm>>
    %dma_start3A_11 = arith.constant 0 : i32
    %dma_start3A_12 = tpu.memref_slice %arg6[%dma_start3A, %dma_start3A_11] : memref<2x12816xi32, #tpu.memory_space<vmem>> -> memref<1x12800xi32, #tpu.memory_space<vmem>>
    %dma_start3A_13 = tpu.memref_squeeze %dma_start3A_12 : memref<1x12800xi32, #tpu.memory_space<vmem>> -> memref<12800xi32, #tpu.memory_space<vmem>>
    %dma_start3A_14 = tpu.memref_slice %arg2[%mul3A_6] : memref<4096000xi32, #tpu.memory_space<hbm>> -> memref<12800xi32, #tpu.memory_space<hbm>>
    tpu.enqueue_dma source(%dma_start3A_14 : memref<12800xi32, #tpu.memory_space<hbm>>) target(%dma_start3A_13 : memref<12800xi32, #tpu.memory_space<vmem>>) target_semaphore(%arg8 : memref<!tpu.dma_semaphore, #tpu.memory_space<semaphore_mem>>)
    "tpu.region"() ({
      %run_scoped3A = tpu.sem_alloc : memref<!tpu.dma_semaphore, #tpu.memory_space<semaphore_mem>>
      tpu.enqueue_dma source(%arg3 : memref<1000x16xi32, #tpu.memory_space<hbm>>) target(%arg5 : memref<1000x16xi32, #tpu.memory_space<vmem>>) target_semaphore(%run_scoped3A : memref<!tpu.dma_semaphore, #tpu.memory_space<semaphore_mem>>)
      tpu.wait_dma2 semaphore(%run_scoped3A : memref<!tpu.dma_semaphore, #tpu.memory_space<semaphore_mem>>) src(%arg3 : memref<1000x16xi32, #tpu.memory_space<hbm>>) dst(%arg5 : memref<1000x16xi32, #tpu.memory_space<vmem>>)
      tpu.yield
    }) : () -> ()
    %broadcast_in_dim3A = arith.constant 0 : i32
    %broadcast_in_dim3A_15 = vector.broadcast %broadcast_in_dim3A : i32 to vector<16xi32>
    %swap3A = arith.constant 0 : i32
    %swap3A_16 = arith.index_cast %swap3A : i32 to index
    %swap3A_17 = arith.constant 0 : index
    %swap3A_18 = tpu.vector_load %arg5[%swap3A_16, %swap3A_17] {strides = array<i32>} : memref<1000x16xi32, #tpu.memory_space<vmem>>, vector<16xi32>,
    tpu.vector_store %arg5[%swap3A_16, %swap3A_17], %broadcast_in_dim3A_15 {strides = array<i32>} : memref<1000x16xi32, #tpu.memory_space<vmem>>, vector<16xi32>,
    %add3A_19 = arith.constant 640 : i32
    %add3A_20 = arith.addi %mul3A_2, %add3A_19 : i32
    %mul3A_21 = arith.constant 20 : i32
    %mul3A_22 = arith.muli %add3A_20, %mul3A_21 : i32
    %dma_start3A_23 = arith.constant 1 : i32
    %dma_start3A_24 = arith.constant 0 : i32
    %dma_start3A_25 = tpu.memref_slice %arg6[%dma_start3A_23, %dma_start3A_24] : memref<2x12816xi32, #tpu.memory_space<vmem>> -> memref<1x12800xi32, #tpu.memory_space<vmem>>
    %dma_start3A_26 = tpu.memref_squeeze %dma_start3A_25 : memref<1x12800xi32, #tpu.memory_space<vmem>> -> memref<12800xi32, #tpu.memory_space<vmem>>
    %dma_start3A_27 = tpu.memref_slice %arg2[%mul3A_22] : memref<4096000xi32, #tpu.memory_space<hbm>> -> memref<12800xi32, #tpu.memory_space<hbm>>
    %dma_start3A_28 = arith.constant 0 : i32
    %dma_start3A_29 = tpu.memref_slice %arg6[%dma_start3A_23, %dma_start3A_28] : memref<2x12816xi32, #tpu.memory_space<vmem>> -> memref<1x12800xi32, #tpu.memory_space<vmem>>
    %dma_start3A_30 = tpu.memref_squeeze %dma_start3A_29 : memref<1x12800xi32, #tpu.memory_space<vmem>> -> memref<12800xi32, #tpu.memory_space<vmem>>
    %dma_start3A_31 = tpu.memref_slice %arg2[%mul3A_22] : memref<4096000xi32, #tpu.memory_space<hbm>> -> memref<12800xi32, #tpu.memory_space<hbm>>
    tpu.enqueue_dma source(%dma_start3A_31 : memref<12800xi32, #tpu.memory_space<hbm>>) target(%dma_start3A_30 : memref<12800xi32, #tpu.memory_space<vmem>>) target_semaphore(%arg9 : memref<!tpu.dma_semaphore, #tpu.memory_space<semaphore_mem>>)
    %dma_wait3A = arith.constant 0 : i32
    %dma_wait3A_32 = arith.constant 0 : i32
    %dma_wait3A_33 = tpu.memref_slice %arg6[%dma_wait3A, %dma_wait3A_32] : memref<2x12816xi32, #tpu.memory_space<vmem>> -> memref<1x12800xi32, #tpu.memory_space<vmem>>
    %dma_wait3A_34 = tpu.memref_squeeze %dma_wait3A_33 : memref<1x12800xi32, #tpu.memory_space<vmem>> -> memref<12800xi32, #tpu.memory_space<vmem>>
    %dma_wait3A_35 = tpu.memref_slice %arg2[%mul3A_6] : memref<4096000xi32, #tpu.memory_space<hbm>> -> memref<12800xi32, #tpu.memory_space<hbm>>
    %dma_wait3A_36 = arith.constant 0 : i32
    %dma_wait3A_37 = tpu.memref_slice %arg6[%dma_wait3A, %dma_wait3A_36] : memref<2x12816xi32, #tpu.memory_space<vmem>> -> memref<1x12800xi32, #tpu.memory_space<vmem>>
    %dma_wait3A_38 = tpu.memref_squeeze %dma_wait3A_37 : memref<1x12800xi32, #tpu.memory_space<vmem>> -> memref<12800xi32, #tpu.memory_space<vmem>>
    %dma_wait3A_39 = tpu.memref_slice %arg2[%mul3A_6] : memref<4096000xi32, #tpu.memory_space<hbm>> -> memref<12800xi32, #tpu.memory_space<hbm>>
    tpu.wait_dma2 semaphore(%arg8 : memref<!tpu.dma_semaphore, #tpu.memory_space<semaphore_mem>>) src(%dma_wait3A_39 : memref<12800xi32, #tpu.memory_space<hbm>>) dst(%dma_wait3A_38 : memref<12800xi32, #tpu.memory_space<vmem>>)
    %parallel_loop3A = arith.constant 0 : i32
    %parallel_loop3A_40 = arith.constant 640 : i32
    %parallel_loop3A_41 = arith.constant 1 : i32
    scf.for %parallel_loop3A_474 = %parallel_loop3A to %parallel_loop3A_40 step %parallel_loop3A_41  : i32 {
      %parallel_loop3A_475 = arith.constant 20 : i32
      %parallel_loop3A_476 = arith.muli %parallel_loop3A_474, %parallel_loop3A_475 : i32
      %parallel_loop3A_477 = arith.constant 0 : i32
      %parallel_loop3A_478 = arith.index_cast %parallel_loop3A_477 : i32 to index
      %parallel_loop3A_479 = arith.index_cast %parallel_loop3A_476 : i32 to index
      %parallel_loop3A_480 = tpu.vector_load %arg6[%parallel_loop3A_478, %parallel_loop3A_479] {strides = array<i32>} : memref<2x12816xi32, #tpu.memory_space<vmem>>, vector<16xi32>,
      %parallel_loop3A_481 = arith.constant 16 : i32
      %parallel_loop3A_482 = arith.addi %parallel_loop3A_476, %parallel_loop3A_481 : i32
      %parallel_loop3A_483 = arith.constant 0 : i32
      %parallel_loop3A_484 = arith.index_cast %parallel_loop3A_483 : i32 to index
      %parallel_loop3A_485 = arith.index_cast %parallel_loop3A_482 : i32 to index
      %parallel_loop3A_486 = tpu.vector_load %arg6[%parallel_loop3A_484, %parallel_loop3A_485] {strides = array<i32>} : memref<2x12816xi32, #tpu.memory_space<vmem>>, vector<16xi32>,
      %parallel_loop3A_487 = vector.extract_strided_slice %parallel_loop3A_480 {offsets = [0], sizes = [1], strides = [1]} : vector<16xi32> to vector<1xi32>
      %parallel_loop3A_488 = vector.extract %parallel_loop3A_487[0] : i32 from vector<1xi32>
      %parallel_loop3A_489 = arith.index_cast %parallel_loop3A_488 : i32 to index
      %parallel_loop3A_490 = arith.constant 0 : index
      %parallel_loop3A_491 = tpu.vector_load %arg5[%parallel_loop3A_489, %parallel_loop3A_490] {strides = array<i32>} : memref<1000x16xi32, #tpu.memory_space<vmem>>, vector<16xi32>,
      %parallel_loop3A_492 = vector.bitcast %parallel_loop3A_491 : vector<16xi32> to vector<32xbf16>
      %parallel_loop3A_493 = vector.extract_strided_slice %parallel_loop3A_480 {offsets = [1], sizes = [1], strides = [1]} : vector<16xi32> to vector<1xi32>
      %parallel_loop3A_494 = vector.extract %parallel_loop3A_493[0] : i32 from vector<1xi32>
      %parallel_loop3A_495 = arith.index_cast %parallel_loop3A_494 : i32 to index
      %parallel_loop3A_496 = arith.constant 0 : index
      %parallel_loop3A_497 = tpu.vector_load %arg5[%parallel_loop3A_495, %parallel_loop3A_496] {strides = array<i32>} : memref<1000x16xi32, #tpu.memory_space<vmem>>, vector<16xi32>,
      %parallel_loop3A_498 = vector.bitcast %parallel_loop3A_497 : vector<16xi32> to vector<32xbf16>
      %parallel_loop3A_499 = vector.extract_strided_slice %parallel_loop3A_480 {offsets = [2], sizes = [1], strides = [1]} : vector<16xi32> to vector<1xi32>
      %parallel_loop3A_500 = vector.extract %parallel_loop3A_499[0] : i32 from vector<1xi32>
      %parallel_loop3A_501 = arith.index_cast %parallel_loop3A_500 : i32 to index
      %parallel_loop3A_502 = arith.constant 0 : index
      %parallel_loop3A_503 = tpu.vector_load %arg5[%parallel_loop3A_501, %parallel_loop3A_502] {strides = array<i32>} : memref<1000x16xi32, #tpu.memory_space<vmem>>, vector<16xi32>,
      %parallel_loop3A_504 = vector.bitcast %parallel_loop3A_503 : vector<16xi32> to vector<32xbf16>
      %parallel_loop3A_505 = vector.extract_strided_slice %parallel_loop3A_480 {offsets = [3], sizes = [1], strides = [1]} : vector<16xi32> to vector<1xi32>
      %parallel_loop3A_506 = vector.extract %parallel_loop3A_505[0] : i32 from vector<1xi32>
      %parallel_loop3A_507 = arith.index_cast %parallel_loop3A_506 : i32 to index
      %parallel_loop3A_508 = arith.constant 0 : index
      %parallel_loop3A_509 = tpu.vector_load %arg5[%parallel_loop3A_507, %parallel_loop3A_508] {strides = array<i32>} : memref<1000x16xi32, #tpu.memory_space<vmem>>, vector<16xi32>,
      %parallel_loop3A_510 = vector.bitcast %parallel_loop3A_509 : vector<16xi32> to vector<32xbf16>
      %parallel_loop3A_511 = vector.extract_strided_slice %parallel_loop3A_480 {offsets = [4], sizes = [1], strides = [1]} : vector<16xi32> to vector<1xi32>
      %parallel_loop3A_512 = vector.extract %parallel_loop3A_511[0] : i32 from vector<1xi32>
      %parallel_loop3A_513 = arith.index_cast %parallel_loop3A_512 : i32 to index
      %parallel_loop3A_514 = arith.constant 0 : index
      %parallel_loop3A_515 = tpu.vector_load %arg5[%parallel_loop3A_513, %parallel_loop3A_514] {strides = array<i32>} : memref<1000x16xi32, #tpu.memory_space<vmem>>, vector<16xi32>,
      %parallel_loop3A_516 = vector.bitcast %parallel_loop3A_515 : vector<16xi32> to vector<32xbf16>
      %parallel_loop3A_517 = vector.extract_strided_slice %parallel_loop3A_480 {offsets = [5], sizes = [1], strides = [1]} : vector<16xi32> to vector<1xi32>
      %parallel_loop3A_518 = vector.extract %parallel_loop3A_517[0] : i32 from vector<1xi32>
      %parallel_loop3A_519 = arith.index_cast %parallel_loop3A_518 : i32 to index
      %parallel_loop3A_520 = arith.constant 0 : index
      %parallel_loop3A_521 = tpu.vector_load %arg5[%parallel_loop3A_519, %parallel_loop3A_520] {strides = array<i32>} : memref<1000x16xi32, #tpu.memory_space<vmem>>, vector<16xi32>,
      %parallel_loop3A_522 = vector.bitcast %parallel_loop3A_521 : vector<16xi32> to vector<32xbf16>
      %parallel_loop3A_523 = vector.extract_strided_slice %parallel_loop3A_480 {offsets = [6], sizes = [1], strides = [1]} : vector<16xi32> to vector<1xi32>
      %parallel_loop3A_524 = vector.extract %parallel_loop3A_523[0] : i32 from vector<1xi32>
      %parallel_loop3A_525 = arith.index_cast %parallel_loop3A_524 : i32 to index
      %parallel_loop3A_526 = arith.constant 0 : index
      %parallel_loop3A_527 = tpu.vector_load %arg5[%parallel_loop3A_525, %parallel_loop3A_526] {strides = array<i32>} : memref<1000x16xi32, #tpu.memory_space<vmem>>, vector<16xi32>,
      %parallel_loop3A_528 = vector.bitcast %parallel_loop3A_527 : vector<16xi32> to vector<32xbf16>
      %parallel_loop3A_529 = vector.extract_strided_slice %parallel_loop3A_480 {offsets = [7], sizes = [1], strides = [1]} : vector<16xi32> to vector<1xi32>
      %parallel_loop3A_530 = vector.extract %parallel_loop3A_529[0] : i32 from vector<1xi32>
      %parallel_loop3A_531 = arith.index_cast %parallel_loop3A_530 : i32 to index
      %parallel_loop3A_532 = arith.constant 0 : index
      %parallel_loop3A_533 = tpu.vector_load %arg5[%parallel_loop3A_531, %parallel_loop3A_532] {strides = array<i32>} : memref<1000x16xi32, #tpu.memory_space<vmem>>, vector<16xi32>,
      %parallel_loop3A_534 = vector.bitcast %parallel_loop3A_533 : vector<16xi32> to vector<32xbf16>
      %parallel_loop3A_535 = vector.extract_strided_slice %parallel_loop3A_480 {offsets = [8], sizes = [1], strides = [1]} : vector<16xi32> to vector<1xi32>
      %parallel_loop3A_536 = vector.extract %parallel_loop3A_535[0] : i32 from vector<1xi32>
      %parallel_loop3A_537 = arith.index_cast %parallel_loop3A_536 : i32 to index
      %parallel_loop3A_538 = arith.constant 0 : index
      %parallel_loop3A_539 = tpu.vector_load %arg5[%parallel_loop3A_537, %parallel_loop3A_538] {strides = array<i32>} : memref<1000x16xi32, #tpu.memory_space<vmem>>, vector<16xi32>,
      %parallel_loop3A_540 = vector.bitcast %parallel_loop3A_539 : vector<16xi32> to vector<32xbf16>
      %parallel_loop3A_541 = vector.extract_strided_slice %parallel_loop3A_480 {offsets = [9], sizes = [1], strides = [1]} : vector<16xi32> to vector<1xi32>
      %parallel_loop3A_542 = vector.extract %parallel_loop3A_541[0] : i32 from vector<1xi32>
      %parallel_loop3A_543 = arith.index_cast %parallel_loop3A_542 : i32 to index
      %parallel_loop3A_544 = arith.constant 0 : index
      %parallel_loop3A_545 = tpu.vector_load %arg5[%parallel_loop3A_543, %parallel_loop3A_544] {strides = array<i32>} : memref<1000x16xi32, #tpu.memory_space<vmem>>, vector<16xi32>,
      %parallel_loop3A_546 = vector.bitcast %parallel_loop3A_545 : vector<16xi32> to vector<32xbf16>
      %parallel_loop3A_547 = vector.extract_strided_slice %parallel_loop3A_480 {offsets = [10], sizes = [1], strides = [1]} : vector<16xi32> to vector<1xi32>
      %parallel_loop3A_548 = vector.extract %parallel_loop3A_547[0] : i32 from vector<1xi32>
      %parallel_loop3A_549 = arith.index_cast %parallel_loop3A_548 : i32 to index
      %parallel_loop3A_550 = arith.constant 0 : index
      %parallel_loop3A_551 = tpu.vector_load %arg5[%parallel_loop3A_549, %parallel_loop3A_550] {strides = array<i32>} : memref<1000x16xi32, #tpu.memory_space<vmem>>, vector<16xi32>,
      %parallel_loop3A_552 = vector.bitcast %parallel_loop3A_551 : vector<16xi32> to vector<32xbf16>
      %parallel_loop3A_553 = vector.extract_strided_slice %parallel_loop3A_480 {offsets = [11], sizes = [1], strides = [1]} : vector<16xi32> to vector<1xi32>
      %parallel_loop3A_554 = vector.extract %parallel_loop3A_553[0] : i32 from vector<1xi32>
      %parallel_loop3A_555 = arith.index_cast %parallel_loop3A_554 : i32 to index
      %parallel_loop3A_556 = arith.constant 0 : index
      %parallel_loop3A_557 = tpu.vector_load %arg5[%parallel_loop3A_555, %parallel_loop3A_556] {strides = array<i32>} : memref<1000x16xi32, #tpu.memory_space<vmem>>, vector<16xi32>,
      %parallel_loop3A_558 = vector.bitcast %parallel_loop3A_557 : vector<16xi32> to vector<32xbf16>
      %parallel_loop3A_559 = vector.extract_strided_slice %parallel_loop3A_480 {offsets = [12], sizes = [1], strides = [1]} : vector<16xi32> to vector<1xi32>
      %parallel_loop3A_560 = vector.extract %parallel_loop3A_559[0] : i32 from vector<1xi32>
      %parallel_loop3A_561 = arith.index_cast %parallel_loop3A_560 : i32 to index
      %parallel_loop3A_562 = arith.constant 0 : index
      %parallel_loop3A_563 = tpu.vector_load %arg5[%parallel_loop3A_561, %parallel_loop3A_562] {strides = array<i32>} : memref<1000x16xi32, #tpu.memory_space<vmem>>, vector<16xi32>,
      %parallel_loop3A_564 = vector.bitcast %parallel_loop3A_563 : vector<16xi32> to vector<32xbf16>
      %parallel_loop3A_565 = vector.extract_strided_slice %parallel_loop3A_480 {offsets = [13], sizes = [1], strides = [1]} : vector<16xi32> to vector<1xi32>
      %parallel_loop3A_566 = vector.extract %parallel_loop3A_565[0] : i32 from vector<1xi32>
      %parallel_loop3A_567 = arith.index_cast %parallel_loop3A_566 : i32 to index
      %parallel_loop3A_568 = arith.constant 0 : index
      %parallel_loop3A_569 = tpu.vector_load %arg5[%parallel_loop3A_567, %parallel_loop3A_568] {strides = array<i32>} : memref<1000x16xi32, #tpu.memory_space<vmem>>, vector<16xi32>,
      %parallel_loop3A_570 = vector.bitcast %parallel_loop3A_569 : vector<16xi32> to vector<32xbf16>
      %parallel_loop3A_571 = vector.extract_strided_slice %parallel_loop3A_480 {offsets = [14], sizes = [1], strides = [1]} : vector<16xi32> to vector<1xi32>
      %parallel_loop3A_572 = vector.extract %parallel_loop3A_571[0] : i32 from vector<1xi32>
      %parallel_loop3A_573 = arith.index_cast %parallel_loop3A_572 : i32 to index
      %parallel_loop3A_574 = arith.constant 0 : index
      %parallel_loop3A_575 = tpu.vector_load %arg5[%parallel_loop3A_573, %parallel_loop3A_574] {strides = array<i32>} : memref<1000x16xi32, #tpu.memory_space<vmem>>, vector<16xi32>,
      %parallel_loop3A_576 = vector.bitcast %parallel_loop3A_575 : vector<16xi32> to vector<32xbf16>
      %parallel_loop3A_577 = vector.extract_strided_slice %parallel_loop3A_480 {offsets = [15], sizes = [1], strides = [1]} : vector<16xi32> to vector<1xi32>
      %parallel_loop3A_578 = vector.extract %parallel_loop3A_577[0] : i32 from vector<1xi32>
      %parallel_loop3A_579 = arith.index_cast %parallel_loop3A_578 : i32 to index
      %parallel_loop3A_580 = arith.constant 0 : index
      %parallel_loop3A_581 = tpu.vector_load %arg5[%parallel_loop3A_579, %parallel_loop3A_580] {strides = array<i32>} : memref<1000x16xi32, #tpu.memory_space<vmem>>, vector<16xi32>,
      %parallel_loop3A_582 = vector.bitcast %parallel_loop3A_581 : vector<16xi32> to vector<32xbf16>
      %parallel_loop3A_583 = vector.extract_strided_slice %parallel_loop3A_486 {offsets = [0], sizes = [1], strides = [1]} : vector<16xi32> to vector<1xi32>
      %parallel_loop3A_584 = vector.extract %parallel_loop3A_583[0] : i32 from vector<1xi32>
      %parallel_loop3A_585 = arith.index_cast %parallel_loop3A_584 : i32 to index
      %parallel_loop3A_586 = arith.constant 0 : index
      %parallel_loop3A_587 = tpu.vector_load %arg5[%parallel_loop3A_585, %parallel_loop3A_586] {strides = array<i32>} : memref<1000x16xi32, #tpu.memory_space<vmem>>, vector<16xi32>,
      %parallel_loop3A_588 = vector.bitcast %parallel_loop3A_587 : vector<16xi32> to vector<32xbf16>
      %parallel_loop3A_589 = vector.extract_strided_slice %parallel_loop3A_486 {offsets = [1], sizes = [1], strides = [1]} : vector<16xi32> to vector<1xi32>
      %parallel_loop3A_590 = vector.extract %parallel_loop3A_589[0] : i32 from vector<1xi32>
      %parallel_loop3A_591 = arith.index_cast %parallel_loop3A_590 : i32 to index
      %parallel_loop3A_592 = arith.constant 0 : index
      %parallel_loop3A_593 = tpu.vector_load %arg5[%parallel_loop3A_591, %parallel_loop3A_592] {strides = array<i32>} : memref<1000x16xi32, #tpu.memory_space<vmem>>, vector<16xi32>,
      %parallel_loop3A_594 = vector.bitcast %parallel_loop3A_593 : vector<16xi32> to vector<32xbf16>
      %parallel_loop3A_595 = vector.extract_strided_slice %parallel_loop3A_486 {offsets = [2], sizes = [1], strides = [1]} : vector<16xi32> to vector<1xi32>
      %parallel_loop3A_596 = vector.extract %parallel_loop3A_595[0] : i32 from vector<1xi32>
      %parallel_loop3A_597 = arith.index_cast %parallel_loop3A_596 : i32 to index
      %parallel_loop3A_598 = arith.constant 0 : index
      %parallel_loop3A_599 = tpu.vector_load %arg5[%parallel_loop3A_597, %parallel_loop3A_598] {strides = array<i32>} : memref<1000x16xi32, #tpu.memory_space<vmem>>, vector<16xi32>,
      %parallel_loop3A_600 = vector.bitcast %parallel_loop3A_599 : vector<16xi32> to vector<32xbf16>
      %parallel_loop3A_601 = vector.extract_strided_slice %parallel_loop3A_486 {offsets = [3], sizes = [1], strides = [1]} : vector<16xi32> to vector<1xi32>
      %parallel_loop3A_602 = vector.extract %parallel_loop3A_601[0] : i32 from vector<1xi32>
      %parallel_loop3A_603 = arith.index_cast %parallel_loop3A_602 : i32 to index
      %parallel_loop3A_604 = arith.constant 0 : index
      %parallel_loop3A_605 = tpu.vector_load %arg5[%parallel_loop3A_603, %parallel_loop3A_604] {strides = array<i32>} : memref<1000x16xi32, #tpu.memory_space<vmem>>, vector<16xi32>,
      %parallel_loop3A_606 = vector.bitcast %parallel_loop3A_605 : vector<16xi32> to vector<32xbf16>
      %parallel_loop3A_607 = arith.addf %parallel_loop3A_492, %parallel_loop3A_498 : vector<32xbf16>
      %parallel_loop3A_608 = arith.addf %parallel_loop3A_504, %parallel_loop3A_510 : vector<32xbf16>
      %parallel_loop3A_609 = arith.addf %parallel_loop3A_516, %parallel_loop3A_522 : vector<32xbf16>
      %parallel_loop3A_610 = arith.addf %parallel_loop3A_528, %parallel_loop3A_534 : vector<32xbf16>
      %parallel_loop3A_611 = arith.addf %parallel_loop3A_540, %parallel_loop3A_546 : vector<32xbf16>
      %parallel_loop3A_612 = arith.addf %parallel_loop3A_552, %parallel_loop3A_558 : vector<32xbf16>
      %parallel_loop3A_613 = arith.addf %parallel_loop3A_564, %parallel_loop3A_570 : vector<32xbf16>
      %parallel_loop3A_614 = arith.addf %parallel_loop3A_576, %parallel_loop3A_582 : vector<32xbf16>
      %parallel_loop3A_615 = arith.addf %parallel_loop3A_588, %parallel_loop3A_594 : vector<32xbf16>
      %parallel_loop3A_616 = arith.addf %parallel_loop3A_600, %parallel_loop3A_606 : vector<32xbf16>
      %parallel_loop3A_617 = arith.addf %parallel_loop3A_607, %parallel_loop3A_608 : vector<32xbf16>
      %parallel_loop3A_618 = arith.addf %parallel_loop3A_609, %parallel_loop3A_610 : vector<32xbf16>
      %parallel_loop3A_619 = arith.addf %parallel_loop3A_611, %parallel_loop3A_612 : vector<32xbf16>
      %parallel_loop3A_620 = arith.addf %parallel_loop3A_613, %parallel_loop3A_614 : vector<32xbf16>
      %parallel_loop3A_621 = arith.addf %parallel_loop3A_615, %parallel_loop3A_616 : vector<32xbf16>
      %parallel_loop3A_622 = arith.addf %parallel_loop3A_617, %parallel_loop3A_618 : vector<32xbf16>
      %parallel_loop3A_623 = arith.addf %parallel_loop3A_619, %parallel_loop3A_620 : vector<32xbf16>
      %parallel_loop3A_624 = arith.addf %parallel_loop3A_622, %parallel_loop3A_623 : vector<32xbf16>
      %parallel_loop3A_625 = arith.addf %parallel_loop3A_624, %parallel_loop3A_621 : vector<32xbf16>
      %parallel_loop3A_626 = tpu.unpack_subelements %parallel_loop3A_625, 0 {pack_format = #tpu.pack_format<interleaved>} : vector<32xbf16> -> vector<16xf32>
      %parallel_loop3A_627 = tpu.unpack_subelements %parallel_loop3A_625, 1 {pack_format = #tpu.pack_format<interleaved>} : vector<32xbf16> -> vector<16xf32>
      %parallel_loop3A_628 = arith.constant 32 : i32
      %parallel_loop3A_629 = arith.muli %parallel_loop3A_474, %parallel_loop3A_628 : i32
      %parallel_loop3A_630 = arith.constant 0 : i32
      %parallel_loop3A_631 = arith.index_cast %parallel_loop3A_630 : i32 to index
      %parallel_loop3A_632 = arith.index_cast %parallel_loop3A_629 : i32 to index
      %parallel_loop3A_633 = tpu.vector_load %arg7[%parallel_loop3A_631, %parallel_loop3A_632] {strides = array<i32>} : memref<2x20480xf32, #tpu.memory_space<vmem>>, vector<16xf32>,
      tpu.vector_store %arg7[%parallel_loop3A_631, %parallel_loop3A_632], %parallel_loop3A_626 {strides = array<i32>} : memref<2x20480xf32, #tpu.memory_space<vmem>>, vector<16xf32>,
      %parallel_loop3A_634 = arith.constant 32 : i32
      %parallel_loop3A_635 = arith.muli %parallel_loop3A_474, %parallel_loop3A_634 : i32
      %parallel_loop3A_636 = arith.constant 16 : i32
      %parallel_loop3A_637 = arith.addi %parallel_loop3A_635, %parallel_loop3A_636 : i32
      %parallel_loop3A_638 = arith.constant 0 : i32
      %parallel_loop3A_639 = arith.index_cast %parallel_loop3A_638 : i32 to index
      %parallel_loop3A_640 = arith.index_cast %parallel_loop3A_637 : i32 to index
      %parallel_loop3A_641 = tpu.vector_load %arg7[%parallel_loop3A_639, %parallel_loop3A_640] {strides = array<i32>} : memref<2x20480xf32, #tpu.memory_space<vmem>>, vector<16xf32>,
      tpu.vector_store %arg7[%parallel_loop3A_639, %parallel_loop3A_640], %parallel_loop3A_627 {strides = array<i32>} : memref<2x20480xf32, #tpu.memory_space<vmem>>, vector<16xf32>,
    } {sc.loop_unroll_factor = 2 : i64, sc.parallel_access}
    %add3A_42 = arith.constant 0 : i32
    %add3A_43 = arith.addi %mul3A_2, %add3A_42 : i32
    %mul3A_44 = arith.constant 32 : i32
    %mul3A_45 = arith.muli %add3A_43, %mul3A_44 : i32
    %dma_start3A_46 = arith.constant 0 : i32
    %dma_start3A_47 = arith.constant 0 : i32
    %dma_start3A_48 = tpu.memref_slice %arg7[%dma_start3A_46, %dma_start3A_47] : memref<2x20480xf32, #tpu.memory_space<vmem>> -> memref<1x20480xf32, #tpu.memory_space<vmem>>
    %dma_start3A_49 = tpu.memref_squeeze %dma_start3A_48 : memref<1x20480xf32, #tpu.memory_space<vmem>> -> memref<20480xf32, #tpu.memory_space<vmem>>
    %dma_start3A_50 = tpu.memref_slice %arg4[%mul3A_45] : memref<6553600xf32, #tpu.memory_space<hbm>> -> memref<20480xf32, #tpu.memory_space<hbm>>
    %dma_start3A_51 = tpu.memref_slice %arg4[%mul3A_45] : memref<6553600xf32, #tpu.memory_space<hbm>> -> memref<20480xf32, #tpu.memory_space<hbm>>
    %dma_start3A_52 = arith.constant 0 : i32
    %dma_start3A_53 = tpu.memref_slice %arg7[%dma_start3A_46, %dma_start3A_52] : memref<2x20480xf32, #tpu.memory_space<vmem>> -> memref<1x20480xf32, #tpu.memory_space<vmem>>
    %dma_start3A_54 = tpu.memref_squeeze %dma_start3A_53 : memref<1x20480xf32, #tpu.memory_space<vmem>> -> memref<20480xf32, #tpu.memory_space<vmem>>
    tpu.enqueue_dma source(%dma_start3A_54 : memref<20480xf32, #tpu.memory_space<vmem>>) target(%dma_start3A_51 : memref<20480xf32, #tpu.memory_space<hbm>>) target_semaphore(%arg10 : memref<!tpu.dma_semaphore, #tpu.memory_space<semaphore_mem>>)
    %add3A_55 = arith.constant 1280 : i32
    %add3A_56 = arith.addi %mul3A_2, %add3A_55 : i32
    %mul3A_57 = arith.constant 20 : i32
    %mul3A_58 = arith.muli %add3A_56, %mul3A_57 : i32
    %dma_start3A_59 = arith.constant 0 : i32
    %dma_start3A_60 = arith.constant 0 : i32
    %dma_start3A_61 = tpu.memref_slice %arg6[%dma_start3A_59, %dma_start3A_60] : memref<2x12816xi32, #tpu.memory_space<vmem>> -> memref<1x12800xi32, #tpu.memory_space<vmem>>
    %dma_start3A_62 = tpu.memref_squeeze %dma_start3A_61 : memref<1x12800xi32, #tpu.memory_space<vmem>> -> memref<12800xi32, #tpu.memory_space<vmem>>
    %dma_start3A_63 = tpu.memref_slice %arg2[%mul3A_58] : memref<4096000xi32, #tpu.memory_space<hbm>> -> memref<12800xi32, #tpu.memory_space<hbm>>
    %dma_start3A_64 = arith.constant 0 : i32
    %dma_start3A_65 = tpu.memref_slice %arg6[%dma_start3A_59, %dma_start3A_64] : memref<2x12816xi32, #tpu.memory_space<vmem>> -> memref<1x12800xi32, #tpu.memory_space<vmem>>
    %dma_start3A_66 = tpu.memref_squeeze %dma_start3A_65 : memref<1x12800xi32, #tpu.memory_space<vmem>> -> memref<12800xi32, #tpu.memory_space<vmem>>
    %dma_start3A_67 = tpu.memref_slice %arg2[%mul3A_58] : memref<4096000xi32, #tpu.memory_space<hbm>> -> memref<12800xi32, #tpu.memory_space<hbm>>
    tpu.enqueue_dma source(%dma_start3A_67 : memref<12800xi32, #tpu.memory_space<hbm>>) target(%dma_start3A_66 : memref<12800xi32, #tpu.memory_space<vmem>>) target_semaphore(%arg8 : memref<!tpu.dma_semaphore, #tpu.memory_space<semaphore_mem>>)
    %dma_wait3A_68 = arith.constant 1 : i32
    %dma_wait3A_69 = arith.constant 0 : i32
    %dma_wait3A_70 = tpu.memref_slice %arg6[%dma_wait3A_68, %dma_wait3A_69] : memref<2x12816xi32, #tpu.memory_space<vmem>> -> memref<1x12800xi32, #tpu.memory_space<vmem>>
    %dma_wait3A_71 = tpu.memref_squeeze %dma_wait3A_70 : memref<1x12800xi32, #tpu.memory_space<vmem>> -> memref<12800xi32, #tpu.memory_space<vmem>>
    %dma_wait3A_72 = tpu.memref_slice %arg2[%mul3A_22] : memref<4096000xi32, #tpu.memory_space<hbm>> -> memref<12800xi32, #tpu.memory_space<hbm>>
    %dma_wait3A_73 = arith.constant 0 : i32
    %dma_wait3A_74 = tpu.memref_slice %arg6[%dma_wait3A_68, %dma_wait3A_73] : memref<2x12816xi32, #tpu.memory_space<vmem>> -> memref<1x12800xi32, #tpu.memory_space<vmem>>
    %dma_wait3A_75 = tpu.memref_squeeze %dma_wait3A_74 : memref<1x12800xi32, #tpu.memory_space<vmem>> -> memref<12800xi32, #tpu.memory_space<vmem>>
    %dma_wait3A_76 = tpu.memref_slice %arg2[%mul3A_22] : memref<4096000xi32, #tpu.memory_space<hbm>> -> memref<12800xi32, #tpu.memory_space<hbm>>
    tpu.wait_dma2 semaphore(%arg9 : memref<!tpu.dma_semaphore, #tpu.memory_space<semaphore_mem>>) src(%dma_wait3A_76 : memref<12800xi32, #tpu.memory_space<hbm>>) dst(%dma_wait3A_75 : memref<12800xi32, #tpu.memory_space<vmem>>)
    %parallel_loop3A_77 = arith.constant 0 : i32
    %parallel_loop3A_78 = arith.constant 640 : i32
    %parallel_loop3A_79 = arith.constant 1 : i32
    scf.for %parallel_loop3A_474 = %parallel_loop3A_77 to %parallel_loop3A_78 step %parallel_loop3A_79  : i32 {
      %parallel_loop3A_475 = arith.constant 20 : i32
      %parallel_loop3A_476 = arith.muli %parallel_loop3A_474, %parallel_loop3A_475 : i32
      %parallel_loop3A_477 = arith.constant 1 : i32
      %parallel_loop3A_478 = arith.index_cast %parallel_loop3A_477 : i32 to index
      %parallel_loop3A_479 = arith.index_cast %parallel_loop3A_476 : i32 to index
      %parallel_loop3A_480 = tpu.vector_load %arg6[%parallel_loop3A_478, %parallel_loop3A_479] {strides = array<i32>} : memref<2x12816xi32, #tpu.memory_space<vmem>>, vector<16xi32>,
      %parallel_loop3A_481 = arith.constant 16 : i32
      %parallel_loop3A_482 = arith.addi %parallel_loop3A_476, %parallel_loop3A_481 : i32
      %parallel_loop3A_483 = arith.constant 1 : i32
      %parallel_loop3A_484 = arith.index_cast %parallel_loop3A_483 : i32 to index
      %parallel_loop3A_485 = arith.index_cast %parallel_loop3A_482 : i32 to index
      %parallel_loop3A_486 = tpu.vector_load %arg6[%parallel_loop3A_484, %parallel_loop3A_485] {strides = array<i32>} : memref<2x12816xi32, #tpu.memory_space<vmem>>, vector<16xi32>,
      %parallel_loop3A_487 = vector.extract_strided_slice %parallel_loop3A_480 {offsets = [0], sizes = [1], strides = [1]} : vector<16xi32> to vector<1xi32>
      %parallel_loop3A_488 = vector.extract %parallel_loop3A_487[0] : i32 from vector<1xi32>
      %parallel_loop3A_489 = arith.index_cast %parallel_loop3A_488 : i32 to index
      %parallel_loop3A_490 = arith.constant 0 : index
      %parallel_loop3A_491 = tpu.vector_load %arg5[%parallel_loop3A_489, %parallel_loop3A_490] {strides = array<i32>} : memref<1000x16xi32, #tpu.memory_space<vmem>>, vector<16xi32>,
      %parallel_loop3A_492 = vector.bitcast %parallel_loop3A_491 : vector<16xi32> to vector<32xbf16>
      %parallel_loop3A_493 = vector.extract_strided_slice %parallel_loop3A_480 {offsets = [1], sizes = [1], strides = [1]} : vector<16xi32> to vector<1xi32>
      %parallel_loop3A_494 = vector.extract %parallel_loop3A_493[0] : i32 from vector<1xi32>
      %parallel_loop3A_495 = arith.index_cast %parallel_loop3A_494 : i32 to index
      %parallel_loop3A_496 = arith.constant 0 : index
      %parallel_loop3A_497 = tpu.vector_load %arg5[%parallel_loop3A_495, %parallel_loop3A_496] {strides = array<i32>} : memref<1000x16xi32, #tpu.memory_space<vmem>>, vector<16xi32>,
      %parallel_loop3A_498 = vector.bitcast %parallel_loop3A_497 : vector<16xi32> to vector<32xbf16>
      %parallel_loop3A_499 = vector.extract_strided_slice %parallel_loop3A_480 {offsets = [2], sizes = [1], strides = [1]} : vector<16xi32> to vector<1xi32>
      %parallel_loop3A_500 = vector.extract %parallel_loop3A_499[0] : i32 from vector<1xi32>
      %parallel_loop3A_501 = arith.index_cast %parallel_loop3A_500 : i32 to index
      %parallel_loop3A_502 = arith.constant 0 : index
      %parallel_loop3A_503 = tpu.vector_load %arg5[%parallel_loop3A_501, %parallel_loop3A_502] {strides = array<i32>} : memref<1000x16xi32, #tpu.memory_space<vmem>>, vector<16xi32>,
      %parallel_loop3A_504 = vector.bitcast %parallel_loop3A_503 : vector<16xi32> to vector<32xbf16>
      %parallel_loop3A_505 = vector.extract_strided_slice %parallel_loop3A_480 {offsets = [3], sizes = [1], strides = [1]} : vector<16xi32> to vector<1xi32>
      %parallel_loop3A_506 = vector.extract %parallel_loop3A_505[0] : i32 from vector<1xi32>
      %parallel_loop3A_507 = arith.index_cast %parallel_loop3A_506 : i32 to index
      %parallel_loop3A_508 = arith.constant 0 : index
      %parallel_loop3A_509 = tpu.vector_load %arg5[%parallel_loop3A_507, %parallel_loop3A_508] {strides = array<i32>} : memref<1000x16xi32, #tpu.memory_space<vmem>>, vector<16xi32>,
      %parallel_loop3A_510 = vector.bitcast %parallel_loop3A_509 : vector<16xi32> to vector<32xbf16>
      %parallel_loop3A_511 = vector.extract_strided_slice %parallel_loop3A_480 {offsets = [4], sizes = [1], strides = [1]} : vector<16xi32> to vector<1xi32>
      %parallel_loop3A_512 = vector.extract %parallel_loop3A_511[0] : i32 from vector<1xi32>
      %parallel_loop3A_513 = arith.index_cast %parallel_loop3A_512 : i32 to index
      %parallel_loop3A_514 = arith.constant 0 : index
      %parallel_loop3A_515 = tpu.vector_load %arg5[%parallel_loop3A_513, %parallel_loop3A_514] {strides = array<i32>} : memref<1000x16xi32, #tpu.memory_space<vmem>>, vector<16xi32>,
      %parallel_loop3A_516 = vector.bitcast %parallel_loop3A_515 : vector<16xi32> to vector<32xbf16>
      %parallel_loop3A_517 = vector.extract_strided_slice %parallel_loop3A_480 {offsets = [5], sizes = [1], strides = [1]} : vector<16xi32> to vector<1xi32>
      %parallel_loop3A_518 = vector.extract %parallel_loop3A_517[0] : i32 from vector<1xi32>
      %parallel_loop3A_519 = arith.index_cast %parallel_loop3A_518 : i32 to index
      %parallel_loop3A_520 = arith.constant 0 : index
      %parallel_loop3A_521 = tpu.vector_load %arg5[%parallel_loop3A_519, %parallel_loop3A_520] {strides = array<i32>} : memref<1000x16xi32, #tpu.memory_space<vmem>>, vector<16xi32>,
      %parallel_loop3A_522 = vector.bitcast %parallel_loop3A_521 : vector<16xi32> to vector<32xbf16>
      %parallel_loop3A_523 = vector.extract_strided_slice %parallel_loop3A_480 {offsets = [6], sizes = [1], strides = [1]} : vector<16xi32> to vector<1xi32>
      %parallel_loop3A_524 = vector.extract %parallel_loop3A_523[0] : i32 from vector<1xi32>
      %parallel_loop3A_525 = arith.index_cast %parallel_loop3A_524 : i32 to index
      %parallel_loop3A_526 = arith.constant 0 : index
      %parallel_loop3A_527 = tpu.vector_load %arg5[%parallel_loop3A_525, %parallel_loop3A_526] {strides = array<i32>} : memref<1000x16xi32, #tpu.memory_space<vmem>>, vector<16xi32>,
      %parallel_loop3A_528 = vector.bitcast %parallel_loop3A_527 : vector<16xi32> to vector<32xbf16>
      %parallel_loop3A_529 = vector.extract_strided_slice %parallel_loop3A_480 {offsets = [7], sizes = [1], strides = [1]} : vector<16xi32> to vector<1xi32>
      %parallel_loop3A_530 = vector.extract %parallel_loop3A_529[0] : i32 from vector<1xi32>
      %parallel_loop3A_531 = arith.index_cast %parallel_loop3A_530 : i32 to index
      %parallel_loop3A_532 = arith.constant 0 : index
      %parallel_loop3A_533 = tpu.vector_load %arg5[%parallel_loop3A_531, %parallel_loop3A_532] {strides = array<i32>} : memref<1000x16xi32, #tpu.memory_space<vmem>>, vector<16xi32>,
      %parallel_loop3A_534 = vector.bitcast %parallel_loop3A_533 : vector<16xi32> to vector<32xbf16>
      %parallel_loop3A_535 = vector.extract_strided_slice %parallel_loop3A_480 {offsets = [8], sizes = [1], strides = [1]} : vector<16xi32> to vector<1xi32>
      %parallel_loop3A_536 = vector.extract %parallel_loop3A_535[0] : i32 from vector<1xi32>
      %parallel_loop3A_537 = arith.index_cast %parallel_loop3A_536 : i32 to index
      %parallel_loop3A_538 = arith.constant 0 : index
      %parallel_loop3A_539 = tpu.vector_load %arg5[%parallel_loop3A_537, %parallel_loop3A_538] {strides = array<i32>} : memref<1000x16xi32, #tpu.memory_space<vmem>>, vector<16xi32>,
      %parallel_loop3A_540 = vector.bitcast %parallel_loop3A_539 : vector<16xi32> to vector<32xbf16>
      %parallel_loop3A_541 = vector.extract_strided_slice %parallel_loop3A_480 {offsets = [9], sizes = [1], strides = [1]} : vector<16xi32> to vector<1xi32>
      %parallel_loop3A_542 = vector.extract %parallel_loop3A_541[0] : i32 from vector<1xi32>
      %parallel_loop3A_543 = arith.index_cast %parallel_loop3A_542 : i32 to index
      %parallel_loop3A_544 = arith.constant 0 : index
      %parallel_loop3A_545 = tpu.vector_load %arg5[%parallel_loop3A_543, %parallel_loop3A_544] {strides = array<i32>} : memref<1000x16xi32, #tpu.memory_space<vmem>>, vector<16xi32>,
      %parallel_loop3A_546 = vector.bitcast %parallel_loop3A_545 : vector<16xi32> to vector<32xbf16>
      %parallel_loop3A_547 = vector.extract_strided_slice %parallel_loop3A_480 {offsets = [10], sizes = [1], strides = [1]} : vector<16xi32> to vector<1xi32>
      %parallel_loop3A_548 = vector.extract %parallel_loop3A_547[0] : i32 from vector<1xi32>
      %parallel_loop3A_549 = arith.index_cast %parallel_loop3A_548 : i32 to index
      %parallel_loop3A_550 = arith.constant 0 : index
      %parallel_loop3A_551 = tpu.vector_load %arg5[%parallel_loop3A_549, %parallel_loop3A_550] {strides = array<i32>} : memref<1000x16xi32, #tpu.memory_space<vmem>>, vector<16xi32>,
      %parallel_loop3A_552 = vector.bitcast %parallel_loop3A_551 : vector<16xi32> to vector<32xbf16>
      %parallel_loop3A_553 = vector.extract_strided_slice %parallel_loop3A_480 {offsets = [11], sizes = [1], strides = [1]} : vector<16xi32> to vector<1xi32>
      %parallel_loop3A_554 = vector.extract %parallel_loop3A_553[0] : i32 from vector<1xi32>
      %parallel_loop3A_555 = arith.index_cast %parallel_loop3A_554 : i32 to index
      %parallel_loop3A_556 = arith.constant 0 : index
      %parallel_loop3A_557 = tpu.vector_load %arg5[%parallel_loop3A_555, %parallel_loop3A_556] {strides = array<i32>} : memref<1000x16xi32, #tpu.memory_space<vmem>>, vector<16xi32>,
      %parallel_loop3A_558 = vector.bitcast %parallel_loop3A_557 : vector<16xi32> to vector<32xbf16>
      %parallel_loop3A_559 = vector.extract_strided_slice %parallel_loop3A_480 {offsets = [12], sizes = [1], strides = [1]} : vector<16xi32> to vector<1xi32>
      %parallel_loop3A_560 = vector.extract %parallel_loop3A_559[0] : i32 from vector<1xi32>
      %parallel_loop3A_561 = arith.index_cast %parallel_loop3A_560 : i32 to index
      %parallel_loop3A_562 = arith.constant 0 : index
      %parallel_loop3A_563 = tpu.vector_load %arg5[%parallel_loop3A_561, %parallel_loop3A_562] {strides = array<i32>} : memref<1000x16xi32, #tpu.memory_space<vmem>>, vector<16xi32>,
      %parallel_loop3A_564 = vector.bitcast %parallel_loop3A_563 : vector<16xi32> to vector<32xbf16>
      %parallel_loop3A_565 = vector.extract_strided_slice %parallel_loop3A_480 {offsets = [13], sizes = [1], strides = [1]} : vector<16xi32> to vector<1xi32>
      %parallel_loop3A_566 = vector.extract %parallel_loop3A_565[0] : i32 from vector<1xi32>
      %parallel_loop3A_567 = arith.index_cast %parallel_loop3A_566 : i32 to index
      %parallel_loop3A_568 = arith.constant 0 : index
      %parallel_loop3A_569 = tpu.vector_load %arg5[%parallel_loop3A_567, %parallel_loop3A_568] {strides = array<i32>} : memref<1000x16xi32, #tpu.memory_space<vmem>>, vector<16xi32>,
      %parallel_loop3A_570 = vector.bitcast %parallel_loop3A_569 : vector<16xi32> to vector<32xbf16>
      %parallel_loop3A_571 = vector.extract_strided_slice %parallel_loop3A_480 {offsets = [14], sizes = [1], strides = [1]} : vector<16xi32> to vector<1xi32>
      %parallel_loop3A_572 = vector.extract %parallel_loop3A_571[0] : i32 from vector<1xi32>
      %parallel_loop3A_573 = arith.index_cast %parallel_loop3A_572 : i32 to index
      %parallel_loop3A_574 = arith.constant 0 : index
      %parallel_loop3A_575 = tpu.vector_load %arg5[%parallel_loop3A_573, %parallel_loop3A_574] {strides = array<i32>} : memref<1000x16xi32, #tpu.memory_space<vmem>>, vector<16xi32>,
      %parallel_loop3A_576 = vector.bitcast %parallel_loop3A_575 : vector<16xi32> to vector<32xbf16>
      %parallel_loop3A_577 = vector.extract_strided_slice %parallel_loop3A_480 {offsets = [15], sizes = [1], strides = [1]} : vector<16xi32> to vector<1xi32>
      %parallel_loop3A_578 = vector.extract %parallel_loop3A_577[0] : i32 from vector<1xi32>
      %parallel_loop3A_579 = arith.index_cast %parallel_loop3A_578 : i32 to index
      %parallel_loop3A_580 = arith.constant 0 : index
      %parallel_loop3A_581 = tpu.vector_load %arg5[%parallel_loop3A_579, %parallel_loop3A_580] {strides = array<i32>} : memref<1000x16xi32, #tpu.memory_space<vmem>>, vector<16xi32>,
      %parallel_loop3A_582 = vector.bitcast %parallel_loop3A_581 : vector<16xi32> to vector<32xbf16>
      %parallel_loop3A_583 = vector.extract_strided_slice %parallel_loop3A_486 {offsets = [0], sizes = [1], strides = [1]} : vector<16xi32> to vector<1xi32>
      %parallel_loop3A_584 = vector.extract %parallel_loop3A_583[0] : i32 from vector<1xi32>
      %parallel_loop3A_585 = arith.index_cast %parallel_loop3A_584 : i32 to index
      %parallel_loop3A_586 = arith.constant 0 : index
      %parallel_loop3A_587 = tpu.vector_load %arg5[%parallel_loop3A_585, %parallel_loop3A_586] {strides = array<i32>} : memref<1000x16xi32, #tpu.memory_space<vmem>>, vector<16xi32>,
      %parallel_loop3A_588 = vector.bitcast %parallel_loop3A_587 : vector<16xi32> to vector<32xbf16>
      %parallel_loop3A_589 = vector.extract_strided_slice %parallel_loop3A_486 {offsets = [1], sizes = [1], strides = [1]} : vector<16xi32> to vector<1xi32>
      %parallel_loop3A_590 = vector.extract %parallel_loop3A_589[0] : i32 from vector<1xi32>
      %parallel_loop3A_591 = arith.index_cast %parallel_loop3A_590 : i32 to index
      %parallel_loop3A_592 = arith.constant 0 : index
      %parallel_loop3A_593 = tpu.vector_load %arg5[%parallel_loop3A_591, %parallel_loop3A_592] {strides = array<i32>} : memref<1000x16xi32, #tpu.memory_space<vmem>>, vector<16xi32>,
      %parallel_loop3A_594 = vector.bitcast %parallel_loop3A_593 : vector<16xi32> to vector<32xbf16>
      %parallel_loop3A_595 = vector.extract_strided_slice %parallel_loop3A_486 {offsets = [2], sizes = [1], strides = [1]} : vector<16xi32> to vector<1xi32>
      %parallel_loop3A_596 = vector.extract %parallel_loop3A_595[0] : i32 from vector<1xi32>
      %parallel_loop3A_597 = arith.index_cast %parallel_loop3A_596 : i32 to index
      %parallel_loop3A_598 = arith.constant 0 : index
      %parallel_loop3A_599 = tpu.vector_load %arg5[%parallel_loop3A_597, %parallel_loop3A_598] {strides = array<i32>} : memref<1000x16xi32, #tpu.memory_space<vmem>>, vector<16xi32>,
      %parallel_loop3A_600 = vector.bitcast %parallel_loop3A_599 : vector<16xi32> to vector<32xbf16>
      %parallel_loop3A_601 = vector.extract_strided_slice %parallel_loop3A_486 {offsets = [3], sizes = [1], strides = [1]} : vector<16xi32> to vector<1xi32>
      %parallel_loop3A_602 = vector.extract %parallel_loop3A_601[0] : i32 from vector<1xi32>
      %parallel_loop3A_603 = arith.index_cast %parallel_loop3A_602 : i32 to index
      %parallel_loop3A_604 = arith.constant 0 : index
      %parallel_loop3A_605 = tpu.vector_load %arg5[%parallel_loop3A_603, %parallel_loop3A_604] {strides = array<i32>} : memref<1000x16xi32, #tpu.memory_space<vmem>>, vector<16xi32>,
      %parallel_loop3A_606 = vector.bitcast %parallel_loop3A_605 : vector<16xi32> to vector<32xbf16>
      %parallel_loop3A_607 = arith.addf %parallel_loop3A_492, %parallel_loop3A_498 : vector<32xbf16>
      %parallel_loop3A_608 = arith.addf %parallel_loop3A_504, %parallel_loop3A_510 : vector<32xbf16>
      %parallel_loop3A_609 = arith.addf %parallel_loop3A_516, %parallel_loop3A_522 : vector<32xbf16>
      %parallel_loop3A_610 = arith.addf %parallel_loop3A_528, %parallel_loop3A_534 : vector<32xbf16>
      %parallel_loop3A_611 = arith.addf %parallel_loop3A_540, %parallel_loop3A_546 : vector<32xbf16>
      %parallel_loop3A_612 = arith.addf %parallel_loop3A_552, %parallel_loop3A_558 : vector<32xbf16>
      %parallel_loop3A_613 = arith.addf %parallel_loop3A_564, %parallel_loop3A_570 : vector<32xbf16>
      %parallel_loop3A_614 = arith.addf %parallel_loop3A_576, %parallel_loop3A_582 : vector<32xbf16>
      %parallel_loop3A_615 = arith.addf %parallel_loop3A_588, %parallel_loop3A_594 : vector<32xbf16>
      %parallel_loop3A_616 = arith.addf %parallel_loop3A_600, %parallel_loop3A_606 : vector<32xbf16>
      %parallel_loop3A_617 = arith.addf %parallel_loop3A_607, %parallel_loop3A_608 : vector<32xbf16>
      %parallel_loop3A_618 = arith.addf %parallel_loop3A_609, %parallel_loop3A_610 : vector<32xbf16>
      %parallel_loop3A_619 = arith.addf %parallel_loop3A_611, %parallel_loop3A_612 : vector<32xbf16>
      %parallel_loop3A_620 = arith.addf %parallel_loop3A_613, %parallel_loop3A_614 : vector<32xbf16>
      %parallel_loop3A_621 = arith.addf %parallel_loop3A_615, %parallel_loop3A_616 : vector<32xbf16>
      %parallel_loop3A_622 = arith.addf %parallel_loop3A_617, %parallel_loop3A_618 : vector<32xbf16>
      %parallel_loop3A_623 = arith.addf %parallel_loop3A_619, %parallel_loop3A_620 : vector<32xbf16>
      %parallel_loop3A_624 = arith.addf %parallel_loop3A_622, %parallel_loop3A_623 : vector<32xbf16>
      %parallel_loop3A_625 = arith.addf %parallel_loop3A_624, %parallel_loop3A_621 : vector<32xbf16>
      %parallel_loop3A_626 = tpu.unpack_subelements %parallel_loop3A_625, 0 {pack_format = #tpu.pack_format<interleaved>} : vector<32xbf16> -> vector<16xf32>
      %parallel_loop3A_627 = tpu.unpack_subelements %parallel_loop3A_625, 1 {pack_format = #tpu.pack_format<interleaved>} : vector<32xbf16> -> vector<16xf32>
      %parallel_loop3A_628 = arith.constant 32 : i32
      %parallel_loop3A_629 = arith.muli %parallel_loop3A_474, %parallel_loop3A_628 : i32
      %parallel_loop3A_630 = arith.constant 1 : i32
      %parallel_loop3A_631 = arith.index_cast %parallel_loop3A_630 : i32 to index
      %parallel_loop3A_632 = arith.index_cast %parallel_loop3A_629 : i32 to index
      %parallel_loop3A_633 = tpu.vector_load %arg7[%parallel_loop3A_631, %parallel_loop3A_632] {strides = array<i32>} : memref<2x20480xf32, #tpu.memory_space<vmem>>, vector<16xf32>,
      tpu.vector_store %arg7[%parallel_loop3A_631, %parallel_loop3A_632], %parallel_loop3A_626 {strides = array<i32>} : memref<2x20480xf32, #tpu.memory_space<vmem>>, vector<16xf32>,
      %parallel_loop3A_634 = arith.constant 32 : i32
      %parallel_loop3A_635 = arith.muli %parallel_loop3A_474, %parallel_loop3A_634 : i32
      %parallel_loop3A_636 = arith.constant 16 : i32
      %parallel_loop3A_637 = arith.addi %parallel_loop3A_635, %parallel_loop3A_636 : i32
      %parallel_loop3A_638 = arith.constant 1 : i32
      %parallel_loop3A_639 = arith.index_cast %parallel_loop3A_638 : i32 to index
      %parallel_loop3A_640 = arith.index_cast %parallel_loop3A_637 : i32 to index
      %parallel_loop3A_641 = tpu.vector_load %arg7[%parallel_loop3A_639, %parallel_loop3A_640] {strides = array<i32>} : memref<2x20480xf32, #tpu.memory_space<vmem>>, vector<16xf32>,
      tpu.vector_store %arg7[%parallel_loop3A_639, %parallel_loop3A_640], %parallel_loop3A_627 {strides = array<i32>} : memref<2x20480xf32, #tpu.memory_space<vmem>>, vector<16xf32>,
    } {sc.loop_unroll_factor = 2 : i64, sc.parallel_access}
    %add3A_80 = arith.constant 640 : i32
    %add3A_81 = arith.addi %mul3A_2, %add3A_80 : i32
    %mul3A_82 = arith.constant 32 : i32
    %mul3A_83 = arith.muli %add3A_81, %mul3A_82 : i32
    %dma_start3A_84 = arith.constant 1 : i32
    %dma_start3A_85 = arith.constant 0 : i32
    %dma_start3A_86 = tpu.memref_slice %arg7[%dma_start3A_84, %dma_start3A_85] : memref<2x20480xf32, #tpu.memory_space<vmem>> -> memref<1x20480xf32, #tpu.memory_space<vmem>>
    %dma_start3A_87 = tpu.memref_squeeze %dma_start3A_86 : memref<1x20480xf32, #tpu.memory_space<vmem>> -> memref<20480xf32, #tpu.memory_space<vmem>>
    %dma_start3A_88 = tpu.memref_slice %arg4[%mul3A_83] : memref<6553600xf32, #tpu.memory_space<hbm>> -> memref<20480xf32, #tpu.memory_space<hbm>>
    %dma_start3A_89 = tpu.memref_slice %arg4[%mul3A_83] : memref<6553600xf32, #tpu.memory_space<hbm>> -> memref<20480xf32, #tpu.memory_space<hbm>>
    %dma_start3A_90 = arith.constant 0 : i32
    %dma_start3A_91 = tpu.memref_slice %arg7[%dma_start3A_84, %dma_start3A_90] : memref<2x20480xf32, #tpu.memory_space<vmem>> -> memref<1x20480xf32, #tpu.memory_space<vmem>>
    %dma_start3A_92 = tpu.memref_squeeze %dma_start3A_91 : memref<1x20480xf32, #tpu.memory_space<vmem>> -> memref<20480xf32, #tpu.memory_space<vmem>>
    tpu.enqueue_dma source(%dma_start3A_92 : memref<20480xf32, #tpu.memory_space<vmem>>) target(%dma_start3A_89 : memref<20480xf32, #tpu.memory_space<hbm>>) target_semaphore(%arg11 : memref<!tpu.dma_semaphore, #tpu.memory_space<semaphore_mem>>)
    %add3A_93 = arith.constant 1920 : i32
    %add3A_94 = arith.addi %mul3A_2, %add3A_93 : i32
    %mul3A_95 = arith.constant 20 : i32
    %mul3A_96 = arith.muli %add3A_94, %mul3A_95 : i32
    %dma_start3A_97 = arith.constant 1 : i32
    %dma_start3A_98 = arith.constant 0 : i32
    %dma_start3A_99 = tpu.memref_slice %arg6[%dma_start3A_97, %dma_start3A_98] : memref<2x12816xi32, #tpu.memory_space<vmem>> -> memref<1x12800xi32, #tpu.memory_space<vmem>>
    %dma_start3A_100 = tpu.memref_squeeze %dma_start3A_99 : memref<1x12800xi32, #tpu.memory_space<vmem>> -> memref<12800xi32, #tpu.memory_space<vmem>>
    %dma_start3A_101 = tpu.memref_slice %arg2[%mul3A_96] : memref<4096000xi32, #tpu.memory_space<hbm>> -> memref<12800xi32, #tpu.memory_space<hbm>>
    %dma_start3A_102 = arith.constant 0 : i32
    %dma_start3A_103 = tpu.memref_slice %arg6[%dma_start3A_97, %dma_start3A_102] : memref<2x12816xi32, #tpu.memory_space<vmem>> -> memref<1x12800xi32, #tpu.memory_space<vmem>>
    %dma_start3A_104 = tpu.memref_squeeze %dma_start3A_103 : memref<1x12800xi32, #tpu.memory_space<vmem>> -> memref<12800xi32, #tpu.memory_space<vmem>>
    %dma_start3A_105 = tpu.memref_slice %arg2[%mul3A_96] : memref<4096000xi32, #tpu.memory_space<hbm>> -> memref<12800xi32, #tpu.memory_space<hbm>>
    tpu.enqueue_dma source(%dma_start3A_105 : memref<12800xi32, #tpu.memory_space<hbm>>) target(%dma_start3A_104 : memref<12800xi32, #tpu.memory_space<vmem>>) target_semaphore(%arg9 : memref<!tpu.dma_semaphore, #tpu.memory_space<semaphore_mem>>)
    %dma_wait3A_106 = arith.constant 0 : i32
    %dma_wait3A_107 = arith.constant 0 : i32
    %dma_wait3A_108 = tpu.memref_slice %arg6[%dma_wait3A_106, %dma_wait3A_107] : memref<2x12816xi32, #tpu.memory_space<vmem>> -> memref<1x12800xi32, #tpu.memory_space<vmem>>
    %dma_wait3A_109 = tpu.memref_squeeze %dma_wait3A_108 : memref<1x12800xi32, #tpu.memory_space<vmem>> -> memref<12800xi32, #tpu.memory_space<vmem>>
    %dma_wait3A_110 = tpu.memref_slice %arg2[%mul3A_58] : memref<4096000xi32, #tpu.memory_space<hbm>> -> memref<12800xi32, #tpu.memory_space<hbm>>
    %dma_wait3A_111 = arith.constant 0 : i32
    %dma_wait3A_112 = tpu.memref_slice %arg6[%dma_wait3A_106, %dma_wait3A_111] : memref<2x12816xi32, #tpu.memory_space<vmem>> -> memref<1x12800xi32, #tpu.memory_space<vmem>>
    %dma_wait3A_113 = tpu.memref_squeeze %dma_wait3A_112 : memref<1x12800xi32, #tpu.memory_space<vmem>> -> memref<12800xi32, #tpu.memory_space<vmem>>
    %dma_wait3A_114 = tpu.memref_slice %arg2[%mul3A_58] : memref<4096000xi32, #tpu.memory_space<hbm>> -> memref<12800xi32, #tpu.memory_space<hbm>>
    tpu.wait_dma2 semaphore(%arg8 : memref<!tpu.dma_semaphore, #tpu.memory_space<semaphore_mem>>) src(%dma_wait3A_114 : memref<12800xi32, #tpu.memory_space<hbm>>) dst(%dma_wait3A_113 : memref<12800xi32, #tpu.memory_space<vmem>>)
    %dma_wait3A_115 = arith.constant 0 : i32
    %dma_wait3A_116 = arith.constant 0 : i32
    %dma_wait3A_117 = tpu.memref_slice %arg7[%dma_wait3A_115, %dma_wait3A_116] : memref<2x20480xf32, #tpu.memory_space<vmem>> -> memref<1x20480xf32, #tpu.memory_space<vmem>>
    %dma_wait3A_118 = tpu.memref_squeeze %dma_wait3A_117 : memref<1x20480xf32, #tpu.memory_space<vmem>> -> memref<20480xf32, #tpu.memory_space<vmem>>
    %dma_wait3A_119 = tpu.memref_slice %arg4[%mul3A_45] : memref<6553600xf32, #tpu.memory_space<hbm>> -> memref<20480xf32, #tpu.memory_space<hbm>>
    %dma_wait3A_120 = tpu.memref_slice %arg4[%mul3A_45] : memref<6553600xf32, #tpu.memory_space<hbm>> -> memref<20480xf32, #tpu.memory_space<hbm>>
    %dma_wait3A_121 = arith.constant 0 : i32
    %dma_wait3A_122 = tpu.memref_slice %arg7[%dma_wait3A_115, %dma_wait3A_121] : memref<2x20480xf32, #tpu.memory_space<vmem>> -> memref<1x20480xf32, #tpu.memory_space<vmem>>
    %dma_wait3A_123 = tpu.memref_squeeze %dma_wait3A_122 : memref<1x20480xf32, #tpu.memory_space<vmem>> -> memref<20480xf32, #tpu.memory_space<vmem>>
    tpu.wait_dma2 semaphore(%arg10 : memref<!tpu.dma_semaphore, #tpu.memory_space<semaphore_mem>>) src(%dma_wait3A_123 : memref<20480xf32, #tpu.memory_space<vmem>>) dst(%dma_wait3A_120 : memref<20480xf32, #tpu.memory_space<hbm>>)
    %parallel_loop3A_124 = arith.constant 0 : i32
    %parallel_loop3A_125 = arith.constant 640 : i32
    %parallel_loop3A_126 = arith.constant 1 : i32
    scf.for %parallel_loop3A_474 = %parallel_loop3A_124 to %parallel_loop3A_125 step %parallel_loop3A_126  : i32 {
      %parallel_loop3A_475 = arith.constant 20 : i32
      %parallel_loop3A_476 = arith.muli %parallel_loop3A_474, %parallel_loop3A_475 : i32
      %parallel_loop3A_477 = arith.constant 0 : i32
      %parallel_loop3A_478 = arith.index_cast %parallel_loop3A_477 : i32 to index
      %parallel_loop3A_479 = arith.index_cast %parallel_loop3A_476 : i32 to index
      %parallel_loop3A_480 = tpu.vector_load %arg6[%parallel_loop3A_478, %parallel_loop3A_479] {strides = array<i32>} : memref<2x12816xi32, #tpu.memory_space<vmem>>, vector<16xi32>,
      %parallel_loop3A_481 = arith.constant 16 : i32
      %parallel_loop3A_482 = arith.addi %parallel_loop3A_476, %parallel_loop3A_481 : i32
      %parallel_loop3A_483 = arith.constant 0 : i32
      %parallel_loop3A_484 = arith.index_cast %parallel_loop3A_483 : i32 to index
      %parallel_loop3A_485 = arith.index_cast %parallel_loop3A_482 : i32 to index
      %parallel_loop3A_486 = tpu.vector_load %arg6[%parallel_loop3A_484, %parallel_loop3A_485] {strides = array<i32>} : memref<2x12816xi32, #tpu.memory_space<vmem>>, vector<16xi32>,
      %parallel_loop3A_487 = vector.extract_strided_slice %parallel_loop3A_480 {offsets = [0], sizes = [1], strides = [1]} : vector<16xi32> to vector<1xi32>
      %parallel_loop3A_488 = vector.extract %parallel_loop3A_487[0] : i32 from vector<1xi32>
      %parallel_loop3A_489 = arith.index_cast %parallel_loop3A_488 : i32 to index
      %parallel_loop3A_490 = arith.constant 0 : index
      %parallel_loop3A_491 = tpu.vector_load %arg5[%parallel_loop3A_489, %parallel_loop3A_490] {strides = array<i32>} : memref<1000x16xi32, #tpu.memory_space<vmem>>, vector<16xi32>,
      %parallel_loop3A_492 = vector.bitcast %parallel_loop3A_491 : vector<16xi32> to vector<32xbf16>
      %parallel_loop3A_493 = vector.extract_strided_slice %parallel_loop3A_480 {offsets = [1], sizes = [1], strides = [1]} : vector<16xi32> to vector<1xi32>
      %parallel_loop3A_494 = vector.extract %parallel_loop3A_493[0] : i32 from vector<1xi32>
      %parallel_loop3A_495 = arith.index_cast %parallel_loop3A_494 : i32 to index
      %parallel_loop3A_496 = arith.constant 0 : index
      %parallel_loop3A_497 = tpu.vector_load %arg5[%parallel_loop3A_495, %parallel_loop3A_496] {strides = array<i32>} : memref<1000x16xi32, #tpu.memory_space<vmem>>, vector<16xi32>,
      %parallel_loop3A_498 = vector.bitcast %parallel_loop3A_497 : vector<16xi32> to vector<32xbf16>
      %parallel_loop3A_499 = vector.extract_strided_slice %parallel_loop3A_480 {offsets = [2], sizes = [1], strides = [1]} : vector<16xi32> to vector<1xi32>
      %parallel_loop3A_500 = vector.extract %parallel_loop3A_499[0] : i32 from vector<1xi32>
      %parallel_loop3A_501 = arith.index_cast %parallel_loop3A_500 : i32 to index
      %parallel_loop3A_502 = arith.constant 0 : index
      %parallel_loop3A_503 = tpu.vector_load %arg5[%parallel_loop3A_501, %parallel_loop3A_502] {strides = array<i32>} : memref<1000x16xi32, #tpu.memory_space<vmem>>, vector<16xi32>,
      %parallel_loop3A_504 = vector.bitcast %parallel_loop3A_503 : vector<16xi32> to vector<32xbf16>
      %parallel_loop3A_505 = vector.extract_strided_slice %parallel_loop3A_480 {offsets = [3], sizes = [1], strides = [1]} : vector<16xi32> to vector<1xi32>
      %parallel_loop3A_506 = vector.extract %parallel_loop3A_505[0] : i32 from vector<1xi32>
      %parallel_loop3A_507 = arith.index_cast %parallel_loop3A_506 : i32 to index
      %parallel_loop3A_508 = arith.constant 0 : index
      %parallel_loop3A_509 = tpu.vector_load %arg5[%parallel_loop3A_507, %parallel_loop3A_508] {strides = array<i32>} : memref<1000x16xi32, #tpu.memory_space<vmem>>, vector<16xi32>,
      %parallel_loop3A_510 = vector.bitcast %parallel_loop3A_509 : vector<16xi32> to vector<32xbf16>
      %parallel_loop3A_511 = vector.extract_strided_slice %parallel_loop3A_480 {offsets = [4], sizes = [1], strides = [1]} : vector<16xi32> to vector<1xi32>
      %parallel_loop3A_512 = vector.extract %parallel_loop3A_511[0] : i32 from vector<1xi32>
      %parallel_loop3A_513 = arith.index_cast %parallel_loop3A_512 : i32 to index
      %parallel_loop3A_514 = arith.constant 0 : index
      %parallel_loop3A_515 = tpu.vector_load %arg5[%parallel_loop3A_513, %parallel_loop3A_514] {strides = array<i32>} : memref<1000x16xi32, #tpu.memory_space<vmem>>, vector<16xi32>,
      %parallel_loop3A_516 = vector.bitcast %parallel_loop3A_515 : vector<16xi32> to vector<32xbf16>
      %parallel_loop3A_517 = vector.extract_strided_slice %parallel_loop3A_480 {offsets = [5], sizes = [1], strides = [1]} : vector<16xi32> to vector<1xi32>
      %parallel_loop3A_518 = vector.extract %parallel_loop3A_517[0] : i32 from vector<1xi32>
      %parallel_loop3A_519 = arith.index_cast %parallel_loop3A_518 : i32 to index
      %parallel_loop3A_520 = arith.constant 0 : index
      %parallel_loop3A_521 = tpu.vector_load %arg5[%parallel_loop3A_519, %parallel_loop3A_520] {strides = array<i32>} : memref<1000x16xi32, #tpu.memory_space<vmem>>, vector<16xi32>,
      %parallel_loop3A_522 = vector.bitcast %parallel_loop3A_521 : vector<16xi32> to vector<32xbf16>
      %parallel_loop3A_523 = vector.extract_strided_slice %parallel_loop3A_480 {offsets = [6], sizes = [1], strides = [1]} : vector<16xi32> to vector<1xi32>
      %parallel_loop3A_524 = vector.extract %parallel_loop3A_523[0] : i32 from vector<1xi32>
      %parallel_loop3A_525 = arith.index_cast %parallel_loop3A_524 : i32 to index
      %parallel_loop3A_526 = arith.constant 0 : index
      %parallel_loop3A_527 = tpu.vector_load %arg5[%parallel_loop3A_525, %parallel_loop3A_526] {strides = array<i32>} : memref<1000x16xi32, #tpu.memory_space<vmem>>, vector<16xi32>,
      %parallel_loop3A_528 = vector.bitcast %parallel_loop3A_527 : vector<16xi32> to vector<32xbf16>
      %parallel_loop3A_529 = vector.extract_strided_slice %parallel_loop3A_480 {offsets = [7], sizes = [1], strides = [1]} : vector<16xi32> to vector<1xi32>
      %parallel_loop3A_530 = vector.extract %parallel_loop3A_529[0] : i32 from vector<1xi32>
      %parallel_loop3A_531 = arith.index_cast %parallel_loop3A_530 : i32 to index
      %parallel_loop3A_532 = arith.constant 0 : index
      %parallel_loop3A_533 = tpu.vector_load %arg5[%parallel_loop3A_531, %parallel_loop3A_532] {strides = array<i32>} : memref<1000x16xi32, #tpu.memory_space<vmem>>, vector<16xi32>,
      %parallel_loop3A_534 = vector.bitcast %parallel_loop3A_533 : vector<16xi32> to vector<32xbf16>
      %parallel_loop3A_535 = vector.extract_strided_slice %parallel_loop3A_480 {offsets = [8], sizes = [1], strides = [1]} : vector<16xi32> to vector<1xi32>
      %parallel_loop3A_536 = vector.extract %parallel_loop3A_535[0] : i32 from vector<1xi32>
      %parallel_loop3A_537 = arith.index_cast %parallel_loop3A_536 : i32 to index
      %parallel_loop3A_538 = arith.constant 0 : index
      %parallel_loop3A_539 = tpu.vector_load %arg5[%parallel_loop3A_537, %parallel_loop3A_538] {strides = array<i32>} : memref<1000x16xi32, #tpu.memory_space<vmem>>, vector<16xi32>,
      %parallel_loop3A_540 = vector.bitcast %parallel_loop3A_539 : vector<16xi32> to vector<32xbf16>
      %parallel_loop3A_541 = vector.extract_strided_slice %parallel_loop3A_480 {offsets = [9], sizes = [1], strides = [1]} : vector<16xi32> to vector<1xi32>
      %parallel_loop3A_542 = vector.extract %parallel_loop3A_541[0] : i32 from vector<1xi32>
      %parallel_loop3A_543 = arith.index_cast %parallel_loop3A_542 : i32 to index
      %parallel_loop3A_544 = arith.constant 0 : index
      %parallel_loop3A_545 = tpu.vector_load %arg5[%parallel_loop3A_543, %parallel_loop3A_544] {strides = array<i32>} : memref<1000x16xi32, #tpu.memory_space<vmem>>, vector<16xi32>,
      %parallel_loop3A_546 = vector.bitcast %parallel_loop3A_545 : vector<16xi32> to vector<32xbf16>
      %parallel_loop3A_547 = vector.extract_strided_slice %parallel_loop3A_480 {offsets = [10], sizes = [1], strides = [1]} : vector<16xi32> to vector<1xi32>
      %parallel_loop3A_548 = vector.extract %parallel_loop3A_547[0] : i32 from vector<1xi32>
      %parallel_loop3A_549 = arith.index_cast %parallel_loop3A_548 : i32 to index
      %parallel_loop3A_550 = arith.constant 0 : index
      %parallel_loop3A_551 = tpu.vector_load %arg5[%parallel_loop3A_549, %parallel_loop3A_550] {strides = array<i32>} : memref<1000x16xi32, #tpu.memory_space<vmem>>, vector<16xi32>,
      %parallel_loop3A_552 = vector.bitcast %parallel_loop3A_551 : vector<16xi32> to vector<32xbf16>
      %parallel_loop3A_553 = vector.extract_strided_slice %parallel_loop3A_480 {offsets = [11], sizes = [1], strides = [1]} : vector<16xi32> to vector<1xi32>
      %parallel_loop3A_554 = vector.extract %parallel_loop3A_553[0] : i32 from vector<1xi32>
      %parallel_loop3A_555 = arith.index_cast %parallel_loop3A_554 : i32 to index
      %parallel_loop3A_556 = arith.constant 0 : index
      %parallel_loop3A_557 = tpu.vector_load %arg5[%parallel_loop3A_555, %parallel_loop3A_556] {strides = array<i32>} : memref<1000x16xi32, #tpu.memory_space<vmem>>, vector<16xi32>,
      %parallel_loop3A_558 = vector.bitcast %parallel_loop3A_557 : vector<16xi32> to vector<32xbf16>
      %parallel_loop3A_559 = vector.extract_strided_slice %parallel_loop3A_480 {offsets = [12], sizes = [1], strides = [1]} : vector<16xi32> to vector<1xi32>
      %parallel_loop3A_560 = vector.extract %parallel_loop3A_559[0] : i32 from vector<1xi32>
      %parallel_loop3A_561 = arith.index_cast %parallel_loop3A_560 : i32 to index
      %parallel_loop3A_562 = arith.constant 0 : index
      %parallel_loop3A_563 = tpu.vector_load %arg5[%parallel_loop3A_561, %parallel_loop3A_562] {strides = array<i32>} : memref<1000x16xi32, #tpu.memory_space<vmem>>, vector<16xi32>,
      %parallel_loop3A_564 = vector.bitcast %parallel_loop3A_563 : vector<16xi32> to vector<32xbf16>
      %parallel_loop3A_565 = vector.extract_strided_slice %parallel_loop3A_480 {offsets = [13], sizes = [1], strides = [1]} : vector<16xi32> to vector<1xi32>
      %parallel_loop3A_566 = vector.extract %parallel_loop3A_565[0] : i32 from vector<1xi32>
      %parallel_loop3A_567 = arith.index_cast %parallel_loop3A_566 : i32 to index
      %parallel_loop3A_568 = arith.constant 0 : index
      %parallel_loop3A_569 = tpu.vector_load %arg5[%parallel_loop3A_567, %parallel_loop3A_568] {strides = array<i32>} : memref<1000x16xi32, #tpu.memory_space<vmem>>, vector<16xi32>,
      %parallel_loop3A_570 = vector.bitcast %parallel_loop3A_569 : vector<16xi32> to vector<32xbf16>
      %parallel_loop3A_571 = vector.extract_strided_slice %parallel_loop3A_480 {offsets = [14], sizes = [1], strides = [1]} : vector<16xi32> to vector<1xi32>
      %parallel_loop3A_572 = vector.extract %parallel_loop3A_571[0] : i32 from vector<1xi32>
      %parallel_loop3A_573 = arith.index_cast %parallel_loop3A_572 : i32 to index
      %parallel_loop3A_574 = arith.constant 0 : index
      %parallel_loop3A_575 = tpu.vector_load %arg5[%parallel_loop3A_573, %parallel_loop3A_574] {strides = array<i32>} : memref<1000x16xi32, #tpu.memory_space<vmem>>, vector<16xi32>,
      %parallel_loop3A_576 = vector.bitcast %parallel_loop3A_575 : vector<16xi32> to vector<32xbf16>
      %parallel_loop3A_577 = vector.extract_strided_slice %parallel_loop3A_480 {offsets = [15], sizes = [1], strides = [1]} : vector<16xi32> to vector<1xi32>
      %parallel_loop3A_578 = vector.extract %parallel_loop3A_577[0] : i32 from vector<1xi32>
      %parallel_loop3A_579 = arith.index_cast %parallel_loop3A_578 : i32 to index
      %parallel_loop3A_580 = arith.constant 0 : index
      %parallel_loop3A_581 = tpu.vector_load %arg5[%parallel_loop3A_579, %parallel_loop3A_580] {strides = array<i32>} : memref<1000x16xi32, #tpu.memory_space<vmem>>, vector<16xi32>,
      %parallel_loop3A_582 = vector.bitcast %parallel_loop3A_581 : vector<16xi32> to vector<32xbf16>
      %parallel_loop3A_583 = vector.extract_strided_slice %parallel_loop3A_486 {offsets = [0], sizes = [1], strides = [1]} : vector<16xi32> to vector<1xi32>
      %parallel_loop3A_584 = vector.extract %parallel_loop3A_583[0] : i32 from vector<1xi32>
      %parallel_loop3A_585 = arith.index_cast %parallel_loop3A_584 : i32 to index
      %parallel_loop3A_586 = arith.constant 0 : index
      %parallel_loop3A_587 = tpu.vector_load %arg5[%parallel_loop3A_585, %parallel_loop3A_586] {strides = array<i32>} : memref<1000x16xi32, #tpu.memory_space<vmem>>, vector<16xi32>,
      %parallel_loop3A_588 = vector.bitcast %parallel_loop3A_587 : vector<16xi32> to vector<32xbf16>
      %parallel_loop3A_589 = vector.extract_strided_slice %parallel_loop3A_486 {offsets = [1], sizes = [1], strides = [1]} : vector<16xi32> to vector<1xi32>
      %parallel_loop3A_590 = vector.extract %parallel_loop3A_589[0] : i32 from vector<1xi32>
      %parallel_loop3A_591 = arith.index_cast %parallel_loop3A_590 : i32 to index
      %parallel_loop3A_592 = arith.constant 0 : index
      %parallel_loop3A_593 = tpu.vector_load %arg5[%parallel_loop3A_591, %parallel_loop3A_592] {strides = array<i32>} : memref<1000x16xi32, #tpu.memory_space<vmem>>, vector<16xi32>,
      %parallel_loop3A_594 = vector.bitcast %parallel_loop3A_593 : vector<16xi32> to vector<32xbf16>
      %parallel_loop3A_595 = vector.extract_strided_slice %parallel_loop3A_486 {offsets = [2], sizes = [1], strides = [1]} : vector<16xi32> to vector<1xi32>
      %parallel_loop3A_596 = vector.extract %parallel_loop3A_595[0] : i32 from vector<1xi32>
      %parallel_loop3A_597 = arith.index_cast %parallel_loop3A_596 : i32 to index
      %parallel_loop3A_598 = arith.constant 0 : index
      %parallel_loop3A_599 = tpu.vector_load %arg5[%parallel_loop3A_597, %parallel_loop3A_598] {strides = array<i32>} : memref<1000x16xi32, #tpu.memory_space<vmem>>, vector<16xi32>,
      %parallel_loop3A_600 = vector.bitcast %parallel_loop3A_599 : vector<16xi32> to vector<32xbf16>
      %parallel_loop3A_601 = vector.extract_strided_slice %parallel_loop3A_486 {offsets = [3], sizes = [1], strides = [1]} : vector<16xi32> to vector<1xi32>
      %parallel_loop3A_602 = vector.extract %parallel_loop3A_601[0] : i32 from vector<1xi32>
      %parallel_loop3A_603 = arith.index_cast %parallel_loop3A_602 : i32 to index
      %parallel_loop3A_604 = arith.constant 0 : index
      %parallel_loop3A_605 = tpu.vector_load %arg5[%parallel_loop3A_603, %parallel_loop3A_604] {strides = array<i32>} : memref<1000x16xi32, #tpu.memory_space<vmem>>, vector<16xi32>,
      %parallel_loop3A_606 = vector.bitcast %parallel_loop3A_605 : vector<16xi32> to vector<32xbf16>
      %parallel_loop3A_607 = arith.addf %parallel_loop3A_492, %parallel_loop3A_498 : vector<32xbf16>
      %parallel_loop3A_608 = arith.addf %parallel_loop3A_504, %parallel_loop3A_510 : vector<32xbf16>
      %parallel_loop3A_609 = arith.addf %parallel_loop3A_516, %parallel_loop3A_522 : vector<32xbf16>
      %parallel_loop3A_610 = arith.addf %parallel_loop3A_528, %parallel_loop3A_534 : vector<32xbf16>
      %parallel_loop3A_611 = arith.addf %parallel_loop3A_540, %parallel_loop3A_546 : vector<32xbf16>
      %parallel_loop3A_612 = arith.addf %parallel_loop3A_552, %parallel_loop3A_558 : vector<32xbf16>
      %parallel_loop3A_613 = arith.addf %parallel_loop3A_564, %parallel_loop3A_570 : vector<32xbf16>
      %parallel_loop3A_614 = arith.addf %parallel_loop3A_576, %parallel_loop3A_582 : vector<32xbf16>
      %parallel_loop3A_615 = arith.addf %parallel_loop3A_588, %parallel_loop3A_594 : vector<32xbf16>
      %parallel_loop3A_616 = arith.addf %parallel_loop3A_600, %parallel_loop3A_606 : vector<32xbf16>
      %parallel_loop3A_617 = arith.addf %parallel_loop3A_607, %parallel_loop3A_608 : vector<32xbf16>
      %parallel_loop3A_618 = arith.addf %parallel_loop3A_609, %parallel_loop3A_610 : vector<32xbf16>
      %parallel_loop3A_619 = arith.addf %parallel_loop3A_611, %parallel_loop3A_612 : vector<32xbf16>
      %parallel_loop3A_620 = arith.addf %parallel_loop3A_613, %parallel_loop3A_614 : vector<32xbf16>
      %parallel_loop3A_621 = arith.addf %parallel_loop3A_615, %parallel_loop3A_616 : vector<32xbf16>
      %parallel_loop3A_622 = arith.addf %parallel_loop3A_617, %parallel_loop3A_618 : vector<32xbf16>
      %parallel_loop3A_623 = arith.addf %parallel_loop3A_619, %parallel_loop3A_620 : vector<32xbf16>
      %parallel_loop3A_624 = arith.addf %parallel_loop3A_622, %parallel_loop3A_623 : vector<32xbf16>
      %parallel_loop3A_625 = arith.addf %parallel_loop3A_624, %parallel_loop3A_621 : vector<32xbf16>
      %parallel_loop3A_626 = tpu.unpack_subelements %parallel_loop3A_625, 0 {pack_format = #tpu.pack_format<interleaved>} : vector<32xbf16> -> vector<16xf32>
      %parallel_loop3A_627 = tpu.unpack_subelements %parallel_loop3A_625, 1 {pack_format = #tpu.pack_format<interleaved>} : vector<32xbf16> -> vector<16xf32>
      %parallel_loop3A_628 = arith.constant 32 : i32
      %parallel_loop3A_629 = arith.muli %parallel_loop3A_474, %parallel_loop3A_628 : i32
      %parallel_loop3A_630 = arith.constant 0 : i32
      %parallel_loop3A_631 = arith.index_cast %parallel_loop3A_630 : i32 to index
      %parallel_loop3A_632 = arith.index_cast %parallel_loop3A_629 : i32 to index
      %parallel_loop3A_633 = tpu.vector_load %arg7[%parallel_loop3A_631, %parallel_loop3A_632] {strides = array<i32>} : memref<2x20480xf32, #tpu.memory_space<vmem>>, vector<16xf32>,
      tpu.vector_store %arg7[%parallel_loop3A_631, %parallel_loop3A_632], %parallel_loop3A_626 {strides = array<i32>} : memref<2x20480xf32, #tpu.memory_space<vmem>>, vector<16xf32>,
      %parallel_loop3A_634 = arith.constant 32 : i32
      %parallel_loop3A_635 = arith.muli %parallel_loop3A_474, %parallel_loop3A_634 : i32
      %parallel_loop3A_636 = arith.constant 16 : i32
      %parallel_loop3A_637 = arith.addi %parallel_loop3A_635, %parallel_loop3A_636 : i32
      %parallel_loop3A_638 = arith.constant 0 : i32
      %parallel_loop3A_639 = arith.index_cast %parallel_loop3A_638 : i32 to index
      %parallel_loop3A_640 = arith.index_cast %parallel_loop3A_637 : i32 to index
      %parallel_loop3A_641 = tpu.vector_load %arg7[%parallel_loop3A_639, %parallel_loop3A_640] {strides = array<i32>} : memref<2x20480xf32, #tpu.memory_space<vmem>>, vector<16xf32>,
      tpu.vector_store %arg7[%parallel_loop3A_639, %parallel_loop3A_640], %parallel_loop3A_627 {strides = array<i32>} : memref<2x20480xf32, #tpu.memory_space<vmem>>, vector<16xf32>,
    } {sc.loop_unroll_factor = 2 : i64, sc.parallel_access}
    %add3A_127 = arith.constant 1280 : i32
    %add3A_128 = arith.addi %mul3A_2, %add3A_127 : i32
    %mul3A_129 = arith.constant 32 : i32
    %mul3A_130 = arith.muli %add3A_128, %mul3A_129 : i32
    %dma_start3A_131 = arith.constant 0 : i32
    %dma_start3A_132 = arith.constant 0 : i32
    %dma_start3A_133 = tpu.memref_slice %arg7[%dma_start3A_131, %dma_start3A_132] : memref<2x20480xf32, #tpu.memory_space<vmem>> -> memref<1x20480xf32, #tpu.memory_space<vmem>>
    %dma_start3A_134 = tpu.memref_squeeze %dma_start3A_133 : memref<1x20480xf32, #tpu.memory_space<vmem>> -> memref<20480xf32, #tpu.memory_space<vmem>>
    %dma_start3A_135 = tpu.memref_slice %arg4[%mul3A_130] : memref<6553600xf32, #tpu.memory_space<hbm>> -> memref<20480xf32, #tpu.memory_space<hbm>>
    %dma_start3A_136 = tpu.memref_slice %arg4[%mul3A_130] : memref<6553600xf32, #tpu.memory_space<hbm>> -> memref<20480xf32, #tpu.memory_space<hbm>>
    %dma_start3A_137 = arith.constant 0 : i32
    %dma_start3A_138 = tpu.memref_slice %arg7[%dma_start3A_131, %dma_start3A_137] : memref<2x20480xf32, #tpu.memory_space<vmem>> -> memref<1x20480xf32, #tpu.memory_space<vmem>>
    %dma_start3A_139 = tpu.memref_squeeze %dma_start3A_138 : memref<1x20480xf32, #tpu.memory_space<vmem>> -> memref<20480xf32, #tpu.memory_space<vmem>>
    tpu.enqueue_dma source(%dma_start3A_139 : memref<20480xf32, #tpu.memory_space<vmem>>) target(%dma_start3A_136 : memref<20480xf32, #tpu.memory_space<hbm>>) target_semaphore(%arg10 : memref<!tpu.dma_semaphore, #tpu.memory_space<semaphore_mem>>)
    %add3A_140 = arith.constant 2560 : i32
    %add3A_141 = arith.addi %mul3A_2, %add3A_140 : i32
    %mul3A_142 = arith.constant 20 : i32
    %mul3A_143 = arith.muli %add3A_141, %mul3A_142 : i32
    %dma_start3A_144 = arith.constant 0 : i32
    %dma_start3A_145 = arith.constant 0 : i32
    %dma_start3A_146 = tpu.memref_slice %arg6[%dma_start3A_144, %dma_start3A_145] : memref<2x12816xi32, #tpu.memory_space<vmem>> -> memref<1x12800xi32, #tpu.memory_space<vmem>>
    %dma_start3A_147 = tpu.memref_squeeze %dma_start3A_146 : memref<1x12800xi32, #tpu.memory_space<vmem>> -> memref<12800xi32, #tpu.memory_space<vmem>>
    %dma_start3A_148 = tpu.memref_slice %arg2[%mul3A_143] : memref<4096000xi32, #tpu.memory_space<hbm>> -> memref<12800xi32, #tpu.memory_space<hbm>>
    %dma_start3A_149 = arith.constant 0 : i32
    %dma_start3A_150 = tpu.memref_slice %arg6[%dma_start3A_144, %dma_start3A_149] : memref<2x12816xi32, #tpu.memory_space<vmem>> -> memref<1x12800xi32, #tpu.memory_space<vmem>>
    %dma_start3A_151 = tpu.memref_squeeze %dma_start3A_150 : memref<1x12800xi32, #tpu.memory_space<vmem>> -> memref<12800xi32, #tpu.memory_space<vmem>>
    %dma_start3A_152 = tpu.memref_slice %arg2[%mul3A_143] : memref<4096000xi32, #tpu.memory_space<hbm>> -> memref<12800xi32, #tpu.memory_space<hbm>>
    tpu.enqueue_dma source(%dma_start3A_152 : memref<12800xi32, #tpu.memory_space<hbm>>) target(%dma_start3A_151 : memref<12800xi32, #tpu.memory_space<vmem>>) target_semaphore(%arg8 : memref<!tpu.dma_semaphore, #tpu.memory_space<semaphore_mem>>)
    %dma_wait3A_153 = arith.constant 1 : i32
    %dma_wait3A_154 = arith.constant 0 : i32
    %dma_wait3A_155 = tpu.memref_slice %arg6[%dma_wait3A_153, %dma_wait3A_154] : memref<2x12816xi32, #tpu.memory_space<vmem>> -> memref<1x12800xi32, #tpu.memory_space<vmem>>
    %dma_wait3A_156 = tpu.memref_squeeze %dma_wait3A_155 : memref<1x12800xi32, #tpu.memory_space<vmem>> -> memref<12800xi32, #tpu.memory_space<vmem>>
    %dma_wait3A_157 = tpu.memref_slice %arg2[%mul3A_96] : memref<4096000xi32, #tpu.memory_space<hbm>> -> memref<12800xi32, #tpu.memory_space<hbm>>
    %dma_wait3A_158 = arith.constant 0 : i32
    %dma_wait3A_159 = tpu.memref_slice %arg6[%dma_wait3A_153, %dma_wait3A_158] : memref<2x12816xi32, #tpu.memory_space<vmem>> -> memref<1x12800xi32, #tpu.memory_space<vmem>>
    %dma_wait3A_160 = tpu.memref_squeeze %dma_wait3A_159 : memref<1x12800xi32, #tpu.memory_space<vmem>> -> memref<12800xi32, #tpu.memory_space<vmem>>
    %dma_wait3A_161 = tpu.memref_slice %arg2[%mul3A_96] : memref<4096000xi32, #tpu.memory_space<hbm>> -> memref<12800xi32, #tpu.memory_space<hbm>>
    tpu.wait_dma2 semaphore(%arg9 : memref<!tpu.dma_semaphore, #tpu.memory_space<semaphore_mem>>) src(%dma_wait3A_161 : memref<12800xi32, #tpu.memory_space<hbm>>) dst(%dma_wait3A_160 : memref<12800xi32, #tpu.memory_space<vmem>>)
    %dma_wait3A_162 = arith.constant 1 : i32
    %dma_wait3A_163 = arith.constant 0 : i32
    %dma_wait3A_164 = tpu.memref_slice %arg7[%dma_wait3A_162, %dma_wait3A_163] : memref<2x20480xf32, #tpu.memory_space<vmem>> -> memref<1x20480xf32, #tpu.memory_space<vmem>>
    %dma_wait3A_165 = tpu.memref_squeeze %dma_wait3A_164 : memref<1x20480xf32, #tpu.memory_space<vmem>> -> memref<20480xf32, #tpu.memory_space<vmem>>
    %dma_wait3A_166 = tpu.memref_slice %arg4[%mul3A_83] : memref<6553600xf32, #tpu.memory_space<hbm>> -> memref<20480xf32, #tpu.memory_space<hbm>>
    %dma_wait3A_167 = tpu.memref_slice %arg4[%mul3A_83] : memref<6553600xf32, #tpu.memory_space<hbm>> -> memref<20480xf32, #tpu.memory_space<hbm>>
    %dma_wait3A_168 = arith.constant 0 : i32
    %dma_wait3A_169 = tpu.memref_slice %arg7[%dma_wait3A_162, %dma_wait3A_168] : memref<2x20480xf32, #tpu.memory_space<vmem>> -> memref<1x20480xf32, #tpu.memory_space<vmem>>
    %dma_wait3A_170 = tpu.memref_squeeze %dma_wait3A_169 : memref<1x20480xf32, #tpu.memory_space<vmem>> -> memref<20480xf32, #tpu.memory_space<vmem>>
    tpu.wait_dma2 semaphore(%arg11 : memref<!tpu.dma_semaphore, #tpu.memory_space<semaphore_mem>>) src(%dma_wait3A_170 : memref<20480xf32, #tpu.memory_space<vmem>>) dst(%dma_wait3A_167 : memref<20480xf32, #tpu.memory_space<hbm>>)
    %parallel_loop3A_171 = arith.constant 0 : i32
    %parallel_loop3A_172 = arith.constant 640 : i32
    %parallel_loop3A_173 = arith.constant 1 : i32
    scf.for %parallel_loop3A_474 = %parallel_loop3A_171 to %parallel_loop3A_172 step %parallel_loop3A_173  : i32 {
      %parallel_loop3A_475 = arith.constant 20 : i32
      %parallel_loop3A_476 = arith.muli %parallel_loop3A_474, %parallel_loop3A_475 : i32
      %parallel_loop3A_477 = arith.constant 1 : i32
      %parallel_loop3A_478 = arith.index_cast %parallel_loop3A_477 : i32 to index
      %parallel_loop3A_479 = arith.index_cast %parallel_loop3A_476 : i32 to index
      %parallel_loop3A_480 = tpu.vector_load %arg6[%parallel_loop3A_478, %parallel_loop3A_479] {strides = array<i32>} : memref<2x12816xi32, #tpu.memory_space<vmem>>, vector<16xi32>,
      %parallel_loop3A_481 = arith.constant 16 : i32
      %parallel_loop3A_482 = arith.addi %parallel_loop3A_476, %parallel_loop3A_481 : i32
      %parallel_loop3A_483 = arith.constant 1 : i32
      %parallel_loop3A_484 = arith.index_cast %parallel_loop3A_483 : i32 to index
      %parallel_loop3A_485 = arith.index_cast %parallel_loop3A_482 : i32 to index
      %parallel_loop3A_486 = tpu.vector_load %arg6[%parallel_loop3A_484, %parallel_loop3A_485] {strides = array<i32>} : memref<2x12816xi32, #tpu.memory_space<vmem>>, vector<16xi32>,
      %parallel_loop3A_487 = vector.extract_strided_slice %parallel_loop3A_480 {offsets = [0], sizes = [1], strides = [1]} : vector<16xi32> to vector<1xi32>
      %parallel_loop3A_488 = vector.extract %parallel_loop3A_487[0] : i32 from vector<1xi32>
      %parallel_loop3A_489 = arith.index_cast %parallel_loop3A_488 : i32 to index
      %parallel_loop3A_490 = arith.constant 0 : index
      %parallel_loop3A_491 = tpu.vector_load %arg5[%parallel_loop3A_489, %parallel_loop3A_490] {strides = array<i32>} : memref<1000x16xi32, #tpu.memory_space<vmem>>, vector<16xi32>,
      %parallel_loop3A_492 = vector.bitcast %parallel_loop3A_491 : vector<16xi32> to vector<32xbf16>
      %parallel_loop3A_493 = vector.extract_strided_slice %parallel_loop3A_480 {offsets = [1], sizes = [1], strides = [1]} : vector<16xi32> to vector<1xi32>
      %parallel_loop3A_494 = vector.extract %parallel_loop3A_493[0] : i32 from vector<1xi32>
      %parallel_loop3A_495 = arith.index_cast %parallel_loop3A_494 : i32 to index
      %parallel_loop3A_496 = arith.constant 0 : index
      %parallel_loop3A_497 = tpu.vector_load %arg5[%parallel_loop3A_495, %parallel_loop3A_496] {strides = array<i32>} : memref<1000x16xi32, #tpu.memory_space<vmem>>, vector<16xi32>,
      %parallel_loop3A_498 = vector.bitcast %parallel_loop3A_497 : vector<16xi32> to vector<32xbf16>
      %parallel_loop3A_499 = vector.extract_strided_slice %parallel_loop3A_480 {offsets = [2], sizes = [1], strides = [1]} : vector<16xi32> to vector<1xi32>
      %parallel_loop3A_500 = vector.extract %parallel_loop3A_499[0] : i32 from vector<1xi32>
      %parallel_loop3A_501 = arith.index_cast %parallel_loop3A_500 : i32 to index
      %parallel_loop3A_502 = arith.constant 0 : index
      %parallel_loop3A_503 = tpu.vector_load %arg5[%parallel_loop3A_501, %parallel_loop3A_502] {strides = array<i32>} : memref<1000x16xi32, #tpu.memory_space<vmem>>, vector<16xi32>,
      %parallel_loop3A_504 = vector.bitcast %parallel_loop3A_503 : vector<16xi32> to vector<32xbf16>
      %parallel_loop3A_505 = vector.extract_strided_slice %parallel_loop3A_480 {offsets = [3], sizes = [1], strides = [1]} : vector<16xi32> to vector<1xi32>
      %parallel_loop3A_506 = vector.extract %parallel_loop3A_505[0] : i32 from vector<1xi32>
      %parallel_loop3A_507 = arith.index_cast %parallel_loop3A_506 : i32 to index
      %parallel_loop3A_508 = arith.constant 0 : index
      %parallel_loop3A_509 = tpu.vector_load %arg5[%parallel_loop3A_507, %parallel_loop3A_508] {strides = array<i32>} : memref<1000x16xi32, #tpu.memory_space<vmem>>, vector<16xi32>,
      %parallel_loop3A_510 = vector.bitcast %parallel_loop3A_509 : vector<16xi32> to vector<32xbf16>
      %parallel_loop3A_511 = vector.extract_strided_slice %parallel_loop3A_480 {offsets = [4], sizes = [1], strides = [1]} : vector<16xi32> to vector<1xi32>
      %parallel_loop3A_512 = vector.extract %parallel_loop3A_511[0] : i32 from vector<1xi32>
      %parallel_loop3A_513 = arith.index_cast %parallel_loop3A_512 : i32 to index
      %parallel_loop3A_514 = arith.constant 0 : index
      %parallel_loop3A_515 = tpu.vector_load %arg5[%parallel_loop3A_513, %parallel_loop3A_514] {strides = array<i32>} : memref<1000x16xi32, #tpu.memory_space<vmem>>, vector<16xi32>,
      %parallel_loop3A_516 = vector.bitcast %parallel_loop3A_515 : vector<16xi32> to vector<32xbf16>
      %parallel_loop3A_517 = vector.extract_strided_slice %parallel_loop3A_480 {offsets = [5], sizes = [1], strides = [1]} : vector<16xi32> to vector<1xi32>
      %parallel_loop3A_518 = vector.extract %parallel_loop3A_517[0] : i32 from vector<1xi32>
      %parallel_loop3A_519 = arith.index_cast %parallel_loop3A_518 : i32 to index
      %parallel_loop3A_520 = arith.constant 0 : index
      %parallel_loop3A_521 = tpu.vector_load %arg5[%parallel_loop3A_519, %parallel_loop3A_520] {strides = array<i32>} : memref<1000x16xi32, #tpu.memory_space<vmem>>, vector<16xi32>,
      %parallel_loop3A_522 = vector.bitcast %parallel_loop3A_521 : vector<16xi32> to vector<32xbf16>
      %parallel_loop3A_523 = vector.extract_strided_slice %parallel_loop3A_480 {offsets = [6], sizes = [1], strides = [1]} : vector<16xi32> to vector<1xi32>
      %parallel_loop3A_524 = vector.extract %parallel_loop3A_523[0] : i32 from vector<1xi32>
      %parallel_loop3A_525 = arith.index_cast %parallel_loop3A_524 : i32 to index
      %parallel_loop3A_526 = arith.constant 0 : index
      %parallel_loop3A_527 = tpu.vector_load %arg5[%parallel_loop3A_525, %parallel_loop3A_526] {strides = array<i32>} : memref<1000x16xi32, #tpu.memory_space<vmem>>, vector<16xi32>,
      %parallel_loop3A_528 = vector.bitcast %parallel_loop3A_527 : vector<16xi32> to vector<32xbf16>
      %parallel_loop3A_529 = vector.extract_strided_slice %parallel_loop3A_480 {offsets = [7], sizes = [1], strides = [1]} : vector<16xi32> to vector<1xi32>
      %parallel_loop3A_530 = vector.extract %parallel_loop3A_529[0] : i32 from vector<1xi32>
      %parallel_loop3A_531 = arith.index_cast %parallel_loop3A_530 : i32 to index
      %parallel_loop3A_532 = arith.constant 0 : index
      %parallel_loop3A_533 = tpu.vector_load %arg5[%parallel_loop3A_531, %parallel_loop3A_532] {strides = array<i32>} : memref<1000x16xi32, #tpu.memory_space<vmem>>, vector<16xi32>,
      %parallel_loop3A_534 = vector.bitcast %parallel_loop3A_533 : vector<16xi32> to vector<32xbf16>
      %parallel_loop3A_535 = vector.extract_strided_slice %parallel_loop3A_480 {offsets = [8], sizes = [1], strides = [1]} : vector<16xi32> to vector<1xi32>
      %parallel_loop3A_536 = vector.extract %parallel_loop3A_535[0] : i32 from vector<1xi32>
      %parallel_loop3A_537 = arith.index_cast %parallel_loop3A_536 : i32 to index
      %parallel_loop3A_538 = arith.constant 0 : index
      %parallel_loop3A_539 = tpu.vector_load %arg5[%parallel_loop3A_537, %parallel_loop3A_538] {strides = array<i32>} : memref<1000x16xi32, #tpu.memory_space<vmem>>, vector<16xi32>,
      %parallel_loop3A_540 = vector.bitcast %parallel_loop3A_539 : vector<16xi32> to vector<32xbf16>
      %parallel_loop3A_541 = vector.extract_strided_slice %parallel_loop3A_480 {offsets = [9], sizes = [1], strides = [1]} : vector<16xi32> to vector<1xi32>
      %parallel_loop3A_542 = vector.extract %parallel_loop3A_541[0] : i32 from vector<1xi32>
      %parallel_loop3A_543 = arith.index_cast %parallel_loop3A_542 : i32 to index
      %parallel_loop3A_544 = arith.constant 0 : index
      %parallel_loop3A_545 = tpu.vector_load %arg5[%parallel_loop3A_543, %parallel_loop3A_544] {strides = array<i32>} : memref<1000x16xi32, #tpu.memory_space<vmem>>, vector<16xi32>,
      %parallel_loop3A_546 = vector.bitcast %parallel_loop3A_545 : vector<16xi32> to vector<32xbf16>
      %parallel_loop3A_547 = vector.extract_strided_slice %parallel_loop3A_480 {offsets = [10], sizes = [1], strides = [1]} : vector<16xi32> to vector<1xi32>
      %parallel_loop3A_548 = vector.extract %parallel_loop3A_547[0] : i32 from vector<1xi32>
      %parallel_loop3A_549 = arith.index_cast %parallel_loop3A_548 : i32 to index
      %parallel_loop3A_550 = arith.constant 0 : index
      %parallel_loop3A_551 = tpu.vector_load %arg5[%parallel_loop3A_549, %parallel_loop3A_550] {strides = array<i32>} : memref<1000x16xi32, #tpu.memory_space<vmem>>, vector<16xi32>,
      %parallel_loop3A_552 = vector.bitcast %parallel_loop3A_551 : vector<16xi32> to vector<32xbf16>
      %parallel_loop3A_553 = vector.extract_strided_slice %parallel_loop3A_480 {offsets = [11], sizes = [1], strides = [1]} : vector<16xi32> to vector<1xi32>
      %parallel_loop3A_554 = vector.extract %parallel_loop3A_553[0] : i32 from vector<1xi32>
      %parallel_loop3A_555 = arith.index_cast %parallel_loop3A_554 : i32 to index
      %parallel_loop3A_556 = arith.constant 0 : index
      %parallel_loop3A_557 = tpu.vector_load %arg5[%parallel_loop3A_555, %parallel_loop3A_556] {strides = array<i32>} : memref<1000x16xi32, #tpu.memory_space<vmem>>, vector<16xi32>,
      %parallel_loop3A_558 = vector.bitcast %parallel_loop3A_557 : vector<16xi32> to vector<32xbf16>
      %parallel_loop3A_559 = vector.extract_strided_slice %parallel_loop3A_480 {offsets = [12], sizes = [1], strides = [1]} : vector<16xi32> to vector<1xi32>
      %parallel_loop3A_560 = vector.extract %parallel_loop3A_559[0] : i32 from vector<1xi32>
      %parallel_loop3A_561 = arith.index_cast %parallel_loop3A_560 : i32 to index
      %parallel_loop3A_562 = arith.constant 0 : index
      %parallel_loop3A_563 = tpu.vector_load %arg5[%parallel_loop3A_561, %parallel_loop3A_562] {strides = array<i32>} : memref<1000x16xi32, #tpu.memory_space<vmem>>, vector<16xi32>,
      %parallel_loop3A_564 = vector.bitcast %parallel_loop3A_563 : vector<16xi32> to vector<32xbf16>
      %parallel_loop3A_565 = vector.extract_strided_slice %parallel_loop3A_480 {offsets = [13], sizes = [1], strides = [1]} : vector<16xi32> to vector<1xi32>
      %parallel_loop3A_566 = vector.extract %parallel_loop3A_565[0] : i32 from vector<1xi32>
      %parallel_loop3A_567 = arith.index_cast %parallel_loop3A_566 : i32 to index
      %parallel_loop3A_568 = arith.constant 0 : index
      %parallel_loop3A_569 = tpu.vector_load %arg5[%parallel_loop3A_567, %parallel_loop3A_568] {strides = array<i32>} : memref<1000x16xi32, #tpu.memory_space<vmem>>, vector<16xi32>,
      %parallel_loop3A_570 = vector.bitcast %parallel_loop3A_569 : vector<16xi32> to vector<32xbf16>
      %parallel_loop3A_571 = vector.extract_strided_slice %parallel_loop3A_480 {offsets = [14], sizes = [1], strides = [1]} : vector<16xi32> to vector<1xi32>
      %parallel_loop3A_572 = vector.extract %parallel_loop3A_571[0] : i32 from vector<1xi32>
      %parallel_loop3A_573 = arith.index_cast %parallel_loop3A_572 : i32 to index
      %parallel_loop3A_574 = arith.constant 0 : index
      %parallel_loop3A_575 = tpu.vector_load %arg5[%parallel_loop3A_573, %parallel_loop3A_574] {strides = array<i32>} : memref<1000x16xi32, #tpu.memory_space<vmem>>, vector<16xi32>,
      %parallel_loop3A_576 = vector.bitcast %parallel_loop3A_575 : vector<16xi32> to vector<32xbf16>
      %parallel_loop3A_577 = vector.extract_strided_slice %parallel_loop3A_480 {offsets = [15], sizes = [1], strides = [1]} : vector<16xi32> to vector<1xi32>
      %parallel_loop3A_578 = vector.extract %parallel_loop3A_577[0] : i32 from vector<1xi32>
      %parallel_loop3A_579 = arith.index_cast %parallel_loop3A_578 : i32 to index
      %parallel_loop3A_580 = arith.constant 0 : index
      %parallel_loop3A_581 = tpu.vector_load %arg5[%parallel_loop3A_579, %parallel_loop3A_580] {strides = array<i32>} : memref<1000x16xi32, #tpu.memory_space<vmem>>, vector<16xi32>,
      %parallel_loop3A_582 = vector.bitcast %parallel_loop3A_581 : vector<16xi32> to vector<32xbf16>
      %parallel_loop3A_583 = vector.extract_strided_slice %parallel_loop3A_486 {offsets = [0], sizes = [1], strides = [1]} : vector<16xi32> to vector<1xi32>
      %parallel_loop3A_584 = vector.extract %parallel_loop3A_583[0] : i32 from vector<1xi32>
      %parallel_loop3A_585 = arith.index_cast %parallel_loop3A_584 : i32 to index
      %parallel_loop3A_586 = arith.constant 0 : index
      %parallel_loop3A_587 = tpu.vector_load %arg5[%parallel_loop3A_585, %parallel_loop3A_586] {strides = array<i32>} : memref<1000x16xi32, #tpu.memory_space<vmem>>, vector<16xi32>,
      %parallel_loop3A_588 = vector.bitcast %parallel_loop3A_587 : vector<16xi32> to vector<32xbf16>
      %parallel_loop3A_589 = vector.extract_strided_slice %parallel_loop3A_486 {offsets = [1], sizes = [1], strides = [1]} : vector<16xi32> to vector<1xi32>
      %parallel_loop3A_590 = vector.extract %parallel_loop3A_589[0] : i32 from vector<1xi32>
      %parallel_loop3A_591 = arith.index_cast %parallel_loop3A_590 : i32 to index
      %parallel_loop3A_592 = arith.constant 0 : index
      %parallel_loop3A_593 = tpu.vector_load %arg5[%parallel_loop3A_591, %parallel_loop3A_592] {strides = array<i32>} : memref<1000x16xi32, #tpu.memory_space<vmem>>, vector<16xi32>,
      %parallel_loop3A_594 = vector.bitcast %parallel_loop3A_593 : vector<16xi32> to vector<32xbf16>
      %parallel_loop3A_595 = vector.extract_strided_slice %parallel_loop3A_486 {offsets = [2], sizes = [1], strides = [1]} : vector<16xi32> to vector<1xi32>
      %parallel_loop3A_596 = vector.extract %parallel_loop3A_595[0] : i32 from vector<1xi32>
      %parallel_loop3A_597 = arith.index_cast %parallel_loop3A_596 : i32 to index
      %parallel_loop3A_598 = arith.constant 0 : index
      %parallel_loop3A_599 = tpu.vector_load %arg5[%parallel_loop3A_597, %parallel_loop3A_598] {strides = array<i32>} : memref<1000x16xi32, #tpu.memory_space<vmem>>, vector<16xi32>,
      %parallel_loop3A_600 = vector.bitcast %parallel_loop3A_599 : vector<16xi32> to vector<32xbf16>
      %parallel_loop3A_601 = vector.extract_strided_slice %parallel_loop3A_486 {offsets = [3], sizes = [1], strides = [1]} : vector<16xi32> to vector<1xi32>
      %parallel_loop3A_602 = vector.extract %parallel_loop3A_601[0] : i32 from vector<1xi32>
      %parallel_loop3A_603 = arith.index_cast %parallel_loop3A_602 : i32 to index
      %parallel_loop3A_604 = arith.constant 0 : index
      %parallel_loop3A_605 = tpu.vector_load %arg5[%parallel_loop3A_603, %parallel_loop3A_604] {strides = array<i32>} : memref<1000x16xi32, #tpu.memory_space<vmem>>, vector<16xi32>,
      %parallel_loop3A_606 = vector.bitcast %parallel_loop3A_605 : vector<16xi32> to vector<32xbf16>
      %parallel_loop3A_607 = arith.addf %parallel_loop3A_492, %parallel_loop3A_498 : vector<32xbf16>
      %parallel_loop3A_608 = arith.addf %parallel_loop3A_504, %parallel_loop3A_510 : vector<32xbf16>
      %parallel_loop3A_609 = arith.addf %parallel_loop3A_516, %parallel_loop3A_522 : vector<32xbf16>
      %parallel_loop3A_610 = arith.addf %parallel_loop3A_528, %parallel_loop3A_534 : vector<32xbf16>
      %parallel_loop3A_611 = arith.addf %parallel_loop3A_540, %parallel_loop3A_546 : vector<32xbf16>
      %parallel_loop3A_612 = arith.addf %parallel_loop3A_552, %parallel_loop3A_558 : vector<32xbf16>
      %parallel_loop3A_613 = arith.addf %parallel_loop3A_564, %parallel_loop3A_570 : vector<32xbf16>
      %parallel_loop3A_614 = arith.addf %parallel_loop3A_576, %parallel_loop3A_582 : vector<32xbf16>
      %parallel_loop3A_615 = arith.addf %parallel_loop3A_588, %parallel_loop3A_594 : vector<32xbf16>
      %parallel_loop3A_616 = arith.addf %parallel_loop3A_600, %parallel_loop3A_606 : vector<32xbf16>
      %parallel_loop3A_617 = arith.addf %parallel_loop3A_607, %parallel_loop3A_608 : vector<32xbf16>
      %parallel_loop3A_618 = arith.addf %parallel_loop3A_609, %parallel_loop3A_610 : vector<32xbf16>
      %parallel_loop3A_619 = arith.addf %parallel_loop3A_611, %parallel_loop3A_612 : vector<32xbf16>
      %parallel_loop3A_620 = arith.addf %parallel_loop3A_613, %parallel_loop3A_614 : vector<32xbf16>
      %parallel_loop3A_621 = arith.addf %parallel_loop3A_615, %parallel_loop3A_616 : vector<32xbf16>
      %parallel_loop3A_622 = arith.addf %parallel_loop3A_617, %parallel_loop3A_618 : vector<32xbf16>
      %parallel_loop3A_623 = arith.addf %parallel_loop3A_619, %parallel_loop3A_620 : vector<32xbf16>
      %parallel_loop3A_624 = arith.addf %parallel_loop3A_622, %parallel_loop3A_623 : vector<32xbf16>
      %parallel_loop3A_625 = arith.addf %parallel_loop3A_624, %parallel_loop3A_621 : vector<32xbf16>
      %parallel_loop3A_626 = tpu.unpack_subelements %parallel_loop3A_625, 0 {pack_format = #tpu.pack_format<interleaved>} : vector<32xbf16> -> vector<16xf32>
      %parallel_loop3A_627 = tpu.unpack_subelements %parallel_loop3A_625, 1 {pack_format = #tpu.pack_format<interleaved>} : vector<32xbf16> -> vector<16xf32>
      %parallel_loop3A_628 = arith.constant 32 : i32
      %parallel_loop3A_629 = arith.muli %parallel_loop3A_474, %parallel_loop3A_628 : i32
      %parallel_loop3A_630 = arith.constant 1 : i32
      %parallel_loop3A_631 = arith.index_cast %parallel_loop3A_630 : i32 to index
      %parallel_loop3A_632 = arith.index_cast %parallel_loop3A_629 : i32 to index
      %parallel_loop3A_633 = tpu.vector_load %arg7[%parallel_loop3A_631, %parallel_loop3A_632] {strides = array<i32>} : memref<2x20480xf32, #tpu.memory_space<vmem>>, vector<16xf32>,
      tpu.vector_store %arg7[%parallel_loop3A_631, %parallel_loop3A_632], %parallel_loop3A_626 {strides = array<i32>} : memref<2x20480xf32, #tpu.memory_space<vmem>>, vector<16xf32>,
      %parallel_loop3A_634 = arith.constant 32 : i32
      %parallel_loop3A_635 = arith.muli %parallel_loop3A_474, %parallel_loop3A_634 : i32
      %parallel_loop3A_636 = arith.constant 16 : i32
      %parallel_loop3A_637 = arith.addi %parallel_loop3A_635, %parallel_loop3A_636 : i32
      %parallel_loop3A_638 = arith.constant 1 : i32
      %parallel_loop3A_639 = arith.index_cast %parallel_loop3A_638 : i32 to index
      %parallel_loop3A_640 = arith.index_cast %parallel_loop3A_637 : i32 to index
      %parallel_loop3A_641 = tpu.vector_load %arg7[%parallel_loop3A_639, %parallel_loop3A_640] {strides = array<i32>} : memref<2x20480xf32, #tpu.memory_space<vmem>>, vector<16xf32>,
      tpu.vector_store %arg7[%parallel_loop3A_639, %parallel_loop3A_640], %parallel_loop3A_627 {strides = array<i32>} : memref<2x20480xf32, #tpu.memory_space<vmem>>, vector<16xf32>,
    } {sc.loop_unroll_factor = 2 : i64, sc.parallel_access}
    %add3A_174 = arith.constant 1920 : i32
    %add3A_175 = arith.addi %mul3A_2, %add3A_174 : i32
    %mul3A_176 = arith.constant 32 : i32
    %mul3A_177 = arith.muli %add3A_175, %mul3A_176 : i32
    %dma_start3A_178 = arith.constant 1 : i32
    %dma_start3A_179 = arith.constant 0 : i32
    %dma_start3A_180 = tpu.memref_slice %arg7[%dma_start3A_178, %dma_start3A_179] : memref<2x20480xf32, #tpu.memory_space<vmem>> -> memref<1x20480xf32, #tpu.memory_space<vmem>>
    %dma_start3A_181 = tpu.memref_squeeze %dma_start3A_180 : memref<1x20480xf32, #tpu.memory_space<vmem>> -> memref<20480xf32, #tpu.memory_space<vmem>>
    %dma_start3A_182 = tpu.memref_slice %arg4[%mul3A_177] : memref<6553600xf32, #tpu.memory_space<hbm>> -> memref<20480xf32, #tpu.memory_space<hbm>>
    %dma_start3A_183 = tpu.memref_slice %arg4[%mul3A_177] : memref<6553600xf32, #tpu.memory_space<hbm>> -> memref<20480xf32, #tpu.memory_space<hbm>>
    %dma_start3A_184 = arith.constant 0 : i32
    %dma_start3A_185 = tpu.memref_slice %arg7[%dma_start3A_178, %dma_start3A_184] : memref<2x20480xf32, #tpu.memory_space<vmem>> -> memref<1x20480xf32, #tpu.memory_space<vmem>>
    %dma_start3A_186 = tpu.memref_squeeze %dma_start3A_185 : memref<1x20480xf32, #tpu.memory_space<vmem>> -> memref<20480xf32, #tpu.memory_space<vmem>>
    tpu.enqueue_dma source(%dma_start3A_186 : memref<20480xf32, #tpu.memory_space<vmem>>) target(%dma_start3A_183 : memref<20480xf32, #tpu.memory_space<hbm>>) target_semaphore(%arg11 : memref<!tpu.dma_semaphore, #tpu.memory_space<semaphore_mem>>)
    %add3A_187 = arith.constant 3200 : i32
    %add3A_188 = arith.addi %mul3A_2, %add3A_187 : i32
    %mul3A_189 = arith.constant 20 : i32
    %mul3A_190 = arith.muli %add3A_188, %mul3A_189 : i32
    %dma_start3A_191 = arith.constant 1 : i32
    %dma_start3A_192 = arith.constant 0 : i32
    %dma_start3A_193 = tpu.memref_slice %arg6[%dma_start3A_191, %dma_start3A_192] : memref<2x12816xi32, #tpu.memory_space<vmem>> -> memref<1x12800xi32, #tpu.memory_space<vmem>>
    %dma_start3A_194 = tpu.memref_squeeze %dma_start3A_193 : memref<1x12800xi32, #tpu.memory_space<vmem>> -> memref<12800xi32, #tpu.memory_space<vmem>>
    %dma_start3A_195 = tpu.memref_slice %arg2[%mul3A_190] : memref<4096000xi32, #tpu.memory_space<hbm>> -> memref<12800xi32, #tpu.memory_space<hbm>>
    %dma_start3A_196 = arith.constant 0 : i32
    %dma_start3A_197 = tpu.memref_slice %arg6[%dma_start3A_191, %dma_start3A_196] : memref<2x12816xi32, #tpu.memory_space<vmem>> -> memref<1x12800xi32, #tpu.memory_space<vmem>>
    %dma_start3A_198 = tpu.memref_squeeze %dma_start3A_197 : memref<1x12800xi32, #tpu.memory_space<vmem>> -> memref<12800xi32, #tpu.memory_space<vmem>>
    %dma_start3A_199 = tpu.memref_slice %arg2[%mul3A_190] : memref<4096000xi32, #tpu.memory_space<hbm>> -> memref<12800xi32, #tpu.memory_space<hbm>>
    tpu.enqueue_dma source(%dma_start3A_199 : memref<12800xi32, #tpu.memory_space<hbm>>) target(%dma_start3A_198 : memref<12800xi32, #tpu.memory_space<vmem>>) target_semaphore(%arg9 : memref<!tpu.dma_semaphore, #tpu.memory_space<semaphore_mem>>)
    %dma_wait3A_200 = arith.constant 0 : i32
    %dma_wait3A_201 = arith.constant 0 : i32
    %dma_wait3A_202 = tpu.memref_slice %arg6[%dma_wait3A_200, %dma_wait3A_201] : memref<2x12816xi32, #tpu.memory_space<vmem>> -> memref<1x12800xi32, #tpu.memory_space<vmem>>
    %dma_wait3A_203 = tpu.memref_squeeze %dma_wait3A_202 : memref<1x12800xi32, #tpu.memory_space<vmem>> -> memref<12800xi32, #tpu.memory_space<vmem>>
    %dma_wait3A_204 = tpu.memref_slice %arg2[%mul3A_143] : memref<4096000xi32, #tpu.memory_space<hbm>> -> memref<12800xi32, #tpu.memory_space<hbm>>
    %dma_wait3A_205 = arith.constant 0 : i32
    %dma_wait3A_206 = tpu.memref_slice %arg6[%dma_wait3A_200, %dma_wait3A_205] : memref<2x12816xi32, #tpu.memory_space<vmem>> -> memref<1x12800xi32, #tpu.memory_space<vmem>>
    %dma_wait3A_207 = tpu.memref_squeeze %dma_wait3A_206 : memref<1x12800xi32, #tpu.memory_space<vmem>> -> memref<12800xi32, #tpu.memory_space<vmem>>
    %dma_wait3A_208 = tpu.memref_slice %arg2[%mul3A_143] : memref<4096000xi32, #tpu.memory_space<hbm>> -> memref<12800xi32, #tpu.memory_space<hbm>>
    tpu.wait_dma2 semaphore(%arg8 : memref<!tpu.dma_semaphore, #tpu.memory_space<semaphore_mem>>) src(%dma_wait3A_208 : memref<12800xi32, #tpu.memory_space<hbm>>) dst(%dma_wait3A_207 : memref<12800xi32, #tpu.memory_space<vmem>>)
    %dma_wait3A_209 = arith.constant 0 : i32
    %dma_wait3A_210 = arith.constant 0 : i32
    %dma_wait3A_211 = tpu.memref_slice %arg7[%dma_wait3A_209, %dma_wait3A_210] : memref<2x20480xf32, #tpu.memory_space<vmem>> -> memref<1x20480xf32, #tpu.memory_space<vmem>>
    %dma_wait3A_212 = tpu.memref_squeeze %dma_wait3A_211 : memref<1x20480xf32, #tpu.memory_space<vmem>> -> memref<20480xf32, #tpu.memory_space<vmem>>
    %dma_wait3A_213 = tpu.memref_slice %arg4[%mul3A_130] : memref<6553600xf32, #tpu.memory_space<hbm>> -> memref<20480xf32, #tpu.memory_space<hbm>>
    %dma_wait3A_214 = tpu.memref_slice %arg4[%mul3A_130] : memref<6553600xf32, #tpu.memory_space<hbm>> -> memref<20480xf32, #tpu.memory_space<hbm>>
    %dma_wait3A_215 = arith.constant 0 : i32
    %dma_wait3A_216 = tpu.memref_slice %arg7[%dma_wait3A_209, %dma_wait3A_215] : memref<2x20480xf32, #tpu.memory_space<vmem>> -> memref<1x20480xf32, #tpu.memory_space<vmem>>
    %dma_wait3A_217 = tpu.memref_squeeze %dma_wait3A_216 : memref<1x20480xf32, #tpu.memory_space<vmem>> -> memref<20480xf32, #tpu.memory_space<vmem>>
    tpu.wait_dma2 semaphore(%arg10 : memref<!tpu.dma_semaphore, #tpu.memory_space<semaphore_mem>>) src(%dma_wait3A_217 : memref<20480xf32, #tpu.memory_space<vmem>>) dst(%dma_wait3A_214 : memref<20480xf32, #tpu.memory_space<hbm>>)
    %parallel_loop3A_218 = arith.constant 0 : i32
    %parallel_loop3A_219 = arith.constant 640 : i32
    %parallel_loop3A_220 = arith.constant 1 : i32
    scf.for %parallel_loop3A_474 = %parallel_loop3A_218 to %parallel_loop3A_219 step %parallel_loop3A_220  : i32 {
      %parallel_loop3A_475 = arith.constant 20 : i32
      %parallel_loop3A_476 = arith.muli %parallel_loop3A_474, %parallel_loop3A_475 : i32
      %parallel_loop3A_477 = arith.constant 0 : i32
      %parallel_loop3A_478 = arith.index_cast %parallel_loop3A_477 : i32 to index
      %parallel_loop3A_479 = arith.index_cast %parallel_loop3A_476 : i32 to index
      %parallel_loop3A_480 = tpu.vector_load %arg6[%parallel_loop3A_478, %parallel_loop3A_479] {strides = array<i32>} : memref<2x12816xi32, #tpu.memory_space<vmem>>, vector<16xi32>,
      %parallel_loop3A_481 = arith.constant 16 : i32
      %parallel_loop3A_482 = arith.addi %parallel_loop3A_476, %parallel_loop3A_481 : i32
      %parallel_loop3A_483 = arith.constant 0 : i32
      %parallel_loop3A_484 = arith.index_cast %parallel_loop3A_483 : i32 to index
      %parallel_loop3A_485 = arith.index_cast %parallel_loop3A_482 : i32 to index
      %parallel_loop3A_486 = tpu.vector_load %arg6[%parallel_loop3A_484, %parallel_loop3A_485] {strides = array<i32>} : memref<2x12816xi32, #tpu.memory_space<vmem>>, vector<16xi32>,
      %parallel_loop3A_487 = vector.extract_strided_slice %parallel_loop3A_480 {offsets = [0], sizes = [1], strides = [1]} : vector<16xi32> to vector<1xi32>
      %parallel_loop3A_488 = vector.extract %parallel_loop3A_487[0] : i32 from vector<1xi32>
      %parallel_loop3A_489 = arith.index_cast %parallel_loop3A_488 : i32 to index
      %parallel_loop3A_490 = arith.constant 0 : index
      %parallel_loop3A_491 = tpu.vector_load %arg5[%parallel_loop3A_489, %parallel_loop3A_490] {strides = array<i32>} : memref<1000x16xi32, #tpu.memory_space<vmem>>, vector<16xi32>,
      %parallel_loop3A_492 = vector.bitcast %parallel_loop3A_491 : vector<16xi32> to vector<32xbf16>
      %parallel_loop3A_493 = vector.extract_strided_slice %parallel_loop3A_480 {offsets = [1], sizes = [1], strides = [1]} : vector<16xi32> to vector<1xi32>
      %parallel_loop3A_494 = vector.extract %parallel_loop3A_493[0] : i32 from vector<1xi32>
      %parallel_loop3A_495 = arith.index_cast %parallel_loop3A_494 : i32 to index
      %parallel_loop3A_496 = arith.constant 0 : index
      %parallel_loop3A_497 = tpu.vector_load %arg5[%parallel_loop3A_495, %parallel_loop3A_496] {strides = array<i32>} : memref<1000x16xi32, #tpu.memory_space<vmem>>, vector<16xi32>,
      %parallel_loop3A_498 = vector.bitcast %parallel_loop3A_497 : vector<16xi32> to vector<32xbf16>
      %parallel_loop3A_499 = vector.extract_strided_slice %parallel_loop3A_480 {offsets = [2], sizes = [1], strides = [1]} : vector<16xi32> to vector<1xi32>
      %parallel_loop3A_500 = vector.extract %parallel_loop3A_499[0] : i32 from vector<1xi32>
      %parallel_loop3A_501 = arith.index_cast %parallel_loop3A_500 : i32 to index
      %parallel_loop3A_502 = arith.constant 0 : index
      %parallel_loop3A_503 = tpu.vector_load %arg5[%parallel_loop3A_501, %parallel_loop3A_502] {strides = array<i32>} : memref<1000x16xi32, #tpu.memory_space<vmem>>, vector<16xi32>,
      %parallel_loop3A_504 = vector.bitcast %parallel_loop3A_503 : vector<16xi32> to vector<32xbf16>
      %parallel_loop3A_505 = vector.extract_strided_slice %parallel_loop3A_480 {offsets = [3], sizes = [1], strides = [1]} : vector<16xi32> to vector<1xi32>
      %parallel_loop3A_506 = vector.extract %parallel_loop3A_505[0] : i32 from vector<1xi32>
      %parallel_loop3A_507 = arith.index_cast %parallel_loop3A_506 : i32 to index
      %parallel_loop3A_508 = arith.constant 0 : index
      %parallel_loop3A_509 = tpu.vector_load %arg5[%parallel_loop3A_507, %parallel_loop3A_508] {strides = array<i32>} : memref<1000x16xi32, #tpu.memory_space<vmem>>, vector<16xi32>,
      %parallel_loop3A_510 = vector.bitcast %parallel_loop3A_509 : vector<16xi32> to vector<32xbf16>
      %parallel_loop3A_511 = vector.extract_strided_slice %parallel_loop3A_480 {offsets = [4], sizes = [1], strides = [1]} : vector<16xi32> to vector<1xi32>
      %parallel_loop3A_512 = vector.extract %parallel_loop3A_511[0] : i32 from vector<1xi32>
      %parallel_loop3A_513 = arith.index_cast %parallel_loop3A_512 : i32 to index
      %parallel_loop3A_514 = arith.constant 0 : index
      %parallel_loop3A_515 = tpu.vector_load %arg5[%parallel_loop3A_513, %parallel_loop3A_514] {strides = array<i32>} : memref<1000x16xi32, #tpu.memory_space<vmem>>, vector<16xi32>,
      %parallel_loop3A_516 = vector.bitcast %parallel_loop3A_515 : vector<16xi32> to vector<32xbf16>
      %parallel_loop3A_517 = vector.extract_strided_slice %parallel_loop3A_480 {offsets = [5], sizes = [1], strides = [1]} : vector<16xi32> to vector<1xi32>
      %parallel_loop3A_518 = vector.extract %parallel_loop3A_517[0] : i32 from vector<1xi32>
      %parallel_loop3A_519 = arith.index_cast %parallel_loop3A_518 : i32 to index
      %parallel_loop3A_520 = arith.constant 0 : index
      %parallel_loop3A_521 = tpu.vector_load %arg5[%parallel_loop3A_519, %parallel_loop3A_520] {strides = array<i32>} : memref<1000x16xi32, #tpu.memory_space<vmem>>, vector<16xi32>,
      %parallel_loop3A_522 = vector.bitcast %parallel_loop3A_521 : vector<16xi32> to vector<32xbf16>
      %parallel_loop3A_523 = vector.extract_strided_slice %parallel_loop3A_480 {offsets = [6], sizes = [1], strides = [1]} : vector<16xi32> to vector<1xi32>
      %parallel_loop3A_524 = vector.extract %parallel_loop3A_523[0] : i32 from vector<1xi32>
      %parallel_loop3A_525 = arith.index_cast %parallel_loop3A_524 : i32 to index
      %parallel_loop3A_526 = arith.constant 0 : index
      %parallel_loop3A_527 = tpu.vector_load %arg5[%parallel_loop3A_525, %parallel_loop3A_526] {strides = array<i32>} : memref<1000x16xi32, #tpu.memory_space<vmem>>, vector<16xi32>,
      %parallel_loop3A_528 = vector.bitcast %parallel_loop3A_527 : vector<16xi32> to vector<32xbf16>
      %parallel_loop3A_529 = vector.extract_strided_slice %parallel_loop3A_480 {offsets = [7], sizes = [1], strides = [1]} : vector<16xi32> to vector<1xi32>
      %parallel_loop3A_530 = vector.extract %parallel_loop3A_529[0] : i32 from vector<1xi32>
      %parallel_loop3A_531 = arith.index_cast %parallel_loop3A_530 : i32 to index
      %parallel_loop3A_532 = arith.constant 0 : index
      %parallel_loop3A_533 = tpu.vector_load %arg5[%parallel_loop3A_531, %parallel_loop3A_532] {strides = array<i32>} : memref<1000x16xi32, #tpu.memory_space<vmem>>, vector<16xi32>,
      %parallel_loop3A_534 = vector.bitcast %parallel_loop3A_533 : vector<16xi32> to vector<32xbf16>
      %parallel_loop3A_535 = vector.extract_strided_slice %parallel_loop3A_480 {offsets = [8], sizes = [1], strides = [1]} : vector<16xi32> to vector<1xi32>
      %parallel_loop3A_536 = vector.extract %parallel_loop3A_535[0] : i32 from vector<1xi32>
      %parallel_loop3A_537 = arith.index_cast %parallel_loop3A_536 : i32 to index
      %parallel_loop3A_538 = arith.constant 0 : index
      %parallel_loop3A_539 = tpu.vector_load %arg5[%parallel_loop3A_537, %parallel_loop3A_538] {strides = array<i32>} : memref<1000x16xi32, #tpu.memory_space<vmem>>, vector<16xi32>,
      %parallel_loop3A_540 = vector.bitcast %parallel_loop3A_539 : vector<16xi32> to vector<32xbf16>
      %parallel_loop3A_541 = vector.extract_strided_slice %parallel_loop3A_480 {offsets = [9], sizes = [1], strides = [1]} : vector<16xi32> to vector<1xi32>
      %parallel_loop3A_542 = vector.extract %parallel_loop3A_541[0] : i32 from vector<1xi32>
      %parallel_loop3A_543 = arith.index_cast %parallel_loop3A_542 : i32 to index
      %parallel_loop3A_544 = arith.constant 0 : index
      %parallel_loop3A_545 = tpu.vector_load %arg5[%parallel_loop3A_543, %parallel_loop3A_544] {strides = array<i32>} : memref<1000x16xi32, #tpu.memory_space<vmem>>, vector<16xi32>,
      %parallel_loop3A_546 = vector.bitcast %parallel_loop3A_545 : vector<16xi32> to vector<32xbf16>
      %parallel_loop3A_547 = vector.extract_strided_slice %parallel_loop3A_480 {offsets = [10], sizes = [1], strides = [1]} : vector<16xi32> to vector<1xi32>
      %parallel_loop3A_548 = vector.extract %parallel_loop3A_547[0] : i32 from vector<1xi32>
      %parallel_loop3A_549 = arith.index_cast %parallel_loop3A_548 : i32 to index
      %parallel_loop3A_550 = arith.constant 0 : index
      %parallel_loop3A_551 = tpu.vector_load %arg5[%parallel_loop3A_549, %parallel_loop3A_550] {strides = array<i32>} : memref<1000x16xi32, #tpu.memory_space<vmem>>, vector<16xi32>,
      %parallel_loop3A_552 = vector.bitcast %parallel_loop3A_551 : vector<16xi32> to vector<32xbf16>
      %parallel_loop3A_553 = vector.extract_strided_slice %parallel_loop3A_480 {offsets = [11], sizes = [1], strides = [1]} : vector<16xi32> to vector<1xi32>
      %parallel_loop3A_554 = vector.extract %parallel_loop3A_553[0] : i32 from vector<1xi32>
      %parallel_loop3A_555 = arith.index_cast %parallel_loop3A_554 : i32 to index
      %parallel_loop3A_556 = arith.constant 0 : index
      %parallel_loop3A_557 = tpu.vector_load %arg5[%parallel_loop3A_555, %parallel_loop3A_556] {strides = array<i32>} : memref<1000x16xi32, #tpu.memory_space<vmem>>, vector<16xi32>,
      %parallel_loop3A_558 = vector.bitcast %parallel_loop3A_557 : vector<16xi32> to vector<32xbf16>
      %parallel_loop3A_559 = vector.extract_strided_slice %parallel_loop3A_480 {offsets = [12], sizes = [1], strides = [1]} : vector<16xi32> to vector<1xi32>
      %parallel_loop3A_560 = vector.extract %parallel_loop3A_559[0] : i32 from vector<1xi32>
      %parallel_loop3A_561 = arith.index_cast %parallel_loop3A_560 : i32 to index
      %parallel_loop3A_562 = arith.constant 0 : index
      %parallel_loop3A_563 = tpu.vector_load %arg5[%parallel_loop3A_561, %parallel_loop3A_562] {strides = array<i32>} : memref<1000x16xi32, #tpu.memory_space<vmem>>, vector<16xi32>,
      %parallel_loop3A_564 = vector.bitcast %parallel_loop3A_563 : vector<16xi32> to vector<32xbf16>
      %parallel_loop3A_565 = vector.extract_strided_slice %parallel_loop3A_480 {offsets = [13], sizes = [1], strides = [1]} : vector<16xi32> to vector<1xi32>
      %parallel_loop3A_566 = vector.extract %parallel_loop3A_565[0] : i32 from vector<1xi32>
      %parallel_loop3A_567 = arith.index_cast %parallel_loop3A_566 : i32 to index
      %parallel_loop3A_568 = arith.constant 0 : index
      %parallel_loop3A_569 = tpu.vector_load %arg5[%parallel_loop3A_567, %parallel_loop3A_568] {strides = array<i32>} : memref<1000x16xi32, #tpu.memory_space<vmem>>, vector<16xi32>,
      %parallel_loop3A_570 = vector.bitcast %parallel_loop3A_569 : vector<16xi32> to vector<32xbf16>
      %parallel_loop3A_571 = vector.extract_strided_slice %parallel_loop3A_480 {offsets = [14], sizes = [1], strides = [1]} : vector<16xi32> to vector<1xi32>
      %parallel_loop3A_572 = vector.extract %parallel_loop3A_571[0] : i32 from vector<1xi32>
      %parallel_loop3A_573 = arith.index_cast %parallel_loop3A_572 : i32 to index
      %parallel_loop3A_574 = arith.constant 0 : index
      %parallel_loop3A_575 = tpu.vector_load %arg5[%parallel_loop3A_573, %parallel_loop3A_574] {strides = array<i32>} : memref<1000x16xi32, #tpu.memory_space<vmem>>, vector<16xi32>,
      %parallel_loop3A_576 = vector.bitcast %parallel_loop3A_575 : vector<16xi32> to vector<32xbf16>
      %parallel_loop3A_577 = vector.extract_strided_slice %parallel_loop3A_480 {offsets = [15], sizes = [1], strides = [1]} : vector<16xi32> to vector<1xi32>
      %parallel_loop3A_578 = vector.extract %parallel_loop3A_577[0] : i32 from vector<1xi32>
      %parallel_loop3A_579 = arith.index_cast %parallel_loop3A_578 : i32 to index
      %parallel_loop3A_580 = arith.constant 0 : index
      %parallel_loop3A_581 = tpu.vector_load %arg5[%parallel_loop3A_579, %parallel_loop3A_580] {strides = array<i32>} : memref<1000x16xi32, #tpu.memory_space<vmem>>, vector<16xi32>,
      %parallel_loop3A_582 = vector.bitcast %parallel_loop3A_581 : vector<16xi32> to vector<32xbf16>
      %parallel_loop3A_583 = vector.extract_strided_slice %parallel_loop3A_486 {offsets = [0], sizes = [1], strides = [1]} : vector<16xi32> to vector<1xi32>
      %parallel_loop3A_584 = vector.extract %parallel_loop3A_583[0] : i32 from vector<1xi32>
      %parallel_loop3A_585 = arith.index_cast %parallel_loop3A_584 : i32 to index
      %parallel_loop3A_586 = arith.constant 0 : index
      %parallel_loop3A_587 = tpu.vector_load %arg5[%parallel_loop3A_585, %parallel_loop3A_586] {strides = array<i32>} : memref<1000x16xi32, #tpu.memory_space<vmem>>, vector<16xi32>,
      %parallel_loop3A_588 = vector.bitcast %parallel_loop3A_587 : vector<16xi32> to vector<32xbf16>
      %parallel_loop3A_589 = vector.extract_strided_slice %parallel_loop3A_486 {offsets = [1], sizes = [1], strides = [1]} : vector<16xi32> to vector<1xi32>
      %parallel_loop3A_590 = vector.extract %parallel_loop3A_589[0] : i32 from vector<1xi32>
      %parallel_loop3A_591 = arith.index_cast %parallel_loop3A_590 : i32 to index
      %parallel_loop3A_592 = arith.constant 0 : index
      %parallel_loop3A_593 = tpu.vector_load %arg5[%parallel_loop3A_591, %parallel_loop3A_592] {strides = array<i32>} : memref<1000x16xi32, #tpu.memory_space<vmem>>, vector<16xi32>,
      %parallel_loop3A_594 = vector.bitcast %parallel_loop3A_593 : vector<16xi32> to vector<32xbf16>
      %parallel_loop3A_595 = vector.extract_strided_slice %parallel_loop3A_486 {offsets = [2], sizes = [1], strides = [1]} : vector<16xi32> to vector<1xi32>
      %parallel_loop3A_596 = vector.extract %parallel_loop3A_595[0] : i32 from vector<1xi32>
      %parallel_loop3A_597 = arith.index_cast %parallel_loop3A_596 : i32 to index
      %parallel_loop3A_598 = arith.constant 0 : index
      %parallel_loop3A_599 = tpu.vector_load %arg5[%parallel_loop3A_597, %parallel_loop3A_598] {strides = array<i32>} : memref<1000x16xi32, #tpu.memory_space<vmem>>, vector<16xi32>,
      %parallel_loop3A_600 = vector.bitcast %parallel_loop3A_599 : vector<16xi32> to vector<32xbf16>
      %parallel_loop3A_601 = vector.extract_strided_slice %parallel_loop3A_486 {offsets = [3], sizes = [1], strides = [1]} : vector<16xi32> to vector<1xi32>
      %parallel_loop3A_602 = vector.extract %parallel_loop3A_601[0] : i32 from vector<1xi32>
      %parallel_loop3A_603 = arith.index_cast %parallel_loop3A_602 : i32 to index
      %parallel_loop3A_604 = arith.constant 0 : index
      %parallel_loop3A_605 = tpu.vector_load %arg5[%parallel_loop3A_603, %parallel_loop3A_604] {strides = array<i32>} : memref<1000x16xi32, #tpu.memory_space<vmem>>, vector<16xi32>,
      %parallel_loop3A_606 = vector.bitcast %parallel_loop3A_605 : vector<16xi32> to vector<32xbf16>
      %parallel_loop3A_607 = arith.addf %parallel_loop3A_492, %parallel_loop3A_498 : vector<32xbf16>
      %parallel_loop3A_608 = arith.addf %parallel_loop3A_504, %parallel_loop3A_510 : vector<32xbf16>
      %parallel_loop3A_609 = arith.addf %parallel_loop3A_516, %parallel_loop3A_522 : vector<32xbf16>
      %parallel_loop3A_610 = arith.addf %parallel_loop3A_528, %parallel_loop3A_534 : vector<32xbf16>
      %parallel_loop3A_611 = arith.addf %parallel_loop3A_540, %parallel_loop3A_546 : vector<32xbf16>
      %parallel_loop3A_612 = arith.addf %parallel_loop3A_552, %parallel_loop3A_558 : vector<32xbf16>
      %parallel_loop3A_613 = arith.addf %parallel_loop3A_564, %parallel_loop3A_570 : vector<32xbf16>
      %parallel_loop3A_614 = arith.addf %parallel_loop3A_576, %parallel_loop3A_582 : vector<32xbf16>
      %parallel_loop3A_615 = arith.addf %parallel_loop3A_588, %parallel_loop3A_594 : vector<32xbf16>
      %parallel_loop3A_616 = arith.addf %parallel_loop3A_600, %parallel_loop3A_606 : vector<32xbf16>
      %parallel_loop3A_617 = arith.addf %parallel_loop3A_607, %parallel_loop3A_608 : vector<32xbf16>
      %parallel_loop3A_618 = arith.addf %parallel_loop3A_609, %parallel_loop3A_610 : vector<32xbf16>
      %parallel_loop3A_619 = arith.addf %parallel_loop3A_611, %parallel_loop3A_612 : vector<32xbf16>
      %parallel_loop3A_620 = arith.addf %parallel_loop3A_613, %parallel_loop3A_614 : vector<32xbf16>
      %parallel_loop3A_621 = arith.addf %parallel_loop3A_615, %parallel_loop3A_616 : vector<32xbf16>
      %parallel_loop3A_622 = arith.addf %parallel_loop3A_617, %parallel_loop3A_618 : vector<32xbf16>
      %parallel_loop3A_623 = arith.addf %parallel_loop3A_619, %parallel_loop3A_620 : vector<32xbf16>
      %parallel_loop3A_624 = arith.addf %parallel_loop3A_622, %parallel_loop3A_623 : vector<32xbf16>
      %parallel_loop3A_625 = arith.addf %parallel_loop3A_624, %parallel_loop3A_621 : vector<32xbf16>
      %parallel_loop3A_626 = tpu.unpack_subelements %parallel_loop3A_625, 0 {pack_format = #tpu.pack_format<interleaved>} : vector<32xbf16> -> vector<16xf32>
      %parallel_loop3A_627 = tpu.unpack_subelements %parallel_loop3A_625, 1 {pack_format = #tpu.pack_format<interleaved>} : vector<32xbf16> -> vector<16xf32>
      %parallel_loop3A_628 = arith.constant 32 : i32
      %parallel_loop3A_629 = arith.muli %parallel_loop3A_474, %parallel_loop3A_628 : i32
      %parallel_loop3A_630 = arith.constant 0 : i32
      %parallel_loop3A_631 = arith.index_cast %parallel_loop3A_630 : i32 to index
      %parallel_loop3A_632 = arith.index_cast %parallel_loop3A_629 : i32 to index
      %parallel_loop3A_633 = tpu.vector_load %arg7[%parallel_loop3A_631, %parallel_loop3A_632] {strides = array<i32>} : memref<2x20480xf32, #tpu.memory_space<vmem>>, vector<16xf32>,
      tpu.vector_store %arg7[%parallel_loop3A_631, %parallel_loop3A_632], %parallel_loop3A_626 {strides = array<i32>} : memref<2x20480xf32, #tpu.memory_space<vmem>>, vector<16xf32>,
      %parallel_loop3A_634 = arith.constant 32 : i32
      %parallel_loop3A_635 = arith.muli %parallel_loop3A_474, %parallel_loop3A_634 : i32
      %parallel_loop3A_636 = arith.constant 16 : i32
      %parallel_loop3A_637 = arith.addi %parallel_loop3A_635, %parallel_loop3A_636 : i32
      %parallel_loop3A_638 = arith.constant 0 : i32
      %parallel_loop3A_639 = arith.index_cast %parallel_loop3A_638 : i32 to index
      %parallel_loop3A_640 = arith.index_cast %parallel_loop3A_637 : i32 to index
      %parallel_loop3A_641 = tpu.vector_load %arg7[%parallel_loop3A_639, %parallel_loop3A_640] {strides = array<i32>} : memref<2x20480xf32, #tpu.memory_space<vmem>>, vector<16xf32>,
      tpu.vector_store %arg7[%parallel_loop3A_639, %parallel_loop3A_640], %parallel_loop3A_627 {strides = array<i32>} : memref<2x20480xf32, #tpu.memory_space<vmem>>, vector<16xf32>,
    } {sc.loop_unroll_factor = 2 : i64, sc.parallel_access}
    %add3A_221 = arith.constant 2560 : i32
    %add3A_222 = arith.addi %mul3A_2, %add3A_221 : i32
    %mul3A_223 = arith.constant 32 : i32
    %mul3A_224 = arith.muli %add3A_222, %mul3A_223 : i32
    %dma_start3A_225 = arith.constant 0 : i32
    %dma_start3A_226 = arith.constant 0 : i32
    %dma_start3A_227 = tpu.memref_slice %arg7[%dma_start3A_225, %dma_start3A_226] : memref<2x20480xf32, #tpu.memory_space<vmem>> -> memref<1x20480xf32, #tpu.memory_space<vmem>>
    %dma_start3A_228 = tpu.memref_squeeze %dma_start3A_227 : memref<1x20480xf32, #tpu.memory_space<vmem>> -> memref<20480xf32, #tpu.memory_space<vmem>>
    %dma_start3A_229 = tpu.memref_slice %arg4[%mul3A_224] : memref<6553600xf32, #tpu.memory_space<hbm>> -> memref<20480xf32, #tpu.memory_space<hbm>>
    %dma_start3A_230 = tpu.memref_slice %arg4[%mul3A_224] : memref<6553600xf32, #tpu.memory_space<hbm>> -> memref<20480xf32, #tpu.memory_space<hbm>>
    %dma_start3A_231 = arith.constant 0 : i32
    %dma_start3A_232 = tpu.memref_slice %arg7[%dma_start3A_225, %dma_start3A_231] : memref<2x20480xf32, #tpu.memory_space<vmem>> -> memref<1x20480xf32, #tpu.memory_space<vmem>>
    %dma_start3A_233 = tpu.memref_squeeze %dma_start3A_232 : memref<1x20480xf32, #tpu.memory_space<vmem>> -> memref<20480xf32, #tpu.memory_space<vmem>>
    tpu.enqueue_dma source(%dma_start3A_233 : memref<20480xf32, #tpu.memory_space<vmem>>) target(%dma_start3A_230 : memref<20480xf32, #tpu.memory_space<hbm>>) target_semaphore(%arg10 : memref<!tpu.dma_semaphore, #tpu.memory_space<semaphore_mem>>)
    %add3A_234 = arith.constant 3840 : i32
    %add3A_235 = arith.addi %mul3A_2, %add3A_234 : i32
    %mul3A_236 = arith.constant 20 : i32
    %mul3A_237 = arith.muli %add3A_235, %mul3A_236 : i32
    %dma_start3A_238 = arith.constant 0 : i32
    %dma_start3A_239 = arith.constant 0 : i32
    %dma_start3A_240 = tpu.memref_slice %arg6[%dma_start3A_238, %dma_start3A_239] : memref<2x12816xi32, #tpu.memory_space<vmem>> -> memref<1x12800xi32, #tpu.memory_space<vmem>>
    %dma_start3A_241 = tpu.memref_squeeze %dma_start3A_240 : memref<1x12800xi32, #tpu.memory_space<vmem>> -> memref<12800xi32, #tpu.memory_space<vmem>>
    %dma_start3A_242 = tpu.memref_slice %arg2[%mul3A_237] : memref<4096000xi32, #tpu.memory_space<hbm>> -> memref<12800xi32, #tpu.memory_space<hbm>>
    %dma_start3A_243 = arith.constant 0 : i32
    %dma_start3A_244 = tpu.memref_slice %arg6[%dma_start3A_238, %dma_start3A_243] : memref<2x12816xi32, #tpu.memory_space<vmem>> -> memref<1x12800xi32, #tpu.memory_space<vmem>>
    %dma_start3A_245 = tpu.memref_squeeze %dma_start3A_244 : memref<1x12800xi32, #tpu.memory_space<vmem>> -> memref<12800xi32, #tpu.memory_space<vmem>>
    %dma_start3A_246 = tpu.memref_slice %arg2[%mul3A_237] : memref<4096000xi32, #tpu.memory_space<hbm>> -> memref<12800xi32, #tpu.memory_space<hbm>>
    tpu.enqueue_dma source(%dma_start3A_246 : memref<12800xi32, #tpu.memory_space<hbm>>) target(%dma_start3A_245 : memref<12800xi32, #tpu.memory_space<vmem>>) target_semaphore(%arg8 : memref<!tpu.dma_semaphore, #tpu.memory_space<semaphore_mem>>)
    %dma_wait3A_247 = arith.constant 1 : i32
    %dma_wait3A_248 = arith.constant 0 : i32
    %dma_wait3A_249 = tpu.memref_slice %arg6[%dma_wait3A_247, %dma_wait3A_248] : memref<2x12816xi32, #tpu.memory_space<vmem>> -> memref<1x12800xi32, #tpu.memory_space<vmem>>
    %dma_wait3A_250 = tpu.memref_squeeze %dma_wait3A_249 : memref<1x12800xi32, #tpu.memory_space<vmem>> -> memref<12800xi32, #tpu.memory_space<vmem>>
    %dma_wait3A_251 = tpu.memref_slice %arg2[%mul3A_190] : memref<4096000xi32, #tpu.memory_space<hbm>> -> memref<12800xi32, #tpu.memory_space<hbm>>
    %dma_wait3A_252 = arith.constant 0 : i32
    %dma_wait3A_253 = tpu.memref_slice %arg6[%dma_wait3A_247, %dma_wait3A_252] : memref<2x12816xi32, #tpu.memory_space<vmem>> -> memref<1x12800xi32, #tpu.memory_space<vmem>>
    %dma_wait3A_254 = tpu.memref_squeeze %dma_wait3A_253 : memref<1x12800xi32, #tpu.memory_space<vmem>> -> memref<12800xi32, #tpu.memory_space<vmem>>
    %dma_wait3A_255 = tpu.memref_slice %arg2[%mul3A_190] : memref<4096000xi32, #tpu.memory_space<hbm>> -> memref<12800xi32, #tpu.memory_space<hbm>>
    tpu.wait_dma2 semaphore(%arg9 : memref<!tpu.dma_semaphore, #tpu.memory_space<semaphore_mem>>) src(%dma_wait3A_255 : memref<12800xi32, #tpu.memory_space<hbm>>) dst(%dma_wait3A_254 : memref<12800xi32, #tpu.memory_space<vmem>>)
    %dma_wait3A_256 = arith.constant 1 : i32
    %dma_wait3A_257 = arith.constant 0 : i32
    %dma_wait3A_258 = tpu.memref_slice %arg7[%dma_wait3A_256, %dma_wait3A_257] : memref<2x20480xf32, #tpu.memory_space<vmem>> -> memref<1x20480xf32, #tpu.memory_space<vmem>>
    %dma_wait3A_259 = tpu.memref_squeeze %dma_wait3A_258 : memref<1x20480xf32, #tpu.memory_space<vmem>> -> memref<20480xf32, #tpu.memory_space<vmem>>
    %dma_wait3A_260 = tpu.memref_slice %arg4[%mul3A_177] : memref<6553600xf32, #tpu.memory_space<hbm>> -> memref<20480xf32, #tpu.memory_space<hbm>>
    %dma_wait3A_261 = tpu.memref_slice %arg4[%mul3A_177] : memref<6553600xf32, #tpu.memory_space<hbm>> -> memref<20480xf32, #tpu.memory_space<hbm>>
    %dma_wait3A_262 = arith.constant 0 : i32
    %dma_wait3A_263 = tpu.memref_slice %arg7[%dma_wait3A_256, %dma_wait3A_262] : memref<2x20480xf32, #tpu.memory_space<vmem>> -> memref<1x20480xf32, #tpu.memory_space<vmem>>
    %dma_wait3A_264 = tpu.memref_squeeze %dma_wait3A_263 : memref<1x20480xf32, #tpu.memory_space<vmem>> -> memref<20480xf32, #tpu.memory_space<vmem>>
    tpu.wait_dma2 semaphore(%arg11 : memref<!tpu.dma_semaphore, #tpu.memory_space<semaphore_mem>>) src(%dma_wait3A_264 : memref<20480xf32, #tpu.memory_space<vmem>>) dst(%dma_wait3A_261 : memref<20480xf32, #tpu.memory_space<hbm>>)
    %parallel_loop3A_265 = arith.constant 0 : i32
    %parallel_loop3A_266 = arith.constant 640 : i32
    %parallel_loop3A_267 = arith.constant 1 : i32
    scf.for %parallel_loop3A_474 = %parallel_loop3A_265 to %parallel_loop3A_266 step %parallel_loop3A_267  : i32 {
      %parallel_loop3A_475 = arith.constant 20 : i32
      %parallel_loop3A_476 = arith.muli %parallel_loop3A_474, %parallel_loop3A_475 : i32
      %parallel_loop3A_477 = arith.constant 1 : i32
      %parallel_loop3A_478 = arith.index_cast %parallel_loop3A_477 : i32 to index
      %parallel_loop3A_479 = arith.index_cast %parallel_loop3A_476 : i32 to index
      %parallel_loop3A_480 = tpu.vector_load %arg6[%parallel_loop3A_478, %parallel_loop3A_479] {strides = array<i32>} : memref<2x12816xi32, #tpu.memory_space<vmem>>, vector<16xi32>,
      %parallel_loop3A_481 = arith.constant 16 : i32
      %parallel_loop3A_482 = arith.addi %parallel_loop3A_476, %parallel_loop3A_481 : i32
      %parallel_loop3A_483 = arith.constant 1 : i32
      %parallel_loop3A_484 = arith.index_cast %parallel_loop3A_483 : i32 to index
      %parallel_loop3A_485 = arith.index_cast %parallel_loop3A_482 : i32 to index
      %parallel_loop3A_486 = tpu.vector_load %arg6[%parallel_loop3A_484, %parallel_loop3A_485] {strides = array<i32>} : memref<2x12816xi32, #tpu.memory_space<vmem>>, vector<16xi32>,
      %parallel_loop3A_487 = vector.extract_strided_slice %parallel_loop3A_480 {offsets = [0], sizes = [1], strides = [1]} : vector<16xi32> to vector<1xi32>
      %parallel_loop3A_488 = vector.extract %parallel_loop3A_487[0] : i32 from vector<1xi32>
      %parallel_loop3A_489 = arith.index_cast %parallel_loop3A_488 : i32 to index
      %parallel_loop3A_490 = arith.constant 0 : index
      %parallel_loop3A_491 = tpu.vector_load %arg5[%parallel_loop3A_489, %parallel_loop3A_490] {strides = array<i32>} : memref<1000x16xi32, #tpu.memory_space<vmem>>, vector<16xi32>,
      %parallel_loop3A_492 = vector.bitcast %parallel_loop3A_491 : vector<16xi32> to vector<32xbf16>
      %parallel_loop3A_493 = vector.extract_strided_slice %parallel_loop3A_480 {offsets = [1], sizes = [1], strides = [1]} : vector<16xi32> to vector<1xi32>
      %parallel_loop3A_494 = vector.extract %parallel_loop3A_493[0] : i32 from vector<1xi32>
      %parallel_loop3A_495 = arith.index_cast %parallel_loop3A_494 : i32 to index
      %parallel_loop3A_496 = arith.constant 0 : index
      %parallel_loop3A_497 = tpu.vector_load %arg5[%parallel_loop3A_495, %parallel_loop3A_496] {strides = array<i32>} : memref<1000x16xi32, #tpu.memory_space<vmem>>, vector<16xi32>,
      %parallel_loop3A_498 = vector.bitcast %parallel_loop3A_497 : vector<16xi32> to vector<32xbf16>
      %parallel_loop3A_499 = vector.extract_strided_slice %parallel_loop3A_480 {offsets = [2], sizes = [1], strides = [1]} : vector<16xi32> to vector<1xi32>
      %parallel_loop3A_500 = vector.extract %parallel_loop3A_499[0] : i32 from vector<1xi32>
      %parallel_loop3A_501 = arith.index_cast %parallel_loop3A_500 : i32 to index
      %parallel_loop3A_502 = arith.constant 0 : index
      %parallel_loop3A_503 = tpu.vector_load %arg5[%parallel_loop3A_501, %parallel_loop3A_502] {strides = array<i32>} : memref<1000x16xi32, #tpu.memory_space<vmem>>, vector<16xi32>,
      %parallel_loop3A_504 = vector.bitcast %parallel_loop3A_503 : vector<16xi32> to vector<32xbf16>
      %parallel_loop3A_505 = vector.extract_strided_slice %parallel_loop3A_480 {offsets = [3], sizes = [1], strides = [1]} : vector<16xi32> to vector<1xi32>
      %parallel_loop3A_506 = vector.extract %parallel_loop3A_505[0] : i32 from vector<1xi32>
      %parallel_loop3A_507 = arith.index_cast %parallel_loop3A_506 : i32 to index
      %parallel_loop3A_508 = arith.constant 0 : index
      %parallel_loop3A_509 = tpu.vector_load %arg5[%parallel_loop3A_507, %parallel_loop3A_508] {strides = array<i32>} : memref<1000x16xi32, #tpu.memory_space<vmem>>, vector<16xi32>,
      %parallel_loop3A_510 = vector.bitcast %parallel_loop3A_509 : vector<16xi32> to vector<32xbf16>
      %parallel_loop3A_511 = vector.extract_strided_slice %parallel_loop3A_480 {offsets = [4], sizes = [1], strides = [1]} : vector<16xi32> to vector<1xi32>
      %parallel_loop3A_512 = vector.extract %parallel_loop3A_511[0] : i32 from vector<1xi32>
      %parallel_loop3A_513 = arith.index_cast %parallel_loop3A_512 : i32 to index
      %parallel_loop3A_514 = arith.constant 0 : index
      %parallel_loop3A_515 = tpu.vector_load %arg5[%parallel_loop3A_513, %parallel_loop3A_514] {strides = array<i32>} : memref<1000x16xi32, #tpu.memory_space<vmem>>, vector<16xi32>,
      %parallel_loop3A_516 = vector.bitcast %parallel_loop3A_515 : vector<16xi32> to vector<32xbf16>
      %parallel_loop3A_517 = vector.extract_strided_slice %parallel_loop3A_480 {offsets = [5], sizes = [1], strides = [1]} : vector<16xi32> to vector<1xi32>
      %parallel_loop3A_518 = vector.extract %parallel_loop3A_517[0] : i32 from vector<1xi32>
      %parallel_loop3A_519 = arith.index_cast %parallel_loop3A_518 : i32 to index
      %parallel_loop3A_520 = arith.constant 0 : index
      %parallel_loop3A_521 = tpu.vector_load %arg5[%parallel_loop3A_519, %parallel_loop3A_520] {strides = array<i32>} : memref<1000x16xi32, #tpu.memory_space<vmem>>, vector<16xi32>,
      %parallel_loop3A_522 = vector.bitcast %parallel_loop3A_521 : vector<16xi32> to vector<32xbf16>
      %parallel_loop3A_523 = vector.extract_strided_slice %parallel_loop3A_480 {offsets = [6], sizes = [1], strides = [1]} : vector<16xi32> to vector<1xi32>
      %parallel_loop3A_524 = vector.extract %parallel_loop3A_523[0] : i32 from vector<1xi32>
      %parallel_loop3A_525 = arith.index_cast %parallel_loop3A_524 : i32 to index
      %parallel_loop3A_526 = arith.constant 0 : index
      %parallel_loop3A_527 = tpu.vector_load %arg5[%parallel_loop3A_525, %parallel_loop3A_526] {strides = array<i32>} : memref<1000x16xi32, #tpu.memory_space<vmem>>, vector<16xi32>,
      %parallel_loop3A_528 = vector.bitcast %parallel_loop3A_527 : vector<16xi32> to vector<32xbf16>
      %parallel_loop3A_529 = vector.extract_strided_slice %parallel_loop3A_480 {offsets = [7], sizes = [1], strides = [1]} : vector<16xi32> to vector<1xi32>
      %parallel_loop3A_530 = vector.extract %parallel_loop3A_529[0] : i32 from vector<1xi32>
      %parallel_loop3A_531 = arith.index_cast %parallel_loop3A_530 : i32 to index
      %parallel_loop3A_532 = arith.constant 0 : index
      %parallel_loop3A_533 = tpu.vector_load %arg5[%parallel_loop3A_531, %parallel_loop3A_532] {strides = array<i32>} : memref<1000x16xi32, #tpu.memory_space<vmem>>, vector<16xi32>,
      %parallel_loop3A_534 = vector.bitcast %parallel_loop3A_533 : vector<16xi32> to vector<32xbf16>
      %parallel_loop3A_535 = vector.extract_strided_slice %parallel_loop3A_480 {offsets = [8], sizes = [1], strides = [1]} : vector<16xi32> to vector<1xi32>
      %parallel_loop3A_536 = vector.extract %parallel_loop3A_535[0] : i32 from vector<1xi32>
      %parallel_loop3A_537 = arith.index_cast %parallel_loop3A_536 : i32 to index
      %parallel_loop3A_538 = arith.constant 0 : index
      %parallel_loop3A_539 = tpu.vector_load %arg5[%parallel_loop3A_537, %parallel_loop3A_538] {strides = array<i32>} : memref<1000x16xi32, #tpu.memory_space<vmem>>, vector<16xi32>,
      %parallel_loop3A_540 = vector.bitcast %parallel_loop3A_539 : vector<16xi32> to vector<32xbf16>
      %parallel_loop3A_541 = vector.extract_strided_slice %parallel_loop3A_480 {offsets = [9], sizes = [1], strides = [1]} : vector<16xi32> to vector<1xi32>
      %parallel_loop3A_542 = vector.extract %parallel_loop3A_541[0] : i32 from vector<1xi32>
      %parallel_loop3A_543 = arith.index_cast %parallel_loop3A_542 : i32 to index
      %parallel_loop3A_544 = arith.constant 0 : index
      %parallel_loop3A_545 = tpu.vector_load %arg5[%parallel_loop3A_543, %parallel_loop3A_544] {strides = array<i32>} : memref<1000x16xi32, #tpu.memory_space<vmem>>, vector<16xi32>,
      %parallel_loop3A_546 = vector.bitcast %parallel_loop3A_545 : vector<16xi32> to vector<32xbf16>
      %parallel_loop3A_547 = vector.extract_strided_slice %parallel_loop3A_480 {offsets = [10], sizes = [1], strides = [1]} : vector<16xi32> to vector<1xi32>
      %parallel_loop3A_548 = vector.extract %parallel_loop3A_547[0] : i32 from vector<1xi32>
      %parallel_loop3A_549 = arith.index_cast %parallel_loop3A_548 : i32 to index
      %parallel_loop3A_550 = arith.constant 0 : index
      %parallel_loop3A_551 = tpu.vector_load %arg5[%parallel_loop3A_549, %parallel_loop3A_550] {strides = array<i32>} : memref<1000x16xi32, #tpu.memory_space<vmem>>, vector<16xi32>,
      %parallel_loop3A_552 = vector.bitcast %parallel_loop3A_551 : vector<16xi32> to vector<32xbf16>
      %parallel_loop3A_553 = vector.extract_strided_slice %parallel_loop3A_480 {offsets = [11], sizes = [1], strides = [1]} : vector<16xi32> to vector<1xi32>
      %parallel_loop3A_554 = vector.extract %parallel_loop3A_553[0] : i32 from vector<1xi32>
      %parallel_loop3A_555 = arith.index_cast %parallel_loop3A_554 : i32 to index
      %parallel_loop3A_556 = arith.constant 0 : index
      %parallel_loop3A_557 = tpu.vector_load %arg5[%parallel_loop3A_555, %parallel_loop3A_556] {strides = array<i32>} : memref<1000x16xi32, #tpu.memory_space<vmem>>, vector<16xi32>,
      %parallel_loop3A_558 = vector.bitcast %parallel_loop3A_557 : vector<16xi32> to vector<32xbf16>
      %parallel_loop3A_559 = vector.extract_strided_slice %parallel_loop3A_480 {offsets = [12], sizes = [1], strides = [1]} : vector<16xi32> to vector<1xi32>
      %parallel_loop3A_560 = vector.extract %parallel_loop3A_559[0] : i32 from vector<1xi32>
      %parallel_loop3A_561 = arith.index_cast %parallel_loop3A_560 : i32 to index
      %parallel_loop3A_562 = arith.constant 0 : index
      %parallel_loop3A_563 = tpu.vector_load %arg5[%parallel_loop3A_561, %parallel_loop3A_562] {strides = array<i32>} : memref<1000x16xi32, #tpu.memory_space<vmem>>, vector<16xi32>,
      %parallel_loop3A_564 = vector.bitcast %parallel_loop3A_563 : vector<16xi32> to vector<32xbf16>
      %parallel_loop3A_565 = vector.extract_strided_slice %parallel_loop3A_480 {offsets = [13], sizes = [1], strides = [1]} : vector<16xi32> to vector<1xi32>
      %parallel_loop3A_566 = vector.extract %parallel_loop3A_565[0] : i32 from vector<1xi32>
      %parallel_loop3A_567 = arith.index_cast %parallel_loop3A_566 : i32 to index
      %parallel_loop3A_568 = arith.constant 0 : index
      %parallel_loop3A_569 = tpu.vector_load %arg5[%parallel_loop3A_567, %parallel_loop3A_568] {strides = array<i32>} : memref<1000x16xi32, #tpu.memory_space<vmem>>, vector<16xi32>,
      %parallel_loop3A_570 = vector.bitcast %parallel_loop3A_569 : vector<16xi32> to vector<32xbf16>
      %parallel_loop3A_571 = vector.extract_strided_slice %parallel_loop3A_480 {offsets = [14], sizes = [1], strides = [1]} : vector<16xi32> to vector<1xi32>
      %parallel_loop3A_572 = vector.extract %parallel_loop3A_571[0] : i32 from vector<1xi32>
      %parallel_loop3A_573 = arith.index_cast %parallel_loop3A_572 : i32 to index
      %parallel_loop3A_574 = arith.constant 0 : index
      %parallel_loop3A_575 = tpu.vector_load %arg5[%parallel_loop3A_573, %parallel_loop3A_574] {strides = array<i32>} : memref<1000x16xi32, #tpu.memory_space<vmem>>, vector<16xi32>,
      %parallel_loop3A_576 = vector.bitcast %parallel_loop3A_575 : vector<16xi32> to vector<32xbf16>
      %parallel_loop3A_577 = vector.extract_strided_slice %parallel_loop3A_480 {offsets = [15], sizes = [1], strides = [1]} : vector<16xi32> to vector<1xi32>
      %parallel_loop3A_578 = vector.extract %parallel_loop3A_577[0] : i32 from vector<1xi32>
      %parallel_loop3A_579 = arith.index_cast %parallel_loop3A_578 : i32 to index
      %parallel_loop3A_580 = arith.constant 0 : index
      %parallel_loop3A_581 = tpu.vector_load %arg5[%parallel_loop3A_579, %parallel_loop3A_580] {strides = array<i32>} : memref<1000x16xi32, #tpu.memory_space<vmem>>, vector<16xi32>,
      %parallel_loop3A_582 = vector.bitcast %parallel_loop3A_581 : vector<16xi32> to vector<32xbf16>
      %parallel_loop3A_583 = vector.extract_strided_slice %parallel_loop3A_486 {offsets = [0], sizes = [1], strides = [1]} : vector<16xi32> to vector<1xi32>
      %parallel_loop3A_584 = vector.extract %parallel_loop3A_583[0] : i32 from vector<1xi32>
      %parallel_loop3A_585 = arith.index_cast %parallel_loop3A_584 : i32 to index
      %parallel_loop3A_586 = arith.constant 0 : index
      %parallel_loop3A_587 = tpu.vector_load %arg5[%parallel_loop3A_585, %parallel_loop3A_586] {strides = array<i32>} : memref<1000x16xi32, #tpu.memory_space<vmem>>, vector<16xi32>,
      %parallel_loop3A_588 = vector.bitcast %parallel_loop3A_587 : vector<16xi32> to vector<32xbf16>
      %parallel_loop3A_589 = vector.extract_strided_slice %parallel_loop3A_486 {offsets = [1], sizes = [1], strides = [1]} : vector<16xi32> to vector<1xi32>
      %parallel_loop3A_590 = vector.extract %parallel_loop3A_589[0] : i32 from vector<1xi32>
      %parallel_loop3A_591 = arith.index_cast %parallel_loop3A_590 : i32 to index
      %parallel_loop3A_592 = arith.constant 0 : index
      %parallel_loop3A_593 = tpu.vector_load %arg5[%parallel_loop3A_591, %parallel_loop3A_592] {strides = array<i32>} : memref<1000x16xi32, #tpu.memory_space<vmem>>, vector<16xi32>,
      %parallel_loop3A_594 = vector.bitcast %parallel_loop3A_593 : vector<16xi32> to vector<32xbf16>
      %parallel_loop3A_595 = vector.extract_strided_slice %parallel_loop3A_486 {offsets = [2], sizes = [1], strides = [1]} : vector<16xi32> to vector<1xi32>
      %parallel_loop3A_596 = vector.extract %parallel_loop3A_595[0] : i32 from vector<1xi32>
      %parallel_loop3A_597 = arith.index_cast %parallel_loop3A_596 : i32 to index
      %parallel_loop3A_598 = arith.constant 0 : index
      %parallel_loop3A_599 = tpu.vector_load %arg5[%parallel_loop3A_597, %parallel_loop3A_598] {strides = array<i32>} : memref<1000x16xi32, #tpu.memory_space<vmem>>, vector<16xi32>,
      %parallel_loop3A_600 = vector.bitcast %parallel_loop3A_599 : vector<16xi32> to vector<32xbf16>
      %parallel_loop3A_601 = vector.extract_strided_slice %parallel_loop3A_486 {offsets = [3], sizes = [1], strides = [1]} : vector<16xi32> to vector<1xi32>
      %parallel_loop3A_602 = vector.extract %parallel_loop3A_601[0] : i32 from vector<1xi32>
      %parallel_loop3A_603 = arith.index_cast %parallel_loop3A_602 : i32 to index
      %parallel_loop3A_604 = arith.constant 0 : index
      %parallel_loop3A_605 = tpu.vector_load %arg5[%parallel_loop3A_603, %parallel_loop3A_604] {strides = array<i32>} : memref<1000x16xi32, #tpu.memory_space<vmem>>, vector<16xi32>,
      %parallel_loop3A_606 = vector.bitcast %parallel_loop3A_605 : vector<16xi32> to vector<32xbf16>
      %parallel_loop3A_607 = arith.addf %parallel_loop3A_492, %parallel_loop3A_498 : vector<32xbf16>
      %parallel_loop3A_608 = arith.addf %parallel_loop3A_504, %parallel_loop3A_510 : vector<32xbf16>
      %parallel_loop3A_609 = arith.addf %parallel_loop3A_516, %parallel_loop3A_522 : vector<32xbf16>
      %parallel_loop3A_610 = arith.addf %parallel_loop3A_528, %parallel_loop3A_534 : vector<32xbf16>
      %parallel_loop3A_611 = arith.addf %parallel_loop3A_540, %parallel_loop3A_546 : vector<32xbf16>
      %parallel_loop3A_612 = arith.addf %parallel_loop3A_552, %parallel_loop3A_558 : vector<32xbf16>
      %parallel_loop3A_613 = arith.addf %parallel_loop3A_564, %parallel_loop3A_570 : vector<32xbf16>
      %parallel_loop3A_614 = arith.addf %parallel_loop3A_576, %parallel_loop3A_582 : vector<32xbf16>
      %parallel_loop3A_615 = arith.addf %parallel_loop3A_588, %parallel_loop3A_594 : vector<32xbf16>
      %parallel_loop3A_616 = arith.addf %parallel_loop3A_600, %parallel_loop3A_606 : vector<32xbf16>
      %parallel_loop3A_617 = arith.addf %parallel_loop3A_607, %parallel_loop3A_608 : vector<32xbf16>
      %parallel_loop3A_618 = arith.addf %parallel_loop3A_609, %parallel_loop3A_610 : vector<32xbf16>
      %parallel_loop3A_619 = arith.addf %parallel_loop3A_611, %parallel_loop3A_612 : vector<32xbf16>
      %parallel_loop3A_620 = arith.addf %parallel_loop3A_613, %parallel_loop3A_614 : vector<32xbf16>
      %parallel_loop3A_621 = arith.addf %parallel_loop3A_615, %parallel_loop3A_616 : vector<32xbf16>
      %parallel_loop3A_622 = arith.addf %parallel_loop3A_617, %parallel_loop3A_618 : vector<32xbf16>
      %parallel_loop3A_623 = arith.addf %parallel_loop3A_619, %parallel_loop3A_620 : vector<32xbf16>
      %parallel_loop3A_624 = arith.addf %parallel_loop3A_622, %parallel_loop3A_623 : vector<32xbf16>
      %parallel_loop3A_625 = arith.addf %parallel_loop3A_624, %parallel_loop3A_621 : vector<32xbf16>
      %parallel_loop3A_626 = tpu.unpack_subelements %parallel_loop3A_625, 0 {pack_format = #tpu.pack_format<interleaved>} : vector<32xbf16> -> vector<16xf32>
      %parallel_loop3A_627 = tpu.unpack_subelements %parallel_loop3A_625, 1 {pack_format = #tpu.pack_format<interleaved>} : vector<32xbf16> -> vector<16xf32>
      %parallel_loop3A_628 = arith.constant 32 : i32
      %parallel_loop3A_629 = arith.muli %parallel_loop3A_474, %parallel_loop3A_628 : i32
      %parallel_loop3A_630 = arith.constant 1 : i32
      %parallel_loop3A_631 = arith.index_cast %parallel_loop3A_630 : i32 to index
      %parallel_loop3A_632 = arith.index_cast %parallel_loop3A_629 : i32 to index
      %parallel_loop3A_633 = tpu.vector_load %arg7[%parallel_loop3A_631, %parallel_loop3A_632] {strides = array<i32>} : memref<2x20480xf32, #tpu.memory_space<vmem>>, vector<16xf32>,
      tpu.vector_store %arg7[%parallel_loop3A_631, %parallel_loop3A_632], %parallel_loop3A_626 {strides = array<i32>} : memref<2x20480xf32, #tpu.memory_space<vmem>>, vector<16xf32>,
      %parallel_loop3A_634 = arith.constant 32 : i32
      %parallel_loop3A_635 = arith.muli %parallel_loop3A_474, %parallel_loop3A_634 : i32
      %parallel_loop3A_636 = arith.constant 16 : i32
      %parallel_loop3A_637 = arith.addi %parallel_loop3A_635, %parallel_loop3A_636 : i32
      %parallel_loop3A_638 = arith.constant 1 : i32
      %parallel_loop3A_639 = arith.index_cast %parallel_loop3A_638 : i32 to index
      %parallel_loop3A_640 = arith.index_cast %parallel_loop3A_637 : i32 to index
      %parallel_loop3A_641 = tpu.vector_load %arg7[%parallel_loop3A_639, %parallel_loop3A_640] {strides = array<i32>} : memref<2x20480xf32, #tpu.memory_space<vmem>>, vector<16xf32>,
      tpu.vector_store %arg7[%parallel_loop3A_639, %parallel_loop3A_640], %parallel_loop3A_627 {strides = array<i32>} : memref<2x20480xf32, #tpu.memory_space<vmem>>, vector<16xf32>,
    } {sc.loop_unroll_factor = 2 : i64, sc.parallel_access}
    %add3A_268 = arith.constant 3200 : i32
    %add3A_269 = arith.addi %mul3A_2, %add3A_268 : i32
    %mul3A_270 = arith.constant 32 : i32
    %mul3A_271 = arith.muli %add3A_269, %mul3A_270 : i32
    %dma_start3A_272 = arith.constant 1 : i32
    %dma_start3A_273 = arith.constant 0 : i32
    %dma_start3A_274 = tpu.memref_slice %arg7[%dma_start3A_272, %dma_start3A_273] : memref<2x20480xf32, #tpu.memory_space<vmem>> -> memref<1x20480xf32, #tpu.memory_space<vmem>>
    %dma_start3A_275 = tpu.memref_squeeze %dma_start3A_274 : memref<1x20480xf32, #tpu.memory_space<vmem>> -> memref<20480xf32, #tpu.memory_space<vmem>>
    %dma_start3A_276 = tpu.memref_slice %arg4[%mul3A_271] : memref<6553600xf32, #tpu.memory_space<hbm>> -> memref<20480xf32, #tpu.memory_space<hbm>>
    %dma_start3A_277 = tpu.memref_slice %arg4[%mul3A_271] : memref<6553600xf32, #tpu.memory_space<hbm>> -> memref<20480xf32, #tpu.memory_space<hbm>>
    %dma_start3A_278 = arith.constant 0 : i32
    %dma_start3A_279 = tpu.memref_slice %arg7[%dma_start3A_272, %dma_start3A_278] : memref<2x20480xf32, #tpu.memory_space<vmem>> -> memref<1x20480xf32, #tpu.memory_space<vmem>>
    %dma_start3A_280 = tpu.memref_squeeze %dma_start3A_279 : memref<1x20480xf32, #tpu.memory_space<vmem>> -> memref<20480xf32, #tpu.memory_space<vmem>>
    tpu.enqueue_dma source(%dma_start3A_280 : memref<20480xf32, #tpu.memory_space<vmem>>) target(%dma_start3A_277 : memref<20480xf32, #tpu.memory_space<hbm>>) target_semaphore(%arg11 : memref<!tpu.dma_semaphore, #tpu.memory_space<semaphore_mem>>)
    %add3A_281 = arith.constant 4480 : i32
    %add3A_282 = arith.addi %mul3A_2, %add3A_281 : i32
    %mul3A_283 = arith.constant 20 : i32
    %mul3A_284 = arith.muli %add3A_282, %mul3A_283 : i32
    %dma_start3A_285 = arith.constant 1 : i32
    %dma_start3A_286 = arith.constant 0 : i32
    %dma_start3A_287 = tpu.memref_slice %arg6[%dma_start3A_285, %dma_start3A_286] : memref<2x12816xi32, #tpu.memory_space<vmem>> -> memref<1x12800xi32, #tpu.memory_space<vmem>>
    %dma_start3A_288 = tpu.memref_squeeze %dma_start3A_287 : memref<1x12800xi32, #tpu.memory_space<vmem>> -> memref<12800xi32, #tpu.memory_space<vmem>>
    %dma_start3A_289 = tpu.memref_slice %arg2[%mul3A_284] : memref<4096000xi32, #tpu.memory_space<hbm>> -> memref<12800xi32, #tpu.memory_space<hbm>>
    %dma_start3A_290 = arith.constant 0 : i32
    %dma_start3A_291 = tpu.memref_slice %arg6[%dma_start3A_285, %dma_start3A_290] : memref<2x12816xi32, #tpu.memory_space<vmem>> -> memref<1x12800xi32, #tpu.memory_space<vmem>>
    %dma_start3A_292 = tpu.memref_squeeze %dma_start3A_291 : memref<1x12800xi32, #tpu.memory_space<vmem>> -> memref<12800xi32, #tpu.memory_space<vmem>>
    %dma_start3A_293 = tpu.memref_slice %arg2[%mul3A_284] : memref<4096000xi32, #tpu.memory_space<hbm>> -> memref<12800xi32, #tpu.memory_space<hbm>>
    tpu.enqueue_dma source(%dma_start3A_293 : memref<12800xi32, #tpu.memory_space<hbm>>) target(%dma_start3A_292 : memref<12800xi32, #tpu.memory_space<vmem>>) target_semaphore(%arg9 : memref<!tpu.dma_semaphore, #tpu.memory_space<semaphore_mem>>)
    %dma_wait3A_294 = arith.constant 0 : i32
    %dma_wait3A_295 = arith.constant 0 : i32
    %dma_wait3A_296 = tpu.memref_slice %arg6[%dma_wait3A_294, %dma_wait3A_295] : memref<2x12816xi32, #tpu.memory_space<vmem>> -> memref<1x12800xi32, #tpu.memory_space<vmem>>
    %dma_wait3A_297 = tpu.memref_squeeze %dma_wait3A_296 : memref<1x12800xi32, #tpu.memory_space<vmem>> -> memref<12800xi32, #tpu.memory_space<vmem>>
    %dma_wait3A_298 = tpu.memref_slice %arg2[%mul3A_237] : memref<4096000xi32, #tpu.memory_space<hbm>> -> memref<12800xi32, #tpu.memory_space<hbm>>
    %dma_wait3A_299 = arith.constant 0 : i32
    %dma_wait3A_300 = tpu.memref_slice %arg6[%dma_wait3A_294, %dma_wait3A_299] : memref<2x12816xi32, #tpu.memory_space<vmem>> -> memref<1x12800xi32, #tpu.memory_space<vmem>>
    %dma_wait3A_301 = tpu.memref_squeeze %dma_wait3A_300 : memref<1x12800xi32, #tpu.memory_space<vmem>> -> memref<12800xi32, #tpu.memory_space<vmem>>
    %dma_wait3A_302 = tpu.memref_slice %arg2[%mul3A_237] : memref<4096000xi32, #tpu.memory_space<hbm>> -> memref<12800xi32, #tpu.memory_space<hbm>>
    tpu.wait_dma2 semaphore(%arg8 : memref<!tpu.dma_semaphore, #tpu.memory_space<semaphore_mem>>) src(%dma_wait3A_302 : memref<12800xi32, #tpu.memory_space<hbm>>) dst(%dma_wait3A_301 : memref<12800xi32, #tpu.memory_space<vmem>>)
    %dma_wait3A_303 = arith.constant 0 : i32
    %dma_wait3A_304 = arith.constant 0 : i32
    %dma_wait3A_305 = tpu.memref_slice %arg7[%dma_wait3A_303, %dma_wait3A_304] : memref<2x20480xf32, #tpu.memory_space<vmem>> -> memref<1x20480xf32, #tpu.memory_space<vmem>>
    %dma_wait3A_306 = tpu.memref_squeeze %dma_wait3A_305 : memref<1x20480xf32, #tpu.memory_space<vmem>> -> memref<20480xf32, #tpu.memory_space<vmem>>
    %dma_wait3A_307 = tpu.memref_slice %arg4[%mul3A_224] : memref<6553600xf32, #tpu.memory_space<hbm>> -> memref<20480xf32, #tpu.memory_space<hbm>>
    %dma_wait3A_308 = tpu.memref_slice %arg4[%mul3A_224] : memref<6553600xf32, #tpu.memory_space<hbm>> -> memref<20480xf32, #tpu.memory_space<hbm>>
    %dma_wait3A_309 = arith.constant 0 : i32
    %dma_wait3A_310 = tpu.memref_slice %arg7[%dma_wait3A_303, %dma_wait3A_309] : memref<2x20480xf32, #tpu.memory_space<vmem>> -> memref<1x20480xf32, #tpu.memory_space<vmem>>
    %dma_wait3A_311 = tpu.memref_squeeze %dma_wait3A_310 : memref<1x20480xf32, #tpu.memory_space<vmem>> -> memref<20480xf32, #tpu.memory_space<vmem>>
    tpu.wait_dma2 semaphore(%arg10 : memref<!tpu.dma_semaphore, #tpu.memory_space<semaphore_mem>>) src(%dma_wait3A_311 : memref<20480xf32, #tpu.memory_space<vmem>>) dst(%dma_wait3A_308 : memref<20480xf32, #tpu.memory_space<hbm>>)
    %parallel_loop3A_312 = arith.constant 0 : i32
    %parallel_loop3A_313 = arith.constant 640 : i32
    %parallel_loop3A_314 = arith.constant 1 : i32
    scf.for %parallel_loop3A_474 = %parallel_loop3A_312 to %parallel_loop3A_313 step %parallel_loop3A_314  : i32 {
      %parallel_loop3A_475 = arith.constant 20 : i32
      %parallel_loop3A_476 = arith.muli %parallel_loop3A_474, %parallel_loop3A_475 : i32
      %parallel_loop3A_477 = arith.constant 0 : i32
      %parallel_loop3A_478 = arith.index_cast %parallel_loop3A_477 : i32 to index
      %parallel_loop3A_479 = arith.index_cast %parallel_loop3A_476 : i32 to index
      %parallel_loop3A_480 = tpu.vector_load %arg6[%parallel_loop3A_478, %parallel_loop3A_479] {strides = array<i32>} : memref<2x12816xi32, #tpu.memory_space<vmem>>, vector<16xi32>,
      %parallel_loop3A_481 = arith.constant 16 : i32
      %parallel_loop3A_482 = arith.addi %parallel_loop3A_476, %parallel_loop3A_481 : i32
      %parallel_loop3A_483 = arith.constant 0 : i32
      %parallel_loop3A_484 = arith.index_cast %parallel_loop3A_483 : i32 to index
      %parallel_loop3A_485 = arith.index_cast %parallel_loop3A_482 : i32 to index
      %parallel_loop3A_486 = tpu.vector_load %arg6[%parallel_loop3A_484, %parallel_loop3A_485] {strides = array<i32>} : memref<2x12816xi32, #tpu.memory_space<vmem>>, vector<16xi32>,
      %parallel_loop3A_487 = vector.extract_strided_slice %parallel_loop3A_480 {offsets = [0], sizes = [1], strides = [1]} : vector<16xi32> to vector<1xi32>
      %parallel_loop3A_488 = vector.extract %parallel_loop3A_487[0] : i32 from vector<1xi32>
      %parallel_loop3A_489 = arith.index_cast %parallel_loop3A_488 : i32 to index
      %parallel_loop3A_490 = arith.constant 0 : index
      %parallel_loop3A_491 = tpu.vector_load %arg5[%parallel_loop3A_489, %parallel_loop3A_490] {strides = array<i32>} : memref<1000x16xi32, #tpu.memory_space<vmem>>, vector<16xi32>,
      %parallel_loop3A_492 = vector.bitcast %parallel_loop3A_491 : vector<16xi32> to vector<32xbf16>
      %parallel_loop3A_493 = vector.extract_strided_slice %parallel_loop3A_480 {offsets = [1], sizes = [1], strides = [1]} : vector<16xi32> to vector<1xi32>
      %parallel_loop3A_494 = vector.extract %parallel_loop3A_493[0] : i32 from vector<1xi32>
      %parallel_loop3A_495 = arith.index_cast %parallel_loop3A_494 : i32 to index
      %parallel_loop3A_496 = arith.constant 0 : index
      %parallel_loop3A_497 = tpu.vector_load %arg5[%parallel_loop3A_495, %parallel_loop3A_496] {strides = array<i32>} : memref<1000x16xi32, #tpu.memory_space<vmem>>, vector<16xi32>,
      %parallel_loop3A_498 = vector.bitcast %parallel_loop3A_497 : vector<16xi32> to vector<32xbf16>
      %parallel_loop3A_499 = vector.extract_strided_slice %parallel_loop3A_480 {offsets = [2], sizes = [1], strides = [1]} : vector<16xi32> to vector<1xi32>
      %parallel_loop3A_500 = vector.extract %parallel_loop3A_499[0] : i32 from vector<1xi32>
      %parallel_loop3A_501 = arith.index_cast %parallel_loop3A_500 : i32 to index
      %parallel_loop3A_502 = arith.constant 0 : index
      %parallel_loop3A_503 = tpu.vector_load %arg5[%parallel_loop3A_501, %parallel_loop3A_502] {strides = array<i32>} : memref<1000x16xi32, #tpu.memory_space<vmem>>, vector<16xi32>,
      %parallel_loop3A_504 = vector.bitcast %parallel_loop3A_503 : vector<16xi32> to vector<32xbf16>
      %parallel_loop3A_505 = vector.extract_strided_slice %parallel_loop3A_480 {offsets = [3], sizes = [1], strides = [1]} : vector<16xi32> to vector<1xi32>
      %parallel_loop3A_506 = vector.extract %parallel_loop3A_505[0] : i32 from vector<1xi32>
      %parallel_loop3A_507 = arith.index_cast %parallel_loop3A_506 : i32 to index
      %parallel_loop3A_508 = arith.constant 0 : index
      %parallel_loop3A_509 = tpu.vector_load %arg5[%parallel_loop3A_507, %parallel_loop3A_508] {strides = array<i32>} : memref<1000x16xi32, #tpu.memory_space<vmem>>, vector<16xi32>,
      %parallel_loop3A_510 = vector.bitcast %parallel_loop3A_509 : vector<16xi32> to vector<32xbf16>
      %parallel_loop3A_511 = vector.extract_strided_slice %parallel_loop3A_480 {offsets = [4], sizes = [1], strides = [1]} : vector<16xi32> to vector<1xi32>
      %parallel_loop3A_512 = vector.extract %parallel_loop3A_511[0] : i32 from vector<1xi32>
      %parallel_loop3A_513 = arith.index_cast %parallel_loop3A_512 : i32 to index
      %parallel_loop3A_514 = arith.constant 0 : index
      %parallel_loop3A_515 = tpu.vector_load %arg5[%parallel_loop3A_513, %parallel_loop3A_514] {strides = array<i32>} : memref<1000x16xi32, #tpu.memory_space<vmem>>, vector<16xi32>,
      %parallel_loop3A_516 = vector.bitcast %parallel_loop3A_515 : vector<16xi32> to vector<32xbf16>
      %parallel_loop3A_517 = vector.extract_strided_slice %parallel_loop3A_480 {offsets = [5], sizes = [1], strides = [1]} : vector<16xi32> to vector<1xi32>
      %parallel_loop3A_518 = vector.extract %parallel_loop3A_517[0] : i32 from vector<1xi32>
      %parallel_loop3A_519 = arith.index_cast %parallel_loop3A_518 : i32 to index
      %parallel_loop3A_520 = arith.constant 0 : index
      %parallel_loop3A_521 = tpu.vector_load %arg5[%parallel_loop3A_519, %parallel_loop3A_520] {strides = array<i32>} : memref<1000x16xi32, #tpu.memory_space<vmem>>, vector<16xi32>,
      %parallel_loop3A_522 = vector.bitcast %parallel_loop3A_521 : vector<16xi32> to vector<32xbf16>
      %parallel_loop3A_523 = vector.extract_strided_slice %parallel_loop3A_480 {offsets = [6], sizes = [1], strides = [1]} : vector<16xi32> to vector<1xi32>
      %parallel_loop3A_524 = vector.extract %parallel_loop3A_523[0] : i32 from vector<1xi32>
      %parallel_loop3A_525 = arith.index_cast %parallel_loop3A_524 : i32 to index
      %parallel_loop3A_526 = arith.constant 0 : index
      %parallel_loop3A_527 = tpu.vector_load %arg5[%parallel_loop3A_525, %parallel_loop3A_526] {strides = array<i32>} : memref<1000x16xi32, #tpu.memory_space<vmem>>, vector<16xi32>,
      %parallel_loop3A_528 = vector.bitcast %parallel_loop3A_527 : vector<16xi32> to vector<32xbf16>
      %parallel_loop3A_529 = vector.extract_strided_slice %parallel_loop3A_480 {offsets = [7], sizes = [1], strides = [1]} : vector<16xi32> to vector<1xi32>
      %parallel_loop3A_530 = vector.extract %parallel_loop3A_529[0] : i32 from vector<1xi32>
      %parallel_loop3A_531 = arith.index_cast %parallel_loop3A_530 : i32 to index
      %parallel_loop3A_532 = arith.constant 0 : index
      %parallel_loop3A_533 = tpu.vector_load %arg5[%parallel_loop3A_531, %parallel_loop3A_532] {strides = array<i32>} : memref<1000x16xi32, #tpu.memory_space<vmem>>, vector<16xi32>,
      %parallel_loop3A_534 = vector.bitcast %parallel_loop3A_533 : vector<16xi32> to vector<32xbf16>
      %parallel_loop3A_535 = vector.extract_strided_slice %parallel_loop3A_480 {offsets = [8], sizes = [1], strides = [1]} : vector<16xi32> to vector<1xi32>
      %parallel_loop3A_536 = vector.extract %parallel_loop3A_535[0] : i32 from vector<1xi32>
      %parallel_loop3A_537 = arith.index_cast %parallel_loop3A_536 : i32 to index
      %parallel_loop3A_538 = arith.constant 0 : index
      %parallel_loop3A_539 = tpu.vector_load %arg5[%parallel_loop3A_537, %parallel_loop3A_538] {strides = array<i32>} : memref<1000x16xi32, #tpu.memory_space<vmem>>, vector<16xi32>,
      %parallel_loop3A_540 = vector.bitcast %parallel_loop3A_539 : vector<16xi32> to vector<32xbf16>
      %parallel_loop3A_541 = vector.extract_strided_slice %parallel_loop3A_480 {offsets = [9], sizes = [1], strides = [1]} : vector<16xi32> to vector<1xi32>
      %parallel_loop3A_542 = vector.extract %parallel_loop3A_541[0] : i32 from vector<1xi32>
      %parallel_loop3A_543 = arith.index_cast %parallel_loop3A_542 : i32 to index
      %parallel_loop3A_544 = arith.constant 0 : index
      %parallel_loop3A_545 = tpu.vector_load %arg5[%parallel_loop3A_543, %parallel_loop3A_544] {strides = array<i32>} : memref<1000x16xi32, #tpu.memory_space<vmem>>, vector<16xi32>,
      %parallel_loop3A_546 = vector.bitcast %parallel_loop3A_545 : vector<16xi32> to vector<32xbf16>
      %parallel_loop3A_547 = vector.extract_strided_slice %parallel_loop3A_480 {offsets = [10], sizes = [1], strides = [1]} : vector<16xi32> to vector<1xi32>
      %parallel_loop3A_548 = vector.extract %parallel_loop3A_547[0] : i32 from vector<1xi32>
      %parallel_loop3A_549 = arith.index_cast %parallel_loop3A_548 : i32 to index
      %parallel_loop3A_550 = arith.constant 0 : index
      %parallel_loop3A_551 = tpu.vector_load %arg5[%parallel_loop3A_549, %parallel_loop3A_550] {strides = array<i32>} : memref<1000x16xi32, #tpu.memory_space<vmem>>, vector<16xi32>,
      %parallel_loop3A_552 = vector.bitcast %parallel_loop3A_551 : vector<16xi32> to vector<32xbf16>
      %parallel_loop3A_553 = vector.extract_strided_slice %parallel_loop3A_480 {offsets = [11], sizes = [1], strides = [1]} : vector<16xi32> to vector<1xi32>
      %parallel_loop3A_554 = vector.extract %parallel_loop3A_553[0] : i32 from vector<1xi32>
      %parallel_loop3A_555 = arith.index_cast %parallel_loop3A_554 : i32 to index
      %parallel_loop3A_556 = arith.constant 0 : index
      %parallel_loop3A_557 = tpu.vector_load %arg5[%parallel_loop3A_555, %parallel_loop3A_556] {strides = array<i32>} : memref<1000x16xi32, #tpu.memory_space<vmem>>, vector<16xi32>,
      %parallel_loop3A_558 = vector.bitcast %parallel_loop3A_557 : vector<16xi32> to vector<32xbf16>
      %parallel_loop3A_559 = vector.extract_strided_slice %parallel_loop3A_480 {offsets = [12], sizes = [1], strides = [1]} : vector<16xi32> to vector<1xi32>
      %parallel_loop3A_560 = vector.extract %parallel_loop3A_559[0] : i32 from vector<1xi32>
      %parallel_loop3A_561 = arith.index_cast %parallel_loop3A_560 : i32 to index
      %parallel_loop3A_562 = arith.constant 0 : index
      %parallel_loop3A_563 = tpu.vector_load %arg5[%parallel_loop3A_561, %parallel_loop3A_562] {strides = array<i32>} : memref<1000x16xi32, #tpu.memory_space<vmem>>, vector<16xi32>,
      %parallel_loop3A_564 = vector.bitcast %parallel_loop3A_563 : vector<16xi32> to vector<32xbf16>
      %parallel_loop3A_565 = vector.extract_strided_slice %parallel_loop3A_480 {offsets = [13], sizes = [1], strides = [1]} : vector<16xi32> to vector<1xi32>
      %parallel_loop3A_566 = vector.extract %parallel_loop3A_565[0] : i32 from vector<1xi32>
      %parallel_loop3A_567 = arith.index_cast %parallel_loop3A_566 : i32 to index
      %parallel_loop3A_568 = arith.constant 0 : index
      %parallel_loop3A_569 = tpu.vector_load %arg5[%parallel_loop3A_567, %parallel_loop3A_568] {strides = array<i32>} : memref<1000x16xi32, #tpu.memory_space<vmem>>, vector<16xi32>,
      %parallel_loop3A_570 = vector.bitcast %parallel_loop3A_569 : vector<16xi32> to vector<32xbf16>
      %parallel_loop3A_571 = vector.extract_strided_slice %parallel_loop3A_480 {offsets = [14], sizes = [1], strides = [1]} : vector<16xi32> to vector<1xi32>
      %parallel_loop3A_572 = vector.extract %parallel_loop3A_571[0] : i32 from vector<1xi32>
      %parallel_loop3A_573 = arith.index_cast %parallel_loop3A_572 : i32 to index
      %parallel_loop3A_574 = arith.constant 0 : index
      %parallel_loop3A_575 = tpu.vector_load %arg5[%parallel_loop3A_573, %parallel_loop3A_574] {strides = array<i32>} : memref<1000x16xi32, #tpu.memory_space<vmem>>, vector<16xi32>,
      %parallel_loop3A_576 = vector.bitcast %parallel_loop3A_575 : vector<16xi32> to vector<32xbf16>
      %parallel_loop3A_577 = vector.extract_strided_slice %parallel_loop3A_480 {offsets = [15], sizes = [1], strides = [1]} : vector<16xi32> to vector<1xi32>
      %parallel_loop3A_578 = vector.extract %parallel_loop3A_577[0] : i32 from vector<1xi32>
      %parallel_loop3A_579 = arith.index_cast %parallel_loop3A_578 : i32 to index
      %parallel_loop3A_580 = arith.constant 0 : index
      %parallel_loop3A_581 = tpu.vector_load %arg5[%parallel_loop3A_579, %parallel_loop3A_580] {strides = array<i32>} : memref<1000x16xi32, #tpu.memory_space<vmem>>, vector<16xi32>,
      %parallel_loop3A_582 = vector.bitcast %parallel_loop3A_581 : vector<16xi32> to vector<32xbf16>
      %parallel_loop3A_583 = vector.extract_strided_slice %parallel_loop3A_486 {offsets = [0], sizes = [1], strides = [1]} : vector<16xi32> to vector<1xi32>
      %parallel_loop3A_584 = vector.extract %parallel_loop3A_583[0] : i32 from vector<1xi32>
      %parallel_loop3A_585 = arith.index_cast %parallel_loop3A_584 : i32 to index
      %parallel_loop3A_586 = arith.constant 0 : index
      %parallel_loop3A_587 = tpu.vector_load %arg5[%parallel_loop3A_585, %parallel_loop3A_586] {strides = array<i32>} : memref<1000x16xi32, #tpu.memory_space<vmem>>, vector<16xi32>,
      %parallel_loop3A_588 = vector.bitcast %parallel_loop3A_587 : vector<16xi32> to vector<32xbf16>
      %parallel_loop3A_589 = vector.extract_strided_slice %parallel_loop3A_486 {offsets = [1], sizes = [1], strides = [1]} : vector<16xi32> to vector<1xi32>
      %parallel_loop3A_590 = vector.extract %parallel_loop3A_589[0] : i32 from vector<1xi32>
      %parallel_loop3A_591 = arith.index_cast %parallel_loop3A_590 : i32 to index
      %parallel_loop3A_592 = arith.constant 0 : index
      %parallel_loop3A_593 = tpu.vector_load %arg5[%parallel_loop3A_591, %parallel_loop3A_592] {strides = array<i32>} : memref<1000x16xi32, #tpu.memory_space<vmem>>, vector<16xi32>,
      %parallel_loop3A_594 = vector.bitcast %parallel_loop3A_593 : vector<16xi32> to vector<32xbf16>
      %parallel_loop3A_595 = vector.extract_strided_slice %parallel_loop3A_486 {offsets = [2], sizes = [1], strides = [1]} : vector<16xi32> to vector<1xi32>
      %parallel_loop3A_596 = vector.extract %parallel_loop3A_595[0] : i32 from vector<1xi32>
      %parallel_loop3A_597 = arith.index_cast %parallel_loop3A_596 : i32 to index
      %parallel_loop3A_598 = arith.constant 0 : index
      %parallel_loop3A_599 = tpu.vector_load %arg5[%parallel_loop3A_597, %parallel_loop3A_598] {strides = array<i32>} : memref<1000x16xi32, #tpu.memory_space<vmem>>, vector<16xi32>,
      %parallel_loop3A_600 = vector.bitcast %parallel_loop3A_599 : vector<16xi32> to vector<32xbf16>
      %parallel_loop3A_601 = vector.extract_strided_slice %parallel_loop3A_486 {offsets = [3], sizes = [1], strides = [1]} : vector<16xi32> to vector<1xi32>
      %parallel_loop3A_602 = vector.extract %parallel_loop3A_601[0] : i32 from vector<1xi32>
      %parallel_loop3A_603 = arith.index_cast %parallel_loop3A_602 : i32 to index
      %parallel_loop3A_604 = arith.constant 0 : index
      %parallel_loop3A_605 = tpu.vector_load %arg5[%parallel_loop3A_603, %parallel_loop3A_604] {strides = array<i32>} : memref<1000x16xi32, #tpu.memory_space<vmem>>, vector<16xi32>,
      %parallel_loop3A_606 = vector.bitcast %parallel_loop3A_605 : vector<16xi32> to vector<32xbf16>
      %parallel_loop3A_607 = arith.addf %parallel_loop3A_492, %parallel_loop3A_498 : vector<32xbf16>
      %parallel_loop3A_608 = arith.addf %parallel_loop3A_504, %parallel_loop3A_510 : vector<32xbf16>
      %parallel_loop3A_609 = arith.addf %parallel_loop3A_516, %parallel_loop3A_522 : vector<32xbf16>
      %parallel_loop3A_610 = arith.addf %parallel_loop3A_528, %parallel_loop3A_534 : vector<32xbf16>
      %parallel_loop3A_611 = arith.addf %parallel_loop3A_540, %parallel_loop3A_546 : vector<32xbf16>
      %parallel_loop3A_612 = arith.addf %parallel_loop3A_552, %parallel_loop3A_558 : vector<32xbf16>
      %parallel_loop3A_613 = arith.addf %parallel_loop3A_564, %parallel_loop3A_570 : vector<32xbf16>
      %parallel_loop3A_614 = arith.addf %parallel_loop3A_576, %parallel_loop3A_582 : vector<32xbf16>
      %parallel_loop3A_615 = arith.addf %parallel_loop3A_588, %parallel_loop3A_594 : vector<32xbf16>
      %parallel_loop3A_616 = arith.addf %parallel_loop3A_600, %parallel_loop3A_606 : vector<32xbf16>
      %parallel_loop3A_617 = arith.addf %parallel_loop3A_607, %parallel_loop3A_608 : vector<32xbf16>
      %parallel_loop3A_618 = arith.addf %parallel_loop3A_609, %parallel_loop3A_610 : vector<32xbf16>
      %parallel_loop3A_619 = arith.addf %parallel_loop3A_611, %parallel_loop3A_612 : vector<32xbf16>
      %parallel_loop3A_620 = arith.addf %parallel_loop3A_613, %parallel_loop3A_614 : vector<32xbf16>
      %parallel_loop3A_621 = arith.addf %parallel_loop3A_615, %parallel_loop3A_616 : vector<32xbf16>
      %parallel_loop3A_622 = arith.addf %parallel_loop3A_617, %parallel_loop3A_618 : vector<32xbf16>
      %parallel_loop3A_623 = arith.addf %parallel_loop3A_619, %parallel_loop3A_620 : vector<32xbf16>
      %parallel_loop3A_624 = arith.addf %parallel_loop3A_622, %parallel_loop3A_623 : vector<32xbf16>
      %parallel_loop3A_625 = arith.addf %parallel_loop3A_624, %parallel_loop3A_621 : vector<32xbf16>
      %parallel_loop3A_626 = tpu.unpack_subelements %parallel_loop3A_625, 0 {pack_format = #tpu.pack_format<interleaved>} : vector<32xbf16> -> vector<16xf32>
      %parallel_loop3A_627 = tpu.unpack_subelements %parallel_loop3A_625, 1 {pack_format = #tpu.pack_format<interleaved>} : vector<32xbf16> -> vector<16xf32>
      %parallel_loop3A_628 = arith.constant 32 : i32
      %parallel_loop3A_629 = arith.muli %parallel_loop3A_474, %parallel_loop3A_628 : i32
      %parallel_loop3A_630 = arith.constant 0 : i32
      %parallel_loop3A_631 = arith.index_cast %parallel_loop3A_630 : i32 to index
      %parallel_loop3A_632 = arith.index_cast %parallel_loop3A_629 : i32 to index
      %parallel_loop3A_633 = tpu.vector_load %arg7[%parallel_loop3A_631, %parallel_loop3A_632] {strides = array<i32>} : memref<2x20480xf32, #tpu.memory_space<vmem>>, vector<16xf32>,
      tpu.vector_store %arg7[%parallel_loop3A_631, %parallel_loop3A_632], %parallel_loop3A_626 {strides = array<i32>} : memref<2x20480xf32, #tpu.memory_space<vmem>>, vector<16xf32>,
      %parallel_loop3A_634 = arith.constant 32 : i32
      %parallel_loop3A_635 = arith.muli %parallel_loop3A_474, %parallel_loop3A_634 : i32
      %parallel_loop3A_636 = arith.constant 16 : i32
      %parallel_loop3A_637 = arith.addi %parallel_loop3A_635, %parallel_loop3A_636 : i32
      %parallel_loop3A_638 = arith.constant 0 : i32
      %parallel_loop3A_639 = arith.index_cast %parallel_loop3A_638 : i32 to index
      %parallel_loop3A_640 = arith.index_cast %parallel_loop3A_637 : i32 to index
      %parallel_loop3A_641 = tpu.vector_load %arg7[%parallel_loop3A_639, %parallel_loop3A_640] {strides = array<i32>} : memref<2x20480xf32, #tpu.memory_space<vmem>>, vector<16xf32>,
      tpu.vector_store %arg7[%parallel_loop3A_639, %parallel_loop3A_640], %parallel_loop3A_627 {strides = array<i32>} : memref<2x20480xf32, #tpu.memory_space<vmem>>, vector<16xf32>,
    } {sc.loop_unroll_factor = 2 : i64, sc.parallel_access}
    %add3A_315 = arith.constant 3840 : i32
    %add3A_316 = arith.addi %mul3A_2, %add3A_315 : i32
    %mul3A_317 = arith.constant 32 : i32
    %mul3A_318 = arith.muli %add3A_316, %mul3A_317 : i32
    %dma_start3A_319 = arith.constant 0 : i32
    %dma_start3A_320 = arith.constant 0 : i32
    %dma_start3A_321 = tpu.memref_slice %arg7[%dma_start3A_319, %dma_start3A_320] : memref<2x20480xf32, #tpu.memory_space<vmem>> -> memref<1x20480xf32, #tpu.memory_space<vmem>>
    %dma_start3A_322 = tpu.memref_squeeze %dma_start3A_321 : memref<1x20480xf32, #tpu.memory_space<vmem>> -> memref<20480xf32, #tpu.memory_space<vmem>>
    %dma_start3A_323 = tpu.memref_slice %arg4[%mul3A_318] : memref<6553600xf32, #tpu.memory_space<hbm>> -> memref<20480xf32, #tpu.memory_space<hbm>>
    %dma_start3A_324 = tpu.memref_slice %arg4[%mul3A_318] : memref<6553600xf32, #tpu.memory_space<hbm>> -> memref<20480xf32, #tpu.memory_space<hbm>>
    %dma_start3A_325 = arith.constant 0 : i32
    %dma_start3A_326 = tpu.memref_slice %arg7[%dma_start3A_319, %dma_start3A_325] : memref<2x20480xf32, #tpu.memory_space<vmem>> -> memref<1x20480xf32, #tpu.memory_space<vmem>>
    %dma_start3A_327 = tpu.memref_squeeze %dma_start3A_326 : memref<1x20480xf32, #tpu.memory_space<vmem>> -> memref<20480xf32, #tpu.memory_space<vmem>>
    tpu.enqueue_dma source(%dma_start3A_327 : memref<20480xf32, #tpu.memory_space<vmem>>) target(%dma_start3A_324 : memref<20480xf32, #tpu.memory_space<hbm>>) target_semaphore(%arg10 : memref<!tpu.dma_semaphore, #tpu.memory_space<semaphore_mem>>)
    %add3A_328 = arith.constant 5120 : i32
    %add3A_329 = arith.addi %mul3A_2, %add3A_328 : i32
    %mul3A_330 = arith.constant 20 : i32
    %mul3A_331 = arith.muli %add3A_329, %mul3A_330 : i32
    %dma_start3A_332 = arith.constant 0 : i32
    %dma_start3A_333 = arith.constant 0 : i32
    %dma_start3A_334 = tpu.memref_slice %arg6[%dma_start3A_332, %dma_start3A_333] : memref<2x12816xi32, #tpu.memory_space<vmem>> -> memref<1x12800xi32, #tpu.memory_space<vmem>>
    %dma_start3A_335 = tpu.memref_squeeze %dma_start3A_334 : memref<1x12800xi32, #tpu.memory_space<vmem>> -> memref<12800xi32, #tpu.memory_space<vmem>>
    %dma_start3A_336 = tpu.memref_slice %arg2[%mul3A_331] : memref<4096000xi32, #tpu.memory_space<hbm>> -> memref<12800xi32, #tpu.memory_space<hbm>>
    %dma_start3A_337 = arith.constant 0 : i32
    %dma_start3A_338 = tpu.memref_slice %arg6[%dma_start3A_332, %dma_start3A_337] : memref<2x12816xi32, #tpu.memory_space<vmem>> -> memref<1x12800xi32, #tpu.memory_space<vmem>>
    %dma_start3A_339 = tpu.memref_squeeze %dma_start3A_338 : memref<1x12800xi32, #tpu.memory_space<vmem>> -> memref<12800xi32, #tpu.memory_space<vmem>>
    %dma_start3A_340 = tpu.memref_slice %arg2[%mul3A_331] : memref<4096000xi32, #tpu.memory_space<hbm>> -> memref<12800xi32, #tpu.memory_space<hbm>>
    tpu.enqueue_dma source(%dma_start3A_340 : memref<12800xi32, #tpu.memory_space<hbm>>) target(%dma_start3A_339 : memref<12800xi32, #tpu.memory_space<vmem>>) target_semaphore(%arg8 : memref<!tpu.dma_semaphore, #tpu.memory_space<semaphore_mem>>)
    %dma_wait3A_341 = arith.constant 1 : i32
    %dma_wait3A_342 = arith.constant 0 : i32
    %dma_wait3A_343 = tpu.memref_slice %arg6[%dma_wait3A_341, %dma_wait3A_342] : memref<2x12816xi32, #tpu.memory_space<vmem>> -> memref<1x12800xi32, #tpu.memory_space<vmem>>
    %dma_wait3A_344 = tpu.memref_squeeze %dma_wait3A_343 : memref<1x12800xi32, #tpu.memory_space<vmem>> -> memref<12800xi32, #tpu.memory_space<vmem>>
    %dma_wait3A_345 = tpu.memref_slice %arg2[%mul3A_284] : memref<4096000xi32, #tpu.memory_space<hbm>> -> memref<12800xi32, #tpu.memory_space<hbm>>
    %dma_wait3A_346 = arith.constant 0 : i32
    %dma_wait3A_347 = tpu.memref_slice %arg6[%dma_wait3A_341, %dma_wait3A_346] : memref<2x12816xi32, #tpu.memory_space<vmem>> -> memref<1x12800xi32, #tpu.memory_space<vmem>>
    %dma_wait3A_348 = tpu.memref_squeeze %dma_wait3A_347 : memref<1x12800xi32, #tpu.memory_space<vmem>> -> memref<12800xi32, #tpu.memory_space<vmem>>
    %dma_wait3A_349 = tpu.memref_slice %arg2[%mul3A_284] : memref<4096000xi32, #tpu.memory_space<hbm>> -> memref<12800xi32, #tpu.memory_space<hbm>>
    tpu.wait_dma2 semaphore(%arg9 : memref<!tpu.dma_semaphore, #tpu.memory_space<semaphore_mem>>) src(%dma_wait3A_349 : memref<12800xi32, #tpu.memory_space<hbm>>) dst(%dma_wait3A_348 : memref<12800xi32, #tpu.memory_space<vmem>>)
    %dma_wait3A_350 = arith.constant 1 : i32
    %dma_wait3A_351 = arith.constant 0 : i32
    %dma_wait3A_352 = tpu.memref_slice %arg7[%dma_wait3A_350, %dma_wait3A_351] : memref<2x20480xf32, #tpu.memory_space<vmem>> -> memref<1x20480xf32, #tpu.memory_space<vmem>>
    %dma_wait3A_353 = tpu.memref_squeeze %dma_wait3A_352 : memref<1x20480xf32, #tpu.memory_space<vmem>> -> memref<20480xf32, #tpu.memory_space<vmem>>
    %dma_wait3A_354 = tpu.memref_slice %arg4[%mul3A_271] : memref<6553600xf32, #tpu.memory_space<hbm>> -> memref<20480xf32, #tpu.memory_space<hbm>>
    %dma_wait3A_355 = tpu.memref_slice %arg4[%mul3A_271] : memref<6553600xf32, #tpu.memory_space<hbm>> -> memref<20480xf32, #tpu.memory_space<hbm>>
    %dma_wait3A_356 = arith.constant 0 : i32
    %dma_wait3A_357 = tpu.memref_slice %arg7[%dma_wait3A_350, %dma_wait3A_356] : memref<2x20480xf32, #tpu.memory_space<vmem>> -> memref<1x20480xf32, #tpu.memory_space<vmem>>
    %dma_wait3A_358 = tpu.memref_squeeze %dma_wait3A_357 : memref<1x20480xf32, #tpu.memory_space<vmem>> -> memref<20480xf32, #tpu.memory_space<vmem>>
    tpu.wait_dma2 semaphore(%arg11 : memref<!tpu.dma_semaphore, #tpu.memory_space<semaphore_mem>>) src(%dma_wait3A_358 : memref<20480xf32, #tpu.memory_space<vmem>>) dst(%dma_wait3A_355 : memref<20480xf32, #tpu.memory_space<hbm>>)
    %parallel_loop3A_359 = arith.constant 0 : i32
    %parallel_loop3A_360 = arith.constant 640 : i32
    %parallel_loop3A_361 = arith.constant 1 : i32
    scf.for %parallel_loop3A_474 = %parallel_loop3A_359 to %parallel_loop3A_360 step %parallel_loop3A_361  : i32 {
      %parallel_loop3A_475 = arith.constant 20 : i32
      %parallel_loop3A_476 = arith.muli %parallel_loop3A_474, %parallel_loop3A_475 : i32
      %parallel_loop3A_477 = arith.constant 1 : i32
      %parallel_loop3A_478 = arith.index_cast %parallel_loop3A_477 : i32 to index
      %parallel_loop3A_479 = arith.index_cast %parallel_loop3A_476 : i32 to index
      %parallel_loop3A_480 = tpu.vector_load %arg6[%parallel_loop3A_478, %parallel_loop3A_479] {strides = array<i32>} : memref<2x12816xi32, #tpu.memory_space<vmem>>, vector<16xi32>,
      %parallel_loop3A_481 = arith.constant 16 : i32
      %parallel_loop3A_482 = arith.addi %parallel_loop3A_476, %parallel_loop3A_481 : i32
      %parallel_loop3A_483 = arith.constant 1 : i32
      %parallel_loop3A_484 = arith.index_cast %parallel_loop3A_483 : i32 to index
      %parallel_loop3A_485 = arith.index_cast %parallel_loop3A_482 : i32 to index
      %parallel_loop3A_486 = tpu.vector_load %arg6[%parallel_loop3A_484, %parallel_loop3A_485] {strides = array<i32>} : memref<2x12816xi32, #tpu.memory_space<vmem>>, vector<16xi32>,
      %parallel_loop3A_487 = vector.extract_strided_slice %parallel_loop3A_480 {offsets = [0], sizes = [1], strides = [1]} : vector<16xi32> to vector<1xi32>
      %parallel_loop3A_488 = vector.extract %parallel_loop3A_487[0] : i32 from vector<1xi32>
      %parallel_loop3A_489 = arith.index_cast %parallel_loop3A_488 : i32 to index
      %parallel_loop3A_490 = arith.constant 0 : index
      %parallel_loop3A_491 = tpu.vector_load %arg5[%parallel_loop3A_489, %parallel_loop3A_490] {strides = array<i32>} : memref<1000x16xi32, #tpu.memory_space<vmem>>, vector<16xi32>,
      %parallel_loop3A_492 = vector.bitcast %parallel_loop3A_491 : vector<16xi32> to vector<32xbf16>
      %parallel_loop3A_493 = vector.extract_strided_slice %parallel_loop3A_480 {offsets = [1], sizes = [1], strides = [1]} : vector<16xi32> to vector<1xi32>
      %parallel_loop3A_494 = vector.extract %parallel_loop3A_493[0] : i32 from vector<1xi32>
      %parallel_loop3A_495 = arith.index_cast %parallel_loop3A_494 : i32 to index
      %parallel_loop3A_496 = arith.constant 0 : index
      %parallel_loop3A_497 = tpu.vector_load %arg5[%parallel_loop3A_495, %parallel_loop3A_496] {strides = array<i32>} : memref<1000x16xi32, #tpu.memory_space<vmem>>, vector<16xi32>,
      %parallel_loop3A_498 = vector.bitcast %parallel_loop3A_497 : vector<16xi32> to vector<32xbf16>
      %parallel_loop3A_499 = vector.extract_strided_slice %parallel_loop3A_480 {offsets = [2], sizes = [1], strides = [1]} : vector<16xi32> to vector<1xi32>
      %parallel_loop3A_500 = vector.extract %parallel_loop3A_499[0] : i32 from vector<1xi32>
      %parallel_loop3A_501 = arith.index_cast %parallel_loop3A_500 : i32 to index
      %parallel_loop3A_502 = arith.constant 0 : index
      %parallel_loop3A_503 = tpu.vector_load %arg5[%parallel_loop3A_501, %parallel_loop3A_502] {strides = array<i32>} : memref<1000x16xi32, #tpu.memory_space<vmem>>, vector<16xi32>,
      %parallel_loop3A_504 = vector.bitcast %parallel_loop3A_503 : vector<16xi32> to vector<32xbf16>
      %parallel_loop3A_505 = vector.extract_strided_slice %parallel_loop3A_480 {offsets = [3], sizes = [1], strides = [1]} : vector<16xi32> to vector<1xi32>
      %parallel_loop3A_506 = vector.extract %parallel_loop3A_505[0] : i32 from vector<1xi32>
      %parallel_loop3A_507 = arith.index_cast %parallel_loop3A_506 : i32 to index
      %parallel_loop3A_508 = arith.constant 0 : index
      %parallel_loop3A_509 = tpu.vector_load %arg5[%parallel_loop3A_507, %parallel_loop3A_508] {strides = array<i32>} : memref<1000x16xi32, #tpu.memory_space<vmem>>, vector<16xi32>,
      %parallel_loop3A_510 = vector.bitcast %parallel_loop3A_509 : vector<16xi32> to vector<32xbf16>
      %parallel_loop3A_511 = vector.extract_strided_slice %parallel_loop3A_480 {offsets = [4], sizes = [1], strides = [1]} : vector<16xi32> to vector<1xi32>
      %parallel_loop3A_512 = vector.extract %parallel_loop3A_511[0] : i32 from vector<1xi32>
      %parallel_loop3A_513 = arith.index_cast %parallel_loop3A_512 : i32 to index
      %parallel_loop3A_514 = arith.constant 0 : index
      %parallel_loop3A_515 = tpu.vector_load %arg5[%parallel_loop3A_513, %parallel_loop3A_514] {strides = array<i32>} : memref<1000x16xi32, #tpu.memory_space<vmem>>, vector<16xi32>,
      %parallel_loop3A_516 = vector.bitcast %parallel_loop3A_515 : vector<16xi32> to vector<32xbf16>
      %parallel_loop3A_517 = vector.extract_strided_slice %parallel_loop3A_480 {offsets = [5], sizes = [1], strides = [1]} : vector<16xi32> to vector<1xi32>
      %parallel_loop3A_518 = vector.extract %parallel_loop3A_517[0] : i32 from vector<1xi32>
      %parallel_loop3A_519 = arith.index_cast %parallel_loop3A_518 : i32 to index
      %parallel_loop3A_520 = arith.constant 0 : index
      %parallel_loop3A_521 = tpu.vector_load %arg5[%parallel_loop3A_519, %parallel_loop3A_520] {strides = array<i32>} : memref<1000x16xi32, #tpu.memory_space<vmem>>, vector<16xi32>,
      %parallel_loop3A_522 = vector.bitcast %parallel_loop3A_521 : vector<16xi32> to vector<32xbf16>
      %parallel_loop3A_523 = vector.extract_strided_slice %parallel_loop3A_480 {offsets = [6], sizes = [1], strides = [1]} : vector<16xi32> to vector<1xi32>
      %parallel_loop3A_524 = vector.extract %parallel_loop3A_523[0] : i32 from vector<1xi32>
      %parallel_loop3A_525 = arith.index_cast %parallel_loop3A_524 : i32 to index
      %parallel_loop3A_526 = arith.constant 0 : index
      %parallel_loop3A_527 = tpu.vector_load %arg5[%parallel_loop3A_525, %parallel_loop3A_526] {strides = array<i32>} : memref<1000x16xi32, #tpu.memory_space<vmem>>, vector<16xi32>,
      %parallel_loop3A_528 = vector.bitcast %parallel_loop3A_527 : vector<16xi32> to vector<32xbf16>
      %parallel_loop3A_529 = vector.extract_strided_slice %parallel_loop3A_480 {offsets = [7], sizes = [1], strides = [1]} : vector<16xi32> to vector<1xi32>
      %parallel_loop3A_530 = vector.extract %parallel_loop3A_529[0] : i32 from vector<1xi32>
      %parallel_loop3A_531 = arith.index_cast %parallel_loop3A_530 : i32 to index
      %parallel_loop3A_532 = arith.constant 0 : index
      %parallel_loop3A_533 = tpu.vector_load %arg5[%parallel_loop3A_531, %parallel_loop3A_532] {strides = array<i32>} : memref<1000x16xi32, #tpu.memory_space<vmem>>, vector<16xi32>,
      %parallel_loop3A_534 = vector.bitcast %parallel_loop3A_533 : vector<16xi32> to vector<32xbf16>
      %parallel_loop3A_535 = vector.extract_strided_slice %parallel_loop3A_480 {offsets = [8], sizes = [1], strides = [1]} : vector<16xi32> to vector<1xi32>
      %parallel_loop3A_536 = vector.extract %parallel_loop3A_535[0] : i32 from vector<1xi32>
      %parallel_loop3A_537 = arith.index_cast %parallel_loop3A_536 : i32 to index
      %parallel_loop3A_538 = arith.constant 0 : index
      %parallel_loop3A_539 = tpu.vector_load %arg5[%parallel_loop3A_537, %parallel_loop3A_538] {strides = array<i32>} : memref<1000x16xi32, #tpu.memory_space<vmem>>, vector<16xi32>,
      %parallel_loop3A_540 = vector.bitcast %parallel_loop3A_539 : vector<16xi32> to vector<32xbf16>
      %parallel_loop3A_541 = vector.extract_strided_slice %parallel_loop3A_480 {offsets = [9], sizes = [1], strides = [1]} : vector<16xi32> to vector<1xi32>
      %parallel_loop3A_542 = vector.extract %parallel_loop3A_541[0] : i32 from vector<1xi32>
      %parallel_loop3A_543 = arith.index_cast %parallel_loop3A_542 : i32 to index
      %parallel_loop3A_544 = arith.constant 0 : index
      %parallel_loop3A_545 = tpu.vector_load %arg5[%parallel_loop3A_543, %parallel_loop3A_544] {strides = array<i32>} : memref<1000x16xi32, #tpu.memory_space<vmem>>, vector<16xi32>,
      %parallel_loop3A_546 = vector.bitcast %parallel_loop3A_545 : vector<16xi32> to vector<32xbf16>
      %parallel_loop3A_547 = vector.extract_strided_slice %parallel_loop3A_480 {offsets = [10], sizes = [1], strides = [1]} : vector<16xi32> to vector<1xi32>
      %parallel_loop3A_548 = vector.extract %parallel_loop3A_547[0] : i32 from vector<1xi32>
      %parallel_loop3A_549 = arith.index_cast %parallel_loop3A_548 : i32 to index
      %parallel_loop3A_550 = arith.constant 0 : index
      %parallel_loop3A_551 = tpu.vector_load %arg5[%parallel_loop3A_549, %parallel_loop3A_550] {strides = array<i32>} : memref<1000x16xi32, #tpu.memory_space<vmem>>, vector<16xi32>,
      %parallel_loop3A_552 = vector.bitcast %parallel_loop3A_551 : vector<16xi32> to vector<32xbf16>
      %parallel_loop3A_553 = vector.extract_strided_slice %parallel_loop3A_480 {offsets = [11], sizes = [1], strides = [1]} : vector<16xi32> to vector<1xi32>
      %parallel_loop3A_554 = vector.extract %parallel_loop3A_553[0] : i32 from vector<1xi32>
      %parallel_loop3A_555 = arith.index_cast %parallel_loop3A_554 : i32 to index
      %parallel_loop3A_556 = arith.constant 0 : index
      %parallel_loop3A_557 = tpu.vector_load %arg5[%parallel_loop3A_555, %parallel_loop3A_556] {strides = array<i32>} : memref<1000x16xi32, #tpu.memory_space<vmem>>, vector<16xi32>,
      %parallel_loop3A_558 = vector.bitcast %parallel_loop3A_557 : vector<16xi32> to vector<32xbf16>
      %parallel_loop3A_559 = vector.extract_strided_slice %parallel_loop3A_480 {offsets = [12], sizes = [1], strides = [1]} : vector<16xi32> to vector<1xi32>
      %parallel_loop3A_560 = vector.extract %parallel_loop3A_559[0] : i32 from vector<1xi32>
      %parallel_loop3A_561 = arith.index_cast %parallel_loop3A_560 : i32 to index
      %parallel_loop3A_562 = arith.constant 0 : index
      %parallel_loop3A_563 = tpu.vector_load %arg5[%parallel_loop3A_561, %parallel_loop3A_562] {strides = array<i32>} : memref<1000x16xi32, #tpu.memory_space<vmem>>, vector<16xi32>,
      %parallel_loop3A_564 = vector.bitcast %parallel_loop3A_563 : vector<16xi32> to vector<32xbf16>
      %parallel_loop3A_565 = vector.extract_strided_slice %parallel_loop3A_480 {offsets = [13], sizes = [1], strides = [1]} : vector<16xi32> to vector<1xi32>
      %parallel_loop3A_566 = vector.extract %parallel_loop3A_565[0] : i32 from vector<1xi32>
      %parallel_loop3A_567 = arith.index_cast %parallel_loop3A_566 : i32 to index
      %parallel_loop3A_568 = arith.constant 0 : index
      %parallel_loop3A_569 = tpu.vector_load %arg5[%parallel_loop3A_567, %parallel_loop3A_568] {strides = array<i32>} : memref<1000x16xi32, #tpu.memory_space<vmem>>, vector<16xi32>,
      %parallel_loop3A_570 = vector.bitcast %parallel_loop3A_569 : vector<16xi32> to vector<32xbf16>
      %parallel_loop3A_571 = vector.extract_strided_slice %parallel_loop3A_480 {offsets = [14], sizes = [1], strides = [1]} : vector<16xi32> to vector<1xi32>
      %parallel_loop3A_572 = vector.extract %parallel_loop3A_571[0] : i32 from vector<1xi32>
      %parallel_loop3A_573 = arith.index_cast %parallel_loop3A_572 : i32 to index
      %parallel_loop3A_574 = arith.constant 0 : index
      %parallel_loop3A_575 = tpu.vector_load %arg5[%parallel_loop3A_573, %parallel_loop3A_574] {strides = array<i32>} : memref<1000x16xi32, #tpu.memory_space<vmem>>, vector<16xi32>,
      %parallel_loop3A_576 = vector.bitcast %parallel_loop3A_575 : vector<16xi32> to vector<32xbf16>
      %parallel_loop3A_577 = vector.extract_strided_slice %parallel_loop3A_480 {offsets = [15], sizes = [1], strides = [1]} : vector<16xi32> to vector<1xi32>
      %parallel_loop3A_578 = vector.extract %parallel_loop3A_577[0] : i32 from vector<1xi32>
      %parallel_loop3A_579 = arith.index_cast %parallel_loop3A_578 : i32 to index
      %parallel_loop3A_580 = arith.constant 0 : index
      %parallel_loop3A_581 = tpu.vector_load %arg5[%parallel_loop3A_579, %parallel_loop3A_580] {strides = array<i32>} : memref<1000x16xi32, #tpu.memory_space<vmem>>, vector<16xi32>,
      %parallel_loop3A_582 = vector.bitcast %parallel_loop3A_581 : vector<16xi32> to vector<32xbf16>
      %parallel_loop3A_583 = vector.extract_strided_slice %parallel_loop3A_486 {offsets = [0], sizes = [1], strides = [1]} : vector<16xi32> to vector<1xi32>
      %parallel_loop3A_584 = vector.extract %parallel_loop3A_583[0] : i32 from vector<1xi32>
      %parallel_loop3A_585 = arith.index_cast %parallel_loop3A_584 : i32 to index
      %parallel_loop3A_586 = arith.constant 0 : index
      %parallel_loop3A_587 = tpu.vector_load %arg5[%parallel_loop3A_585, %parallel_loop3A_586] {strides = array<i32>} : memref<1000x16xi32, #tpu.memory_space<vmem>>, vector<16xi32>,
      %parallel_loop3A_588 = vector.bitcast %parallel_loop3A_587 : vector<16xi32> to vector<32xbf16>
      %parallel_loop3A_589 = vector.extract_strided_slice %parallel_loop3A_486 {offsets = [1], sizes = [1], strides = [1]} : vector<16xi32> to vector<1xi32>
      %parallel_loop3A_590 = vector.extract %parallel_loop3A_589[0] : i32 from vector<1xi32>
      %parallel_loop3A_591 = arith.index_cast %parallel_loop3A_590 : i32 to index
      %parallel_loop3A_592 = arith.constant 0 : index
      %parallel_loop3A_593 = tpu.vector_load %arg5[%parallel_loop3A_591, %parallel_loop3A_592] {strides = array<i32>} : memref<1000x16xi32, #tpu.memory_space<vmem>>, vector<16xi32>,
      %parallel_loop3A_594 = vector.bitcast %parallel_loop3A_593 : vector<16xi32> to vector<32xbf16>
      %parallel_loop3A_595 = vector.extract_strided_slice %parallel_loop3A_486 {offsets = [2], sizes = [1], strides = [1]} : vector<16xi32> to vector<1xi32>
      %parallel_loop3A_596 = vector.extract %parallel_loop3A_595[0] : i32 from vector<1xi32>
      %parallel_loop3A_597 = arith.index_cast %parallel_loop3A_596 : i32 to index
      %parallel_loop3A_598 = arith.constant 0 : index
      %parallel_loop3A_599 = tpu.vector_load %arg5[%parallel_loop3A_597, %parallel_loop3A_598] {strides = array<i32>} : memref<1000x16xi32, #tpu.memory_space<vmem>>, vector<16xi32>,
      %parallel_loop3A_600 = vector.bitcast %parallel_loop3A_599 : vector<16xi32> to vector<32xbf16>
      %parallel_loop3A_601 = vector.extract_strided_slice %parallel_loop3A_486 {offsets = [3], sizes = [1], strides = [1]} : vector<16xi32> to vector<1xi32>
      %parallel_loop3A_602 = vector.extract %parallel_loop3A_601[0] : i32 from vector<1xi32>
      %parallel_loop3A_603 = arith.index_cast %parallel_loop3A_602 : i32 to index
      %parallel_loop3A_604 = arith.constant 0 : index
      %parallel_loop3A_605 = tpu.vector_load %arg5[%parallel_loop3A_603, %parallel_loop3A_604] {strides = array<i32>} : memref<1000x16xi32, #tpu.memory_space<vmem>>, vector<16xi32>,
      %parallel_loop3A_606 = vector.bitcast %parallel_loop3A_605 : vector<16xi32> to vector<32xbf16>
      %parallel_loop3A_607 = arith.addf %parallel_loop3A_492, %parallel_loop3A_498 : vector<32xbf16>
      %parallel_loop3A_608 = arith.addf %parallel_loop3A_504, %parallel_loop3A_510 : vector<32xbf16>
      %parallel_loop3A_609 = arith.addf %parallel_loop3A_516, %parallel_loop3A_522 : vector<32xbf16>
      %parallel_loop3A_610 = arith.addf %parallel_loop3A_528, %parallel_loop3A_534 : vector<32xbf16>
      %parallel_loop3A_611 = arith.addf %parallel_loop3A_540, %parallel_loop3A_546 : vector<32xbf16>
      %parallel_loop3A_612 = arith.addf %parallel_loop3A_552, %parallel_loop3A_558 : vector<32xbf16>
      %parallel_loop3A_613 = arith.addf %parallel_loop3A_564, %parallel_loop3A_570 : vector<32xbf16>
      %parallel_loop3A_614 = arith.addf %parallel_loop3A_576, %parallel_loop3A_582 : vector<32xbf16>
      %parallel_loop3A_615 = arith.addf %parallel_loop3A_588, %parallel_loop3A_594 : vector<32xbf16>
      %parallel_loop3A_616 = arith.addf %parallel_loop3A_600, %parallel_loop3A_606 : vector<32xbf16>
      %parallel_loop3A_617 = arith.addf %parallel_loop3A_607, %parallel_loop3A_608 : vector<32xbf16>
      %parallel_loop3A_618 = arith.addf %parallel_loop3A_609, %parallel_loop3A_610 : vector<32xbf16>
      %parallel_loop3A_619 = arith.addf %parallel_loop3A_611, %parallel_loop3A_612 : vector<32xbf16>
      %parallel_loop3A_620 = arith.addf %parallel_loop3A_613, %parallel_loop3A_614 : vector<32xbf16>
      %parallel_loop3A_621 = arith.addf %parallel_loop3A_615, %parallel_loop3A_616 : vector<32xbf16>
      %parallel_loop3A_622 = arith.addf %parallel_loop3A_617, %parallel_loop3A_618 : vector<32xbf16>
      %parallel_loop3A_623 = arith.addf %parallel_loop3A_619, %parallel_loop3A_620 : vector<32xbf16>
      %parallel_loop3A_624 = arith.addf %parallel_loop3A_622, %parallel_loop3A_623 : vector<32xbf16>
      %parallel_loop3A_625 = arith.addf %parallel_loop3A_624, %parallel_loop3A_621 : vector<32xbf16>
      %parallel_loop3A_626 = tpu.unpack_subelements %parallel_loop3A_625, 0 {pack_format = #tpu.pack_format<interleaved>} : vector<32xbf16> -> vector<16xf32>
      %parallel_loop3A_627 = tpu.unpack_subelements %parallel_loop3A_625, 1 {pack_format = #tpu.pack_format<interleaved>} : vector<32xbf16> -> vector<16xf32>
      %parallel_loop3A_628 = arith.constant 32 : i32
      %parallel_loop3A_629 = arith.muli %parallel_loop3A_474, %parallel_loop3A_628 : i32
      %parallel_loop3A_630 = arith.constant 1 : i32
      %parallel_loop3A_631 = arith.index_cast %parallel_loop3A_630 : i32 to index
      %parallel_loop3A_632 = arith.index_cast %parallel_loop3A_629 : i32 to index
      %parallel_loop3A_633 = tpu.vector_load %arg7[%parallel_loop3A_631, %parallel_loop3A_632] {strides = array<i32>} : memref<2x20480xf32, #tpu.memory_space<vmem>>, vector<16xf32>,
      tpu.vector_store %arg7[%parallel_loop3A_631, %parallel_loop3A_632], %parallel_loop3A_626 {strides = array<i32>} : memref<2x20480xf32, #tpu.memory_space<vmem>>, vector<16xf32>,
      %parallel_loop3A_634 = arith.constant 32 : i32
      %parallel_loop3A_635 = arith.muli %parallel_loop3A_474, %parallel_loop3A_634 : i32
      %parallel_loop3A_636 = arith.constant 16 : i32
      %parallel_loop3A_637 = arith.addi %parallel_loop3A_635, %parallel_loop3A_636 : i32
      %parallel_loop3A_638 = arith.constant 1 : i32
      %parallel_loop3A_639 = arith.index_cast %parallel_loop3A_638 : i32 to index
      %parallel_loop3A_640 = arith.index_cast %parallel_loop3A_637 : i32 to index
      %parallel_loop3A_641 = tpu.vector_load %arg7[%parallel_loop3A_639, %parallel_loop3A_640] {strides = array<i32>} : memref<2x20480xf32, #tpu.memory_space<vmem>>, vector<16xf32>,
      tpu.vector_store %arg7[%parallel_loop3A_639, %parallel_loop3A_640], %parallel_loop3A_627 {strides = array<i32>} : memref<2x20480xf32, #tpu.memory_space<vmem>>, vector<16xf32>,
    } {sc.loop_unroll_factor = 2 : i64, sc.parallel_access}
    %add3A_362 = arith.constant 4480 : i32
    %add3A_363 = arith.addi %mul3A_2, %add3A_362 : i32
    %mul3A_364 = arith.constant 32 : i32
    %mul3A_365 = arith.muli %add3A_363, %mul3A_364 : i32
    %dma_start3A_366 = arith.constant 1 : i32
    %dma_start3A_367 = arith.constant 0 : i32
    %dma_start3A_368 = tpu.memref_slice %arg7[%dma_start3A_366, %dma_start3A_367] : memref<2x20480xf32, #tpu.memory_space<vmem>> -> memref<1x20480xf32, #tpu.memory_space<vmem>>
    %dma_start3A_369 = tpu.memref_squeeze %dma_start3A_368 : memref<1x20480xf32, #tpu.memory_space<vmem>> -> memref<20480xf32, #tpu.memory_space<vmem>>
    %dma_start3A_370 = tpu.memref_slice %arg4[%mul3A_365] : memref<6553600xf32, #tpu.memory_space<hbm>> -> memref<20480xf32, #tpu.memory_space<hbm>>
    %dma_start3A_371 = tpu.memref_slice %arg4[%mul3A_365] : memref<6553600xf32, #tpu.memory_space<hbm>> -> memref<20480xf32, #tpu.memory_space<hbm>>
    %dma_start3A_372 = arith.constant 0 : i32
    %dma_start3A_373 = tpu.memref_slice %arg7[%dma_start3A_366, %dma_start3A_372] : memref<2x20480xf32, #tpu.memory_space<vmem>> -> memref<1x20480xf32, #tpu.memory_space<vmem>>
    %dma_start3A_374 = tpu.memref_squeeze %dma_start3A_373 : memref<1x20480xf32, #tpu.memory_space<vmem>> -> memref<20480xf32, #tpu.memory_space<vmem>>
    tpu.enqueue_dma source(%dma_start3A_374 : memref<20480xf32, #tpu.memory_space<vmem>>) target(%dma_start3A_371 : memref<20480xf32, #tpu.memory_space<hbm>>) target_semaphore(%arg11 : memref<!tpu.dma_semaphore, #tpu.memory_space<semaphore_mem>>)
    %add3A_375 = arith.constant 5760 : i32
    %add3A_376 = arith.addi %mul3A_2, %add3A_375 : i32
    %mul3A_377 = arith.constant 20 : i32
    %mul3A_378 = arith.muli %add3A_376, %mul3A_377 : i32
    %dma_start3A_379 = arith.constant 1 : i32
    %dma_start3A_380 = arith.constant 0 : i32
    %dma_start3A_381 = tpu.memref_slice %arg6[%dma_start3A_379, %dma_start3A_380] : memref<2x12816xi32, #tpu.memory_space<vmem>> -> memref<1x12800xi32, #tpu.memory_space<vmem>>
    %dma_start3A_382 = tpu.memref_squeeze %dma_start3A_381 : memref<1x12800xi32, #tpu.memory_space<vmem>> -> memref<12800xi32, #tpu.memory_space<vmem>>
    %dma_start3A_383 = tpu.memref_slice %arg2[%mul3A_378] : memref<4096000xi32, #tpu.memory_space<hbm>> -> memref<12800xi32, #tpu.memory_space<hbm>>
    %dma_start3A_384 = arith.constant 0 : i32
    %dma_start3A_385 = tpu.memref_slice %arg6[%dma_start3A_379, %dma_start3A_384] : memref<2x12816xi32, #tpu.memory_space<vmem>> -> memref<1x12800xi32, #tpu.memory_space<vmem>>
    %dma_start3A_386 = tpu.memref_squeeze %dma_start3A_385 : memref<1x12800xi32, #tpu.memory_space<vmem>> -> memref<12800xi32, #tpu.memory_space<vmem>>
    %dma_start3A_387 = tpu.memref_slice %arg2[%mul3A_378] : memref<4096000xi32, #tpu.memory_space<hbm>> -> memref<12800xi32, #tpu.memory_space<hbm>>
    tpu.enqueue_dma source(%dma_start3A_387 : memref<12800xi32, #tpu.memory_space<hbm>>) target(%dma_start3A_386 : memref<12800xi32, #tpu.memory_space<vmem>>) target_semaphore(%arg9 : memref<!tpu.dma_semaphore, #tpu.memory_space<semaphore_mem>>)
    %dma_wait3A_388 = arith.constant 0 : i32
    %dma_wait3A_389 = arith.constant 0 : i32
    %dma_wait3A_390 = tpu.memref_slice %arg6[%dma_wait3A_388, %dma_wait3A_389] : memref<2x12816xi32, #tpu.memory_space<vmem>> -> memref<1x12800xi32, #tpu.memory_space<vmem>>
    %dma_wait3A_391 = tpu.memref_squeeze %dma_wait3A_390 : memref<1x12800xi32, #tpu.memory_space<vmem>> -> memref<12800xi32, #tpu.memory_space<vmem>>
    %dma_wait3A_392 = tpu.memref_slice %arg2[%mul3A_331] : memref<4096000xi32, #tpu.memory_space<hbm>> -> memref<12800xi32, #tpu.memory_space<hbm>>
    %dma_wait3A_393 = arith.constant 0 : i32
    %dma_wait3A_394 = tpu.memref_slice %arg6[%dma_wait3A_388, %dma_wait3A_393] : memref<2x12816xi32, #tpu.memory_space<vmem>> -> memref<1x12800xi32, #tpu.memory_space<vmem>>
    %dma_wait3A_395 = tpu.memref_squeeze %dma_wait3A_394 : memref<1x12800xi32, #tpu.memory_space<vmem>> -> memref<12800xi32, #tpu.memory_space<vmem>>
    %dma_wait3A_396 = tpu.memref_slice %arg2[%mul3A_331] : memref<4096000xi32, #tpu.memory_space<hbm>> -> memref<12800xi32, #tpu.memory_space<hbm>>
    tpu.wait_dma2 semaphore(%arg8 : memref<!tpu.dma_semaphore, #tpu.memory_space<semaphore_mem>>) src(%dma_wait3A_396 : memref<12800xi32, #tpu.memory_space<hbm>>) dst(%dma_wait3A_395 : memref<12800xi32, #tpu.memory_space<vmem>>)
    %dma_wait3A_397 = arith.constant 0 : i32
    %dma_wait3A_398 = arith.constant 0 : i32
    %dma_wait3A_399 = tpu.memref_slice %arg7[%dma_wait3A_397, %dma_wait3A_398] : memref<2x20480xf32, #tpu.memory_space<vmem>> -> memref<1x20480xf32, #tpu.memory_space<vmem>>
    %dma_wait3A_400 = tpu.memref_squeeze %dma_wait3A_399 : memref<1x20480xf32, #tpu.memory_space<vmem>> -> memref<20480xf32, #tpu.memory_space<vmem>>
    %dma_wait3A_401 = tpu.memref_slice %arg4[%mul3A_318] : memref<6553600xf32, #tpu.memory_space<hbm>> -> memref<20480xf32, #tpu.memory_space<hbm>>
    %dma_wait3A_402 = tpu.memref_slice %arg4[%mul3A_318] : memref<6553600xf32, #tpu.memory_space<hbm>> -> memref<20480xf32, #tpu.memory_space<hbm>>
    %dma_wait3A_403 = arith.constant 0 : i32
    %dma_wait3A_404 = tpu.memref_slice %arg7[%dma_wait3A_397, %dma_wait3A_403] : memref<2x20480xf32, #tpu.memory_space<vmem>> -> memref<1x20480xf32, #tpu.memory_space<vmem>>
    %dma_wait3A_405 = tpu.memref_squeeze %dma_wait3A_404 : memref<1x20480xf32, #tpu.memory_space<vmem>> -> memref<20480xf32, #tpu.memory_space<vmem>>
    tpu.wait_dma2 semaphore(%arg10 : memref<!tpu.dma_semaphore, #tpu.memory_space<semaphore_mem>>) src(%dma_wait3A_405 : memref<20480xf32, #tpu.memory_space<vmem>>) dst(%dma_wait3A_402 : memref<20480xf32, #tpu.memory_space<hbm>>)
    %parallel_loop3A_406 = arith.constant 0 : i32
    %parallel_loop3A_407 = arith.constant 640 : i32
    %parallel_loop3A_408 = arith.constant 1 : i32
    scf.for %parallel_loop3A_474 = %parallel_loop3A_406 to %parallel_loop3A_407 step %parallel_loop3A_408  : i32 {
      %parallel_loop3A_475 = arith.constant 20 : i32
      %parallel_loop3A_476 = arith.muli %parallel_loop3A_474, %parallel_loop3A_475 : i32
      %parallel_loop3A_477 = arith.constant 0 : i32
      %parallel_loop3A_478 = arith.index_cast %parallel_loop3A_477 : i32 to index
      %parallel_loop3A_479 = arith.index_cast %parallel_loop3A_476 : i32 to index
      %parallel_loop3A_480 = tpu.vector_load %arg6[%parallel_loop3A_478, %parallel_loop3A_479] {strides = array<i32>} : memref<2x12816xi32, #tpu.memory_space<vmem>>, vector<16xi32>,
      %parallel_loop3A_481 = arith.constant 16 : i32
      %parallel_loop3A_482 = arith.addi %parallel_loop3A_476, %parallel_loop3A_481 : i32
      %parallel_loop3A_483 = arith.constant 0 : i32
      %parallel_loop3A_484 = arith.index_cast %parallel_loop3A_483 : i32 to index
      %parallel_loop3A_485 = arith.index_cast %parallel_loop3A_482 : i32 to index
      %parallel_loop3A_486 = tpu.vector_load %arg6[%parallel_loop3A_484, %parallel_loop3A_485] {strides = array<i32>} : memref<2x12816xi32, #tpu.memory_space<vmem>>, vector<16xi32>,
      %parallel_loop3A_487 = vector.extract_strided_slice %parallel_loop3A_480 {offsets = [0], sizes = [1], strides = [1]} : vector<16xi32> to vector<1xi32>
      %parallel_loop3A_488 = vector.extract %parallel_loop3A_487[0] : i32 from vector<1xi32>
      %parallel_loop3A_489 = arith.index_cast %parallel_loop3A_488 : i32 to index
      %parallel_loop3A_490 = arith.constant 0 : index
      %parallel_loop3A_491 = tpu.vector_load %arg5[%parallel_loop3A_489, %parallel_loop3A_490] {strides = array<i32>} : memref<1000x16xi32, #tpu.memory_space<vmem>>, vector<16xi32>,
      %parallel_loop3A_492 = vector.bitcast %parallel_loop3A_491 : vector<16xi32> to vector<32xbf16>
      %parallel_loop3A_493 = vector.extract_strided_slice %parallel_loop3A_480 {offsets = [1], sizes = [1], strides = [1]} : vector<16xi32> to vector<1xi32>
      %parallel_loop3A_494 = vector.extract %parallel_loop3A_493[0] : i32 from vector<1xi32>
      %parallel_loop3A_495 = arith.index_cast %parallel_loop3A_494 : i32 to index
      %parallel_loop3A_496 = arith.constant 0 : index
      %parallel_loop3A_497 = tpu.vector_load %arg5[%parallel_loop3A_495, %parallel_loop3A_496] {strides = array<i32>} : memref<1000x16xi32, #tpu.memory_space<vmem>>, vector<16xi32>,
      %parallel_loop3A_498 = vector.bitcast %parallel_loop3A_497 : vector<16xi32> to vector<32xbf16>
      %parallel_loop3A_499 = vector.extract_strided_slice %parallel_loop3A_480 {offsets = [2], sizes = [1], strides = [1]} : vector<16xi32> to vector<1xi32>
      %parallel_loop3A_500 = vector.extract %parallel_loop3A_499[0] : i32 from vector<1xi32>
      %parallel_loop3A_501 = arith.index_cast %parallel_loop3A_500 : i32 to index
      %parallel_loop3A_502 = arith.constant 0 : index
      %parallel_loop3A_503 = tpu.vector_load %arg5[%parallel_loop3A_501, %parallel_loop3A_502] {strides = array<i32>} : memref<1000x16xi32, #tpu.memory_space<vmem>>, vector<16xi32>,
      %parallel_loop3A_504 = vector.bitcast %parallel_loop3A_503 : vector<16xi32> to vector<32xbf16>
      %parallel_loop3A_505 = vector.extract_strided_slice %parallel_loop3A_480 {offsets = [3], sizes = [1], strides = [1]} : vector<16xi32> to vector<1xi32>
      %parallel_loop3A_506 = vector.extract %parallel_loop3A_505[0] : i32 from vector<1xi32>
      %parallel_loop3A_507 = arith.index_cast %parallel_loop3A_506 : i32 to index
      %parallel_loop3A_508 = arith.constant 0 : index
      %parallel_loop3A_509 = tpu.vector_load %arg5[%parallel_loop3A_507, %parallel_loop3A_508] {strides = array<i32>} : memref<1000x16xi32, #tpu.memory_space<vmem>>, vector<16xi32>,
      %parallel_loop3A_510 = vector.bitcast %parallel_loop3A_509 : vector<16xi32> to vector<32xbf16>
      %parallel_loop3A_511 = vector.extract_strided_slice %parallel_loop3A_480 {offsets = [4], sizes = [1], strides = [1]} : vector<16xi32> to vector<1xi32>
      %parallel_loop3A_512 = vector.extract %parallel_loop3A_511[0] : i32 from vector<1xi32>
      %parallel_loop3A_513 = arith.index_cast %parallel_loop3A_512 : i32 to index
      %parallel_loop3A_514 = arith.constant 0 : index
      %parallel_loop3A_515 = tpu.vector_load %arg5[%parallel_loop3A_513, %parallel_loop3A_514] {strides = array<i32>} : memref<1000x16xi32, #tpu.memory_space<vmem>>, vector<16xi32>,
      %parallel_loop3A_516 = vector.bitcast %parallel_loop3A_515 : vector<16xi32> to vector<32xbf16>
      %parallel_loop3A_517 = vector.extract_strided_slice %parallel_loop3A_480 {offsets = [5], sizes = [1], strides = [1]} : vector<16xi32> to vector<1xi32>
      %parallel_loop3A_518 = vector.extract %parallel_loop3A_517[0] : i32 from vector<1xi32>
      %parallel_loop3A_519 = arith.index_cast %parallel_loop3A_518 : i32 to index
      %parallel_loop3A_520 = arith.constant 0 : index
      %parallel_loop3A_521 = tpu.vector_load %arg5[%parallel_loop3A_519, %parallel_loop3A_520] {strides = array<i32>} : memref<1000x16xi32, #tpu.memory_space<vmem>>, vector<16xi32>,
      %parallel_loop3A_522 = vector.bitcast %parallel_loop3A_521 : vector<16xi32> to vector<32xbf16>
      %parallel_loop3A_523 = vector.extract_strided_slice %parallel_loop3A_480 {offsets = [6], sizes = [1], strides = [1]} : vector<16xi32> to vector<1xi32>
      %parallel_loop3A_524 = vector.extract %parallel_loop3A_523[0] : i32 from vector<1xi32>
      %parallel_loop3A_525 = arith.index_cast %parallel_loop3A_524 : i32 to index
      %parallel_loop3A_526 = arith.constant 0 : index
      %parallel_loop3A_527 = tpu.vector_load %arg5[%parallel_loop3A_525, %parallel_loop3A_526] {strides = array<i32>} : memref<1000x16xi32, #tpu.memory_space<vmem>>, vector<16xi32>,
      %parallel_loop3A_528 = vector.bitcast %parallel_loop3A_527 : vector<16xi32> to vector<32xbf16>
      %parallel_loop3A_529 = vector.extract_strided_slice %parallel_loop3A_480 {offsets = [7], sizes = [1], strides = [1]} : vector<16xi32> to vector<1xi32>
      %parallel_loop3A_530 = vector.extract %parallel_loop3A_529[0] : i32 from vector<1xi32>
      %parallel_loop3A_531 = arith.index_cast %parallel_loop3A_530 : i32 to index
      %parallel_loop3A_532 = arith.constant 0 : index
      %parallel_loop3A_533 = tpu.vector_load %arg5[%parallel_loop3A_531, %parallel_loop3A_532] {strides = array<i32>} : memref<1000x16xi32, #tpu.memory_space<vmem>>, vector<16xi32>,
      %parallel_loop3A_534 = vector.bitcast %parallel_loop3A_533 : vector<16xi32> to vector<32xbf16>
      %parallel_loop3A_535 = vector.extract_strided_slice %parallel_loop3A_480 {offsets = [8], sizes = [1], strides = [1]} : vector<16xi32> to vector<1xi32>
      %parallel_loop3A_536 = vector.extract %parallel_loop3A_535[0] : i32 from vector<1xi32>
      %parallel_loop3A_537 = arith.index_cast %parallel_loop3A_536 : i32 to index
      %parallel_loop3A_538 = arith.constant 0 : index
      %parallel_loop3A_539 = tpu.vector_load %arg5[%parallel_loop3A_537, %parallel_loop3A_538] {strides = array<i32>} : memref<1000x16xi32, #tpu.memory_space<vmem>>, vector<16xi32>,
      %parallel_loop3A_540 = vector.bitcast %parallel_loop3A_539 : vector<16xi32> to vector<32xbf16>
      %parallel_loop3A_541 = vector.extract_strided_slice %parallel_loop3A_480 {offsets = [9], sizes = [1], strides = [1]} : vector<16xi32> to vector<1xi32>
      %parallel_loop3A_542 = vector.extract %parallel_loop3A_541[0] : i32 from vector<1xi32>
      %parallel_loop3A_543 = arith.index_cast %parallel_loop3A_542 : i32 to index
      %parallel_loop3A_544 = arith.constant 0 : index
      %parallel_loop3A_545 = tpu.vector_load %arg5[%parallel_loop3A_543, %parallel_loop3A_544] {strides = array<i32>} : memref<1000x16xi32, #tpu.memory_space<vmem>>, vector<16xi32>,
      %parallel_loop3A_546 = vector.bitcast %parallel_loop3A_545 : vector<16xi32> to vector<32xbf16>
      %parallel_loop3A_547 = vector.extract_strided_slice %parallel_loop3A_480 {offsets = [10], sizes = [1], strides = [1]} : vector<16xi32> to vector<1xi32>
      %parallel_loop3A_548 = vector.extract %parallel_loop3A_547[0] : i32 from vector<1xi32>
      %parallel_loop3A_549 = arith.index_cast %parallel_loop3A_548 : i32 to index
      %parallel_loop3A_550 = arith.constant 0 : index
      %parallel_loop3A_551 = tpu.vector_load %arg5[%parallel_loop3A_549, %parallel_loop3A_550] {strides = array<i32>} : memref<1000x16xi32, #tpu.memory_space<vmem>>, vector<16xi32>,
      %parallel_loop3A_552 = vector.bitcast %parallel_loop3A_551 : vector<16xi32> to vector<32xbf16>
      %parallel_loop3A_553 = vector.extract_strided_slice %parallel_loop3A_480 {offsets = [11], sizes = [1], strides = [1]} : vector<16xi32> to vector<1xi32>
      %parallel_loop3A_554 = vector.extract %parallel_loop3A_553[0] : i32 from vector<1xi32>
      %parallel_loop3A_555 = arith.index_cast %parallel_loop3A_554 : i32 to index
      %parallel_loop3A_556 = arith.constant 0 : index
      %parallel_loop3A_557 = tpu.vector_load %arg5[%parallel_loop3A_555, %parallel_loop3A_556] {strides = array<i32>} : memref<1000x16xi32, #tpu.memory_space<vmem>>, vector<16xi32>,
      %parallel_loop3A_558 = vector.bitcast %parallel_loop3A_557 : vector<16xi32> to vector<32xbf16>
      %parallel_loop3A_559 = vector.extract_strided_slice %parallel_loop3A_480 {offsets = [12], sizes = [1], strides = [1]} : vector<16xi32> to vector<1xi32>
      %parallel_loop3A_560 = vector.extract %parallel_loop3A_559[0] : i32 from vector<1xi32>
      %parallel_loop3A_561 = arith.index_cast %parallel_loop3A_560 : i32 to index
      %parallel_loop3A_562 = arith.constant 0 : index
      %parallel_loop3A_563 = tpu.vector_load %arg5[%parallel_loop3A_561, %parallel_loop3A_562] {strides = array<i32>} : memref<1000x16xi32, #tpu.memory_space<vmem>>, vector<16xi32>,
      %parallel_loop3A_564 = vector.bitcast %parallel_loop3A_563 : vector<16xi32> to vector<32xbf16>
      %parallel_loop3A_565 = vector.extract_strided_slice %parallel_loop3A_480 {offsets = [13], sizes = [1], strides = [1]} : vector<16xi32> to vector<1xi32>
      %parallel_loop3A_566 = vector.extract %parallel_loop3A_565[0] : i32 from vector<1xi32>
      %parallel_loop3A_567 = arith.index_cast %parallel_loop3A_566 : i32 to index
      %parallel_loop3A_568 = arith.constant 0 : index
      %parallel_loop3A_569 = tpu.vector_load %arg5[%parallel_loop3A_567, %parallel_loop3A_568] {strides = array<i32>} : memref<1000x16xi32, #tpu.memory_space<vmem>>, vector<16xi32>,
      %parallel_loop3A_570 = vector.bitcast %parallel_loop3A_569 : vector<16xi32> to vector<32xbf16>
      %parallel_loop3A_571 = vector.extract_strided_slice %parallel_loop3A_480 {offsets = [14], sizes = [1], strides = [1]} : vector<16xi32> to vector<1xi32>
      %parallel_loop3A_572 = vector.extract %parallel_loop3A_571[0] : i32 from vector<1xi32>
      %parallel_loop3A_573 = arith.index_cast %parallel_loop3A_572 : i32 to index
      %parallel_loop3A_574 = arith.constant 0 : index
      %parallel_loop3A_575 = tpu.vector_load %arg5[%parallel_loop3A_573, %parallel_loop3A_574] {strides = array<i32>} : memref<1000x16xi32, #tpu.memory_space<vmem>>, vector<16xi32>,
      %parallel_loop3A_576 = vector.bitcast %parallel_loop3A_575 : vector<16xi32> to vector<32xbf16>
      %parallel_loop3A_577 = vector.extract_strided_slice %parallel_loop3A_480 {offsets = [15], sizes = [1], strides = [1]} : vector<16xi32> to vector<1xi32>
      %parallel_loop3A_578 = vector.extract %parallel_loop3A_577[0] : i32 from vector<1xi32>
      %parallel_loop3A_579 = arith.index_cast %parallel_loop3A_578 : i32 to index
      %parallel_loop3A_580 = arith.constant 0 : index
      %parallel_loop3A_581 = tpu.vector_load %arg5[%parallel_loop3A_579, %parallel_loop3A_580] {strides = array<i32>} : memref<1000x16xi32, #tpu.memory_space<vmem>>, vector<16xi32>,
      %parallel_loop3A_582 = vector.bitcast %parallel_loop3A_581 : vector<16xi32> to vector<32xbf16>
      %parallel_loop3A_583 = vector.extract_strided_slice %parallel_loop3A_486 {offsets = [0], sizes = [1], strides = [1]} : vector<16xi32> to vector<1xi32>
      %parallel_loop3A_584 = vector.extract %parallel_loop3A_583[0] : i32 from vector<1xi32>
      %parallel_loop3A_585 = arith.index_cast %parallel_loop3A_584 : i32 to index
      %parallel_loop3A_586 = arith.constant 0 : index
      %parallel_loop3A_587 = tpu.vector_load %arg5[%parallel_loop3A_585, %parallel_loop3A_586] {strides = array<i32>} : memref<1000x16xi32, #tpu.memory_space<vmem>>, vector<16xi32>,
      %parallel_loop3A_588 = vector.bitcast %parallel_loop3A_587 : vector<16xi32> to vector<32xbf16>
      %parallel_loop3A_589 = vector.extract_strided_slice %parallel_loop3A_486 {offsets = [1], sizes = [1], strides = [1]} : vector<16xi32> to vector<1xi32>
      %parallel_loop3A_590 = vector.extract %parallel_loop3A_589[0] : i32 from vector<1xi32>
      %parallel_loop3A_591 = arith.index_cast %parallel_loop3A_590 : i32 to index
      %parallel_loop3A_592 = arith.constant 0 : index
      %parallel_loop3A_593 = tpu.vector_load %arg5[%parallel_loop3A_591, %parallel_loop3A_592] {strides = array<i32>} : memref<1000x16xi32, #tpu.memory_space<vmem>>, vector<16xi32>,
      %parallel_loop3A_594 = vector.bitcast %parallel_loop3A_593 : vector<16xi32> to vector<32xbf16>
      %parallel_loop3A_595 = vector.extract_strided_slice %parallel_loop3A_486 {offsets = [2], sizes = [1], strides = [1]} : vector<16xi32> to vector<1xi32>
      %parallel_loop3A_596 = vector.extract %parallel_loop3A_595[0] : i32 from vector<1xi32>
      %parallel_loop3A_597 = arith.index_cast %parallel_loop3A_596 : i32 to index
      %parallel_loop3A_598 = arith.constant 0 : index
      %parallel_loop3A_599 = tpu.vector_load %arg5[%parallel_loop3A_597, %parallel_loop3A_598] {strides = array<i32>} : memref<1000x16xi32, #tpu.memory_space<vmem>>, vector<16xi32>,
      %parallel_loop3A_600 = vector.bitcast %parallel_loop3A_599 : vector<16xi32> to vector<32xbf16>
      %parallel_loop3A_601 = vector.extract_strided_slice %parallel_loop3A_486 {offsets = [3], sizes = [1], strides = [1]} : vector<16xi32> to vector<1xi32>
      %parallel_loop3A_602 = vector.extract %parallel_loop3A_601[0] : i32 from vector<1xi32>
      %parallel_loop3A_603 = arith.index_cast %parallel_loop3A_602 : i32 to index
      %parallel_loop3A_604 = arith.constant 0 : index
      %parallel_loop3A_605 = tpu.vector_load %arg5[%parallel_loop3A_603, %parallel_loop3A_604] {strides = array<i32>} : memref<1000x16xi32, #tpu.memory_space<vmem>>, vector<16xi32>,
      %parallel_loop3A_606 = vector.bitcast %parallel_loop3A_605 : vector<16xi32> to vector<32xbf16>
      %parallel_loop3A_607 = arith.addf %parallel_loop3A_492, %parallel_loop3A_498 : vector<32xbf16>
      %parallel_loop3A_608 = arith.addf %parallel_loop3A_504, %parallel_loop3A_510 : vector<32xbf16>
      %parallel_loop3A_609 = arith.addf %parallel_loop3A_516, %parallel_loop3A_522 : vector<32xbf16>
      %parallel_loop3A_610 = arith.addf %parallel_loop3A_528, %parallel_loop3A_534 : vector<32xbf16>
      %parallel_loop3A_611 = arith.addf %parallel_loop3A_540, %parallel_loop3A_546 : vector<32xbf16>
      %parallel_loop3A_612 = arith.addf %parallel_loop3A_552, %parallel_loop3A_558 : vector<32xbf16>
      %parallel_loop3A_613 = arith.addf %parallel_loop3A_564, %parallel_loop3A_570 : vector<32xbf16>
      %parallel_loop3A_614 = arith.addf %parallel_loop3A_576, %parallel_loop3A_582 : vector<32xbf16>
      %parallel_loop3A_615 = arith.addf %parallel_loop3A_588, %parallel_loop3A_594 : vector<32xbf16>
      %parallel_loop3A_616 = arith.addf %parallel_loop3A_600, %parallel_loop3A_606 : vector<32xbf16>
      %parallel_loop3A_617 = arith.addf %parallel_loop3A_607, %parallel_loop3A_608 : vector<32xbf16>
      %parallel_loop3A_618 = arith.addf %parallel_loop3A_609, %parallel_loop3A_610 : vector<32xbf16>
      %parallel_loop3A_619 = arith.addf %parallel_loop3A_611, %parallel_loop3A_612 : vector<32xbf16>
      %parallel_loop3A_620 = arith.addf %parallel_loop3A_613, %parallel_loop3A_614 : vector<32xbf16>
      %parallel_loop3A_621 = arith.addf %parallel_loop3A_615, %parallel_loop3A_616 : vector<32xbf16>
      %parallel_loop3A_622 = arith.addf %parallel_loop3A_617, %parallel_loop3A_618 : vector<32xbf16>
      %parallel_loop3A_623 = arith.addf %parallel_loop3A_619, %parallel_loop3A_620 : vector<32xbf16>
      %parallel_loop3A_624 = arith.addf %parallel_loop3A_622, %parallel_loop3A_623 : vector<32xbf16>
      %parallel_loop3A_625 = arith.addf %parallel_loop3A_624, %parallel_loop3A_621 : vector<32xbf16>
      %parallel_loop3A_626 = tpu.unpack_subelements %parallel_loop3A_625, 0 {pack_format = #tpu.pack_format<interleaved>} : vector<32xbf16> -> vector<16xf32>
      %parallel_loop3A_627 = tpu.unpack_subelements %parallel_loop3A_625, 1 {pack_format = #tpu.pack_format<interleaved>} : vector<32xbf16> -> vector<16xf32>
      %parallel_loop3A_628 = arith.constant 32 : i32
      %parallel_loop3A_629 = arith.muli %parallel_loop3A_474, %parallel_loop3A_628 : i32
      %parallel_loop3A_630 = arith.constant 0 : i32
      %parallel_loop3A_631 = arith.index_cast %parallel_loop3A_630 : i32 to index
      %parallel_loop3A_632 = arith.index_cast %parallel_loop3A_629 : i32 to index
      %parallel_loop3A_633 = tpu.vector_load %arg7[%parallel_loop3A_631, %parallel_loop3A_632] {strides = array<i32>} : memref<2x20480xf32, #tpu.memory_space<vmem>>, vector<16xf32>,
      tpu.vector_store %arg7[%parallel_loop3A_631, %parallel_loop3A_632], %parallel_loop3A_626 {strides = array<i32>} : memref<2x20480xf32, #tpu.memory_space<vmem>>, vector<16xf32>,
      %parallel_loop3A_634 = arith.constant 32 : i32
      %parallel_loop3A_635 = arith.muli %parallel_loop3A_474, %parallel_loop3A_634 : i32
      %parallel_loop3A_636 = arith.constant 16 : i32
      %parallel_loop3A_637 = arith.addi %parallel_loop3A_635, %parallel_loop3A_636 : i32
      %parallel_loop3A_638 = arith.constant 0 : i32
      %parallel_loop3A_639 = arith.index_cast %parallel_loop3A_638 : i32 to index
      %parallel_loop3A_640 = arith.index_cast %parallel_loop3A_637 : i32 to index
      %parallel_loop3A_641 = tpu.vector_load %arg7[%parallel_loop3A_639, %parallel_loop3A_640] {strides = array<i32>} : memref<2x20480xf32, #tpu.memory_space<vmem>>, vector<16xf32>,
      tpu.vector_store %arg7[%parallel_loop3A_639, %parallel_loop3A_640], %parallel_loop3A_627 {strides = array<i32>} : memref<2x20480xf32, #tpu.memory_space<vmem>>, vector<16xf32>,
    } {sc.loop_unroll_factor = 2 : i64, sc.parallel_access}
    %add3A_409 = arith.constant 5120 : i32
    %add3A_410 = arith.addi %mul3A_2, %add3A_409 : i32
    %mul3A_411 = arith.constant 32 : i32
    %mul3A_412 = arith.muli %add3A_410, %mul3A_411 : i32
    %dma_start3A_413 = arith.constant 0 : i32
    %dma_start3A_414 = arith.constant 0 : i32
    %dma_start3A_415 = tpu.memref_slice %arg7[%dma_start3A_413, %dma_start3A_414] : memref<2x20480xf32, #tpu.memory_space<vmem>> -> memref<1x20480xf32, #tpu.memory_space<vmem>>
    %dma_start3A_416 = tpu.memref_squeeze %dma_start3A_415 : memref<1x20480xf32, #tpu.memory_space<vmem>> -> memref<20480xf32, #tpu.memory_space<vmem>>
    %dma_start3A_417 = tpu.memref_slice %arg4[%mul3A_412] : memref<6553600xf32, #tpu.memory_space<hbm>> -> memref<20480xf32, #tpu.memory_space<hbm>>
    %dma_start3A_418 = tpu.memref_slice %arg4[%mul3A_412] : memref<6553600xf32, #tpu.memory_space<hbm>> -> memref<20480xf32, #tpu.memory_space<hbm>>
    %dma_start3A_419 = arith.constant 0 : i32
    %dma_start3A_420 = tpu.memref_slice %arg7[%dma_start3A_413, %dma_start3A_419] : memref<2x20480xf32, #tpu.memory_space<vmem>> -> memref<1x20480xf32, #tpu.memory_space<vmem>>
    %dma_start3A_421 = tpu.memref_squeeze %dma_start3A_420 : memref<1x20480xf32, #tpu.memory_space<vmem>> -> memref<20480xf32, #tpu.memory_space<vmem>>
    tpu.enqueue_dma source(%dma_start3A_421 : memref<20480xf32, #tpu.memory_space<vmem>>) target(%dma_start3A_418 : memref<20480xf32, #tpu.memory_space<hbm>>) target_semaphore(%arg10 : memref<!tpu.dma_semaphore, #tpu.memory_space<semaphore_mem>>)
    %dma_wait3A_422 = arith.constant 1 : i32
    %dma_wait3A_423 = arith.constant 0 : i32
    %dma_wait3A_424 = tpu.memref_slice %arg6[%dma_wait3A_422, %dma_wait3A_423] : memref<2x12816xi32, #tpu.memory_space<vmem>> -> memref<1x12800xi32, #tpu.memory_space<vmem>>
    %dma_wait3A_425 = tpu.memref_squeeze %dma_wait3A_424 : memref<1x12800xi32, #tpu.memory_space<vmem>> -> memref<12800xi32, #tpu.memory_space<vmem>>
    %dma_wait3A_426 = tpu.memref_slice %arg2[%mul3A_378] : memref<4096000xi32, #tpu.memory_space<hbm>> -> memref<12800xi32, #tpu.memory_space<hbm>>
    %dma_wait3A_427 = arith.constant 0 : i32
    %dma_wait3A_428 = tpu.memref_slice %arg6[%dma_wait3A_422, %dma_wait3A_427] : memref<2x12816xi32, #tpu.memory_space<vmem>> -> memref<1x12800xi32, #tpu.memory_space<vmem>>
    %dma_wait3A_429 = tpu.memref_squeeze %dma_wait3A_428 : memref<1x12800xi32, #tpu.memory_space<vmem>> -> memref<12800xi32, #tpu.memory_space<vmem>>
    %dma_wait3A_430 = tpu.memref_slice %arg2[%mul3A_378] : memref<4096000xi32, #tpu.memory_space<hbm>> -> memref<12800xi32, #tpu.memory_space<hbm>>
    tpu.wait_dma2 semaphore(%arg9 : memref<!tpu.dma_semaphore, #tpu.memory_space<semaphore_mem>>) src(%dma_wait3A_430 : memref<12800xi32, #tpu.memory_space<hbm>>) dst(%dma_wait3A_429 : memref<12800xi32, #tpu.memory_space<vmem>>)
    %dma_wait3A_431 = arith.constant 1 : i32
    %dma_wait3A_432 = arith.constant 0 : i32
    %dma_wait3A_433 = tpu.memref_slice %arg7[%dma_wait3A_431, %dma_wait3A_432] : memref<2x20480xf32, #tpu.memory_space<vmem>> -> memref<1x20480xf32, #tpu.memory_space<vmem>>
    %dma_wait3A_434 = tpu.memref_squeeze %dma_wait3A_433 : memref<1x20480xf32, #tpu.memory_space<vmem>> -> memref<20480xf32, #tpu.memory_space<vmem>>
    %dma_wait3A_435 = tpu.memref_slice %arg4[%mul3A_365] : memref<6553600xf32, #tpu.memory_space<hbm>> -> memref<20480xf32, #tpu.memory_space<hbm>>
    %dma_wait3A_436 = tpu.memref_slice %arg4[%mul3A_365] : memref<6553600xf32, #tpu.memory_space<hbm>> -> memref<20480xf32, #tpu.memory_space<hbm>>
    %dma_wait3A_437 = arith.constant 0 : i32
    %dma_wait3A_438 = tpu.memref_slice %arg7[%dma_wait3A_431, %dma_wait3A_437] : memref<2x20480xf32, #tpu.memory_space<vmem>> -> memref<1x20480xf32, #tpu.memory_space<vmem>>
    %dma_wait3A_439 = tpu.memref_squeeze %dma_wait3A_438 : memref<1x20480xf32, #tpu.memory_space<vmem>> -> memref<20480xf32, #tpu.memory_space<vmem>>
    tpu.wait_dma2 semaphore(%arg11 : memref<!tpu.dma_semaphore, #tpu.memory_space<semaphore_mem>>) src(%dma_wait3A_439 : memref<20480xf32, #tpu.memory_space<vmem>>) dst(%dma_wait3A_436 : memref<20480xf32, #tpu.memory_space<hbm>>)
    %parallel_loop3A_440 = arith.constant 0 : i32
    %parallel_loop3A_441 = arith.constant 640 : i32
    %parallel_loop3A_442 = arith.constant 1 : i32
    scf.for %parallel_loop3A_474 = %parallel_loop3A_440 to %parallel_loop3A_441 step %parallel_loop3A_442  : i32 {
      %parallel_loop3A_475 = arith.constant 20 : i32
      %parallel_loop3A_476 = arith.muli %parallel_loop3A_474, %parallel_loop3A_475 : i32
      %parallel_loop3A_477 = arith.constant 1 : i32
      %parallel_loop3A_478 = arith.index_cast %parallel_loop3A_477 : i32 to index
      %parallel_loop3A_479 = arith.index_cast %parallel_loop3A_476 : i32 to index
      %parallel_loop3A_480 = tpu.vector_load %arg6[%parallel_loop3A_478, %parallel_loop3A_479] {strides = array<i32>} : memref<2x12816xi32, #tpu.memory_space<vmem>>, vector<16xi32>,
      %parallel_loop3A_481 = arith.constant 16 : i32
      %parallel_loop3A_482 = arith.addi %parallel_loop3A_476, %parallel_loop3A_481 : i32
      %parallel_loop3A_483 = arith.constant 1 : i32
      %parallel_loop3A_484 = arith.index_cast %parallel_loop3A_483 : i32 to index
      %parallel_loop3A_485 = arith.index_cast %parallel_loop3A_482 : i32 to index
      %parallel_loop3A_486 = tpu.vector_load %arg6[%parallel_loop3A_484, %parallel_loop3A_485] {strides = array<i32>} : memref<2x12816xi32, #tpu.memory_space<vmem>>, vector<16xi32>,
      %parallel_loop3A_487 = vector.extract_strided_slice %parallel_loop3A_480 {offsets = [0], sizes = [1], strides = [1]} : vector<16xi32> to vector<1xi32>
      %parallel_loop3A_488 = vector.extract %parallel_loop3A_487[0] : i32 from vector<1xi32>
      %parallel_loop3A_489 = arith.index_cast %parallel_loop3A_488 : i32 to index
      %parallel_loop3A_490 = arith.constant 0 : index
      %parallel_loop3A_491 = tpu.vector_load %arg5[%parallel_loop3A_489, %parallel_loop3A_490] {strides = array<i32>} : memref<1000x16xi32, #tpu.memory_space<vmem>>, vector<16xi32>,
      %parallel_loop3A_492 = vector.bitcast %parallel_loop3A_491 : vector<16xi32> to vector<32xbf16>
      %parallel_loop3A_493 = vector.extract_strided_slice %parallel_loop3A_480 {offsets = [1], sizes = [1], strides = [1]} : vector<16xi32> to vector<1xi32>
      %parallel_loop3A_494 = vector.extract %parallel_loop3A_493[0] : i32 from vector<1xi32>
      %parallel_loop3A_495 = arith.index_cast %parallel_loop3A_494 : i32 to index
      %parallel_loop3A_496 = arith.constant 0 : index
      %parallel_loop3A_497 = tpu.vector_load %arg5[%parallel_loop3A_495, %parallel_loop3A_496] {strides = array<i32>} : memref<1000x16xi32, #tpu.memory_space<vmem>>, vector<16xi32>,
      %parallel_loop3A_498 = vector.bitcast %parallel_loop3A_497 : vector<16xi32> to vector<32xbf16>
      %parallel_loop3A_499 = vector.extract_strided_slice %parallel_loop3A_480 {offsets = [2], sizes = [1], strides = [1]} : vector<16xi32> to vector<1xi32>
      %parallel_loop3A_500 = vector.extract %parallel_loop3A_499[0] : i32 from vector<1xi32>
      %parallel_loop3A_501 = arith.index_cast %parallel_loop3A_500 : i32 to index
      %parallel_loop3A_502 = arith.constant 0 : index
      %parallel_loop3A_503 = tpu.vector_load %arg5[%parallel_loop3A_501, %parallel_loop3A_502] {strides = array<i32>} : memref<1000x16xi32, #tpu.memory_space<vmem>>, vector<16xi32>,
      %parallel_loop3A_504 = vector.bitcast %parallel_loop3A_503 : vector<16xi32> to vector<32xbf16>
      %parallel_loop3A_505 = vector.extract_strided_slice %parallel_loop3A_480 {offsets = [3], sizes = [1], strides = [1]} : vector<16xi32> to vector<1xi32>
      %parallel_loop3A_506 = vector.extract %parallel_loop3A_505[0] : i32 from vector<1xi32>
      %parallel_loop3A_507 = arith.index_cast %parallel_loop3A_506 : i32 to index
      %parallel_loop3A_508 = arith.constant 0 : index
      %parallel_loop3A_509 = tpu.vector_load %arg5[%parallel_loop3A_507, %parallel_loop3A_508] {strides = array<i32>} : memref<1000x16xi32, #tpu.memory_space<vmem>>, vector<16xi32>,
      %parallel_loop3A_510 = vector.bitcast %parallel_loop3A_509 : vector<16xi32> to vector<32xbf16>
      %parallel_loop3A_511 = vector.extract_strided_slice %parallel_loop3A_480 {offsets = [4], sizes = [1], strides = [1]} : vector<16xi32> to vector<1xi32>
      %parallel_loop3A_512 = vector.extract %parallel_loop3A_511[0] : i32 from vector<1xi32>
      %parallel_loop3A_513 = arith.index_cast %parallel_loop3A_512 : i32 to index
      %parallel_loop3A_514 = arith.constant 0 : index
      %parallel_loop3A_515 = tpu.vector_load %arg5[%parallel_loop3A_513, %parallel_loop3A_514] {strides = array<i32>} : memref<1000x16xi32, #tpu.memory_space<vmem>>, vector<16xi32>,
      %parallel_loop3A_516 = vector.bitcast %parallel_loop3A_515 : vector<16xi32> to vector<32xbf16>
      %parallel_loop3A_517 = vector.extract_strided_slice %parallel_loop3A_480 {offsets = [5], sizes = [1], strides = [1]} : vector<16xi32> to vector<1xi32>
      %parallel_loop3A_518 = vector.extract %parallel_loop3A_517[0] : i32 from vector<1xi32>
      %parallel_loop3A_519 = arith.index_cast %parallel_loop3A_518 : i32 to index
      %parallel_loop3A_520 = arith.constant 0 : index
      %parallel_loop3A_521 = tpu.vector_load %arg5[%parallel_loop3A_519, %parallel_loop3A_520] {strides = array<i32>} : memref<1000x16xi32, #tpu.memory_space<vmem>>, vector<16xi32>,
      %parallel_loop3A_522 = vector.bitcast %parallel_loop3A_521 : vector<16xi32> to vector<32xbf16>
      %parallel_loop3A_523 = vector.extract_strided_slice %parallel_loop3A_480 {offsets = [6], sizes = [1], strides = [1]} : vector<16xi32> to vector<1xi32>
      %parallel_loop3A_524 = vector.extract %parallel_loop3A_523[0] : i32 from vector<1xi32>
      %parallel_loop3A_525 = arith.index_cast %parallel_loop3A_524 : i32 to index
      %parallel_loop3A_526 = arith.constant 0 : index
      %parallel_loop3A_527 = tpu.vector_load %arg5[%parallel_loop3A_525, %parallel_loop3A_526] {strides = array<i32>} : memref<1000x16xi32, #tpu.memory_space<vmem>>, vector<16xi32>,
      %parallel_loop3A_528 = vector.bitcast %parallel_loop3A_527 : vector<16xi32> to vector<32xbf16>
      %parallel_loop3A_529 = vector.extract_strided_slice %parallel_loop3A_480 {offsets = [7], sizes = [1], strides = [1]} : vector<16xi32> to vector<1xi32>
      %parallel_loop3A_530 = vector.extract %parallel_loop3A_529[0] : i32 from vector<1xi32>
      %parallel_loop3A_531 = arith.index_cast %parallel_loop3A_530 : i32 to index
      %parallel_loop3A_532 = arith.constant 0 : index
      %parallel_loop3A_533 = tpu.vector_load %arg5[%parallel_loop3A_531, %parallel_loop3A_532] {strides = array<i32>} : memref<1000x16xi32, #tpu.memory_space<vmem>>, vector<16xi32>,
      %parallel_loop3A_534 = vector.bitcast %parallel_loop3A_533 : vector<16xi32> to vector<32xbf16>
      %parallel_loop3A_535 = vector.extract_strided_slice %parallel_loop3A_480 {offsets = [8], sizes = [1], strides = [1]} : vector<16xi32> to vector<1xi32>
      %parallel_loop3A_536 = vector.extract %parallel_loop3A_535[0] : i32 from vector<1xi32>
      %parallel_loop3A_537 = arith.index_cast %parallel_loop3A_536 : i32 to index
      %parallel_loop3A_538 = arith.constant 0 : index
      %parallel_loop3A_539 = tpu.vector_load %arg5[%parallel_loop3A_537, %parallel_loop3A_538] {strides = array<i32>} : memref<1000x16xi32, #tpu.memory_space<vmem>>, vector<16xi32>,
      %parallel_loop3A_540 = vector.bitcast %parallel_loop3A_539 : vector<16xi32> to vector<32xbf16>
      %parallel_loop3A_541 = vector.extract_strided_slice %parallel_loop3A_480 {offsets = [9], sizes = [1], strides = [1]} : vector<16xi32> to vector<1xi32>
      %parallel_loop3A_542 = vector.extract %parallel_loop3A_541[0] : i32 from vector<1xi32>
      %parallel_loop3A_543 = arith.index_cast %parallel_loop3A_542 : i32 to index
      %parallel_loop3A_544 = arith.constant 0 : index
      %parallel_loop3A_545 = tpu.vector_load %arg5[%parallel_loop3A_543, %parallel_loop3A_544] {strides = array<i32>} : memref<1000x16xi32, #tpu.memory_space<vmem>>, vector<16xi32>,
      %parallel_loop3A_546 = vector.bitcast %parallel_loop3A_545 : vector<16xi32> to vector<32xbf16>
      %parallel_loop3A_547 = vector.extract_strided_slice %parallel_loop3A_480 {offsets = [10], sizes = [1], strides = [1]} : vector<16xi32> to vector<1xi32>
      %parallel_loop3A_548 = vector.extract %parallel_loop3A_547[0] : i32 from vector<1xi32>
      %parallel_loop3A_549 = arith.index_cast %parallel_loop3A_548 : i32 to index
      %parallel_loop3A_550 = arith.constant 0 : index
      %parallel_loop3A_551 = tpu.vector_load %arg5[%parallel_loop3A_549, %parallel_loop3A_550] {strides = array<i32>} : memref<1000x16xi32, #tpu.memory_space<vmem>>, vector<16xi32>,
      %parallel_loop3A_552 = vector.bitcast %parallel_loop3A_551 : vector<16xi32> to vector<32xbf16>
      %parallel_loop3A_553 = vector.extract_strided_slice %parallel_loop3A_480 {offsets = [11], sizes = [1], strides = [1]} : vector<16xi32> to vector<1xi32>
      %parallel_loop3A_554 = vector.extract %parallel_loop3A_553[0] : i32 from vector<1xi32>
      %parallel_loop3A_555 = arith.index_cast %parallel_loop3A_554 : i32 to index
      %parallel_loop3A_556 = arith.constant 0 : index
      %parallel_loop3A_557 = tpu.vector_load %arg5[%parallel_loop3A_555, %parallel_loop3A_556] {strides = array<i32>} : memref<1000x16xi32, #tpu.memory_space<vmem>>, vector<16xi32>,
      %parallel_loop3A_558 = vector.bitcast %parallel_loop3A_557 : vector<16xi32> to vector<32xbf16>
      %parallel_loop3A_559 = vector.extract_strided_slice %parallel_loop3A_480 {offsets = [12], sizes = [1], strides = [1]} : vector<16xi32> to vector<1xi32>
      %parallel_loop3A_560 = vector.extract %parallel_loop3A_559[0] : i32 from vector<1xi32>
      %parallel_loop3A_561 = arith.index_cast %parallel_loop3A_560 : i32 to index
      %parallel_loop3A_562 = arith.constant 0 : index
      %parallel_loop3A_563 = tpu.vector_load %arg5[%parallel_loop3A_561, %parallel_loop3A_562] {strides = array<i32>} : memref<1000x16xi32, #tpu.memory_space<vmem>>, vector<16xi32>,
      %parallel_loop3A_564 = vector.bitcast %parallel_loop3A_563 : vector<16xi32> to vector<32xbf16>
      %parallel_loop3A_565 = vector.extract_strided_slice %parallel_loop3A_480 {offsets = [13], sizes = [1], strides = [1]} : vector<16xi32> to vector<1xi32>
      %parallel_loop3A_566 = vector.extract %parallel_loop3A_565[0] : i32 from vector<1xi32>
      %parallel_loop3A_567 = arith.index_cast %parallel_loop3A_566 : i32 to index
      %parallel_loop3A_568 = arith.constant 0 : index
      %parallel_loop3A_569 = tpu.vector_load %arg5[%parallel_loop3A_567, %parallel_loop3A_568] {strides = array<i32>} : memref<1000x16xi32, #tpu.memory_space<vmem>>, vector<16xi32>,
      %parallel_loop3A_570 = vector.bitcast %parallel_loop3A_569 : vector<16xi32> to vector<32xbf16>
      %parallel_loop3A_571 = vector.extract_strided_slice %parallel_loop3A_480 {offsets = [14], sizes = [1], strides = [1]} : vector<16xi32> to vector<1xi32>
      %parallel_loop3A_572 = vector.extract %parallel_loop3A_571[0] : i32 from vector<1xi32>
      %parallel_loop3A_573 = arith.index_cast %parallel_loop3A_572 : i32 to index
      %parallel_loop3A_574 = arith.constant 0 : index
      %parallel_loop3A_575 = tpu.vector_load %arg5[%parallel_loop3A_573, %parallel_loop3A_574] {strides = array<i32>} : memref<1000x16xi32, #tpu.memory_space<vmem>>, vector<16xi32>,
      %parallel_loop3A_576 = vector.bitcast %parallel_loop3A_575 : vector<16xi32> to vector<32xbf16>
      %parallel_loop3A_577 = vector.extract_strided_slice %parallel_loop3A_480 {offsets = [15], sizes = [1], strides = [1]} : vector<16xi32> to vector<1xi32>
      %parallel_loop3A_578 = vector.extract %parallel_loop3A_577[0] : i32 from vector<1xi32>
      %parallel_loop3A_579 = arith.index_cast %parallel_loop3A_578 : i32 to index
      %parallel_loop3A_580 = arith.constant 0 : index
      %parallel_loop3A_581 = tpu.vector_load %arg5[%parallel_loop3A_579, %parallel_loop3A_580] {strides = array<i32>} : memref<1000x16xi32, #tpu.memory_space<vmem>>, vector<16xi32>,
      %parallel_loop3A_582 = vector.bitcast %parallel_loop3A_581 : vector<16xi32> to vector<32xbf16>
      %parallel_loop3A_583 = vector.extract_strided_slice %parallel_loop3A_486 {offsets = [0], sizes = [1], strides = [1]} : vector<16xi32> to vector<1xi32>
      %parallel_loop3A_584 = vector.extract %parallel_loop3A_583[0] : i32 from vector<1xi32>
      %parallel_loop3A_585 = arith.index_cast %parallel_loop3A_584 : i32 to index
      %parallel_loop3A_586 = arith.constant 0 : index
      %parallel_loop3A_587 = tpu.vector_load %arg5[%parallel_loop3A_585, %parallel_loop3A_586] {strides = array<i32>} : memref<1000x16xi32, #tpu.memory_space<vmem>>, vector<16xi32>,
      %parallel_loop3A_588 = vector.bitcast %parallel_loop3A_587 : vector<16xi32> to vector<32xbf16>
      %parallel_loop3A_589 = vector.extract_strided_slice %parallel_loop3A_486 {offsets = [1], sizes = [1], strides = [1]} : vector<16xi32> to vector<1xi32>
      %parallel_loop3A_590 = vector.extract %parallel_loop3A_589[0] : i32 from vector<1xi32>
      %parallel_loop3A_591 = arith.index_cast %parallel_loop3A_590 : i32 to index
      %parallel_loop3A_592 = arith.constant 0 : index
      %parallel_loop3A_593 = tpu.vector_load %arg5[%parallel_loop3A_591, %parallel_loop3A_592] {strides = array<i32>} : memref<1000x16xi32, #tpu.memory_space<vmem>>, vector<16xi32>,
      %parallel_loop3A_594 = vector.bitcast %parallel_loop3A_593 : vector<16xi32> to vector<32xbf16>
      %parallel_loop3A_595 = vector.extract_strided_slice %parallel_loop3A_486 {offsets = [2], sizes = [1], strides = [1]} : vector<16xi32> to vector<1xi32>
      %parallel_loop3A_596 = vector.extract %parallel_loop3A_595[0] : i32 from vector<1xi32>
      %parallel_loop3A_597 = arith.index_cast %parallel_loop3A_596 : i32 to index
      %parallel_loop3A_598 = arith.constant 0 : index
      %parallel_loop3A_599 = tpu.vector_load %arg5[%parallel_loop3A_597, %parallel_loop3A_598] {strides = array<i32>} : memref<1000x16xi32, #tpu.memory_space<vmem>>, vector<16xi32>,
      %parallel_loop3A_600 = vector.bitcast %parallel_loop3A_599 : vector<16xi32> to vector<32xbf16>
      %parallel_loop3A_601 = vector.extract_strided_slice %parallel_loop3A_486 {offsets = [3], sizes = [1], strides = [1]} : vector<16xi32> to vector<1xi32>
      %parallel_loop3A_602 = vector.extract %parallel_loop3A_601[0] : i32 from vector<1xi32>
      %parallel_loop3A_603 = arith.index_cast %parallel_loop3A_602 : i32 to index
      %parallel_loop3A_604 = arith.constant 0 : index
      %parallel_loop3A_605 = tpu.vector_load %arg5[%parallel_loop3A_603, %parallel_loop3A_604] {strides = array<i32>} : memref<1000x16xi32, #tpu.memory_space<vmem>>, vector<16xi32>,
      %parallel_loop3A_606 = vector.bitcast %parallel_loop3A_605 : vector<16xi32> to vector<32xbf16>
      %parallel_loop3A_607 = arith.addf %parallel_loop3A_492, %parallel_loop3A_498 : vector<32xbf16>
      %parallel_loop3A_608 = arith.addf %parallel_loop3A_504, %parallel_loop3A_510 : vector<32xbf16>
      %parallel_loop3A_609 = arith.addf %parallel_loop3A_516, %parallel_loop3A_522 : vector<32xbf16>
      %parallel_loop3A_610 = arith.addf %parallel_loop3A_528, %parallel_loop3A_534 : vector<32xbf16>
      %parallel_loop3A_611 = arith.addf %parallel_loop3A_540, %parallel_loop3A_546 : vector<32xbf16>
      %parallel_loop3A_612 = arith.addf %parallel_loop3A_552, %parallel_loop3A_558 : vector<32xbf16>
      %parallel_loop3A_613 = arith.addf %parallel_loop3A_564, %parallel_loop3A_570 : vector<32xbf16>
      %parallel_loop3A_614 = arith.addf %parallel_loop3A_576, %parallel_loop3A_582 : vector<32xbf16>
      %parallel_loop3A_615 = arith.addf %parallel_loop3A_588, %parallel_loop3A_594 : vector<32xbf16>
      %parallel_loop3A_616 = arith.addf %parallel_loop3A_600, %parallel_loop3A_606 : vector<32xbf16>
      %parallel_loop3A_617 = arith.addf %parallel_loop3A_607, %parallel_loop3A_608 : vector<32xbf16>
      %parallel_loop3A_618 = arith.addf %parallel_loop3A_609, %parallel_loop3A_610 : vector<32xbf16>
      %parallel_loop3A_619 = arith.addf %parallel_loop3A_611, %parallel_loop3A_612 : vector<32xbf16>
      %parallel_loop3A_620 = arith.addf %parallel_loop3A_613, %parallel_loop3A_614 : vector<32xbf16>
      %parallel_loop3A_621 = arith.addf %parallel_loop3A_615, %parallel_loop3A_616 : vector<32xbf16>
      %parallel_loop3A_622 = arith.addf %parallel_loop3A_617, %parallel_loop3A_618 : vector<32xbf16>
      %parallel_loop3A_623 = arith.addf %parallel_loop3A_619, %parallel_loop3A_620 : vector<32xbf16>
      %parallel_loop3A_624 = arith.addf %parallel_loop3A_622, %parallel_loop3A_623 : vector<32xbf16>
      %parallel_loop3A_625 = arith.addf %parallel_loop3A_624, %parallel_loop3A_621 : vector<32xbf16>
      %parallel_loop3A_626 = tpu.unpack_subelements %parallel_loop3A_625, 0 {pack_format = #tpu.pack_format<interleaved>} : vector<32xbf16> -> vector<16xf32>
      %parallel_loop3A_627 = tpu.unpack_subelements %parallel_loop3A_625, 1 {pack_format = #tpu.pack_format<interleaved>} : vector<32xbf16> -> vector<16xf32>
      %parallel_loop3A_628 = arith.constant 32 : i32
      %parallel_loop3A_629 = arith.muli %parallel_loop3A_474, %parallel_loop3A_628 : i32
      %parallel_loop3A_630 = arith.constant 1 : i32
      %parallel_loop3A_631 = arith.index_cast %parallel_loop3A_630 : i32 to index
      %parallel_loop3A_632 = arith.index_cast %parallel_loop3A_629 : i32 to index
      %parallel_loop3A_633 = tpu.vector_load %arg7[%parallel_loop3A_631, %parallel_loop3A_632] {strides = array<i32>} : memref<2x20480xf32, #tpu.memory_space<vmem>>, vector<16xf32>,
      tpu.vector_store %arg7[%parallel_loop3A_631, %parallel_loop3A_632], %parallel_loop3A_626 {strides = array<i32>} : memref<2x20480xf32, #tpu.memory_space<vmem>>, vector<16xf32>,
      %parallel_loop3A_634 = arith.constant 32 : i32
      %parallel_loop3A_635 = arith.muli %parallel_loop3A_474, %parallel_loop3A_634 : i32
      %parallel_loop3A_636 = arith.constant 16 : i32
      %parallel_loop3A_637 = arith.addi %parallel_loop3A_635, %parallel_loop3A_636 : i32
      %parallel_loop3A_638 = arith.constant 1 : i32
      %parallel_loop3A_639 = arith.index_cast %parallel_loop3A_638 : i32 to index
      %parallel_loop3A_640 = arith.index_cast %parallel_loop3A_637 : i32 to index
      %parallel_loop3A_641 = tpu.vector_load %arg7[%parallel_loop3A_639, %parallel_loop3A_640] {strides = array<i32>} : memref<2x20480xf32, #tpu.memory_space<vmem>>, vector<16xf32>,
      tpu.vector_store %arg7[%parallel_loop3A_639, %parallel_loop3A_640], %parallel_loop3A_627 {strides = array<i32>} : memref<2x20480xf32, #tpu.memory_space<vmem>>, vector<16xf32>,
    } {sc.loop_unroll_factor = 2 : i64, sc.parallel_access}
    %add3A_443 = arith.constant 5760 : i32
    %add3A_444 = arith.addi %mul3A_2, %add3A_443 : i32
    %mul3A_445 = arith.constant 32 : i32
    %mul3A_446 = arith.muli %add3A_444, %mul3A_445 : i32
    %dma_start3A_447 = arith.constant 1 : i32
    %dma_start3A_448 = arith.constant 0 : i32
    %dma_start3A_449 = tpu.memref_slice %arg7[%dma_start3A_447, %dma_start3A_448] : memref<2x20480xf32, #tpu.memory_space<vmem>> -> memref<1x20480xf32, #tpu.memory_space<vmem>>
    %dma_start3A_450 = tpu.memref_squeeze %dma_start3A_449 : memref<1x20480xf32, #tpu.memory_space<vmem>> -> memref<20480xf32, #tpu.memory_space<vmem>>
    %dma_start3A_451 = tpu.memref_slice %arg4[%mul3A_446] : memref<6553600xf32, #tpu.memory_space<hbm>> -> memref<20480xf32, #tpu.memory_space<hbm>>
    %dma_start3A_452 = tpu.memref_slice %arg4[%mul3A_446] : memref<6553600xf32, #tpu.memory_space<hbm>> -> memref<20480xf32, #tpu.memory_space<hbm>>
    %dma_start3A_453 = arith.constant 0 : i32
    %dma_start3A_454 = tpu.memref_slice %arg7[%dma_start3A_447, %dma_start3A_453] : memref<2x20480xf32, #tpu.memory_space<vmem>> -> memref<1x20480xf32, #tpu.memory_space<vmem>>
    %dma_start3A_455 = tpu.memref_squeeze %dma_start3A_454 : memref<1x20480xf32, #tpu.memory_space<vmem>> -> memref<20480xf32, #tpu.memory_space<vmem>>
    tpu.enqueue_dma source(%dma_start3A_455 : memref<20480xf32, #tpu.memory_space<vmem>>) target(%dma_start3A_452 : memref<20480xf32, #tpu.memory_space<hbm>>) target_semaphore(%arg11 : memref<!tpu.dma_semaphore, #tpu.memory_space<semaphore_mem>>)
    %dma_wait3A_456 = arith.constant 0 : i32
    %dma_wait3A_457 = arith.constant 0 : i32
    %dma_wait3A_458 = tpu.memref_slice %arg7[%dma_wait3A_456, %dma_wait3A_457] : memref<2x20480xf32, #tpu.memory_space<vmem>> -> memref<1x20480xf32, #tpu.memory_space<vmem>>
    %dma_wait3A_459 = tpu.memref_squeeze %dma_wait3A_458 : memref<1x20480xf32, #tpu.memory_space<vmem>> -> memref<20480xf32, #tpu.memory_space<vmem>>
    %dma_wait3A_460 = tpu.memref_slice %arg4[%mul3A_412] : memref<6553600xf32, #tpu.memory_space<hbm>> -> memref<20480xf32, #tpu.memory_space<hbm>>
    %dma_wait3A_461 = tpu.memref_slice %arg4[%mul3A_412] : memref<6553600xf32, #tpu.memory_space<hbm>> -> memref<20480xf32, #tpu.memory_space<hbm>>
    %dma_wait3A_462 = arith.constant 0 : i32
    %dma_wait3A_463 = tpu.memref_slice %arg7[%dma_wait3A_456, %dma_wait3A_462] : memref<2x20480xf32, #tpu.memory_space<vmem>> -> memref<1x20480xf32, #tpu.memory_space<vmem>>
    %dma_wait3A_464 = tpu.memref_squeeze %dma_wait3A_463 : memref<1x20480xf32, #tpu.memory_space<vmem>> -> memref<20480xf32, #tpu.memory_space<vmem>>
    tpu.wait_dma2 semaphore(%arg10 : memref<!tpu.dma_semaphore, #tpu.memory_space<semaphore_mem>>) src(%dma_wait3A_464 : memref<20480xf32, #tpu.memory_space<vmem>>) dst(%dma_wait3A_461 : memref<20480xf32, #tpu.memory_space<hbm>>)
    %dma_wait3A_465 = arith.constant 1 : i32
    %dma_wait3A_466 = arith.constant 0 : i32
    %dma_wait3A_467 = tpu.memref_slice %arg7[%dma_wait3A_465, %dma_wait3A_466] : memref<2x20480xf32, #tpu.memory_space<vmem>> -> memref<1x20480xf32, #tpu.memory_space<vmem>>
    %dma_wait3A_468 = tpu.memref_squeeze %dma_wait3A_467 : memref<1x20480xf32, #tpu.memory_space<vmem>> -> memref<20480xf32, #tpu.memory_space<vmem>>
    %dma_wait3A_469 = tpu.memref_slice %arg4[%mul3A_446] : memref<6553600xf32, #tpu.memory_space<hbm>> -> memref<20480xf32, #tpu.memory_space<hbm>>
    %dma_wait3A_470 = tpu.memref_slice %arg4[%mul3A_446] : memref<6553600xf32, #tpu.memory_space<hbm>> -> memref<20480xf32, #tpu.memory_space<hbm>>
    %dma_wait3A_471 = arith.constant 0 : i32
    %dma_wait3A_472 = tpu.memref_slice %arg7[%dma_wait3A_465, %dma_wait3A_471] : memref<2x20480xf32, #tpu.memory_space<vmem>> -> memref<1x20480xf32, #tpu.memory_space<vmem>>
    %dma_wait3A_473 = tpu.memref_squeeze %dma_wait3A_472 : memref<1x20480xf32, #tpu.memory_space<vmem>> -> memref<20480xf32, #tpu.memory_space<vmem>>
    tpu.wait_dma2 semaphore(%arg11 : memref<!tpu.dma_semaphore, #tpu.memory_space<semaphore_mem>>) src(%dma_wait3A_473 : memref<20480xf32, #tpu.memory_space<vmem>>) dst(%dma_wait3A_470 : memref<20480xf32, #tpu.memory_space<hbm>>)
    return
  }
}

</mosaic_0001>

<sc_bundles>
// kernel: kernel.3.cloned.1.call-start
scs
__scs_entry_jumppad:
0x0: {  	(pc) =	sbr.rel $0x88, $3  }
0x1: {  	(tag) =	ssettag $0x0;
	lr =	simm.s32 $0x1  }
0x2: {  	[smem:$0x3F9F] =	sst lr;
	_ =	strace $0xD0000000  }
0x3: {  	_ = 	snop  }
0x4: {  	_ = 	snop  }
0x5: {  	_ = 	snop  }
0x6: {  	_ = 	snop  }
0x7: {  	_ = 	snop  }
__scs_overlays_trampoline_lowered:
0x8: {  	[smem:$0x3FAE] =	sst s0  }
0x9: {  	[smem:$0x3FAF] =	sst s1  }
0xa: {  	[smem:$0x3FB0] =	sst s2  }
0xb: {  	[smem:$0x3FB1] =	sst s3  }
0xc: {  	[smem:$0x3FB2] =	sst s4  }
0xd: {  	[smem:$0x3FB3] =	sst s5  }
0xe: {  	[smem:$0x3FB4] =	sst s6  }
0xf: {  	[smem:$0x3FB5] =	sst s7  }
0x10: {  	[smem:$0x3FB6] =	sst s8  }
0x11: {  	[smem:$0x3FB7] =	sst s9;
	s0 =	simm.s32 @!p0 $0x0  }
0x12: {  	s1 =	sld [smem:$0x3F9D];
	s0 =	simm.s32 @p0 $0x1  }
0x13: {  	[smem:$0x3FB8] =	sst s0;
	s0 =	simm.s32 @!p1 $0x0  }
0x14: {  	s2 =	sld [smem:$0x3F9C];
	s0 =	simm.s32 @p1 $0x1  }
0x15: {  	[smem:$0x3FB9] =	sst s0;
	s0 =	simm.s32 @!p2 $0x0  }
0x16: {  	s3 =	sld [smem:$0x3FDB];
	s0 =	simm.s32 @p2 $0x1  }
0x17: {  	s4 =	simm.s32 $0x1BF5;
	[smem:$0x3FBB] =	sst s0  }
0x18: {  	s0 =	sld [smem:$0x3F9E];
	_ =	swait.ge [sflag:s4], $0x0  }
0x19: {  	s7 =	sld [smem:$0x3F9F]  }
0x1a: {  	s8 =	sadd.s32 $0xFFFFE003, lr  }
0x1b: {  	s9 =	sadd.s32 $0xFFFFFEF7, lr;
	s5 =	simm.s32 $0xFFFFFFFF;
	p2 =	slt.u32 s8, $0xFFFFF086  }
0x1c: {  	p1 =	slt.u32 s9, $0xF7A;
	s5 =	simm.s32 @!p2 $0x0  }
0x1d: {  	s5 =	simm.s32 @p1 $0x1;
	p0 =	seq.s32 s7, s2  }
0x1e: {  	s7 =	smul.u32 @!p0 $0xF7A, s2;
	p2 =	seq.s32 @!p0 s5, $0x0  }
0x1f: {  	s9 =	smul.u32 $0xF7A, s1;
	s8 =	simm.s32 @!p0 $0x1BF5;
	p2 =	por !p2, p0  }
0x20: {  	[sflag:s8] =	ssyncset.s32 @!p0 $0xFFFFF086;
	s6 =	sadd.s32 @!p0 s3, s7;
	s7 =	simm.s32 @!p0 $0x108  }
0x21: {  	s3 =	sadd.s32 s3, s9;
	s6 =	sadd.s32 @!p0 $0x88, s6;
	s7 =	simm.s32 @p2 $0x1082  }
0x22: {  	[simem:s7], [sflag:s8] =	dma.local @!p0 [hbm:s6], $0xF7A  }
0x23: {  	s9 =	sor.u32 $0xD0000000, s2;
	s6 =	simm.s32 $0x108;
	_ =	swait.ge @!p0 [sflag:s8], $0x0  }
0x24: {  	s3 =	sadd.s32 $0x88, s3;
	s6 =	simm.s32 @!p1 $0x1082;
	[sflag:s4] =	ssyncset.s32 $0xFFFFF086  }
0x25: {  	[simem:s6], [sflag:s4] =	dma.local [hbm:s3], $0xF7A  }
0x26: {  	[smem:$0x3F9F] =	sst s1;
	(tag) =	ssettag s2;
	_ =	strace s9  }
0x27: {  	s1 =	sld [smem:$0x3FAF]  }
0x28: {  	s2 =	sld [smem:$0x3FB0]  }
0x29: {  	s4 =	sld [smem:$0x3FB2]  }
0x2a: {  	p0 =	seq.s32 s5, $0x0;
	s5 =	sld [smem:$0x3FB3]  }
0x2b: {  	s6 =	sld [smem:$0x3FB4]  }
0x2c: {  	s7 =	sld [smem:$0x3FB5]  }
0x2d: {  	s3 =	simm.s32 $0x108;
	s8 =	sld [smem:$0x3FB6]  }
0x2e: {  	s3 =	simm.s32 @!p0 $0x1082;
	s9 =	sld [smem:$0x3FB7]  }
0x2f: {  	lr =	sadd.s32 s0, s3;
	s0 =	sld [smem:$0x3FAE]  }
0x30: {  	s3 =	sld [smem:$0x3FB1]  }
0x31: {  	[smem:$0x3FBA] =	sst s10  }
0x32: {  	s10 =	sld [smem:$0x3FB8];
	_ =	sdelay $0x3  }
0x33: {  	p0 =	seq.s32 s10, $0x1;
	s10 =	sld [smem:$0x3FBA];
	_ =	sdelay $0x3  }
0x34: {  	[smem:$0x3FBA] =	sst s10  }
0x35: {  	s10 =	sld [smem:$0x3FB9];
	_ =	sdelay $0x3  }
0x36: {  	p1 =	seq.s32 s10, $0x1;
	s10 =	sld [smem:$0x3FBA];
	_ =	sdelay $0x3  }
0x37: {  	[smem:$0x3FBA] =	sst s10  }
0x38: {  	s10 =	sld [smem:$0x3FBB]  }
0x39: {  	_ = 	snop;
	(pc) =	sbr.ind lr, $3  }
0x3a: {  	_ = 	snop  }
0x3b: {  	_ = 	snop  }
0x3c: {  	p2 =	seq.s32 s10, $0x1;
	s10 =	sld [smem:$0x3FBA]  }
0x3d: {  	_ =	shalt  }
0x3e: {  	_ =	shalt  }
0x3f: {  	_ =	shalt  }
0x40: {  	_ =	shalt  }
0x41: {  	_ =	shalt  }
0x42: {  	_ =	shalt  }
0x43: {  	_ =	shalt  }
0x44: {  	_ =	shalt  }
0x45: {  	_ =	shalt  }
0x46: {  	_ =	shalt  }
0x47: {  	_ =	shalt  }
0x48: {  	_ =	shalt  }
0x49: {  	_ =	shalt  }
0x4a: {  	_ =	shalt  }
0x4b: {  	_ =	shalt  }
0x4c: {  	_ =	shalt  }
0x4d: {  	_ =	shalt  }
0x4e: {  	_ =	shalt  }
0x4f: {  	_ =	shalt  }
0x50: {  	_ =	shalt  }
0x51: {  	_ =	shalt  }
0x52: {  	_ =	shalt  }
0x53: {  	_ =	shalt  }
0x54: {  	_ =	shalt  }
0x55: {  	_ =	shalt  }
0x56: {  	_ =	shalt  }
0x57: {  	_ =	shalt  }
0x58: {  	_ =	shalt  }
0x59: {  	_ =	shalt  }
0x5a: {  	_ =	shalt  }
0x5b: {  	_ =	shalt  }
0x5c: {  	_ =	shalt  }
0x5d: {  	_ =	shalt  }
0x5e: {  	_ =	shalt  }
0x5f: {  	_ =	shalt  }
0x60: {  	_ =	shalt  }
0x61: {  	_ =	shalt  }
0x62: {  	_ =	shalt  }
0x63: {  	_ =	shalt  }
0x64: {  	_ =	shalt  }
0x65: {  	_ =	shalt  }
0x66: {  	_ =	shalt  }
0x67: {  	_ =	shalt  }
0x68: {  	_ =	shalt  }
0x69: {  	_ =	shalt  }
0x6a: {  	_ =	shalt  }
0x6b: {  	_ =	shalt  }
0x6c: {  	_ =	shalt  }
0x6d: {  	_ =	shalt  }
0x6e: {  	_ =	shalt  }
0x6f: {  	_ =	shalt  }
0x70: {  	_ =	shalt  }
0x71: {  	_ =	shalt  }
0x72: {  	_ =	shalt  }
0x73: {  	_ =	shalt  }
0x74: {  	_ =	shalt  }
0x75: {  	_ =	shalt  }
0x76: {  	_ =	shalt  }
0x77: {  	_ =	shalt  }
0x78: {  	_ =	shalt  }
0x79: {  	_ =	shalt  }
0x7a: {  	_ =	shalt  }
0x7b: {  	_ =	shalt  }
0x7c: {  	_ =	shalt  }
0x7d: {  	_ =	shalt  }
0x7e: {  	_ =	shalt  }
0x7f: {  	_ =	shalt  }
0x80: {  	_ =	shalt  }
0x81: {  	_ =	shalt  }
0x82: {  	_ =	shalt  }
0x83: {  	_ =	shalt  }
0x84: {  	_ =	shalt  }
0x85: {  	_ =	shalt  }
0x86: {  	_ =	shalt  }
0x87: {  	_ =	shalt  }
.Lfunc_end0:
.L_simem_size_0:
called_computation_lowered:
.L_overlay_start_0:
0x88: {  	s2 =	sld [smem:$0x3FD9]  }
0x89: {  	s3 =	sld [smem:$0x3FFE];
	_ =	sdelay $0x1  }
0x8a: {  	s1 =	srdreg.scid  }
0x8b: {  	s0 =	sand.u32 $0x1, s1  }
0x8c: {  	s17 =	sshll.u32 s0, $0xA;
	s2 =	sadd.s32 s3, s2  }
0x8d: {  	s2 =	sadd.s32 s2, s17  }
0x8e: {  	[smem:$0x3FC6] =	sst s2  }
0x8f: {  	_ = 	snop  }
0x90: {  	s2 =	sld [smem:$0x3FD0];
	(tm) =	ssettm $0x1  }
0x91: {  	s18 =	sld [smem:$0x3FFB];
	_ =	sdelay $0x3  }
0x92: {  	_ =	strace s18  }
0x93: {  	s3 =	sld [smem:$0x3FFC];
	_ =	sdelay $0x3  }
0x94: {  	_ =	strace s3  }
0x95: {  	s3 =	sld [smem:$0x3FFD];
	_ =	sdelay $0x3  }
0x96: {  	_ =	strace s3  }
0x97: {  	_ =	strace $0x8FFFFFFF  }
0x98: {  	s19 =	sld [smem:$0x3FDB];
	_ =	sdelay $0x1  }
0x99: {  	s4 =	simm.s32 $_scs_section_size  }
0x9a: {  	s5 =	simm.s32 $_size__tile_overlayer_lowered;
	s6 =	simm.s32 $_tile_overlayer_lowered  }
0x9b: {  	s22 =	simm.s32 $0x1BFF;
	s21 =	sshll.u32 s6, $0x1;
	s3 =	sadd.s32 s4, s19  }
0x9c: {  	s7 =	simm.s32 $0x0;
	s20 =	sshll.u32 s5, $0x1;
	s5 =	sadd.s32 s21, s3  }
0x9d: {  	[timem:s7], [sflag:s22] =	dma.local [hbm:s5], s20  }
0x9e: {  	_ =	swait.ge [sflag:s22], s20  }
0x9f: {  	s4 =	ssub.s32 $0x0, s20;
	[sflag:s22] =	ssyncset.done $0x0  }
0xa0: {  	[sflag:s22] =	ssyncadd.s32 s4;
	_ =	sdelay $0x1  }
0xa1: {  	s23 =	simm.s32 $0x1B8B  }
0xa2: {  	_ =	swait.ge [sflag:s23], $0x1  }
0xa3: {  	[sflag:s23] =	ssyncset.done $0x0  }
0xa4: {  	s25 =	simm.s32 $0x1B8E;
	s24 =	sld [smem:$0x3FFE];
	[sflag:s23] =	ssyncadd.s32 $0xFFFFFFFF  }
0xa5: {  	s26 =	simm.s32 $execute0_lowered;
	[smem:$0x3FD2] =	sst s25  }
0xa6: {  	s5 =	sshll.u32 s26, $0x1;
	_ =	strace $0x80000046;
	[dreg:$0x1] =	wrdreg $0xFFFFFFFF  }
0xa7: {  	s28 =	simm.s32 $_size_execute0_lowered;
	s3 =	sadd.s32 s3, s5;
	[dreg:$0x0] =	wrdreg $0x0  }
0xa8: {  	s5 =	sshll.u32 s28, $0x1;
	[dreg:$0x2] =	wrdreg s3  }
0xa9: {  	[dreg:$0x3] =	wrdreg s5  }
0xaa: {  	[dreg:$0x4] =	wrdreg $0xC0  }
0xab: {  	_ =	task [dreg:s7], $0x5FFFF  }
0xac: {  	[dreg:$0x1] =	wrdreg $0xFFFFFFFF  }
0xad: {  	[dreg:$0x0] =	wrdreg $0x60  }
0xae: {  	[dreg:$0x2] =	wrdreg s24  }
0xaf: {  	[dreg:$0x3] =	wrdreg s2  }
0xb0: {  	[dreg:$0x4] =	wrdreg $0x9  }
0xb1: {  	_ =	task.clear_ibuf [dreg:s7], $0x5FFFF;
	_ =	strace $0x90000046  }
0xb2: {  	s29 =	simm.s32 $0x9;
	_ =	strace $0x80000048  }
0xb3: {  	_ =	swait.ge [sflag:s29], $0x1  }
0xb4: {  	[sflag:s29] =	ssyncadd.s32 $0xFFFFFFFF  }
0xb5: {  	_ =	strace $0x90000048  }
0xb6: {  	_ =	sfence  }
0xb7: {  	s30 =	sld [smem:$0x0];
	_ =	sdelay $0x2  }
0xb8: {  	s31 =	sshll.u32 s1, $0xD;
	s1 =	sshrl.u32 s1, $0x2  }
0xb9: {  	s3 =	sand.u32 $0x4000, s31;
	s1 =	sadd.s32 s1, s30  }
0xba: {  	s0 =	sor.u32 s3, s0;
	s1 =	sshll.u32 s1, $0x11  }
0xbb: {  	s0 =	sor.u32 s1, s0  }
0xbc: {  	s0 =	sadd.s32 $0x8F2B, s0  }
0xbd: {  	[sflag:s0] =	ssyncadd.remote.s32 $0x1  }
0xbe: {  	_ =	sfence.sel $0xFFFF  }
0xbf: {  	[dreg:$0x0] =	wrdreg $0xFFFFFFFF;
	(pc) =	sbr.abs _section_cstart, $3  }
0xc0: {  	[dreg:$0x1] =	wrdreg $0xFFFFFFFF  }
0xc1: {  	_ =	task.clear_ibuf [dreg:s7], $0x2FFFF;
	_ =	strace $0x9FFFFFFF  }
0xc2: {  	(tm) =	ssettm $0x7FFFFFFF  }
0xc3: {  	_ =	shalt  }
tec
execute0_lowered:
.L_overlay_start_1:
0x0: {  	(tag) =	ssettag $0x1  }
0x1: {  	s0 =	srdreg.scid  }
0x2: {  	s2 =	stileid.u32;
	s1 =	rddreg [dreg:$0x0]  }
0x3: {  	s3 =	rddreg [dreg:$0x1];
	s0 =	sand.u32 $0x1, s0;
	s2 =	sshll.u32 s2, $0x1  }
0x4: {  	s28 =	simm.s32 $0x7090;
	s29 =	simm.s32 $0x1;
	s4 =	sor.u32 s0, s2  }
0x5: {  	s30 =	simm.s32 $0xA2A0;
	s31 =	simm.s32 $0x2;
	s5 =	smul.u32 $0x1900, s4  }
0x6: {  	s8 =	sadd.s32 $0x380A00, s1;
	s1 =	sadd.s32 $0x200, s1;
	s6 =	smul.u32 $0x3E80, s4  }
0x7: {  	s2 =	simm.s32 $0x0;
	s0 =	ssub.s32 $0x2, s0;
	s21 =	smul.u32 $0x6400, s4  }
0x8: {  	[smem:$0x7FF] =	sst s2;
	s10 =	sshrl.u32 s0, $0x1;
	s4 =	smul.u32 $0x1F400, s4  }
0x9: {  	_ =	strace $0x80000047;
	[dreg:$0x3] =	wrdreg s1;
	s0 =	ssub.s32 s0, s10  }
0xa: {  	s7 =	sadd.s32 $0x280, s5;
	s6 =	sadd.s32 s8, s6;
	s1 =	sadd.s32 s3, s21  }
0xb: {  	s23 =	sshll.u32 s5, $0x2;
	s24 =	sadd.s32 $0x6400, s4;
	s26 =	sadd.s32 $0x9600, s4  }
0xc: {  	s11 =	sadd.s32 $0xC800, s4;
	s13 =	sadd.s32 $0xFA00, s4;
	s15 =	sadd.s32 $0x12C00, s4  }
0xd: {  	s19 =	sadd.s32 $0x15E00, s4;
	[dreg:$0x4] =	wrdreg s6;
	s5 =	sshrl.u32 s24, $0x3  }
0xe: {  	[dreg:$0x6] =	wrdreg s1;
	s1 =	sadd.s32 s3, s23;
	s5 =	sadd.s32 s8, s5  }
0xf: {  	s21 =	sadd.s32 $0x19000, s4;
	s12 =	sadd.s32 $0x1400, s1;
	[dreg:$0x7] =	wrdreg s5  }
0x10: {  	s4 =	sadd.s32 $0x1C200, s4;
	s16 =	sadd.s32 $0x1E00, s1;
	[dreg:$0xa] =	wrdreg s12  }
0x11: {  	s9 =	smul.u32 $0x14, s7;
	s18 =	sadd.s32 $0x2800, s1;
	[dreg:$0xc] =	wrdreg s16  }
0x12: {  	s25 =	sshll.u32 s7, $0x2;
	s20 =	sadd.s32 $0x3200, s1;
	[dreg:$0xe] =	wrdreg s18  }
0x13: {  	s10 =	sshrl.u32 s26, $0x3;
	s23 =	sadd.s32 $0x3C00, s1;
	[dreg:$0x10] =	wrdreg s20  }
0x14: {  	s14 =	sshrl.u32 s13, $0x3;
	s26 =	sadd.s32 $0x5000, s1;
	[dreg:$0x12] =	wrdreg s23  }
0x15: {  	s9 =	sshrl.u32 s9, $0x3;
	s5 =	sadd.s32 s8, s10;
	[dreg:$0x16] =	wrdreg s26  }
0x16: {  	s17 =	sshrl.u32 s15, $0x3;
	s22 =	sadd.s32 s8, s9;
	[dreg:$0x9] =	wrdreg s5  }
0x17: {  	s24 =	sshrl.u32 s4, $0x3;
	s9 =	sadd.s32 s3, s25;
	[dreg:$0x5] =	wrdreg s22  }
0x18: {  	s3 =	sshrl.u32 s11, $0x3;
	s25 =	sadd.s32 $0x4600, s1;
	[dreg:$0x8] =	wrdreg s9  }
0x19: {  	s4 =	simm.s32 $0x0;
	s3 =	sadd.s32 s8, s3;
	[dreg:$0x14] =	wrdreg s25  }
0x1a: {  	s26 =	simm.s32 $0x5;
	[dreg:$0xb] =	wrdreg s3;
	s3 =	sadd.s32 s8, s14  }
0x1b: {  	s1 =	sadd.s32 $0x5A00, s1;
	[dreg:$0xd] =	wrdreg s3;
	s3 =	sadd.s32 s8, s17  }
0x1c: {  	s22 =	sshrl.u32 s21, $0x3;
	[dreg:$0xf] =	wrdreg s3;
	s3 =	sshrl.u32 s19, $0x3  }
0x1d: {  	[dreg:$0x17] =	wrdreg s1;
	s25 =	simm.s32 $0x3E80;
	s3 =	sadd.s32 s8, s3  }
0x1e: {  	s1 =	simm.s32 $0xF2A0;
	[dreg:$0x11] =	wrdreg s3;
	s3 =	sadd.s32 s8, s22  }
0x1f: {  	[dreg:$0x13] =	wrdreg s3;
	s3 =	sadd.s32 s8, s24;
	s24 =	smax.u32 s0, $0x1  }
0x20: {  	v0 =	vimm.s32 $0x0;
	s0 =	simm.s32 $0x3;
	[dreg:$0x15] =	wrdreg s3;
	s3 =	simm.s32 $0x4  }
.LBB2_1:
0x21: {  	s5 =	rddreg [dreg:$0x4]  }
0x22: {  	[tilespmem:s25], [sflag:$0x1] =	stream.linear.gather [hbm4b:s5+s2], $0x3200, $0x38;
	[tilespmem:$0x142A0] =	vst v63  }
0x23: {  	s16 =	rddreg [dreg:$0x3]  }
0x24: {  	[tilespmem:s2], [sflag:$0x5] =	stream.linear.gather [hbm4b:s16+s2], $0x3E80, $0x38;
	[tilespmem:$0x142A0] =	vst v63  }
0x25: {  	_ =	swait.ge [sflag:s26], $0x3E80  }
0x26: {  	[sflag:s26] =	ssyncset.done $0x0  }
0x27: {  	[sflag:s26] =	ssyncadd.s32 $0xFFFFC180  }
0x28: {  	s17 =	rddreg [dreg:$0x5];
	[tilespmem:$0x0] =	vst v0  }
0x29: {  	[tilespmem:s28], [sflag:$0x2] =	stream.linear.gather [hbm4b:s17+s2], $0x3200, $0x38;
	[tilespmem:$0x142A0] =	vst v63  }
0x2a: {  	_ =	swait.ge [sflag:s29], $0x3200  }
0x2b: {  	[sflag:s29] =	ssyncset.done $0x0  }
0x2c: {  	s18 =	simm.s32 $0x3E94;
	[sflag:s29] =	ssyncadd.s32 $0xFFFFCE00  }
0x2d: {  	v1 =	vld [tilespmem:s18+$0xFFFFFFEC];
	_ =	sdelay $0x4  }
0x2e: {  	v2 =	vld [tilespmem:s18+$0x0];
	v1 =	vshll.u32 v1, $0x6  }
0x2f: {  	v1 =	vshra.s32 v1, $0x2  }
0x30: {  	(v2sf) =	vpush v1, $0x0  }
0x31: {  	(v2sf) =	vpush v1, $0x1  }
0x32: {  	(v2sf) =	vpush v1, $0x2  }
0x33: {  	v2 =	vshll.u32 v2, $0x6;
	(v2sf) =	vpush v1, $0x3  }
0x34: {  	v2 =	vshra.s32 v2, $0x2;
	(v2sf) =	vpush v1, $0x4  }
0x35: {  	(v2sf) =	vpush v2, $0x5  }
0x36: {  	(v2sf) =	vpush v2, $0xD  }
0x37: {  	(v2sf) =	vpush v2, $0x0  }
0x38: {  	(v2sf) =	vpush v1, $0x5  }
0x39: {  	(v2sf) =	vpush v1, $0x6  }
0x3a: {  	(v2sf) =	vpush v2, $0x2  }
0x3b: {  	(v2sf) =	vpush v2, $0x1  }
0x3c: {  	v3 =	vld [tilespmem:s18+$0xFFFFFFFC];
	(v2sf) =	vpush v2, $0xF  }
0x3d: {  	(v2sf) =	vpush v1, $0x7  }
0x3e: {  	(v2sf) =	vpush v2, $0x4  }
0x3f: {  	s12 =	spop (v2sf);
	(v2sf) =	vpush v2, $0xE  }
0x40: {  	s7 =	spop (v2sf);
	(v2sf) =	vpush v1, $0x8  }
0x41: {  	v3 =	vshll.u32 v3, $0x6;
	s8 =	spop (v2sf);
	(v2sf) =	vpush v1, $0x9  }
0x42: {  	v3 =	vshra.s32 v3, $0x2;
	s6 =	spop (v2sf);
	(v2sf) =	vpush v1, $0xA  }
0x43: {  	s9 =	spop (v2sf);
	(v2sf) =	vpush v3, $0x3  }
0x44: {  	(v2sf) =	vpush v3, $0x2;
	s14 =	spop (v2sf)  }
0x45: {  	(v2sf) =	vpush v2, $0x6;
	s10 =	spop (v2sf)  }
0x46: {  	s5 =	simm.s32 $0x3EBC;
	s11 =	spop (v2sf);
	(v2sf) =	vpush v2, $0x3  }
0x47: {  	v14 =	vld [tilespmem:s5+$0x0];
	s13 =	spop (v2sf);
	(v2sf) =	vpush v2, $0x7  }
0x48: {  	v15 =	vld [tilespmem:s5+$0xFFFFFFEC];
	s19 =	spop (v2sf)  }
0x49: {  	v12 =	vld [tilespmem:s12+$0x0];
	s20 =	spop (v2sf)  }
0x4a: {  	v9 =	vld [tilespmem:s9+$0x0];
	(v2sf) =	vpush v2, $0x8;
	s21 =	spop (v2sf)  }
0x4b: {  	v18 =	vld [tilespmem:s14+$0x0];
	(v2sf) =	vpush v2, $0x9;
	s15 =	spop (v2sf)  }
0x4c: {  	v4 =	vld [tilespmem:s11+$0x0];
	(v2sf) =	vpush v2, $0xA;
	s22 =	spop (v2sf)  }
0x4d: {  	v8 =	vld [tilespmem:s13+$0x0];
	s23 =	spop (v2sf)  }
0x4e: {  	v5 =	vld [tilespmem:s19+$0x0];
	(v2sf) =	vpush v2, $0xB;
	s16 =	spop (v2sf)  }
0x4f: {  	v6 =	vld [tilespmem:s20+$0x0];
	(v2sf) =	vpush v2, $0xC;
	s9 =	spop (v2sf)  }
0x50: {  	v7 =	vld [tilespmem:s21+$0x0];
	(v2sf) =	vpush v3, $0x1;
	s11 =	spop (v2sf)  }
0x51: {  	v2 =	vld [tilespmem:s18+$0x10];
	(v2sf) =	vpush v3, $0x0;
	s12 =	spop (v2sf)  }
0x52: {  	v10 =	vld [tilespmem:s22+$0x0];
	(v2sf) =	vpush v1, $0xB;
	s17 =	spop (v2sf)  }
0x53: {  	v11 =	vld [tilespmem:s23+$0x0];
	(v2sf) =	vpush v1, $0xC;
	s13 =	spop (v2sf)  }
0x54: {  	v3 =	vld [tilespmem:s16+$0x0];
	s18 =	spop (v2sf);
	(v2sf) =	vpush v1, $0xD  }
0x55: {  	v13 =	vld [tilespmem:s17+$0x0];
	s17 =	spop (v2sf);
	(v2sf) =	vpush v1, $0xE  }
0x56: {  	v2 =	vshll.u32 v2, $0x6;
	v16 =	vld [tilespmem:s17+$0x0];
	s19 =	spop (v2sf);
	(v2sf) =	vpush v1, $0xF;
	v1 =	vshll.u32 v15, $0x6  }
0x57: {  	v17 =	vshra.s32 v2, $0x2;
	v2 =	vshra.s32 v1, $0x2;
	v1 =	vadd.bf16 v8, v9;
	v8 =	vld [tilespmem:s15+$0x0]  }
0x58: {  	v9 =	vld [tilespmem:s18+$0x0]  }
0x59: {  	v5 =	vadd.bf16 v10, v5;
	s20 =	spop (v2sf);
	(v2sf) =	vpush v17, $0x0;
	v10 =	vld [tilespmem:s19+$0x0]  }
0x5a: {  	v19 =	vld [tilespmem:s20+$0x0];
	s21 =	spop (v2sf);
	(v2sf) =	vpush v17, $0x1  }
0x5b: {  	v20 =	vld [tilespmem:s21+$0x0];
	s22 =	spop (v2sf);
	(v2sf) =	vpush v17, $0x2  }
0x5c: {  	v1 =	vadd.bf16 v5, v1;
	v5 =	vshll.u32 v14, $0x6;
	v14 =	vld [tilespmem:s8+$0x0];
	(v2sf) =	vpush v17, $0x3  }
0x5d: {  	v15 =	vld [tilespmem:s22+$0x0];
	s23 =	spop (v2sf);
	(v2sf) =	vpush v2, $0x0  }
0x5e: {  	v4 =	vadd.bf16 v7, v4;
	v17 =	vld [tilespmem:s7+$0x0];
	(v2sf) =	vpush v2, $0x1  }
0x5f: {  	v11 =	vadd.bf16 v18, v11;
	v21 =	vld [tilespmem:s23+$0x0];
	(v2sf) =	vpush v2, $0x2  }
0x60: {  	v22 =	vshra.s32 v5, $0x2;
	v5 =	vadd.bf16 v16, v6;
	v6 =	vld [tilespmem:s10+$0x0];
	s15 =	spop (v2sf);
	(v2sf) =	vpush v2, $0x3  }
0x61: {  	v9 =	vadd.bf16 v10, v9;
	v10 =	vld [tilespmem:s6+$0x0];
	s14 =	spop (v2sf);
	(v2sf) =	vpush v2, $0x4  }
0x62: {  	v3 =	vadd.bf16 v8, v3;
	v7 =	vld [tilespmem:s15+$0x0];
	s17 =	spop (v2sf);
	(v2sf) =	vpush v22, $0x5  }
0x63: {  	v4 =	vadd.bf16 v5, v4;
	v5 =	vld [tilespmem:s13+$0x0];
	s18 =	spop (v2sf);
	(v2sf) =	vpush v22, $0xD  }
0x64: {  	v16 =	vadd.bf16 v20, v19;
	v19 =	vld [tilespmem:s11+$0x0];
	s7 =	spop (v2sf);
	(v2sf) =	vpush v22, $0x0  }
0x65: {  	v20 =	vld [tilespmem:s5+$0xFFFFFFFC];
	v9 =	vadd.bf16 v9, v11;
	s16 =	spop (v2sf);
	(v2sf) =	vpush v2, $0x5  }
0x66: {  	v11 =	vld [tilespmem:s14+$0x0];
	v12 =	vadd.bf16 v17, v12;
	s19 =	spop (v2sf);
	(v2sf) =	vpush v2, $0x6  }
0x67: {  	v17 =	vld [tilespmem:s9+$0x0];
	v6 =	vadd.bf16 v6, v7;
	s20 =	spop (v2sf);
	(v2sf) =	vpush v22, $0x2  }
0x68: {  	v18 =	vld [tilespmem:s18+$0x0];
	v7 =	vadd.bf16 v21, v15;
	s21 =	spop (v2sf);
	(v2sf) =	vpush v22, $0x1  }
0x69: {  	v15 =	vld [tilespmem:s12+$0x0];
	v5 =	vadd.bf16 v13, v5;
	s22 =	spop (v2sf);
	(v2sf) =	vpush v22, $0xF  }
0x6a: {  	v8 =	vld [tilespmem:s17+$0x0];
	v6 =	vadd.bf16 v3, v6;
	s23 =	spop (v2sf);
	(v2sf) =	vpush v2, $0x7  }
0x6b: {  	v23 =	vld [tilespmem:s7+$0x0];
	v7 =	vadd.bf16 v7, v16;
	(v2sf) =	vpush v22, $0x4;
	s18 =	spop (v2sf)  }
0x6c: {  	v17 =	vadd.bf16 v19, v17;
	v16 =	vld [tilespmem:s20+$0x0];
	s15 =	spop (v2sf);
	(v2sf) =	vpush v22, $0xE  }
0x6d: {  	v63 =	vadd.bf16 v6, v7;
	v6 =	vshll.u32 v20, $0x6;
	v20 =	vld [tilespmem:s19+$0x0];
	s9 =	spop (v2sf);
	(v2sf) =	vpush v2, $0x8  }
0x6e: {  	v15 =	vadd.bf16 v18, v15;
	v18 =	vld [tilespmem:s16+$0x0];
	s10 =	spop (v2sf);
	(v2sf) =	vpush v2, $0x9  }
0x6f: {  	v13 =	vshra.s32 v6, $0x2;
	v6 =	vadd.bf16 v10, v14;
	s8 =	spop (v2sf);
	(v2sf) =	vpush v2, $0xA  }
0x70: {  	v10 =	vadd.bf16 v11, v8;
	s14 =	spop (v2sf);
	(v2sf) =	vpush v13, $0x3  }
0x71: {  	v3 =	vld [tilespmem:s21+$0x0];
	v7 =	vadd.bf16 v6, v12;
	(v2sf) =	vpush v13, $0x2;
	s16 =	spop (v2sf)  }
0x72: {  	v14 =	vld [tilespmem:s22+$0x0];
	v20 =	vadd.bf16 v16, v20;
	(v2sf) =	vpush v22, $0x6;
	s13 =	spop (v2sf)  }
0x73: {  	v8 =	vld [tilespmem:s23+$0x0];
	v18 =	vadd.bf16 v18, v23;
	s19 =	spop (v2sf);
	(v2sf) =	vpush v22, $0x3  }
0x74: {  	v12 =	vadd.bf16 v15, v17;
	v19 =	vld [tilespmem:s18+$0x0];
	s20 =	spop (v2sf);
	(v2sf) =	vpush v22, $0x7  }
0x75: {  	v15 =	vadd.bf16 v20, v18;
	v18 =	vld [tilespmem:s14+$0x0];
	s21 =	spop (v2sf);
	(v2sf) =	vpush v22, $0x8  }
0x76: {  	v6 =	vld [tilespmem:s19+$0x0];
	s22 =	spop (v2sf);
	(v2sf) =	vpush v22, $0x9  }
0x77: {  	v17 =	vld [tilespmem:s20+$0x0];
	s23 =	spop (v2sf);
	(v2sf) =	vpush v22, $0xA  }
0x78: {  	s6 =	simm.s32 $0xA300;
	v24 =	vadd.bf16 v9, v4;
	v9 =	vld [tilespmem:s21+$0x0];
	(v2sf) =	vpush v22, $0xB;
	s17 =	spop (v2sf)  }
0x79: {  	s11 =	simm.s32 $0x2;
	s7 =	simm.s32 $0xA2C0;
	v16 =	vadd.bf16 v19, v8;
	v4 =	vld [tilespmem:s22+$0x0];
	s18 =	spop (v2sf);
	(v2sf) =	vpush v22, $0xC  }
0x7a: {  	s12 =	simm.s32 $0xA340;
	v8 =	vadd.bf16 v63, v24;
	s14 =	simm.s32 $0x3EBC;
	v11 =	vld [tilespmem:s23+$0x0];
	(v2sf) =	vpush v13, $0x1;
	s19 =	spop (v2sf)  }
.LBB2_2:
0x7b: {  	s11 =	sadd.s32 $0x2, s11;
	v19 =	vld [tilespmem:s18+$0x0];
	s5 =	sadd.s32 $0x28, s5;
	(v2sf) =	vpush v13, $0x0;
	s20 =	spop (v2sf);
	v10 =	vadd.bf16 v5, v10  }
0x7c: {  	v3 =	vadd.bf16 v14, v3;
	p0 =	slt.u32 s11, $0x27E;
	v13 =	vld [tilespmem:s14+$0x10];
	s18 =	spop (v2sf);
	(v2sf) =	vpush v2, $0xB;
	s14 =	smov.u32 s5  }
0x7d: {  	v7 =	vadd.bf16 v1, v7;
	v14 =	vld [tilespmem:s19+$0x0];
	s19 =	spop (v2sf);
	(v2sf) =	vpush v2, $0xC  }
0x7e: {  	v1 =	vadd.bf16 v16, v3;
	v20 =	vld [tilespmem:s15+$0x0];
	s15 =	spop (v2sf);
	(v2sf) =	vpush v2, $0xD  }
0x7f: {  	v3 =	vadd.bf16 v17, v18;
	v16 =	vld [tilespmem:s20+$0x0];
	(v2sf) =	vpush v2, $0xE;
	s20 =	spop (v2sf)  }
0x80: {  	v6 =	vadd.bf16 v11, v6;
	v5 =	vld [tilespmem:s20+$0x0];
	v9 =	vadd.bf16 v19, v9;
	s20 =	spop (v2sf)  }
0x81: {  	v12 =	vadd.bf16 v15, v12;
	v8 =	vadd.bf16 v1, v8;
	v11 =	vld [tilespmem:s5+$0x0];
	v13 =	vshll.u32 v13, $0x6;
	s21 =	spop (v2sf)  }
0x82: {  	v15 =	vld [tilespmem:s5+$0xFFFFFFEC];
	v1 =	vadd.bf16 v9, v3;
	v3 =	vshra.s32 v13, $0x2;
	(v2sf) =	vpush v2, $0xF;
	s22 =	spop (v2sf)  }
0x83: {  	v2 =	vadd.bf16 v12, v7;
	v7 =	vunpack.i.u.bf16.f32 v8;
	v8 =	vunpack.i.l.bf16.f32 v8;
	v9 =	vld [tilespmem:s22+$0x0];
	s22 =	spop (v2sf)  }
0x84: {  	v12 =	vld [tilespmem:s16+$0x0];
	s16 =	spop (v2sf);
	(v2sf) =	vpush v3, $0x0;
	[tilespmem:s7+$0x10] =	vst v7  }
0x85: {  	v10 =	vadd.bf16 v10, v2;
	v7 =	vld [tilespmem:s16+$0x0];
	s16 =	spop (v2sf);
	(v2sf) =	vpush v3, $0x1  }
0x86: {  	v2 =	vshll.u32 v11, $0x6;
	v11 =	vld [tilespmem:s16+$0x0];
	s16 =	spop (v2sf);
	(v2sf) =	vpush v3, $0x2;
	[tilespmem:s7+$0x0] =	vst v8  }
0x87: {  	v17 =	vunpack.i.u.bf16.f32 v10;
	v13 =	vshll.u32 v15, $0x6;
	v8 =	vshra.s32 v2, $0x2;
	v15 =	vld [tilespmem:s16+$0x0];
	s16 =	spop (v2sf)  }
0x88: {  	v2 =	vshra.s32 v13, $0x2;
	v13 =	vld [tilespmem:s16+$0x0];
	s23 =	spop (v2sf);
	(v2sf) =	vpush v3, $0x3;
	v3 =	vunpack.i.l.bf16.f32 v10;
	[tilespmem:s7+$0xFFFFFFF0] =	vst v17  }
0x89: {  	v4 =	vadd.bf16 v9, v4;
	(v2sf) =	vpush v2, $0x0;
	v10 =	vld [tilespmem:s17+$0x0];
	s16 =	spop (v2sf);
	[tilespmem:s7+$0xFFFFFFE0] =	vst v3;
	s7 =	smov.u32 s6;
	s6 =	smov.u32 s12  }
0x8a: {  	v9 =	vadd.bf16 v12, v14;
	(v2sf) =	vpush v2, $0x1;
	v3 =	vld [tilespmem:s21+$0x0];
	s21 =	spop (v2sf)  }
0x8b: {  	(v2sf) =	vpush v2, $0x2;
	v12 =	vld [tilespmem:s23+$0x0];
	v7 =	vadd.bf16 v11, v7;
	s23 =	spop (v2sf)  }
0x8c: {  	(v2sf) =	vpush v2, $0x3;
	v11 =	vld [tilespmem:s22+$0x0];
	s17 =	spop (v2sf)  }
0x8d: {  	v4 =	vadd.bf16 v4, v6;
	(v2sf) =	vpush v2, $0x4;
	v14 =	vld [tilespmem:s13+$0x0];
	s13 =	spop (v2sf)  }
0x8e: {  	(v2sf) =	vpush v8, $0x5;
	v6 =	vld [tilespmem:s10+$0x0];
	v10 =	vadd.bf16 v10, v16;
	s22 =	spop (v2sf)  }
0x8f: {  	(v2sf) =	vpush v8, $0xD;
	v16 =	vld [tilespmem:s9+$0x0]  }
0x90: {  	(v2sf) =	vpush v8, $0x0;
	v17 =	vld [tilespmem:s23+$0x0]  }
0x91: {  	v13 =	vadd.bf16 v13, v15;
	(v2sf) =	vpush v2, $0x5;
	v18 =	vld [tilespmem:s21+$0x0];
	s21 =	spop (v2sf)  }
0x92: {  	(v2sf) =	vpush v2, $0x6;
	v15 =	vld [tilespmem:s20+$0x0];
	v12 =	vadd.bf16 v14, v12  }
0x93: {  	(v2sf) =	vpush v8, $0x2;
	v14 =	vld [tilespmem:s15+$0x0];
	s9 =	spop (v2sf)  }
0x94: {  	(v2sf) =	vpush v8, $0x1;
	v19 =	vld [tilespmem:s19+$0x0];
	v10 =	vadd.bf16 v10, v12;
	s19 =	spop (v2sf)  }
0x95: {  	v16 =	vadd.bf16 v16, v20;
	v12 =	vld [tilespmem:s5+$0xFFFFFFFC];
	(v2sf) =	vpush v8, $0xF;
	s20 =	spop (v2sf)  }
0x96: {  	v11 =	vadd.bf16 v11, v3;
	(v2sf) =	vpush v2, $0x7;
	v20 =	vld [tilespmem:s18+$0x0]  }
0x97: {  	v7 =	vadd.bf16 v13, v7;
	(v2sf) =	vpush v8, $0x4;
	v21 =	vld [tilespmem:s8+$0x0];
	s18 =	spop (v2sf)  }
0x98: {  	v9 =	vadd.bf16 v11, v9;
	s15 =	spop (v2sf);
	(v2sf) =	vpush v8, $0xE;
	v3 =	vld [tilespmem:s9+$0x0]  }
0x99: {  	v22 =	vadd.bf16 v10, v7;
	s9 =	spop (v2sf);
	(v2sf) =	vpush v2, $0x8;
	v11 =	vld [tilespmem:s16+$0x0]  }
0x9a: {  	v5 =	vadd.bf16 v5, v15;
	v7 =	vshll.u32 v12, $0x6;
	s10 =	spop (v2sf);
	(v2sf) =	vpush v2, $0x9;
	v12 =	vld [tilespmem:s21+$0x0]  }
0x9b: {  	v17 =	vadd.bf16 v17, v14;
	v13 =	vshra.s32 v7, $0x2;
	s8 =	spop (v2sf);
	(v2sf) =	vpush v2, $0xA;
	v15 =	vld [tilespmem:s22+$0x0]  }
0x9c: {  	s21 =	spop (v2sf);
	(v2sf) =	vpush v13, $0x3;
	v23 =	vld [tilespmem:s13+$0x0];
	v6 =	vadd.bf16 v21, v6  }
0x9d: {  	v19 =	vadd.bf16 v19, v20;
	(v2sf) =	vpush v13, $0x2;
	s16 =	spop (v2sf);
	v21 =	vld [tilespmem:s17+$0x0]  }
0x9e: {  	(v2sf) =	vpush v8, $0x6;
	s13 =	spop (v2sf);
	v7 =	vadd.bf16 v6, v16;
	v16 =	vld [tilespmem:s18+$0x0]  }
0x9f: {  	v10 =	vadd.bf16 v11, v18;
	s17 =	spop (v2sf);
	(v2sf) =	vpush v8, $0x3;
	v18 =	vld [tilespmem:s20+$0x0]  }
0xa0: {  	v20 =	vadd.bf16 v9, v4;
	v6 =	vld [tilespmem:s17+$0x0];
	s18 =	spop (v2sf);
	(v2sf) =	vpush v8, $0x7  }
0xa1: {  	v15 =	vadd.bf16 v12, v15;
	s17 =	spop (v2sf);
	(v2sf) =	vpush v8, $0x8;
	v14 =	vld [tilespmem:s19+$0x0]  }
.Ltmp0:
0xa2: {  	v9 =	vld [tilespmem:s17+$0x0];
	s17 =	spop (v2sf);
	(v2sf) =	vpush v8, $0x9;
	v21 =	vadd.bf16 v23, v21;
	(pc) =	sbr.rel @p0 .LBB2_2-.Ltmp0, $4  }
0xa3: {  	v12 =	vadd.bf16 v17, v19;
	v4 =	vld [tilespmem:s17+$0x0];
	s17 =	spop (v2sf);
	(v2sf) =	vpush v8, $0xA  }
0xa4: {  	v11 =	vld [tilespmem:s17+$0x0];
	(v2sf) =	vpush v8, $0xB;
	s17 =	spop (v2sf);
	v16 =	vadd.bf16 v16, v18  }
0xa5: {  	v15 =	vadd.bf16 v15, v21;
	v17 =	vld [tilespmem:s18+$0x0];
	s18 =	spop (v2sf);
	(v2sf) =	vpush v8, $0xC  }
0xa6: {  	s12 =	sadd.s32 $0x40, s12;
	v8 =	vadd.bf16 v22, v20;
	v18 =	vld [tilespmem:s21+$0x0];
	(v2sf) =	vpush v13, $0x1;
	s19 =	spop (v2sf)  }
0xa7: {  	v19 =	vld [tilespmem:s18+$0x0]  }
0xa8: {  	v20 =	vld [tilespmem:s14+$0x10]  }
0xa9: {  	(v2sf) =	vpush v13, $0x0;
	v13 =	vld [tilespmem:s19+$0x0]  }
0xaa: {  	v21 =	vld [tilespmem:s15+$0x0]  }
0xab: {  	v25 =	vld [tilespmem:s16+$0x0]  }
0xac: {  	v29 =	vld [tilespmem:s17+$0x0]  }
0xad: {  	v33 =	vld [tilespmem:s10+$0x0]  }
0xae: {  	s11 =	spop (v2sf);
	v34 =	vld [tilespmem:s9+$0x0];
	v1 =	vadd.bf16 v1, v7;
	v7 =	vadd.bf16 v15, v12  }
0xaf: {  	v3 =	vadd.bf16 v14, v3;
	s5 =	spop (v2sf);
	v22 =	vld [tilespmem:s11+$0x0]  }
0xb0: {  	(v2sf) =	vpush v2, $0xB;
	s12 =	spop (v2sf);
	v1 =	vadd.bf16 v7, v1;
	v7 =	vld [tilespmem:s5+$0x0]  }
0xb1: {  	(v2sf) =	vpush v2, $0xC;
	v3 =	vadd.bf16 v16, v3;
	s14 =	spop (v2sf);
	v15 =	vld [tilespmem:s12+$0x0]  }
0xb2: {  	(v2sf) =	vpush v2, $0xD;
	s22 =	spop (v2sf);
	v12 =	vld [tilespmem:s14+$0x0]  }
0xb3: {  	(v2sf) =	vpush v2, $0xE;
	v3 =	vadd.bf16 v3, v8;
	v8 =	vld [tilespmem:s8+$0x0];
	s15 =	spop (v2sf)  }
0xb4: {  	v23 =	vld [tilespmem:s22+$0x0];
	v20 =	vshll.u32 v20, $0x6;
	s11 =	spop (v2sf)  }
0xb5: {  	v5 =	vadd.bf16 v5, v10;
	(v2sf) =	vpush v2, $0xF;
	v20 =	vshra.s32 v20, $0x2;
	v10 =	vld [tilespmem:s15+$0x0];
	s23 =	spop (v2sf)  }
0xb6: {  	(v2sf) =	vpush v20, $0x0;
	v24 =	vld [tilespmem:s23+$0x0];
	s19 =	spop (v2sf)  }
0xb7: {  	(v2sf) =	vpush v20, $0x1;
	s20 =	spop (v2sf);
	v32 =	vld [tilespmem:s19+$0x0]  }
0xb8: {  	(v2sf) =	vpush v20, $0x2;
	v26 =	vld [tilespmem:s20+$0x0]  }
0xb9: {  	s21 =	spop (v2sf);
	(v2sf) =	vpush v20, $0x3;
	v20 =	vld [tilespmem:s13+$0x0]  }
0xba: {  	v2 =	vld [tilespmem:s21+$0x0];
	s22 =	spop (v2sf)  }
0xbb: {  	v27 =	vld [tilespmem:s22+$0x0];
	s23 =	spop (v2sf)  }
0xbc: {  	v28 =	vld [tilespmem:s23+$0x0];
	s17 =	spop (v2sf)  }
0xbd: {  	v31 =	vld [tilespmem:s17+$0x0];
	s19 =	spop (v2sf)  }
0xbe: {  	v30 =	vld [tilespmem:s11+$0x0];
	s20 =	spop (v2sf)  }
0xbf: {  	v6 =	vadd.bf16 v11, v6;
	v11 =	vadd.bf16 v25, v13;
	v13 =	vld [tilespmem:s19+$0x0];
	s21 =	spop (v2sf)  }
0xc0: {  	v14 =	vadd.bf16 v17, v18;
	v36 =	vld [tilespmem:s20+$0x0];
	s22 =	spop (v2sf)  }
0xc1: {  	v9 =	vadd.bf16 v19, v9;
	v2 =	vadd.bf16 v2, v26;
	v35 =	vld [tilespmem:s21+$0x0];
	s23 =	spop (v2sf)  }
0xc2: {  	v17 =	vadd.bf16 v28, v27;
	s15 =	spop (v2sf);
	v18 =	vadd.bf16 v20, v31;
	v20 =	vld [tilespmem:s23+$0x0]  }
0xc3: {  	v9 =	vadd.bf16 v9, v14;
	v4 =	vadd.bf16 v24, v4;
	v19 =	vld [tilespmem:s15+$0x0]  }
0xc4: {  	v14 =	vadd.bf16 v29, v22;
	s16 =	spop (v2sf);
	v2 =	vadd.bf16 v17, v2;
	v17 =	vld [tilespmem:s22+$0x0]  }
0xc5: {  	v4 =	vadd.bf16 v4, v6;
	v6 =	vadd.bf16 v32, v30;
	v16 =	vld [tilespmem:s16+$0x0];
	s17 =	spop (v2sf)  }
0xc6: {  	v1 =	vadd.bf16 v5, v1;
	v14 =	vadd.bf16 v14, v18;
	v5 =	vld [tilespmem:s17+$0x0];
	s18 =	spop (v2sf)  }
0xc7: {  	v7 =	vadd.bf16 v15, v7;
	v6 =	vadd.bf16 v6, v11;
	s19 =	spop (v2sf);
	v58 =	vld [tilespmem:s18+$0x0]  }
0xc8: {  	v8 =	vadd.bf16 v8, v33;
	v2 =	vadd.bf16 v14, v2;
	s20 =	spop (v2sf);
	v14 =	vld [tilespmem:s19+$0x0]  }
0xc9: {  	v10 =	vadd.bf16 v23, v10;
	v4 =	vadd.bf16 v6, v4;
	v11 =	vld [tilespmem:s20+$0x0]  }
0xca: {  	v18 =	vadd.bf16 v34, v21;
	v12 =	vadd.bf16 v35, v12  }
0xcb: {  	v15 =	vadd.bf16 v20, v17;
	v6 =	vadd.bf16 v16, v19  }
0xcc: {  	v13 =	vadd.bf16 v13, v36;
	v8 =	vadd.bf16 v8, v18  }
0xcd: {  	v7 =	vadd.bf16 v12, v7;
	v6 =	vadd.bf16 v6, v15  }
0xce: {  	v5 =	vadd.bf16 v58, v5;
	v11 =	vadd.bf16 v11, v14  }
0xcf: {  	v2 =	vadd.bf16 v2, v4;
	v4 =	vadd.bf16 v9, v8  }
0xd0: {  	v8 =	vunpack.i.u.bf16.f32 v3;
	v6 =	vadd.bf16 v6, v7;
	v5 =	vadd.bf16 v11, v5  }
0xd1: {  	v3 =	vunpack.i.l.bf16.f32 v3;
	[tilespmem:s7+$0x10] =	vst v8;
	v7 =	vadd.bf16 v10, v13  }
0xd2: {  	[tilespmem:s7+$0x0] =	vst v3;
	v3 =	vunpack.i.u.bf16.f32 v1;
	v4 =	vadd.bf16 v6, v4;
	v2 =	vadd.bf16 v5, v2  }
0xd3: {  	v1 =	vunpack.i.l.bf16.f32 v1;
	[tilespmem:s7+$0xFFFFFFF0] =	vst v3  }
0xd4: {  	[tilespmem:s7+$0xFFFFFFE0] =	vst v1;
	v3 =	vadd.bf16 v7, v4;
	v1 =	vunpack.i.u.bf16.f32 v2  }
0xd5: {  	v2 =	vunpack.i.l.bf16.f32 v2;
	[tilespmem:s6+$0x10] =	vst v1  }
0xd6: {  	[tilespmem:s6+$0x0] =	vst v2;
	v1 =	vunpack.i.u.bf16.f32 v3  }
0xd7: {  	v2 =	vunpack.i.l.bf16.f32 v3;
	[tilespmem:s6+$0xFFFFFFF0] =	vst v1  }
0xd8: {  	[tilespmem:s6+$0xFFFFFFE0] =	vst v2  }
0xd9: {  	s21 =	rddreg [dreg:$0x6]  }
0xda: {  	[hbm4b:s21+s2] =	stream.linear.scatter [tilespmem:s30], [sflag:$0x3], $0x5000, $0x38;
	[tilespmem:$0x142A0] =	vst v63  }
0xdb: {  	s22 =	rddreg [dreg:$0x7]  }
0xdc: {  	[tilespmem:s25], [sflag:$0x1] =	stream.linear.gather [hbm4b:s22+s2], $0x3200, $0x38;
	[tilespmem:$0x142A0] =	vst v63  }
0xdd: {  	_ =	swait.ge [sflag:s31], $0x3200  }
0xde: {  	[sflag:s31] =	ssyncset.done $0x0  }
0xdf: {  	s5 =	simm.s32 $0x70B4;
	[sflag:s31] =	ssyncadd.s32 $0xFFFFCE00  }
0xe0: {  	v1 =	vld [tilespmem:s5+$0xFFFFFFDC];
	_ =	sdelay $0x4  }
0xe1: {  	v2 =	vld [tilespmem:s5+$0xFFFFFFF0];
	v1 =	vshll.u32 v1, $0x6  }
0xe2: {  	v1 =	vshra.s32 v1, $0x2  }
0xe3: {  	(v2sf) =	vpush v1, $0x0  }
0xe4: {  	(v2sf) =	vpush v1, $0x1  }
0xe5: {  	(v2sf) =	vpush v1, $0x2  }
0xe6: {  	v2 =	vshll.u32 v2, $0x6;
	(v2sf) =	vpush v1, $0x3  }
0xe7: {  	v2 =	vshra.s32 v2, $0x2;
	(v2sf) =	vpush v1, $0x4  }
0xe8: {  	(v2sf) =	vpush v2, $0x5  }
0xe9: {  	(v2sf) =	vpush v2, $0xD  }
0xea: {  	(v2sf) =	vpush v2, $0x0  }
0xeb: {  	(v2sf) =	vpush v1, $0x5  }
0xec: {  	(v2sf) =	vpush v1, $0x6  }
0xed: {  	(v2sf) =	vpush v2, $0x2  }
0xee: {  	(v2sf) =	vpush v2, $0x1  }
0xef: {  	v3 =	vld [tilespmem:s5+$0xFFFFFFEC];
	(v2sf) =	vpush v2, $0xF  }
0xf0: {  	(v2sf) =	vpush v1, $0x7  }
0xf1: {  	(v2sf) =	vpush v2, $0x4  }
0xf2: {  	s12 =	spop (v2sf);
	(v2sf) =	vpush v2, $0xE  }
0xf3: {  	s7 =	spop (v2sf);
	(v2sf) =	vpush v1, $0x8  }
0xf4: {  	v3 =	vshll.u32 v3, $0x6;
	s8 =	spop (v2sf);
	(v2sf) =	vpush v1, $0x9  }
0xf5: {  	v3 =	vshra.s32 v3, $0x2;
	s6 =	spop (v2sf);
	(v2sf) =	vpush v1, $0xA  }
0xf6: {  	s23 =	spop (v2sf);
	(v2sf) =	vpush v3, $0x3  }
0xf7: {  	(v2sf) =	vpush v3, $0x2;
	s14 =	spop (v2sf)  }
0xf8: {  	(v2sf) =	vpush v2, $0x6;
	s10 =	spop (v2sf)  }
0xf9: {  	s16 =	spop (v2sf);
	(v2sf) =	vpush v2, $0x3  }
0xfa: {  	v12 =	vld [tilespmem:s12+$0x0];
	s17 =	spop (v2sf);
	(v2sf) =	vpush v2, $0x7  }
0xfb: {  	v9 =	vld [tilespmem:s23+$0x0];
	s18 =	spop (v2sf)  }
0xfc: {  	v18 =	vld [tilespmem:s14+$0x0];
	s19 =	spop (v2sf)  }
0xfd: {  	v4 =	vld [tilespmem:s16+$0x0];
	(v2sf) =	vpush v2, $0x8;
	s20 =	spop (v2sf)  }
0xfe: {  	v8 =	vld [tilespmem:s17+$0x0];
	(v2sf) =	vpush v2, $0x9;
	s15 =	spop (v2sf)  }
0xff: {  	v5 =	vld [tilespmem:s18+$0x0];
	(v2sf) =	vpush v2, $0xA;
	s21 =	spop (v2sf)  }
0x100: {  	v6 =	vld [tilespmem:s19+$0x0];
	s22 =	spop (v2sf)  }
0x101: {  	v7 =	vld [tilespmem:s20+$0x0];
	(v2sf) =	vpush v2, $0xB;
	s23 =	spop (v2sf)  }
0x102: {  	(v2sf) =	vpush v2, $0xC;
	v10 =	vld [tilespmem:s21+$0x0];
	s9 =	spop (v2sf)  }
0x103: {  	v2 =	vld [tilespmem:s5+$0x0];
	s5 =	simm.s32 $0x70DC;
	(v2sf) =	vpush v3, $0x1;
	s11 =	spop (v2sf)  }
0x104: {  	v15 =	vld [tilespmem:s5+$0xFFFFFFDC];
	(v2sf) =	vpush v3, $0x0;
	s12 =	spop (v2sf)  }
0x105: {  	v11 =	vld [tilespmem:s22+$0x0];
	(v2sf) =	vpush v1, $0xB;
	s17 =	spop (v2sf)  }
0x106: {  	v14 =	vld [tilespmem:s5+$0xFFFFFFF0];
	(v2sf) =	vpush v1, $0xC;
	s13 =	spop (v2sf)  }
0x107: {  	v3 =	vld [tilespmem:s23+$0x0];
	s16 =	spop (v2sf);
	(v2sf) =	vpush v1, $0xD  }
0x108: {  	v13 =	vld [tilespmem:s17+$0x0];
	s18 =	spop (v2sf);
	(v2sf) =	vpush v1, $0xE  }
0x109: {  	v2 =	vshll.u32 v2, $0x6;
	v16 =	vld [tilespmem:s18+$0x0];
	s19 =	spop (v2sf);
	(v2sf) =	vpush v1, $0xF;
	v1 =	vshll.u32 v15, $0x6  }
0x10a: {  	v17 =	vshra.s32 v2, $0x2;
	v2 =	vshra.s32 v1, $0x2;
	v1 =	vadd.bf16 v8, v9;
	v8 =	vld [tilespmem:s15+$0x0]  }
0x10b: {  	v9 =	vld [tilespmem:s16+$0x0]  }
0x10c: {  	v5 =	vadd.bf16 v10, v5;
	s20 =	spop (v2sf);
	(v2sf) =	vpush v17, $0x0;
	v10 =	vld [tilespmem:s19+$0x0]  }
0x10d: {  	v19 =	vld [tilespmem:s20+$0x0];
	s21 =	spop (v2sf);
	(v2sf) =	vpush v17, $0x1  }
0x10e: {  	v20 =	vld [tilespmem:s21+$0x0];
	s22 =	spop (v2sf);
	(v2sf) =	vpush v17, $0x2  }
0x10f: {  	v1 =	vadd.bf16 v5, v1;
	v5 =	vshll.u32 v14, $0x6;
	v14 =	vld [tilespmem:s8+$0x0];
	(v2sf) =	vpush v17, $0x3  }
0x110: {  	v15 =	vld [tilespmem:s22+$0x0];
	s23 =	spop (v2sf);
	(v2sf) =	vpush v2, $0x0  }
0x111: {  	v4 =	vadd.bf16 v7, v4;
	v17 =	vld [tilespmem:s7+$0x0];
	(v2sf) =	vpush v2, $0x1  }
0x112: {  	v11 =	vadd.bf16 v18, v11;
	v59 =	vld [tilespmem:s23+$0x0];
	(v2sf) =	vpush v2, $0x2  }
0x113: {  	v60 =	vshra.s32 v5, $0x2;
	v5 =	vadd.bf16 v16, v6;
	v6 =	vld [tilespmem:s10+$0x0];
	s15 =	spop (v2sf);
	(v2sf) =	vpush v2, $0x3  }
0x114: {  	v9 =	vadd.bf16 v10, v9;
	v10 =	vld [tilespmem:s6+$0x0];
	s14 =	spop (v2sf);
	(v2sf) =	vpush v2, $0x4  }
0x115: {  	v3 =	vadd.bf16 v8, v3;
	v7 =	vld [tilespmem:s15+$0x0];
	s17 =	spop (v2sf);
	(v2sf) =	vpush v60, $0x5  }
0x116: {  	v4 =	vadd.bf16 v5, v4;
	v5 =	vld [tilespmem:s13+$0x0];
	s18 =	spop (v2sf);
	(v2sf) =	vpush v60, $0xD  }
0x117: {  	v16 =	vadd.bf16 v20, v19;
	v19 =	vld [tilespmem:s11+$0x0];
	s7 =	spop (v2sf);
	(v2sf) =	vpush v60, $0x0  }
0x118: {  	v20 =	vld [tilespmem:s5+$0xFFFFFFEC];
	v9 =	vadd.bf16 v9, v11;
	s16 =	spop (v2sf);
	(v2sf) =	vpush v2, $0x5  }
0x119: {  	v11 =	vld [tilespmem:s14+$0x0];
	v12 =	vadd.bf16 v17, v12;
	s19 =	spop (v2sf);
	(v2sf) =	vpush v2, $0x6  }
0x11a: {  	v17 =	vld [tilespmem:s9+$0x0];
	v6 =	vadd.bf16 v6, v7;
	s20 =	spop (v2sf);
	(v2sf) =	vpush v60, $0x2  }
0x11b: {  	v18 =	vld [tilespmem:s18+$0x0];
	v7 =	vadd.bf16 v59, v15;
	s21 =	spop (v2sf);
	(v2sf) =	vpush v60, $0x1  }
0x11c: {  	v15 =	vld [tilespmem:s12+$0x0];
	v5 =	vadd.bf16 v13, v5;
	s22 =	spop (v2sf);
	(v2sf) =	vpush v60, $0xF  }
0x11d: {  	v8 =	vld [tilespmem:s17+$0x0];
	v6 =	vadd.bf16 v3, v6;
	s23 =	spop (v2sf);
	(v2sf) =	vpush v2, $0x7  }
0x11e: {  	v62 =	vld [tilespmem:s7+$0x0];
	v7 =	vadd.bf16 v7, v16;
	(v2sf) =	vpush v60, $0x4;
	s18 =	spop (v2sf)  }
0x11f: {  	v17 =	vadd.bf16 v19, v17;
	v16 =	vld [tilespmem:s20+$0x0];
	s15 =	spop (v2sf);
	(v2sf) =	vpush v60, $0xE  }
0x120: {  	v61 =	vadd.bf16 v6, v7;
	v6 =	vshll.u32 v20, $0x6;
	v20 =	vld [tilespmem:s19+$0x0];
	s9 =	spop (v2sf);
	(v2sf) =	vpush v2, $0x8  }
0x121: {  	v15 =	vadd.bf16 v18, v15;
	v18 =	vld [tilespmem:s16+$0x0];
	s10 =	spop (v2sf);
	(v2sf) =	vpush v2, $0x9  }
0x122: {  	v13 =	vshra.s32 v6, $0x2;
	v6 =	vadd.bf16 v10, v14;
	s8 =	spop (v2sf);
	(v2sf) =	vpush v2, $0xA  }
0x123: {  	v10 =	vadd.bf16 v11, v8;
	s13 =	spop (v2sf);
	(v2sf) =	vpush v13, $0x3  }
0x124: {  	v3 =	vld [tilespmem:s21+$0x0];
	v7 =	vadd.bf16 v6, v12;
	(v2sf) =	vpush v13, $0x2;
	s16 =	spop (v2sf)  }
0x125: {  	v14 =	vld [tilespmem:s22+$0x0];
	v20 =	vadd.bf16 v16, v20;
	(v2sf) =	vpush v60, $0x6;
	s14 =	spop (v2sf)  }
0x126: {  	v8 =	vld [tilespmem:s23+$0x0];
	v18 =	vadd.bf16 v18, v62;
	s19 =	spop (v2sf);
	(v2sf) =	vpush v60, $0x3  }
0x127: {  	v12 =	vadd.bf16 v15, v17;
	v19 =	vld [tilespmem:s18+$0x0];
	s20 =	spop (v2sf);
	(v2sf) =	vpush v60, $0x7  }
0x128: {  	v15 =	vadd.bf16 v20, v18;
	v18 =	vld [tilespmem:s13+$0x0];
	s21 =	spop (v2sf);
	(v2sf) =	vpush v60, $0x8  }
0x129: {  	v6 =	vld [tilespmem:s19+$0x0];
	s22 =	spop (v2sf);
	(v2sf) =	vpush v60, $0x9  }
0x12a: {  	v17 =	vld [tilespmem:s20+$0x0];
	s23 =	spop (v2sf);
	(v2sf) =	vpush v60, $0xA  }
0x12b: {  	s6 =	simm.s32 $0xF2D0;
	v63 =	vadd.bf16 v9, v4;
	v9 =	vld [tilespmem:s21+$0x0];
	(v2sf) =	vpush v60, $0xB;
	s17 =	spop (v2sf)  }
0x12c: {  	s11 =	simm.s32 $0x2;
	s12 =	simm.s32 $0xF310;
	v16 =	vadd.bf16 v19, v8;
	v4 =	vld [tilespmem:s22+$0x0];
	s18 =	spop (v2sf);
	(v2sf) =	vpush v60, $0xC  }
0x12d: {  	s7 =	simm.s32 $0xF310;
	s13 =	simm.s32 $0x7104;
	v8 =	vadd.bf16 v61, v63;
	v11 =	vld [tilespmem:s23+$0x0];
	(v2sf) =	vpush v13, $0x1;
	s19 =	spop (v2sf)  }
.LBB2_4:
0x12e: {  	s11 =	sadd.s32 $0x2, s11;
	v19 =	vld [tilespmem:s18+$0x0];
	s12 =	sadd.s32 $0x40, s12;
	(v2sf) =	vpush v13, $0x0;
	s20 =	spop (v2sf);
	v10 =	vadd.bf16 v5, v10  }
0x12f: {  	v3 =	vadd.bf16 v14, v3;
	p0 =	slt.u32 s11, $0x27E;
	v13 =	vld [tilespmem:s5+$0x0];
	s18 =	spop (v2sf);
	(v2sf) =	vpush v2, $0xB;
	s5 =	smov.u32 s13  }
0x130: {  	v7 =	vadd.bf16 v1, v7;
	v14 =	vld [tilespmem:s19+$0x0];
	s19 =	spop (v2sf);
	(v2sf) =	vpush v2, $0xC  }
0x131: {  	v1 =	vadd.bf16 v16, v3;
	v20 =	vld [tilespmem:s15+$0x0];
	s15 =	spop (v2sf);
	(v2sf) =	vpush v2, $0xD  }
0x132: {  	v3 =	vadd.bf16 v17, v18;
	v16 =	vld [tilespmem:s20+$0x0];
	(v2sf) =	vpush v2, $0xE;
	s20 =	spop (v2sf)  }
0x133: {  	v6 =	vadd.bf16 v11, v6;
	v5 =	vld [tilespmem:s20+$0x0];
	v9 =	vadd.bf16 v19, v9;
	s20 =	spop (v2sf)  }
0x134: {  	v12 =	vadd.bf16 v15, v12;
	v8 =	vadd.bf16 v1, v8;
	v11 =	vld [tilespmem:s13+$0xFFFFFFF0];
	v13 =	vshll.u32 v13, $0x6;
	s21 =	spop (v2sf)  }
0x135: {  	v15 =	vld [tilespmem:s13+$0xFFFFFFDC];
	v1 =	vadd.bf16 v9, v3;
	v3 =	vshra.s32 v13, $0x2;
	(v2sf) =	vpush v2, $0xF;
	s22 =	spop (v2sf)  }
0x136: {  	v2 =	vadd.bf16 v12, v7;
	v7 =	vunpack.i.u.bf16.f32 v8;
	v8 =	vunpack.i.l.bf16.f32 v8;
	v9 =	vld [tilespmem:s22+$0x0];
	s22 =	spop (v2sf)  }
0x137: {  	v12 =	vld [tilespmem:s16+$0x0];
	s16 =	spop (v2sf);
	(v2sf) =	vpush v3, $0x0;
	[tilespmem:s6+$0x0] =	vst v7  }
0x138: {  	v10 =	vadd.bf16 v10, v2;
	v7 =	vld [tilespmem:s16+$0x0];
	s16 =	spop (v2sf);
	(v2sf) =	vpush v3, $0x1  }
0x139: {  	v2 =	vshll.u32 v11, $0x6;
	v11 =	vld [tilespmem:s16+$0x0];
	s16 =	spop (v2sf);
	(v2sf) =	vpush v3, $0x2;
	[tilespmem:s6+$0xFFFFFFF0] =	vst v8  }
0x13a: {  	v17 =	vunpack.i.u.bf16.f32 v10;
	v13 =	vshll.u32 v15, $0x6;
	v8 =	vshra.s32 v2, $0x2;
	v15 =	vld [tilespmem:s16+$0x0];
	s16 =	spop (v2sf)  }
0x13b: {  	v2 =	vshra.s32 v13, $0x2;
	v13 =	vld [tilespmem:s16+$0x0];
	s23 =	spop (v2sf);
	(v2sf) =	vpush v3, $0x3;
	v3 =	vunpack.i.l.bf16.f32 v10;
	[tilespmem:s6+$0xFFFFFFE0] =	vst v17  }
0x13c: {  	v4 =	vadd.bf16 v9, v4;
	(v2sf) =	vpush v2, $0x0;
	v10 =	vld [tilespmem:s17+$0x0];
	s16 =	spop (v2sf);
	[tilespmem:s6+$0xFFFFFFD0] =	vst v3;
	s6 =	smov.u32 s7;
	s7 =	smov.u32 s12  }
0x13d: {  	v9 =	vadd.bf16 v12, v14;
	(v2sf) =	vpush v2, $0x1;
	v3 =	vld [tilespmem:s21+$0x0];
	s21 =	spop (v2sf)  }
0x13e: {  	(v2sf) =	vpush v2, $0x2;
	v12 =	vld [tilespmem:s23+$0x0];
	v7 =	vadd.bf16 v11, v7;
	s23 =	spop (v2sf)  }
0x13f: {  	(v2sf) =	vpush v2, $0x3;
	v11 =	vld [tilespmem:s22+$0x0];
	s17 =	spop (v2sf)  }
0x140: {  	v4 =	vadd.bf16 v4, v6;
	(v2sf) =	vpush v2, $0x4;
	v14 =	vld [tilespmem:s14+$0x0];
	s14 =	spop (v2sf)  }
0x141: {  	(v2sf) =	vpush v8, $0x5;
	v6 =	vld [tilespmem:s10+$0x0];
	v10 =	vadd.bf16 v10, v16;
	s22 =	spop (v2sf)  }
0x142: {  	(v2sf) =	vpush v8, $0xD;
	v16 =	vld [tilespmem:s9+$0x0]  }
0x143: {  	(v2sf) =	vpush v8, $0x0;
	v17 =	vld [tilespmem:s23+$0x0]  }
0x144: {  	v13 =	vadd.bf16 v13, v15;
	(v2sf) =	vpush v2, $0x5;
	v18 =	vld [tilespmem:s21+$0x0];
	s21 =	spop (v2sf)  }
0x145: {  	(v2sf) =	vpush v2, $0x6;
	v15 =	vld [tilespmem:s20+$0x0];
	v12 =	vadd.bf16 v14, v12  }
0x146: {  	(v2sf) =	vpush v8, $0x2;
	v14 =	vld [tilespmem:s15+$0x0];
	s9 =	spop (v2sf)  }
0x147: {  	(v2sf) =	vpush v8, $0x1;
	v19 =	vld [tilespmem:s19+$0x0];
	v10 =	vadd.bf16 v10, v12;
	s19 =	spop (v2sf)  }
0x148: {  	v16 =	vadd.bf16 v16, v20;
	v12 =	vld [tilespmem:s13+$0xFFFFFFEC];
	(v2sf) =	vpush v8, $0xF;
	s20 =	spop (v2sf)  }
0x149: {  	v11 =	vadd.bf16 v11, v3;
	(v2sf) =	vpush v2, $0x7;
	v20 =	vld [tilespmem:s18+$0x0]  }
0x14a: {  	v7 =	vadd.bf16 v13, v7;
	(v2sf) =	vpush v8, $0x4;
	v21 =	vld [tilespmem:s8+$0x0];
	s18 =	spop (v2sf)  }
0x14b: {  	v9 =	vadd.bf16 v11, v9;
	s15 =	spop (v2sf);
	(v2sf) =	vpush v8, $0xE;
	v3 =	vld [tilespmem:s9+$0x0]  }
0x14c: {  	v22 =	vadd.bf16 v10, v7;
	s9 =	spop (v2sf);
	(v2sf) =	vpush v2, $0x8;
	v11 =	vld [tilespmem:s16+$0x0]  }
0x14d: {  	v5 =	vadd.bf16 v5, v15;
	v7 =	vshll.u32 v12, $0x6;
	s10 =	spop (v2sf);
	(v2sf) =	vpush v2, $0x9;
	v12 =	vld [tilespmem:s21+$0x0]  }
0x14e: {  	v17 =	vadd.bf16 v17, v14;
	v13 =	vshra.s32 v7, $0x2;
	s8 =	spop (v2sf);
	(v2sf) =	vpush v2, $0xA;
	v15 =	vld [tilespmem:s22+$0x0]  }
0x14f: {  	s21 =	spop (v2sf);
	(v2sf) =	vpush v13, $0x3;
	v23 =	vld [tilespmem:s14+$0x0];
	v6 =	vadd.bf16 v21, v6  }
0x150: {  	v19 =	vadd.bf16 v19, v20;
	(v2sf) =	vpush v13, $0x2;
	s16 =	spop (v2sf);
	v21 =	vld [tilespmem:s17+$0x0]  }
0x151: {  	(v2sf) =	vpush v8, $0x6;
	s14 =	spop (v2sf);
	v7 =	vadd.bf16 v6, v16;
	v16 =	vld [tilespmem:s18+$0x0]  }
0x152: {  	v10 =	vadd.bf16 v11, v18;
	s17 =	spop (v2sf);
	(v2sf) =	vpush v8, $0x3;
	v18 =	vld [tilespmem:s20+$0x0]  }
0x153: {  	v20 =	vadd.bf16 v9, v4;
	v6 =	vld [tilespmem:s17+$0x0];
	s18 =	spop (v2sf);
	(v2sf) =	vpush v8, $0x7  }
0x154: {  	v15 =	vadd.bf16 v12, v15;
	s17 =	spop (v2sf);
	(v2sf) =	vpush v8, $0x8;
	v14 =	vld [tilespmem:s19+$0x0]  }
.Ltmp1:
0x155: {  	v9 =	vld [tilespmem:s17+$0x0];
	s17 =	spop (v2sf);
	(v2sf) =	vpush v8, $0x9;
	v21 =	vadd.bf16 v23, v21;
	(pc) =	sbr.rel @p0 .LBB2_4-.Ltmp1, $4  }
0x156: {  	v12 =	vadd.bf16 v17, v19;
	v4 =	vld [tilespmem:s17+$0x0];
	s17 =	spop (v2sf);
	(v2sf) =	vpush v8, $0xA  }
0x157: {  	v11 =	vld [tilespmem:s17+$0x0];
	(v2sf) =	vpush v8, $0xB;
	s17 =	spop (v2sf);
	v16 =	vadd.bf16 v16, v18  }
0x158: {  	v15 =	vadd.bf16 v15, v21;
	v17 =	vld [tilespmem:s18+$0x0];
	s18 =	spop (v2sf);
	(v2sf) =	vpush v8, $0xC  }
0x159: {  	s13 =	sadd.s32 $0x28, s13;
	v8 =	vadd.bf16 v22, v20;
	v18 =	vld [tilespmem:s21+$0x0];
	(v2sf) =	vpush v13, $0x1;
	s19 =	spop (v2sf)  }
0x15a: {  	v19 =	vld [tilespmem:s18+$0x0]  }
0x15b: {  	v20 =	vld [tilespmem:s5+$0x0]  }
0x15c: {  	(v2sf) =	vpush v13, $0x0;
	v13 =	vld [tilespmem:s19+$0x0]  }
0x15d: {  	v21 =	vld [tilespmem:s15+$0x0]  }
0x15e: {  	v25 =	vld [tilespmem:s16+$0x0]  }
0x15f: {  	v29 =	vld [tilespmem:s17+$0x0]  }
0x160: {  	v33 =	vld [tilespmem:s10+$0x0]  }
0x161: {  	s12 =	spop (v2sf);
	v34 =	vld [tilespmem:s9+$0x0];
	v1 =	vadd.bf16 v1, v7;
	v7 =	vadd.bf16 v15, v12  }
0x162: {  	v3 =	vadd.bf16 v14, v3;
	s11 =	spop (v2sf);
	v22 =	vld [tilespmem:s12+$0x0]  }
0x163: {  	(v2sf) =	vpush v2, $0xB;
	s13 =	spop (v2sf);
	v1 =	vadd.bf16 v7, v1;
	v7 =	vld [tilespmem:s11+$0x0]  }
0x164: {  	(v2sf) =	vpush v2, $0xC;
	v3 =	vadd.bf16 v16, v3;
	s5 =	spop (v2sf);
	v15 =	vld [tilespmem:s13+$0x0]  }
0x165: {  	(v2sf) =	vpush v2, $0xD;
	s23 =	spop (v2sf);
	v12 =	vld [tilespmem:s5+$0x0]  }
0x166: {  	(v2sf) =	vpush v2, $0xE;
	v3 =	vadd.bf16 v3, v8;
	v8 =	vld [tilespmem:s8+$0x0];
	s15 =	spop (v2sf)  }
0x167: {  	v23 =	vld [tilespmem:s23+$0x0];
	v20 =	vshll.u32 v20, $0x6;
	s12 =	spop (v2sf)  }
0x168: {  	v5 =	vadd.bf16 v5, v10;
	(v2sf) =	vpush v2, $0xF;
	v20 =	vshra.s32 v20, $0x2;
	v10 =	vld [tilespmem:s15+$0x0];
	s19 =	spop (v2sf)  }
0x169: {  	(v2sf) =	vpush v20, $0x0;
	v30 =	vld [tilespmem:s12+$0x0];
	s18 =	spop (v2sf)  }
0x16a: {  	v24 =	vld [tilespmem:s19+$0x0];
	(v2sf) =	vpush v20, $0x1;
	s20 =	spop (v2sf)  }
0x16b: {  	(v2sf) =	vpush v20, $0x2;
	v26 =	vld [tilespmem:s20+$0x0]  }
0x16c: {  	s21 =	spop (v2sf);
	(v2sf) =	vpush v20, $0x3;
	v20 =	vld [tilespmem:s14+$0x0]  }
0x16d: {  	v2 =	vld [tilespmem:s21+$0x0];
	s22 =	spop (v2sf)  }
0x16e: {  	v27 =	vld [tilespmem:s22+$0x0];
	s23 =	spop (v2sf)  }
0x16f: {  	v28 =	vld [tilespmem:s23+$0x0];
	s19 =	spop (v2sf)  }
0x170: {  	v31 =	vld [tilespmem:s19+$0x0];
	s20 =	spop (v2sf)  }
0x171: {  	v32 =	vld [tilespmem:s18+$0x0];
	s21 =	spop (v2sf)  }
0x172: {  	v6 =	vadd.bf16 v11, v6;
	v11 =	vadd.bf16 v25, v13;
	v13 =	vld [tilespmem:s20+$0x0];
	s22 =	spop (v2sf)  }
0x173: {  	v14 =	vadd.bf16 v17, v18;
	v36 =	vld [tilespmem:s21+$0x0];
	s23 =	spop (v2sf)  }
0x174: {  	v9 =	vadd.bf16 v19, v9;
	v2 =	vadd.bf16 v2, v26;
	v35 =	vld [tilespmem:s22+$0x0];
	s14 =	spop (v2sf)  }
0x175: {  	v17 =	vadd.bf16 v28, v27;
	s15 =	spop (v2sf);
	v18 =	vadd.bf16 v20, v31;
	v20 =	vld [tilespmem:s14+$0x0]  }
0x176: {  	v9 =	vadd.bf16 v9, v14;
	v4 =	vadd.bf16 v24, v4;
	v19 =	vld [tilespmem:s15+$0x0]  }
0x177: {  	v14 =	vadd.bf16 v29, v22;
	s16 =	spop (v2sf);
	v2 =	vadd.bf16 v17, v2;
	v17 =	vld [tilespmem:s23+$0x0]  }
0x178: {  	v4 =	vadd.bf16 v4, v6;
	v6 =	vadd.bf16 v32, v30;
	v16 =	vld [tilespmem:s16+$0x0];
	s17 =	spop (v2sf)  }
0x179: {  	v1 =	vadd.bf16 v5, v1;
	v14 =	vadd.bf16 v14, v18;
	v5 =	vld [tilespmem:s17+$0x0];
	s18 =	spop (v2sf)  }
0x17a: {  	v7 =	vadd.bf16 v15, v7;
	v6 =	vadd.bf16 v6, v11;
	s19 =	spop (v2sf);
	v58 =	vld [tilespmem:s18+$0x0]  }
0x17b: {  	v8 =	vadd.bf16 v8, v33;
	v2 =	vadd.bf16 v14, v2;
	s20 =	spop (v2sf);
	v14 =	vld [tilespmem:s19+$0x0]  }
0x17c: {  	v10 =	vadd.bf16 v23, v10;
	v4 =	vadd.bf16 v6, v4;
	v11 =	vld [tilespmem:s20+$0x0]  }
0x17d: {  	v18 =	vadd.bf16 v34, v21;
	v12 =	vadd.bf16 v35, v12  }
0x17e: {  	v15 =	vadd.bf16 v20, v17;
	v6 =	vadd.bf16 v16, v19  }
0x17f: {  	v13 =	vadd.bf16 v13, v36;
	v8 =	vadd.bf16 v8, v18  }
0x180: {  	v7 =	vadd.bf16 v12, v7;
	v6 =	vadd.bf16 v6, v15  }
0x181: {  	v5 =	vadd.bf16 v58, v5;
	v11 =	vadd.bf16 v11, v14  }
0x182: {  	v2 =	vadd.bf16 v2, v4;
	v4 =	vadd.bf16 v9, v8  }
0x183: {  	v8 =	vunpack.i.u.bf16.f32 v3;
	v6 =	vadd.bf16 v6, v7;
	v5 =	vadd.bf16 v11, v5  }
0x184: {  	v3 =	vunpack.i.l.bf16.f32 v3;
	[tilespmem:s6+$0x0] =	vst v8;
	v7 =	vadd.bf16 v10, v13  }
0x185: {  	[tilespmem:s6+$0xFFFFFFF0] =	vst v3;
	v3 =	vunpack.i.u.bf16.f32 v1;
	v4 =	vadd.bf16 v6, v4;
	v2 =	vadd.bf16 v5, v2  }
0x186: {  	v1 =	vunpack.i.l.bf16.f32 v1;
	[tilespmem:s6+$0xFFFFFFE0] =	vst v3  }
0x187: {  	[tilespmem:s6+$0xFFFFFFD0] =	vst v1;
	v3 =	vadd.bf16 v7, v4;
	v1 =	vunpack.i.u.bf16.f32 v2  }
0x188: {  	v2 =	vunpack.i.l.bf16.f32 v2;
	[tilespmem:s7+$0x0] =	vst v1  }
0x189: {  	[tilespmem:s7+$0xFFFFFFF0] =	vst v2;
	v1 =	vunpack.i.u.bf16.f32 v3  }
0x18a: {  	v2 =	vunpack.i.l.bf16.f32 v3;
	[tilespmem:s7+$0xFFFFFFE0] =	vst v1  }
0x18b: {  	[tilespmem:s7+$0xFFFFFFD0] =	vst v2  }
0x18c: {  	s21 =	rddreg [dreg:$0x8]  }
0x18d: {  	[hbm4b:s21+s2] =	stream.linear.scatter [tilespmem:s1], [sflag:$0x4], $0x5000, $0x38;
	[tilespmem:$0x142A0] =	vst v63  }
0x18e: {  	s22 =	rddreg [dreg:$0x9]  }
0x18f: {  	[tilespmem:s28], [sflag:$0x2] =	stream.linear.gather [hbm4b:s22+s2], $0x3200, $0x38;
	[tilespmem:$0x142A0] =	vst v63  }
0x190: {  	_ =	swait.ge [sflag:s29], $0x3200  }
0x191: {  	[sflag:s29] =	ssyncset.done $0x0  }
0x192: {  	[sflag:s29] =	ssyncadd.s32 $0xFFFFCE00  }
0x193: {  	_ =	swait.ge [sflag:s0], $0x5000  }
0x194: {  	[sflag:s0] =	ssyncset.done $0x0  }
0x195: {  	s5 =	simm.s32 $0x3E94;
	[sflag:s0] =	ssyncadd.s32 $0xFFFFB000  }
0x196: {  	v1 =	vld [tilespmem:s5+$0xFFFFFFEC];
	_ =	sdelay $0x4  }
0x197: {  	v2 =	vld [tilespmem:s5+$0x0];
	v1 =	vshll.u32 v1, $0x6  }
0x198: {  	v1 =	vshra.s32 v1, $0x2  }
0x199: {  	(v2sf) =	vpush v1, $0x0  }
0x19a: {  	(v2sf) =	vpush v1, $0x1  }
0x19b: {  	(v2sf) =	vpush v1, $0x2  }
0x19c: {  	v2 =	vshll.u32 v2, $0x6;
	(v2sf) =	vpush v1, $0x3  }
0x19d: {  	v2 =	vshra.s32 v2, $0x2;
	(v2sf) =	vpush v1, $0x4  }
0x19e: {  	(v2sf) =	vpush v2, $0x5  }
0x19f: {  	(v2sf) =	vpush v2, $0xD  }
0x1a0: {  	(v2sf) =	vpush v2, $0x0  }
0x1a1: {  	(v2sf) =	vpush v1, $0x5  }
0x1a2: {  	(v2sf) =	vpush v1, $0x6  }
0x1a3: {  	(v2sf) =	vpush v2, $0x2  }
0x1a4: {  	(v2sf) =	vpush v2, $0x1  }
0x1a5: {  	v3 =	vld [tilespmem:s5+$0xFFFFFFFC];
	(v2sf) =	vpush v2, $0xF  }
0x1a6: {  	(v2sf) =	vpush v1, $0x7  }
0x1a7: {  	(v2sf) =	vpush v2, $0x4  }
0x1a8: {  	s12 =	spop (v2sf);
	(v2sf) =	vpush v2, $0xE  }
0x1a9: {  	s7 =	spop (v2sf);
	(v2sf) =	vpush v1, $0x8  }
0x1aa: {  	v3 =	vshll.u32 v3, $0x6;
	s8 =	spop (v2sf);
	(v2sf) =	vpush v1, $0x9  }
0x1ab: {  	v3 =	vshra.s32 v3, $0x2;
	s6 =	spop (v2sf);
	(v2sf) =	vpush v1, $0xA  }
0x1ac: {  	s23 =	spop (v2sf);
	(v2sf) =	vpush v3, $0x3  }
0x1ad: {  	(v2sf) =	vpush v3, $0x2;
	s14 =	spop (v2sf)  }
0x1ae: {  	(v2sf) =	vpush v2, $0x6;
	s10 =	spop (v2sf)  }
0x1af: {  	s16 =	spop (v2sf);
	(v2sf) =	vpush v2, $0x3  }
0x1b0: {  	v12 =	vld [tilespmem:s12+$0x0];
	s17 =	spop (v2sf);
	(v2sf) =	vpush v2, $0x7  }
0x1b1: {  	v9 =	vld [tilespmem:s23+$0x0];
	s18 =	spop (v2sf)  }
0x1b2: {  	v18 =	vld [tilespmem:s14+$0x0];
	s19 =	spop (v2sf)  }
0x1b3: {  	v4 =	vld [tilespmem:s16+$0x0];
	(v2sf) =	vpush v2, $0x8;
	s20 =	spop (v2sf)  }
0x1b4: {  	v8 =	vld [tilespmem:s17+$0x0];
	(v2sf) =	vpush v2, $0x9;
	s15 =	spop (v2sf)  }
0x1b5: {  	v5 =	vld [tilespmem:s18+$0x0];
	(v2sf) =	vpush v2, $0xA;
	s21 =	spop (v2sf)  }
0x1b6: {  	v6 =	vld [tilespmem:s19+$0x0];
	s22 =	spop (v2sf)  }
0x1b7: {  	v7 =	vld [tilespmem:s20+$0x0];
	(v2sf) =	vpush v2, $0xB;
	s23 =	spop (v2sf)  }
0x1b8: {  	(v2sf) =	vpush v2, $0xC;
	v10 =	vld [tilespmem:s21+$0x0];
	s9 =	spop (v2sf)  }
0x1b9: {  	v2 =	vld [tilespmem:s5+$0x10];
	s5 =	simm.s32 $0x3EBC;
	(v2sf) =	vpush v3, $0x1;
	s11 =	spop (v2sf)  }
0x1ba: {  	v15 =	vld [tilespmem:s5+$0xFFFFFFEC];
	(v2sf) =	vpush v3, $0x0;
	s12 =	spop (v2sf)  }
0x1bb: {  	v11 =	vld [tilespmem:s22+$0x0];
	(v2sf) =	vpush v1, $0xB;
	s17 =	spop (v2sf)  }
0x1bc: {  	v14 =	vld [tilespmem:s5+$0x0];
	(v2sf) =	vpush v1, $0xC;
	s13 =	spop (v2sf)  }
0x1bd: {  	v3 =	vld [tilespmem:s23+$0x0];
	s16 =	spop (v2sf);
	(v2sf) =	vpush v1, $0xD  }
0x1be: {  	v13 =	vld [tilespmem:s17+$0x0];
	s18 =	spop (v2sf);
	(v2sf) =	vpush v1, $0xE  }
0x1bf: {  	v2 =	vshll.u32 v2, $0x6;
	v16 =	vld [tilespmem:s18+$0x0];
	s19 =	spop (v2sf);
	(v2sf) =	vpush v1, $0xF;
	v1 =	vshll.u32 v15, $0x6  }
0x1c0: {  	v17 =	vshra.s32 v2, $0x2;
	v2 =	vshra.s32 v1, $0x2;
	v1 =	vadd.bf16 v8, v9;
	v8 =	vld [tilespmem:s15+$0x0]  }
0x1c1: {  	v9 =	vld [tilespmem:s16+$0x0]  }
0x1c2: {  	v5 =	vadd.bf16 v10, v5;
	s20 =	spop (v2sf);
	(v2sf) =	vpush v17, $0x0;
	v10 =	vld [tilespmem:s19+$0x0]  }
0x1c3: {  	v19 =	vld [tilespmem:s20+$0x0];
	s21 =	spop (v2sf);
	(v2sf) =	vpush v17, $0x1  }
0x1c4: {  	v20 =	vld [tilespmem:s21+$0x0];
	s22 =	spop (v2sf);
	(v2sf) =	vpush v17, $0x2  }
0x1c5: {  	v1 =	vadd.bf16 v5, v1;
	v5 =	vshll.u32 v14, $0x6;
	v14 =	vld [tilespmem:s8+$0x0];
	(v2sf) =	vpush v17, $0x3  }
0x1c6: {  	v15 =	vld [tilespmem:s22+$0x0];
	s23 =	spop (v2sf);
	(v2sf) =	vpush v2, $0x0  }
0x1c7: {  	v4 =	vadd.bf16 v7, v4;
	v17 =	vld [tilespmem:s7+$0x0];
	(v2sf) =	vpush v2, $0x1  }
0x1c8: {  	v11 =	vadd.bf16 v18, v11;
	v59 =	vld [tilespmem:s23+$0x0];
	(v2sf) =	vpush v2, $0x2  }
0x1c9: {  	v60 =	vshra.s32 v5, $0x2;
	v5 =	vadd.bf16 v16, v6;
	v6 =	vld [tilespmem:s10+$0x0];
	s15 =	spop (v2sf);
	(v2sf) =	vpush v2, $0x3  }
0x1ca: {  	v9 =	vadd.bf16 v10, v9;
	v10 =	vld [tilespmem:s6+$0x0];
	s14 =	spop (v2sf);
	(v2sf) =	vpush v2, $0x4  }
0x1cb: {  	v3 =	vadd.bf16 v8, v3;
	v7 =	vld [tilespmem:s15+$0x0];
	s17 =	spop (v2sf);
	(v2sf) =	vpush v60, $0x5  }
0x1cc: {  	v4 =	vadd.bf16 v5, v4;
	v5 =	vld [tilespmem:s13+$0x0];
	s18 =	spop (v2sf);
	(v2sf) =	vpush v60, $0xD  }
0x1cd: {  	v16 =	vadd.bf16 v20, v19;
	v19 =	vld [tilespmem:s11+$0x0];
	s7 =	spop (v2sf);
	(v2sf) =	vpush v60, $0x0  }
0x1ce: {  	v20 =	vld [tilespmem:s5+$0xFFFFFFFC];
	v9 =	vadd.bf16 v9, v11;
	s16 =	spop (v2sf);
	(v2sf) =	vpush v2, $0x5  }
0x1cf: {  	v11 =	vld [tilespmem:s14+$0x0];
	v12 =	vadd.bf16 v17, v12;
	s19 =	spop (v2sf);
	(v2sf) =	vpush v2, $0x6  }
0x1d0: {  	v17 =	vld [tilespmem:s9+$0x0];
	v6 =	vadd.bf16 v6, v7;
	s20 =	spop (v2sf);
	(v2sf) =	vpush v60, $0x2  }
0x1d1: {  	v18 =	vld [tilespmem:s18+$0x0];
	v7 =	vadd.bf16 v59, v15;
	s21 =	spop (v2sf);
	(v2sf) =	vpush v60, $0x1  }
0x1d2: {  	v15 =	vld [tilespmem:s12+$0x0];
	v5 =	vadd.bf16 v13, v5;
	s22 =	spop (v2sf);
	(v2sf) =	vpush v60, $0xF  }
0x1d3: {  	v8 =	vld [tilespmem:s17+$0x0];
	v6 =	vadd.bf16 v3, v6;
	s23 =	spop (v2sf);
	(v2sf) =	vpush v2, $0x7  }
0x1d4: {  	v62 =	vld [tilespmem:s7+$0x0];
	v7 =	vadd.bf16 v7, v16;
	(v2sf) =	vpush v60, $0x4;
	s18 =	spop (v2sf)  }
0x1d5: {  	v17 =	vadd.bf16 v19, v17;
	v16 =	vld [tilespmem:s20+$0x0];
	s15 =	spop (v2sf);
	(v2sf) =	vpush v60, $0xE  }
0x1d6: {  	v61 =	vadd.bf16 v6, v7;
	v6 =	vshll.u32 v20, $0x6;
	v20 =	vld [tilespmem:s19+$0x0];
	s9 =	spop (v2sf);
	(v2sf) =	vpush v2, $0x8  }
0x1d7: {  	v15 =	vadd.bf16 v18, v15;
	v18 =	vld [tilespmem:s16+$0x0];
	s10 =	spop (v2sf);
	(v2sf) =	vpush v2, $0x9  }
0x1d8: {  	v13 =	vshra.s32 v6, $0x2;
	v6 =	vadd.bf16 v10, v14;
	s8 =	spop (v2sf);
	(v2sf) =	vpush v2, $0xA  }
0x1d9: {  	v10 =	vadd.bf16 v11, v8;
	s14 =	spop (v2sf);
	(v2sf) =	vpush v13, $0x3  }
0x1da: {  	v3 =	vld [tilespmem:s21+$0x0];
	v7 =	vadd.bf16 v6, v12;
	(v2sf) =	vpush v13, $0x2;
	s16 =	spop (v2sf)  }
0x1db: {  	v14 =	vld [tilespmem:s22+$0x0];
	v20 =	vadd.bf16 v16, v20;
	(v2sf) =	vpush v60, $0x6;
	s13 =	spop (v2sf)  }
0x1dc: {  	v8 =	vld [tilespmem:s23+$0x0];
	v18 =	vadd.bf16 v18, v62;
	s19 =	spop (v2sf);
	(v2sf) =	vpush v60, $0x3  }
0x1dd: {  	v12 =	vadd.bf16 v15, v17;
	v19 =	vld [tilespmem:s18+$0x0];
	s20 =	spop (v2sf);
	(v2sf) =	vpush v60, $0x7  }
0x1de: {  	v15 =	vadd.bf16 v20, v18;
	v18 =	vld [tilespmem:s14+$0x0];
	s21 =	spop (v2sf);
	(v2sf) =	vpush v60, $0x8  }
0x1df: {  	v6 =	vld [tilespmem:s19+$0x0];
	s22 =	spop (v2sf);
	(v2sf) =	vpush v60, $0x9  }
0x1e0: {  	v17 =	vld [tilespmem:s20+$0x0];
	s23 =	spop (v2sf);
	(v2sf) =	vpush v60, $0xA  }
0x1e1: {  	s6 =	simm.s32 $0xA300;
	v63 =	vadd.bf16 v9, v4;
	v9 =	vld [tilespmem:s21+$0x0];
	(v2sf) =	vpush v60, $0xB;
	s17 =	spop (v2sf)  }
0x1e2: {  	s11 =	simm.s32 $0x2;
	s7 =	simm.s32 $0xA2C0;
	v16 =	vadd.bf16 v19, v8;
	v4 =	vld [tilespmem:s22+$0x0];
	s18 =	spop (v2sf);
	(v2sf) =	vpush v60, $0xC  }
0x1e3: {  	s12 =	simm.s32 $0xA340;
	v8 =	vadd.bf16 v61, v63;
	s14 =	simm.s32 $0x3EBC;
	v11 =	vld [tilespmem:s23+$0x0];
	(v2sf) =	vpush v13, $0x1;
	s19 =	spop (v2sf)  }
.LBB2_6:
0x1e4: {  	s11 =	sadd.s32 $0x2, s11;
	v19 =	vld [tilespmem:s18+$0x0];
	s5 =	sadd.s32 $0x28, s5;
	(v2sf) =	vpush v13, $0x0;
	s20 =	spop (v2sf);
	v10 =	vadd.bf16 v5, v10  }
0x1e5: {  	v3 =	vadd.bf16 v14, v3;
	p0 =	slt.u32 s11, $0x27E;
	v13 =	vld [tilespmem:s14+$0x10];
	s18 =	spop (v2sf);
	(v2sf) =	vpush v2, $0xB;
	s14 =	smov.u32 s5  }
0x1e6: {  	v7 =	vadd.bf16 v1, v7;
	v14 =	vld [tilespmem:s19+$0x0];
	s19 =	spop (v2sf);
	(v2sf) =	vpush v2, $0xC  }
0x1e7: {  	v1 =	vadd.bf16 v16, v3;
	v20 =	vld [tilespmem:s15+$0x0];
	s15 =	spop (v2sf);
	(v2sf) =	vpush v2, $0xD  }
0x1e8: {  	v3 =	vadd.bf16 v17, v18;
	v16 =	vld [tilespmem:s20+$0x0];
	(v2sf) =	vpush v2, $0xE;
	s20 =	spop (v2sf)  }
0x1e9: {  	v6 =	vadd.bf16 v11, v6;
	v5 =	vld [tilespmem:s20+$0x0];
	v9 =	vadd.bf16 v19, v9;
	s20 =	spop (v2sf)  }
0x1ea: {  	v12 =	vadd.bf16 v15, v12;
	v8 =	vadd.bf16 v1, v8;
	v11 =	vld [tilespmem:s5+$0x0];
	v13 =	vshll.u32 v13, $0x6;
	s21 =	spop (v2sf)  }
0x1eb: {  	v15 =	vld [tilespmem:s5+$0xFFFFFFEC];
	v1 =	vadd.bf16 v9, v3;
	v3 =	vshra.s32 v13, $0x2;
	(v2sf) =	vpush v2, $0xF;
	s22 =	spop (v2sf)  }
0x1ec: {  	v2 =	vadd.bf16 v12, v7;
	v7 =	vunpack.i.u.bf16.f32 v8;
	v8 =	vunpack.i.l.bf16.f32 v8;
	v9 =	vld [tilespmem:s22+$0x0];
	s22 =	spop (v2sf)  }
0x1ed: {  	v12 =	vld [tilespmem:s16+$0x0];
	s16 =	spop (v2sf);
	(v2sf) =	vpush v3, $0x0;
	[tilespmem:s7+$0x10] =	vst v7  }
0x1ee: {  	v10 =	vadd.bf16 v10, v2;
	v7 =	vld [tilespmem:s16+$0x0];
	s16 =	spop (v2sf);
	(v2sf) =	vpush v3, $0x1  }
0x1ef: {  	v2 =	vshll.u32 v11, $0x6;
	v11 =	vld [tilespmem:s16+$0x0];
	s16 =	spop (v2sf);
	(v2sf) =	vpush v3, $0x2;
	[tilespmem:s7+$0x0] =	vst v8  }
0x1f0: {  	v17 =	vunpack.i.u.bf16.f32 v10;
	v13 =	vshll.u32 v15, $0x6;
	v8 =	vshra.s32 v2, $0x2;
	v15 =	vld [tilespmem:s16+$0x0];
	s16 =	spop (v2sf)  }
0x1f1: {  	v2 =	vshra.s32 v13, $0x2;
	v13 =	vld [tilespmem:s16+$0x0];
	s23 =	spop (v2sf);
	(v2sf) =	vpush v3, $0x3;
	v3 =	vunpack.i.l.bf16.f32 v10;
	[tilespmem:s7+$0xFFFFFFF0] =	vst v17  }
0x1f2: {  	v4 =	vadd.bf16 v9, v4;
	(v2sf) =	vpush v2, $0x0;
	v10 =	vld [tilespmem:s17+$0x0];
	s16 =	spop (v2sf);
	[tilespmem:s7+$0xFFFFFFE0] =	vst v3;
	s7 =	smov.u32 s6;
	s6 =	smov.u32 s12  }
0x1f3: {  	v9 =	vadd.bf16 v12, v14;
	(v2sf) =	vpush v2, $0x1;
	v3 =	vld [tilespmem:s21+$0x0];
	s21 =	spop (v2sf)  }
0x1f4: {  	(v2sf) =	vpush v2, $0x2;
	v12 =	vld [tilespmem:s23+$0x0];
	v7 =	vadd.bf16 v11, v7;
	s23 =	spop (v2sf)  }
0x1f5: {  	(v2sf) =	vpush v2, $0x3;
	v11 =	vld [tilespmem:s22+$0x0];
	s17 =	spop (v2sf)  }
0x1f6: {  	v4 =	vadd.bf16 v4, v6;
	(v2sf) =	vpush v2, $0x4;
	v14 =	vld [tilespmem:s13+$0x0];
	s13 =	spop (v2sf)  }
0x1f7: {  	(v2sf) =	vpush v8, $0x5;
	v6 =	vld [tilespmem:s10+$0x0];
	v10 =	vadd.bf16 v10, v16;
	s22 =	spop (v2sf)  }
0x1f8: {  	(v2sf) =	vpush v8, $0xD;
	v16 =	vld [tilespmem:s9+$0x0]  }
0x1f9: {  	(v2sf) =	vpush v8, $0x0;
	v17 =	vld [tilespmem:s23+$0x0]  }
0x1fa: {  	v13 =	vadd.bf16 v13, v15;
	(v2sf) =	vpush v2, $0x5;
	v18 =	vld [tilespmem:s21+$0x0];
	s21 =	spop (v2sf)  }
0x1fb: {  	(v2sf) =	vpush v2, $0x6;
	v15 =	vld [tilespmem:s20+$0x0];
	v12 =	vadd.bf16 v14, v12  }
0x1fc: {  	(v2sf) =	vpush v8, $0x2;
	v14 =	vld [tilespmem:s15+$0x0];
	s9 =	spop (v2sf)  }
0x1fd: {  	(v2sf) =	vpush v8, $0x1;
	v19 =	vld [tilespmem:s19+$0x0];
	v10 =	vadd.bf16 v10, v12;
	s19 =	spop (v2sf)  }
0x1fe: {  	v16 =	vadd.bf16 v16, v20;
	v12 =	vld [tilespmem:s5+$0xFFFFFFFC];
	(v2sf) =	vpush v8, $0xF;
	s20 =	spop (v2sf)  }
0x1ff: {  	v11 =	vadd.bf16 v11, v3;
	(v2sf) =	vpush v2, $0x7;
	v20 =	vld [tilespmem:s18+$0x0]  }
0x200: {  	v7 =	vadd.bf16 v13, v7;
	(v2sf) =	vpush v8, $0x4;
	v21 =	vld [tilespmem:s8+$0x0];
	s18 =	spop (v2sf)  }
0x201: {  	v9 =	vadd.bf16 v11, v9;
	s15 =	spop (v2sf);
	(v2sf) =	vpush v8, $0xE;
	v3 =	vld [tilespmem:s9+$0x0]  }
0x202: {  	v22 =	vadd.bf16 v10, v7;
	s9 =	spop (v2sf);
	(v2sf) =	vpush v2, $0x8;
	v11 =	vld [tilespmem:s16+$0x0]  }
0x203: {  	v5 =	vadd.bf16 v5, v15;
	v7 =	vshll.u32 v12, $0x6;
	s10 =	spop (v2sf);
	(v2sf) =	vpush v2, $0x9;
	v12 =	vld [tilespmem:s21+$0x0]  }
0x204: {  	v17 =	vadd.bf16 v17, v14;
	v13 =	vshra.s32 v7, $0x2;
	s8 =	spop (v2sf);
	(v2sf) =	vpush v2, $0xA;
	v15 =	vld [tilespmem:s22+$0x0]  }
0x205: {  	s21 =	spop (v2sf);
	(v2sf) =	vpush v13, $0x3;
	v23 =	vld [tilespmem:s13+$0x0];
	v6 =	vadd.bf16 v21, v6  }
0x206: {  	v19 =	vadd.bf16 v19, v20;
	(v2sf) =	vpush v13, $0x2;
	s16 =	spop (v2sf);
	v21 =	vld [tilespmem:s17+$0x0]  }
0x207: {  	(v2sf) =	vpush v8, $0x6;
	s13 =	spop (v2sf);
	v7 =	vadd.bf16 v6, v16;
	v16 =	vld [tilespmem:s18+$0x0]  }
0x208: {  	v10 =	vadd.bf16 v11, v18;
	s17 =	spop (v2sf);
	(v2sf) =	vpush v8, $0x3;
	v18 =	vld [tilespmem:s20+$0x0]  }
0x209: {  	v20 =	vadd.bf16 v9, v4;
	v6 =	vld [tilespmem:s17+$0x0];
	s18 =	spop (v2sf);
	(v2sf) =	vpush v8, $0x7  }
0x20a: {  	v15 =	vadd.bf16 v12, v15;
	s17 =	spop (v2sf);
	(v2sf) =	vpush v8, $0x8;
	v14 =	vld [tilespmem:s19+$0x0]  }
.Ltmp2:
0x20b: {  	v9 =	vld [tilespmem:s17+$0x0];
	s17 =	spop (v2sf);
	(v2sf) =	vpush v8, $0x9;
	v21 =	vadd.bf16 v23, v21;
	(pc) =	sbr.rel @p0 .LBB2_6-.Ltmp2, $4  }
0x20c: {  	v12 =	vadd.bf16 v17, v19;
	v4 =	vld [tilespmem:s17+$0x0];
	s17 =	spop (v2sf);
	(v2sf) =	vpush v8, $0xA  }
0x20d: {  	v11 =	vld [tilespmem:s17+$0x0];
	(v2sf) =	vpush v8, $0xB;
	s17 =	spop (v2sf);
	v16 =	vadd.bf16 v16, v18  }
0x20e: {  	v15 =	vadd.bf16 v15, v21;
	v17 =	vld [tilespmem:s18+$0x0];
	s18 =	spop (v2sf);
	(v2sf) =	vpush v8, $0xC  }
0x20f: {  	s12 =	sadd.s32 $0x40, s12;
	v8 =	vadd.bf16 v22, v20;
	v18 =	vld [tilespmem:s21+$0x0];
	(v2sf) =	vpush v13, $0x1;
	s19 =	spop (v2sf)  }
0x210: {  	v19 =	vld [tilespmem:s18+$0x0]  }
0x211: {  	v20 =	vld [tilespmem:s14+$0x10]  }
0x212: {  	(v2sf) =	vpush v13, $0x0;
	v13 =	vld [tilespmem:s19+$0x0]  }
0x213: {  	v21 =	vld [tilespmem:s15+$0x0]  }
0x214: {  	v25 =	vld [tilespmem:s16+$0x0]  }
0x215: {  	v29 =	vld [tilespmem:s17+$0x0]  }
0x216: {  	v33 =	vld [tilespmem:s10+$0x0]  }
0x217: {  	s11 =	spop (v2sf);
	v34 =	vld [tilespmem:s9+$0x0];
	v1 =	vadd.bf16 v1, v7;
	v7 =	vadd.bf16 v15, v12  }
0x218: {  	v3 =	vadd.bf16 v14, v3;
	s5 =	spop (v2sf);
	v22 =	vld [tilespmem:s11+$0x0]  }
0x219: {  	(v2sf) =	vpush v2, $0xB;
	s12 =	spop (v2sf);
	v1 =	vadd.bf16 v7, v1;
	v7 =	vld [tilespmem:s5+$0x0]  }
0x21a: {  	(v2sf) =	vpush v2, $0xC;
	v3 =	vadd.bf16 v16, v3;
	s14 =	spop (v2sf);
	v15 =	vld [tilespmem:s12+$0x0]  }
0x21b: {  	(v2sf) =	vpush v2, $0xD;
	s22 =	spop (v2sf);
	v12 =	vld [tilespmem:s14+$0x0]  }
0x21c: {  	(v2sf) =	vpush v2, $0xE;
	v3 =	vadd.bf16 v3, v8;
	v8 =	vld [tilespmem:s8+$0x0];
	s15 =	spop (v2sf)  }
0x21d: {  	v23 =	vld [tilespmem:s22+$0x0];
	v20 =	vshll.u32 v20, $0x6;
	s11 =	spop (v2sf)  }
0x21e: {  	v5 =	vadd.bf16 v5, v10;
	(v2sf) =	vpush v2, $0xF;
	v20 =	vshra.s32 v20, $0x2;
	v10 =	vld [tilespmem:s15+$0x0];
	s23 =	spop (v2sf)  }
0x21f: {  	(v2sf) =	vpush v20, $0x0;
	v24 =	vld [tilespmem:s23+$0x0];
	s19 =	spop (v2sf)  }
0x220: {  	(v2sf) =	vpush v20, $0x1;
	s20 =	spop (v2sf);
	v32 =	vld [tilespmem:s19+$0x0]  }
0x221: {  	(v2sf) =	vpush v20, $0x2;
	v26 =	vld [tilespmem:s20+$0x0]  }
0x222: {  	s21 =	spop (v2sf);
	(v2sf) =	vpush v20, $0x3;
	v20 =	vld [tilespmem:s13+$0x0]  }
0x223: {  	v2 =	vld [tilespmem:s21+$0x0];
	s22 =	spop (v2sf)  }
0x224: {  	v27 =	vld [tilespmem:s22+$0x0];
	s23 =	spop (v2sf)  }
0x225: {  	v28 =	vld [tilespmem:s23+$0x0];
	s17 =	spop (v2sf)  }
0x226: {  	v31 =	vld [tilespmem:s17+$0x0];
	s19 =	spop (v2sf)  }
0x227: {  	v30 =	vld [tilespmem:s11+$0x0];
	s20 =	spop (v2sf)  }
0x228: {  	v6 =	vadd.bf16 v11, v6;
	v11 =	vadd.bf16 v25, v13;
	v13 =	vld [tilespmem:s19+$0x0];
	s21 =	spop (v2sf)  }
0x229: {  	v14 =	vadd.bf16 v17, v18;
	v36 =	vld [tilespmem:s20+$0x0];
	s22 =	spop (v2sf)  }
0x22a: {  	v9 =	vadd.bf16 v19, v9;
	v2 =	vadd.bf16 v2, v26;
	v35 =	vld [tilespmem:s21+$0x0];
	s23 =	spop (v2sf)  }
0x22b: {  	v17 =	vadd.bf16 v28, v27;
	s15 =	spop (v2sf);
	v18 =	vadd.bf16 v20, v31;
	v20 =	vld [tilespmem:s23+$0x0]  }
0x22c: {  	v9 =	vadd.bf16 v9, v14;
	v4 =	vadd.bf16 v24, v4;
	v19 =	vld [tilespmem:s15+$0x0]  }
0x22d: {  	v14 =	vadd.bf16 v29, v22;
	s16 =	spop (v2sf);
	v2 =	vadd.bf16 v17, v2;
	v17 =	vld [tilespmem:s22+$0x0]  }
0x22e: {  	v4 =	vadd.bf16 v4, v6;
	v6 =	vadd.bf16 v32, v30;
	v16 =	vld [tilespmem:s16+$0x0];
	s17 =	spop (v2sf)  }
0x22f: {  	v1 =	vadd.bf16 v5, v1;
	v14 =	vadd.bf16 v14, v18;
	v5 =	vld [tilespmem:s17+$0x0];
	s18 =	spop (v2sf)  }
0x230: {  	v7 =	vadd.bf16 v15, v7;
	v6 =	vadd.bf16 v6, v11;
	s19 =	spop (v2sf);
	v58 =	vld [tilespmem:s18+$0x0]  }
0x231: {  	v8 =	vadd.bf16 v8, v33;
	v2 =	vadd.bf16 v14, v2;
	s20 =	spop (v2sf);
	v14 =	vld [tilespmem:s19+$0x0]  }
0x232: {  	v10 =	vadd.bf16 v23, v10;
	v4 =	vadd.bf16 v6, v4;
	v11 =	vld [tilespmem:s20+$0x0]  }
0x233: {  	v18 =	vadd.bf16 v34, v21;
	v12 =	vadd.bf16 v35, v12  }
0x234: {  	v15 =	vadd.bf16 v20, v17;
	v6 =	vadd.bf16 v16, v19  }
0x235: {  	v13 =	vadd.bf16 v13, v36;
	v8 =	vadd.bf16 v8, v18  }
0x236: {  	v7 =	vadd.bf16 v12, v7;
	v6 =	vadd.bf16 v6, v15  }
0x237: {  	v5 =	vadd.bf16 v58, v5;
	v11 =	vadd.bf16 v11, v14  }
0x238: {  	v2 =	vadd.bf16 v2, v4;
	v4 =	vadd.bf16 v9, v8  }
0x239: {  	v8 =	vunpack.i.u.bf16.f32 v3;
	v6 =	vadd.bf16 v6, v7;
	v5 =	vadd.bf16 v11, v5  }
0x23a: {  	v3 =	vunpack.i.l.bf16.f32 v3;
	[tilespmem:s7+$0x10] =	vst v8;
	v7 =	vadd.bf16 v10, v13  }
0x23b: {  	[tilespmem:s7+$0x0] =	vst v3;
	v3 =	vunpack.i.u.bf16.f32 v1;
	v4 =	vadd.bf16 v6, v4;
	v2 =	vadd.bf16 v5, v2  }
0x23c: {  	v1 =	vunpack.i.l.bf16.f32 v1;
	[tilespmem:s7+$0xFFFFFFF0] =	vst v3  }
0x23d: {  	[tilespmem:s7+$0xFFFFFFE0] =	vst v1;
	v3 =	vadd.bf16 v7, v4;
	v1 =	vunpack.i.u.bf16.f32 v2  }
0x23e: {  	v2 =	vunpack.i.l.bf16.f32 v2;
	[tilespmem:s6+$0x10] =	vst v1  }
0x23f: {  	[tilespmem:s6+$0x0] =	vst v2;
	v1 =	vunpack.i.u.bf16.f32 v3  }
0x240: {  	v2 =	vunpack.i.l.bf16.f32 v3;
	[tilespmem:s6+$0xFFFFFFF0] =	vst v1  }
0x241: {  	[tilespmem:s6+$0xFFFFFFE0] =	vst v2  }
0x242: {  	s21 =	rddreg [dreg:$0xa]  }
0x243: {  	[hbm4b:s21+s2] =	stream.linear.scatter [tilespmem:s30], [sflag:$0x3], $0x5000, $0x38;
	[tilespmem:$0x142A0] =	vst v63  }
0x244: {  	s22 =	rddreg [dreg:$0xb]  }
0x245: {  	[tilespmem:s25], [sflag:$0x1] =	stream.linear.gather [hbm4b:s22+s2], $0x3200, $0x38;
	[tilespmem:$0x142A0] =	vst v63  }
0x246: {  	_ =	swait.ge [sflag:s31], $0x3200  }
0x247: {  	[sflag:s31] =	ssyncset.done $0x0  }
0x248: {  	[sflag:s31] =	ssyncadd.s32 $0xFFFFCE00  }
0x249: {  	_ =	swait.ge [sflag:s3], $0x5000  }
0x24a: {  	[sflag:s3] =	ssyncset.done $0x0  }
0x24b: {  	s5 =	simm.s32 $0x70B4;
	[sflag:s3] =	ssyncadd.s32 $0xFFFFB000  }
0x24c: {  	v1 =	vld [tilespmem:s5+$0xFFFFFFDC];
	_ =	sdelay $0x4  }
0x24d: {  	v2 =	vld [tilespmem:s5+$0xFFFFFFF0];
	v1 =	vshll.u32 v1, $0x6  }
0x24e: {  	v1 =	vshra.s32 v1, $0x2  }
0x24f: {  	(v2sf) =	vpush v1, $0x0  }
0x250: {  	(v2sf) =	vpush v1, $0x1  }
0x251: {  	(v2sf) =	vpush v1, $0x2  }
0x252: {  	v2 =	vshll.u32 v2, $0x6;
	(v2sf) =	vpush v1, $0x3  }
0x253: {  	v2 =	vshra.s32 v2, $0x2;
	(v2sf) =	vpush v1, $0x4  }
0x254: {  	(v2sf) =	vpush v2, $0x5  }
0x255: {  	(v2sf) =	vpush v2, $0xD  }
0x256: {  	(v2sf) =	vpush v2, $0x0  }
0x257: {  	(v2sf) =	vpush v1, $0x5  }
0x258: {  	(v2sf) =	vpush v1, $0x6  }
0x259: {  	(v2sf) =	vpush v2, $0x2  }
0x25a: {  	(v2sf) =	vpush v2, $0x1  }
0x25b: {  	v3 =	vld [tilespmem:s5+$0xFFFFFFEC];
	(v2sf) =	vpush v2, $0xF  }
0x25c: {  	(v2sf) =	vpush v1, $0x7  }
0x25d: {  	(v2sf) =	vpush v2, $0x4  }
0x25e: {  	s12 =	spop (v2sf);
	(v2sf) =	vpush v2, $0xE  }
0x25f: {  	s7 =	spop (v2sf);
	(v2sf) =	vpush v1, $0x8  }
0x260: {  	v3 =	vshll.u32 v3, $0x6;
	s8 =	spop (v2sf);
	(v2sf) =	vpush v1, $0x9  }
0x261: {  	v3 =	vshra.s32 v3, $0x2;
	s6 =	spop (v2sf);
	(v2sf) =	vpush v1, $0xA  }
0x262: {  	s23 =	spop (v2sf);
	(v2sf) =	vpush v3, $0x3  }
0x263: {  	(v2sf) =	vpush v3, $0x2;
	s14 =	spop (v2sf)  }
0x264: {  	(v2sf) =	vpush v2, $0x6;
	s10 =	spop (v2sf)  }
0x265: {  	s16 =	spop (v2sf);
	(v2sf) =	vpush v2, $0x3  }
0x266: {  	v12 =	vld [tilespmem:s12+$0x0];
	s17 =	spop (v2sf);
	(v2sf) =	vpush v2, $0x7  }
0x267: {  	v9 =	vld [tilespmem:s23+$0x0];
	s18 =	spop (v2sf)  }
0x268: {  	v18 =	vld [tilespmem:s14+$0x0];
	s19 =	spop (v2sf)  }
0x269: {  	v4 =	vld [tilespmem:s16+$0x0];
	(v2sf) =	vpush v2, $0x8;
	s20 =	spop (v2sf)  }
0x26a: {  	v8 =	vld [tilespmem:s17+$0x0];
	(v2sf) =	vpush v2, $0x9;
	s15 =	spop (v2sf)  }
0x26b: {  	v5 =	vld [tilespmem:s18+$0x0];
	(v2sf) =	vpush v2, $0xA;
	s21 =	spop (v2sf)  }
0x26c: {  	v6 =	vld [tilespmem:s19+$0x0];
	s22 =	spop (v2sf)  }
0x26d: {  	v7 =	vld [tilespmem:s20+$0x0];
	(v2sf) =	vpush v2, $0xB;
	s23 =	spop (v2sf)  }
0x26e: {  	(v2sf) =	vpush v2, $0xC;
	v10 =	vld [tilespmem:s21+$0x0];
	s9 =	spop (v2sf)  }
0x26f: {  	v2 =	vld [tilespmem:s5+$0x0];
	s5 =	simm.s32 $0x70DC;
	(v2sf) =	vpush v3, $0x1;
	s11 =	spop (v2sf)  }
0x270: {  	v15 =	vld [tilespmem:s5+$0xFFFFFFDC];
	(v2sf) =	vpush v3, $0x0;
	s12 =	spop (v2sf)  }
0x271: {  	v11 =	vld [tilespmem:s22+$0x0];
	(v2sf) =	vpush v1, $0xB;
	s17 =	spop (v2sf)  }
0x272: {  	v14 =	vld [tilespmem:s5+$0xFFFFFFF0];
	(v2sf) =	vpush v1, $0xC;
	s13 =	spop (v2sf)  }
0x273: {  	v3 =	vld [tilespmem:s23+$0x0];
	s16 =	spop (v2sf);
	(v2sf) =	vpush v1, $0xD  }
0x274: {  	v13 =	vld [tilespmem:s17+$0x0];
	s18 =	spop (v2sf);
	(v2sf) =	vpush v1, $0xE  }
0x275: {  	v2 =	vshll.u32 v2, $0x6;
	v16 =	vld [tilespmem:s18+$0x0];
	s19 =	spop (v2sf);
	(v2sf) =	vpush v1, $0xF;
	v1 =	vshll.u32 v15, $0x6  }
0x276: {  	v17 =	vshra.s32 v2, $0x2;
	v2 =	vshra.s32 v1, $0x2;
	v1 =	vadd.bf16 v8, v9;
	v8 =	vld [tilespmem:s15+$0x0]  }
0x277: {  	v9 =	vld [tilespmem:s16+$0x0]  }
0x278: {  	v5 =	vadd.bf16 v10, v5;
	s20 =	spop (v2sf);
	(v2sf) =	vpush v17, $0x0;
	v10 =	vld [tilespmem:s19+$0x0]  }
0x279: {  	v19 =	vld [tilespmem:s20+$0x0];
	s21 =	spop (v2sf);
	(v2sf) =	vpush v17, $0x1  }
0x27a: {  	v20 =	vld [tilespmem:s21+$0x0];
	s22 =	spop (v2sf);
	(v2sf) =	vpush v17, $0x2  }
0x27b: {  	v1 =	vadd.bf16 v5, v1;
	v5 =	vshll.u32 v14, $0x6;
	v14 =	vld [tilespmem:s8+$0x0];
	(v2sf) =	vpush v17, $0x3  }
0x27c: {  	v15 =	vld [tilespmem:s22+$0x0];
	s23 =	spop (v2sf);
	(v2sf) =	vpush v2, $0x0  }
0x27d: {  	v4 =	vadd.bf16 v7, v4;
	v17 =	vld [tilespmem:s7+$0x0];
	(v2sf) =	vpush v2, $0x1  }
0x27e: {  	v11 =	vadd.bf16 v18, v11;
	v59 =	vld [tilespmem:s23+$0x0];
	(v2sf) =	vpush v2, $0x2  }
0x27f: {  	v60 =	vshra.s32 v5, $0x2;
	v5 =	vadd.bf16 v16, v6;
	v6 =	vld [tilespmem:s10+$0x0];
	s15 =	spop (v2sf);
	(v2sf) =	vpush v2, $0x3  }
0x280: {  	v9 =	vadd.bf16 v10, v9;
	v10 =	vld [tilespmem:s6+$0x0];
	s14 =	spop (v2sf);
	(v2sf) =	vpush v2, $0x4  }
0x281: {  	v3 =	vadd.bf16 v8, v3;
	v7 =	vld [tilespmem:s15+$0x0];
	s17 =	spop (v2sf);
	(v2sf) =	vpush v60, $0x5  }
0x282: {  	v4 =	vadd.bf16 v5, v4;
	v5 =	vld [tilespmem:s13+$0x0];
	s18 =	spop (v2sf);
	(v2sf) =	vpush v60, $0xD  }
0x283: {  	v16 =	vadd.bf16 v20, v19;
	v19 =	vld [tilespmem:s11+$0x0];
	s7 =	spop (v2sf);
	(v2sf) =	vpush v60, $0x0  }
0x284: {  	v20 =	vld [tilespmem:s5+$0xFFFFFFEC];
	v9 =	vadd.bf16 v9, v11;
	s16 =	spop (v2sf);
	(v2sf) =	vpush v2, $0x5  }
0x285: {  	v11 =	vld [tilespmem:s14+$0x0];
	v12 =	vadd.bf16 v17, v12;
	s19 =	spop (v2sf);
	(v2sf) =	vpush v2, $0x6  }
0x286: {  	v17 =	vld [tilespmem:s9+$0x0];
	v6 =	vadd.bf16 v6, v7;
	s20 =	spop (v2sf);
	(v2sf) =	vpush v60, $0x2  }
0x287: {  	v18 =	vld [tilespmem:s18+$0x0];
	v7 =	vadd.bf16 v59, v15;
	s21 =	spop (v2sf);
	(v2sf) =	vpush v60, $0x1  }
0x288: {  	v15 =	vld [tilespmem:s12+$0x0];
	v5 =	vadd.bf16 v13, v5;
	s22 =	spop (v2sf);
	(v2sf) =	vpush v60, $0xF  }
0x289: {  	v8 =	vld [tilespmem:s17+$0x0];
	v6 =	vadd.bf16 v3, v6;
	s23 =	spop (v2sf);
	(v2sf) =	vpush v2, $0x7  }
0x28a: {  	v62 =	vld [tilespmem:s7+$0x0];
	v7 =	vadd.bf16 v7, v16;
	(v2sf) =	vpush v60, $0x4;
	s18 =	spop (v2sf)  }
0x28b: {  	v17 =	vadd.bf16 v19, v17;
	v16 =	vld [tilespmem:s20+$0x0];
	s15 =	spop (v2sf);
	(v2sf) =	vpush v60, $0xE  }
0x28c: {  	v61 =	vadd.bf16 v6, v7;
	v6 =	vshll.u32 v20, $0x6;
	v20 =	vld [tilespmem:s19+$0x0];
	s9 =	spop (v2sf);
	(v2sf) =	vpush v2, $0x8  }
0x28d: {  	v15 =	vadd.bf16 v18, v15;
	v18 =	vld [tilespmem:s16+$0x0];
	s10 =	spop (v2sf);
	(v2sf) =	vpush v2, $0x9  }
0x28e: {  	v13 =	vshra.s32 v6, $0x2;
	v6 =	vadd.bf16 v10, v14;
	s8 =	spop (v2sf);
	(v2sf) =	vpush v2, $0xA  }
0x28f: {  	v10 =	vadd.bf16 v11, v8;
	s13 =	spop (v2sf);
	(v2sf) =	vpush v13, $0x3  }
0x290: {  	v3 =	vld [tilespmem:s21+$0x0];
	v7 =	vadd.bf16 v6, v12;
	(v2sf) =	vpush v13, $0x2;
	s16 =	spop (v2sf)  }
0x291: {  	v14 =	vld [tilespmem:s22+$0x0];
	v20 =	vadd.bf16 v16, v20;
	(v2sf) =	vpush v60, $0x6;
	s14 =	spop (v2sf)  }
0x292: {  	v8 =	vld [tilespmem:s23+$0x0];
	v18 =	vadd.bf16 v18, v62;
	s19 =	spop (v2sf);
	(v2sf) =	vpush v60, $0x3  }
0x293: {  	v12 =	vadd.bf16 v15, v17;
	v19 =	vld [tilespmem:s18+$0x0];
	s20 =	spop (v2sf);
	(v2sf) =	vpush v60, $0x7  }
0x294: {  	v15 =	vadd.bf16 v20, v18;
	v18 =	vld [tilespmem:s13+$0x0];
	s21 =	spop (v2sf);
	(v2sf) =	vpush v60, $0x8  }
0x295: {  	v6 =	vld [tilespmem:s19+$0x0];
	s22 =	spop (v2sf);
	(v2sf) =	vpush v60, $0x9  }
0x296: {  	v17 =	vld [tilespmem:s20+$0x0];
	s23 =	spop (v2sf);
	(v2sf) =	vpush v60, $0xA  }
0x297: {  	s6 =	simm.s32 $0xF2D0;
	v63 =	vadd.bf16 v9, v4;
	v9 =	vld [tilespmem:s21+$0x0];
	(v2sf) =	vpush v60, $0xB;
	s17 =	spop (v2sf)  }
0x298: {  	s11 =	simm.s32 $0x2;
	s12 =	simm.s32 $0xF310;
	v16 =	vadd.bf16 v19, v8;
	v4 =	vld [tilespmem:s22+$0x0];
	s18 =	spop (v2sf);
	(v2sf) =	vpush v60, $0xC  }
0x299: {  	s7 =	simm.s32 $0xF310;
	s13 =	simm.s32 $0x7104;
	v8 =	vadd.bf16 v61, v63;
	v11 =	vld [tilespmem:s23+$0x0];
	(v2sf) =	vpush v13, $0x1;
	s19 =	spop (v2sf)  }
.LBB2_8:
0x29a: {  	s11 =	sadd.s32 $0x2, s11;
	v19 =	vld [tilespmem:s18+$0x0];
	s12 =	sadd.s32 $0x40, s12;
	(v2sf) =	vpush v13, $0x0;
	s20 =	spop (v2sf);
	v10 =	vadd.bf16 v5, v10  }
0x29b: {  	v3 =	vadd.bf16 v14, v3;
	p0 =	slt.u32 s11, $0x27E;
	v13 =	vld [tilespmem:s5+$0x0];
	s18 =	spop (v2sf);
	(v2sf) =	vpush v2, $0xB;
	s5 =	smov.u32 s13  }
0x29c: {  	v7 =	vadd.bf16 v1, v7;
	v14 =	vld [tilespmem:s19+$0x0];
	s19 =	spop (v2sf);
	(v2sf) =	vpush v2, $0xC  }
0x29d: {  	v1 =	vadd.bf16 v16, v3;
	v20 =	vld [tilespmem:s15+$0x0];
	s15 =	spop (v2sf);
	(v2sf) =	vpush v2, $0xD  }
0x29e: {  	v3 =	vadd.bf16 v17, v18;
	v16 =	vld [tilespmem:s20+$0x0];
	(v2sf) =	vpush v2, $0xE;
	s20 =	spop (v2sf)  }
0x29f: {  	v6 =	vadd.bf16 v11, v6;
	v5 =	vld [tilespmem:s20+$0x0];
	v9 =	vadd.bf16 v19, v9;
	s20 =	spop (v2sf)  }
0x2a0: {  	v12 =	vadd.bf16 v15, v12;
	v8 =	vadd.bf16 v1, v8;
	v11 =	vld [tilespmem:s13+$0xFFFFFFF0];
	v13 =	vshll.u32 v13, $0x6;
	s21 =	spop (v2sf)  }
0x2a1: {  	v15 =	vld [tilespmem:s13+$0xFFFFFFDC];
	v1 =	vadd.bf16 v9, v3;
	v3 =	vshra.s32 v13, $0x2;
	(v2sf) =	vpush v2, $0xF;
	s22 =	spop (v2sf)  }
0x2a2: {  	v2 =	vadd.bf16 v12, v7;
	v7 =	vunpack.i.u.bf16.f32 v8;
	v8 =	vunpack.i.l.bf16.f32 v8;
	v9 =	vld [tilespmem:s22+$0x0];
	s22 =	spop (v2sf)  }
0x2a3: {  	v12 =	vld [tilespmem:s16+$0x0];
	s16 =	spop (v2sf);
	(v2sf) =	vpush v3, $0x0;
	[tilespmem:s6+$0x0] =	vst v7  }
0x2a4: {  	v10 =	vadd.bf16 v10, v2;
	v7 =	vld [tilespmem:s16+$0x0];
	s16 =	spop (v2sf);
	(v2sf) =	vpush v3, $0x1  }
0x2a5: {  	v2 =	vshll.u32 v11, $0x6;
	v11 =	vld [tilespmem:s16+$0x0];
	s16 =	spop (v2sf);
	(v2sf) =	vpush v3, $0x2;
	[tilespmem:s6+$0xFFFFFFF0] =	vst v8  }
0x2a6: {  	v17 =	vunpack.i.u.bf16.f32 v10;
	v13 =	vshll.u32 v15, $0x6;
	v8 =	vshra.s32 v2, $0x2;
	v15 =	vld [tilespmem:s16+$0x0];
	s16 =	spop (v2sf)  }
0x2a7: {  	v2 =	vshra.s32 v13, $0x2;
	v13 =	vld [tilespmem:s16+$0x0];
	s23 =	spop (v2sf);
	(v2sf) =	vpush v3, $0x3;
	v3 =	vunpack.i.l.bf16.f32 v10;
	[tilespmem:s6+$0xFFFFFFE0] =	vst v17  }
0x2a8: {  	v4 =	vadd.bf16 v9, v4;
	(v2sf) =	vpush v2, $0x0;
	v10 =	vld [tilespmem:s17+$0x0];
	s16 =	spop (v2sf);
	[tilespmem:s6+$0xFFFFFFD0] =	vst v3;
	s6 =	smov.u32 s7;
	s7 =	smov.u32 s12  }
0x2a9: {  	v9 =	vadd.bf16 v12, v14;
	(v2sf) =	vpush v2, $0x1;
	v3 =	vld [tilespmem:s21+$0x0];
	s21 =	spop (v2sf)  }
0x2aa: {  	(v2sf) =	vpush v2, $0x2;
	v12 =	vld [tilespmem:s23+$0x0];
	v7 =	vadd.bf16 v11, v7;
	s23 =	spop (v2sf)  }
0x2ab: {  	(v2sf) =	vpush v2, $0x3;
	v11 =	vld [tilespmem:s22+$0x0];
	s17 =	spop (v2sf)  }
0x2ac: {  	v4 =	vadd.bf16 v4, v6;
	(v2sf) =	vpush v2, $0x4;
	v14 =	vld [tilespmem:s14+$0x0];
	s14 =	spop (v2sf)  }
0x2ad: {  	(v2sf) =	vpush v8, $0x5;
	v6 =	vld [tilespmem:s10+$0x0];
	v10 =	vadd.bf16 v10, v16;
	s22 =	spop (v2sf)  }
0x2ae: {  	(v2sf) =	vpush v8, $0xD;
	v16 =	vld [tilespmem:s9+$0x0]  }
0x2af: {  	(v2sf) =	vpush v8, $0x0;
	v17 =	vld [tilespmem:s23+$0x0]  }
0x2b0: {  	v13 =	vadd.bf16 v13, v15;
	(v2sf) =	vpush v2, $0x5;
	v18 =	vld [tilespmem:s21+$0x0];
	s21 =	spop (v2sf)  }
0x2b1: {  	(v2sf) =	vpush v2, $0x6;
	v15 =	vld [tilespmem:s20+$0x0];
	v12 =	vadd.bf16 v14, v12  }
0x2b2: {  	(v2sf) =	vpush v8, $0x2;
	v14 =	vld [tilespmem:s15+$0x0];
	s9 =	spop (v2sf)  }
0x2b3: {  	(v2sf) =	vpush v8, $0x1;
	v19 =	vld [tilespmem:s19+$0x0];
	v10 =	vadd.bf16 v10, v12;
	s19 =	spop (v2sf)  }
0x2b4: {  	v16 =	vadd.bf16 v16, v20;
	v12 =	vld [tilespmem:s13+$0xFFFFFFEC];
	(v2sf) =	vpush v8, $0xF;
	s20 =	spop (v2sf)  }
0x2b5: {  	v11 =	vadd.bf16 v11, v3;
	(v2sf) =	vpush v2, $0x7;
	v20 =	vld [tilespmem:s18+$0x0]  }
0x2b6: {  	v7 =	vadd.bf16 v13, v7;
	(v2sf) =	vpush v8, $0x4;
	v21 =	vld [tilespmem:s8+$0x0];
	s18 =	spop (v2sf)  }
0x2b7: {  	v9 =	vadd.bf16 v11, v9;
	s15 =	spop (v2sf);
	(v2sf) =	vpush v8, $0xE;
	v3 =	vld [tilespmem:s9+$0x0]  }
0x2b8: {  	v22 =	vadd.bf16 v10, v7;
	s9 =	spop (v2sf);
	(v2sf) =	vpush v2, $0x8;
	v11 =	vld [tilespmem:s16+$0x0]  }
0x2b9: {  	v5 =	vadd.bf16 v5, v15;
	v7 =	vshll.u32 v12, $0x6;
	s10 =	spop (v2sf);
	(v2sf) =	vpush v2, $0x9;
	v12 =	vld [tilespmem:s21+$0x0]  }
0x2ba: {  	v17 =	vadd.bf16 v17, v14;
	v13 =	vshra.s32 v7, $0x2;
	s8 =	spop (v2sf);
	(v2sf) =	vpush v2, $0xA;
	v15 =	vld [tilespmem:s22+$0x0]  }
0x2bb: {  	s21 =	spop (v2sf);
	(v2sf) =	vpush v13, $0x3;
	v23 =	vld [tilespmem:s14+$0x0];
	v6 =	vadd.bf16 v21, v6  }
0x2bc: {  	v19 =	vadd.bf16 v19, v20;
	(v2sf) =	vpush v13, $0x2;
	s16 =	spop (v2sf);
	v21 =	vld [tilespmem:s17+$0x0]  }
0x2bd: {  	(v2sf) =	vpush v8, $0x6;
	s14 =	spop (v2sf);
	v7 =	vadd.bf16 v6, v16;
	v16 =	vld [tilespmem:s18+$0x0]  }
0x2be: {  	v10 =	vadd.bf16 v11, v18;
	s17 =	spop (v2sf);
	(v2sf) =	vpush v8, $0x3;
	v18 =	vld [tilespmem:s20+$0x0]  }
0x2bf: {  	v20 =	vadd.bf16 v9, v4;
	v6 =	vld [tilespmem:s17+$0x0];
	s18 =	spop (v2sf);
	(v2sf) =	vpush v8, $0x7  }
0x2c0: {  	v15 =	vadd.bf16 v12, v15;
	s17 =	spop (v2sf);
	(v2sf) =	vpush v8, $0x8;
	v14 =	vld [tilespmem:s19+$0x0]  }
.Ltmp3:
0x2c1: {  	v9 =	vld [tilespmem:s17+$0x0];
	s17 =	spop (v2sf);
	(v2sf) =	vpush v8, $0x9;
	v21 =	vadd.bf16 v23, v21;
	(pc) =	sbr.rel @p0 .LBB2_8-.Ltmp3, $4  }
0x2c2: {  	v12 =	vadd.bf16 v17, v19;
	v4 =	vld [tilespmem:s17+$0x0];
	s17 =	spop (v2sf);
	(v2sf) =	vpush v8, $0xA  }
0x2c3: {  	v11 =	vld [tilespmem:s17+$0x0];
	(v2sf) =	vpush v8, $0xB;
	s17 =	spop (v2sf);
	v16 =	vadd.bf16 v16, v18  }
0x2c4: {  	v15 =	vadd.bf16 v15, v21;
	v17 =	vld [tilespmem:s18+$0x0];
	s18 =	spop (v2sf);
	(v2sf) =	vpush v8, $0xC  }
0x2c5: {  	s13 =	sadd.s32 $0x28, s13;
	v8 =	vadd.bf16 v22, v20;
	v18 =	vld [tilespmem:s21+$0x0];
	(v2sf) =	vpush v13, $0x1;
	s19 =	spop (v2sf)  }
0x2c6: {  	v19 =	vld [tilespmem:s18+$0x0]  }
0x2c7: {  	v20 =	vld [tilespmem:s5+$0x0]  }
0x2c8: {  	(v2sf) =	vpush v13, $0x0;
	v13 =	vld [tilespmem:s19+$0x0]  }
0x2c9: {  	v21 =	vld [tilespmem:s15+$0x0]  }
0x2ca: {  	v25 =	vld [tilespmem:s16+$0x0]  }
0x2cb: {  	v29 =	vld [tilespmem:s17+$0x0]  }
0x2cc: {  	v33 =	vld [tilespmem:s10+$0x0]  }
0x2cd: {  	s12 =	spop (v2sf);
	v34 =	vld [tilespmem:s9+$0x0];
	v1 =	vadd.bf16 v1, v7;
	v7 =	vadd.bf16 v15, v12  }
0x2ce: {  	v3 =	vadd.bf16 v14, v3;
	s11 =	spop (v2sf);
	v22 =	vld [tilespmem:s12+$0x0]  }
0x2cf: {  	(v2sf) =	vpush v2, $0xB;
	s13 =	spop (v2sf);
	v1 =	vadd.bf16 v7, v1;
	v7 =	vld [tilespmem:s11+$0x0]  }
0x2d0: {  	(v2sf) =	vpush v2, $0xC;
	v3 =	vadd.bf16 v16, v3;
	s5 =	spop (v2sf);
	v15 =	vld [tilespmem:s13+$0x0]  }
0x2d1: {  	(v2sf) =	vpush v2, $0xD;
	s23 =	spop (v2sf);
	v12 =	vld [tilespmem:s5+$0x0]  }
0x2d2: {  	(v2sf) =	vpush v2, $0xE;
	v3 =	vadd.bf16 v3, v8;
	v8 =	vld [tilespmem:s8+$0x0];
	s15 =	spop (v2sf)  }
0x2d3: {  	v23 =	vld [tilespmem:s23+$0x0];
	v20 =	vshll.u32 v20, $0x6;
	s12 =	spop (v2sf)  }
0x2d4: {  	v5 =	vadd.bf16 v5, v10;
	(v2sf) =	vpush v2, $0xF;
	v20 =	vshra.s32 v20, $0x2;
	v10 =	vld [tilespmem:s15+$0x0];
	s19 =	spop (v2sf)  }
0x2d5: {  	(v2sf) =	vpush v20, $0x0;
	v30 =	vld [tilespmem:s12+$0x0];
	s18 =	spop (v2sf)  }
0x2d6: {  	v24 =	vld [tilespmem:s19+$0x0];
	(v2sf) =	vpush v20, $0x1;
	s20 =	spop (v2sf)  }
0x2d7: {  	(v2sf) =	vpush v20, $0x2;
	v26 =	vld [tilespmem:s20+$0x0]  }
0x2d8: {  	s21 =	spop (v2sf);
	(v2sf) =	vpush v20, $0x3;
	v20 =	vld [tilespmem:s14+$0x0]  }
0x2d9: {  	v2 =	vld [tilespmem:s21+$0x0];
	s22 =	spop (v2sf)  }
0x2da: {  	v27 =	vld [tilespmem:s22+$0x0];
	s23 =	spop (v2sf)  }
0x2db: {  	v28 =	vld [tilespmem:s23+$0x0];
	s19 =	spop (v2sf)  }
0x2dc: {  	v31 =	vld [tilespmem:s19+$0x0];
	s20 =	spop (v2sf)  }
0x2dd: {  	v32 =	vld [tilespmem:s18+$0x0];
	s21 =	spop (v2sf)  }
0x2de: {  	v6 =	vadd.bf16 v11, v6;
	v11 =	vadd.bf16 v25, v13;
	v13 =	vld [tilespmem:s20+$0x0];
	s22 =	spop (v2sf)  }
0x2df: {  	v14 =	vadd.bf16 v17, v18;
	v36 =	vld [tilespmem:s21+$0x0];
	s23 =	spop (v2sf)  }
0x2e0: {  	v9 =	vadd.bf16 v19, v9;
	v2 =	vadd.bf16 v2, v26;
	v35 =	vld [tilespmem:s22+$0x0];
	s14 =	spop (v2sf)  }
0x2e1: {  	v17 =	vadd.bf16 v28, v27;
	s15 =	spop (v2sf);
	v18 =	vadd.bf16 v20, v31;
	v20 =	vld [tilespmem:s14+$0x0]  }
0x2e2: {  	v9 =	vadd.bf16 v9, v14;
	v4 =	vadd.bf16 v24, v4;
	v19 =	vld [tilespmem:s15+$0x0]  }
0x2e3: {  	v14 =	vadd.bf16 v29, v22;
	s16 =	spop (v2sf);
	v2 =	vadd.bf16 v17, v2;
	v17 =	vld [tilespmem:s23+$0x0]  }
0x2e4: {  	v4 =	vadd.bf16 v4, v6;
	v6 =	vadd.bf16 v32, v30;
	v16 =	vld [tilespmem:s16+$0x0];
	s17 =	spop (v2sf)  }
0x2e5: {  	v1 =	vadd.bf16 v5, v1;
	v14 =	vadd.bf16 v14, v18;
	v5 =	vld [tilespmem:s17+$0x0];
	s18 =	spop (v2sf)  }
0x2e6: {  	v7 =	vadd.bf16 v15, v7;
	v6 =	vadd.bf16 v6, v11;
	s19 =	spop (v2sf);
	v58 =	vld [tilespmem:s18+$0x0]  }
0x2e7: {  	v8 =	vadd.bf16 v8, v33;
	v2 =	vadd.bf16 v14, v2;
	s20 =	spop (v2sf);
	v14 =	vld [tilespmem:s19+$0x0]  }
0x2e8: {  	v10 =	vadd.bf16 v23, v10;
	v4 =	vadd.bf16 v6, v4;
	v11 =	vld [tilespmem:s20+$0x0]  }
0x2e9: {  	v18 =	vadd.bf16 v34, v21;
	v12 =	vadd.bf16 v35, v12  }
0x2ea: {  	v15 =	vadd.bf16 v20, v17;
	v6 =	vadd.bf16 v16, v19  }
0x2eb: {  	v13 =	vadd.bf16 v13, v36;
	v8 =	vadd.bf16 v8, v18  }
0x2ec: {  	v7 =	vadd.bf16 v12, v7;
	v6 =	vadd.bf16 v6, v15  }
0x2ed: {  	v5 =	vadd.bf16 v58, v5;
	v11 =	vadd.bf16 v11, v14  }
0x2ee: {  	v2 =	vadd.bf16 v2, v4;
	v4 =	vadd.bf16 v9, v8  }
0x2ef: {  	v8 =	vunpack.i.u.bf16.f32 v3;
	v6 =	vadd.bf16 v6, v7;
	v5 =	vadd.bf16 v11, v5  }
0x2f0: {  	v3 =	vunpack.i.l.bf16.f32 v3;
	[tilespmem:s6+$0x0] =	vst v8;
	v7 =	vadd.bf16 v10, v13  }
0x2f1: {  	[tilespmem:s6+$0xFFFFFFF0] =	vst v3;
	v3 =	vunpack.i.u.bf16.f32 v1;
	v4 =	vadd.bf16 v6, v4;
	v2 =	vadd.bf16 v5, v2  }
0x2f2: {  	v1 =	vunpack.i.l.bf16.f32 v1;
	[tilespmem:s6+$0xFFFFFFE0] =	vst v3  }
0x2f3: {  	[tilespmem:s6+$0xFFFFFFD0] =	vst v1;
	v3 =	vadd.bf16 v7, v4;
	v1 =	vunpack.i.u.bf16.f32 v2  }
0x2f4: {  	v2 =	vunpack.i.l.bf16.f32 v2;
	[tilespmem:s7+$0x0] =	vst v1  }
0x2f5: {  	[tilespmem:s7+$0xFFFFFFF0] =	vst v2;
	v1 =	vunpack.i.u.bf16.f32 v3  }
0x2f6: {  	v2 =	vunpack.i.l.bf16.f32 v3;
	[tilespmem:s7+$0xFFFFFFE0] =	vst v1  }
0x2f7: {  	[tilespmem:s7+$0xFFFFFFD0] =	vst v2  }
0x2f8: {  	s21 =	rddreg [dreg:$0xc]  }
0x2f9: {  	[hbm4b:s21+s2] =	stream.linear.scatter [tilespmem:s1], [sflag:$0x4], $0x5000, $0x38;
	[tilespmem:$0x142A0] =	vst v63  }
0x2fa: {  	s22 =	rddreg [dreg:$0xd]  }
0x2fb: {  	[tilespmem:s28], [sflag:$0x2] =	stream.linear.gather [hbm4b:s22+s2], $0x3200, $0x38;
	[tilespmem:$0x142A0] =	vst v63  }
0x2fc: {  	_ =	swait.ge [sflag:s29], $0x3200  }
0x2fd: {  	[sflag:s29] =	ssyncset.done $0x0  }
0x2fe: {  	[sflag:s29] =	ssyncadd.s32 $0xFFFFCE00  }
0x2ff: {  	_ =	swait.ge [sflag:s0], $0x5000  }
0x300: {  	[sflag:s0] =	ssyncset.done $0x0  }
0x301: {  	s5 =	simm.s32 $0x3E94;
	[sflag:s0] =	ssyncadd.s32 $0xFFFFB000  }
0x302: {  	v1 =	vld [tilespmem:s5+$0xFFFFFFEC];
	_ =	sdelay $0x4  }
0x303: {  	v2 =	vld [tilespmem:s5+$0x0];
	v1 =	vshll.u32 v1, $0x6  }
0x304: {  	v1 =	vshra.s32 v1, $0x2  }
0x305: {  	(v2sf) =	vpush v1, $0x0  }
0x306: {  	(v2sf) =	vpush v1, $0x1  }
0x307: {  	(v2sf) =	vpush v1, $0x2  }
0x308: {  	v2 =	vshll.u32 v2, $0x6;
	(v2sf) =	vpush v1, $0x3  }
0x309: {  	v2 =	vshra.s32 v2, $0x2;
	(v2sf) =	vpush v1, $0x4  }
0x30a: {  	(v2sf) =	vpush v2, $0x5  }
0x30b: {  	(v2sf) =	vpush v2, $0xD  }
0x30c: {  	(v2sf) =	vpush v2, $0x0  }
0x30d: {  	(v2sf) =	vpush v1, $0x5  }
0x30e: {  	(v2sf) =	vpush v1, $0x6  }
0x30f: {  	(v2sf) =	vpush v2, $0x2  }
0x310: {  	(v2sf) =	vpush v2, $0x1  }
0x311: {  	v3 =	vld [tilespmem:s5+$0xFFFFFFFC];
	(v2sf) =	vpush v2, $0xF  }
0x312: {  	(v2sf) =	vpush v1, $0x7  }
0x313: {  	(v2sf) =	vpush v2, $0x4  }
0x314: {  	s12 =	spop (v2sf);
	(v2sf) =	vpush v2, $0xE  }
0x315: {  	s7 =	spop (v2sf);
	(v2sf) =	vpush v1, $0x8  }
0x316: {  	v3 =	vshll.u32 v3, $0x6;
	s8 =	spop (v2sf);
	(v2sf) =	vpush v1, $0x9  }
0x317: {  	v3 =	vshra.s32 v3, $0x2;
	s6 =	spop (v2sf);
	(v2sf) =	vpush v1, $0xA  }
0x318: {  	s23 =	spop (v2sf);
	(v2sf) =	vpush v3, $0x3  }
0x319: {  	(v2sf) =	vpush v3, $0x2;
	s14 =	spop (v2sf)  }
0x31a: {  	(v2sf) =	vpush v2, $0x6;
	s10 =	spop (v2sf)  }
0x31b: {  	s16 =	spop (v2sf);
	(v2sf) =	vpush v2, $0x3  }
0x31c: {  	v12 =	vld [tilespmem:s12+$0x0];
	s17 =	spop (v2sf);
	(v2sf) =	vpush v2, $0x7  }
0x31d: {  	v9 =	vld [tilespmem:s23+$0x0];
	s18 =	spop (v2sf)  }
0x31e: {  	v18 =	vld [tilespmem:s14+$0x0];
	s19 =	spop (v2sf)  }
0x31f: {  	v4 =	vld [tilespmem:s16+$0x0];
	(v2sf) =	vpush v2, $0x8;
	s20 =	spop (v2sf)  }
0x320: {  	v8 =	vld [tilespmem:s17+$0x0];
	(v2sf) =	vpush v2, $0x9;
	s15 =	spop (v2sf)  }
0x321: {  	v5 =	vld [tilespmem:s18+$0x0];
	(v2sf) =	vpush v2, $0xA;
	s21 =	spop (v2sf)  }
0x322: {  	v6 =	vld [tilespmem:s19+$0x0];
	s22 =	spop (v2sf)  }
0x323: {  	v7 =	vld [tilespmem:s20+$0x0];
	(v2sf) =	vpush v2, $0xB;
	s23 =	spop (v2sf)  }
0x324: {  	(v2sf) =	vpush v2, $0xC;
	v10 =	vld [tilespmem:s21+$0x0];
	s9 =	spop (v2sf)  }
0x325: {  	v2 =	vld [tilespmem:s5+$0x10];
	s5 =	simm.s32 $0x3EBC;
	(v2sf) =	vpush v3, $0x1;
	s11 =	spop (v2sf)  }
0x326: {  	v15 =	vld [tilespmem:s5+$0xFFFFFFEC];
	(v2sf) =	vpush v3, $0x0;
	s12 =	spop (v2sf)  }
0x327: {  	v11 =	vld [tilespmem:s22+$0x0];
	(v2sf) =	vpush v1, $0xB;
	s17 =	spop (v2sf)  }
0x328: {  	v14 =	vld [tilespmem:s5+$0x0];
	(v2sf) =	vpush v1, $0xC;
	s13 =	spop (v2sf)  }
0x329: {  	v3 =	vld [tilespmem:s23+$0x0];
	s16 =	spop (v2sf);
	(v2sf) =	vpush v1, $0xD  }
0x32a: {  	v13 =	vld [tilespmem:s17+$0x0];
	s18 =	spop (v2sf);
	(v2sf) =	vpush v1, $0xE  }
0x32b: {  	v2 =	vshll.u32 v2, $0x6;
	v16 =	vld [tilespmem:s18+$0x0];
	s19 =	spop (v2sf);
	(v2sf) =	vpush v1, $0xF;
	v1 =	vshll.u32 v15, $0x6  }
0x32c: {  	v17 =	vshra.s32 v2, $0x2;
	v2 =	vshra.s32 v1, $0x2;
	v1 =	vadd.bf16 v8, v9;
	v8 =	vld [tilespmem:s15+$0x0]  }
0x32d: {  	v9 =	vld [tilespmem:s16+$0x0]  }
0x32e: {  	v5 =	vadd.bf16 v10, v5;
	s20 =	spop (v2sf);
	(v2sf) =	vpush v17, $0x0;
	v10 =	vld [tilespmem:s19+$0x0]  }
0x32f: {  	v19 =	vld [tilespmem:s20+$0x0];
	s21 =	spop (v2sf);
	(v2sf) =	vpush v17, $0x1  }
0x330: {  	v20 =	vld [tilespmem:s21+$0x0];
	s22 =	spop (v2sf);
	(v2sf) =	vpush v17, $0x2  }
0x331: {  	v1 =	vadd.bf16 v5, v1;
	v5 =	vshll.u32 v14, $0x6;
	v14 =	vld [tilespmem:s8+$0x0];
	(v2sf) =	vpush v17, $0x3  }
0x332: {  	v15 =	vld [tilespmem:s22+$0x0];
	s23 =	spop (v2sf);
	(v2sf) =	vpush v2, $0x0  }
0x333: {  	v4 =	vadd.bf16 v7, v4;
	v17 =	vld [tilespmem:s7+$0x0];
	(v2sf) =	vpush v2, $0x1  }
0x334: {  	v11 =	vadd.bf16 v18, v11;
	v59 =	vld [tilespmem:s23+$0x0];
	(v2sf) =	vpush v2, $0x2  }
0x335: {  	v60 =	vshra.s32 v5, $0x2;
	v5 =	vadd.bf16 v16, v6;
	v6 =	vld [tilespmem:s10+$0x0];
	s15 =	spop (v2sf);
	(v2sf) =	vpush v2, $0x3  }
0x336: {  	v9 =	vadd.bf16 v10, v9;
	v10 =	vld [tilespmem:s6+$0x0];
	s14 =	spop (v2sf);
	(v2sf) =	vpush v2, $0x4  }
0x337: {  	v3 =	vadd.bf16 v8, v3;
	v7 =	vld [tilespmem:s15+$0x0];
	s17 =	spop (v2sf);
	(v2sf) =	vpush v60, $0x5  }
0x338: {  	v4 =	vadd.bf16 v5, v4;
	v5 =	vld [tilespmem:s13+$0x0];
	s18 =	spop (v2sf);
	(v2sf) =	vpush v60, $0xD  }
0x339: {  	v16 =	vadd.bf16 v20, v19;
	v19 =	vld [tilespmem:s11+$0x0];
	s7 =	spop (v2sf);
	(v2sf) =	vpush v60, $0x0  }
0x33a: {  	v20 =	vld [tilespmem:s5+$0xFFFFFFFC];
	v9 =	vadd.bf16 v9, v11;
	s16 =	spop (v2sf);
	(v2sf) =	vpush v2, $0x5  }
0x33b: {  	v11 =	vld [tilespmem:s14+$0x0];
	v12 =	vadd.bf16 v17, v12;
	s19 =	spop (v2sf);
	(v2sf) =	vpush v2, $0x6  }
0x33c: {  	v17 =	vld [tilespmem:s9+$0x0];
	v6 =	vadd.bf16 v6, v7;
	s20 =	spop (v2sf);
	(v2sf) =	vpush v60, $0x2  }
0x33d: {  	v18 =	vld [tilespmem:s18+$0x0];
	v7 =	vadd.bf16 v59, v15;
	s21 =	spop (v2sf);
	(v2sf) =	vpush v60, $0x1  }
0x33e: {  	v15 =	vld [tilespmem:s12+$0x0];
	v5 =	vadd.bf16 v13, v5;
	s22 =	spop (v2sf);
	(v2sf) =	vpush v60, $0xF  }
0x33f: {  	v8 =	vld [tilespmem:s17+$0x0];
	v6 =	vadd.bf16 v3, v6;
	s23 =	spop (v2sf);
	(v2sf) =	vpush v2, $0x7  }
0x340: {  	v62 =	vld [tilespmem:s7+$0x0];
	v7 =	vadd.bf16 v7, v16;
	(v2sf) =	vpush v60, $0x4;
	s18 =	spop (v2sf)  }
0x341: {  	v17 =	vadd.bf16 v19, v17;
	v16 =	vld [tilespmem:s20+$0x0];
	s15 =	spop (v2sf);
	(v2sf) =	vpush v60, $0xE  }
0x342: {  	v61 =	vadd.bf16 v6, v7;
	v6 =	vshll.u32 v20, $0x6;
	v20 =	vld [tilespmem:s19+$0x0];
	s9 =	spop (v2sf);
	(v2sf) =	vpush v2, $0x8  }
0x343: {  	v15 =	vadd.bf16 v18, v15;
	v18 =	vld [tilespmem:s16+$0x0];
	s10 =	spop (v2sf);
	(v2sf) =	vpush v2, $0x9  }
0x344: {  	v13 =	vshra.s32 v6, $0x2;
	v6 =	vadd.bf16 v10, v14;
	s8 =	spop (v2sf);
	(v2sf) =	vpush v2, $0xA  }
0x345: {  	v10 =	vadd.bf16 v11, v8;
	s14 =	spop (v2sf);
	(v2sf) =	vpush v13, $0x3  }
0x346: {  	v3 =	vld [tilespmem:s21+$0x0];
	v7 =	vadd.bf16 v6, v12;
	(v2sf) =	vpush v13, $0x2;
	s16 =	spop (v2sf)  }
0x347: {  	v14 =	vld [tilespmem:s22+$0x0];
	v20 =	vadd.bf16 v16, v20;
	(v2sf) =	vpush v60, $0x6;
	s13 =	spop (v2sf)  }
0x348: {  	v8 =	vld [tilespmem:s23+$0x0];
	v18 =	vadd.bf16 v18, v62;
	s19 =	spop (v2sf);
	(v2sf) =	vpush v60, $0x3  }
0x349: {  	v12 =	vadd.bf16 v15, v17;
	v19 =	vld [tilespmem:s18+$0x0];
	s20 =	spop (v2sf);
	(v2sf) =	vpush v60, $0x7  }
0x34a: {  	v15 =	vadd.bf16 v20, v18;
	v18 =	vld [tilespmem:s14+$0x0];
	s21 =	spop (v2sf);
	(v2sf) =	vpush v60, $0x8  }
0x34b: {  	v6 =	vld [tilespmem:s19+$0x0];
	s22 =	spop (v2sf);
	(v2sf) =	vpush v60, $0x9  }
0x34c: {  	v17 =	vld [tilespmem:s20+$0x0];
	s23 =	spop (v2sf);
	(v2sf) =	vpush v60, $0xA  }
0x34d: {  	s6 =	simm.s32 $0xA300;
	v63 =	vadd.bf16 v9, v4;
	v9 =	vld [tilespmem:s21+$0x0];
	(v2sf) =	vpush v60, $0xB;
	s17 =	spop (v2sf)  }
0x34e: {  	s11 =	simm.s32 $0x2;
	s7 =	simm.s32 $0xA2C0;
	v16 =	vadd.bf16 v19, v8;
	v4 =	vld [tilespmem:s22+$0x0];
	s18 =	spop (v2sf);
	(v2sf) =	vpush v60, $0xC  }
0x34f: {  	s12 =	simm.s32 $0xA340;
	v8 =	vadd.bf16 v61, v63;
	s14 =	simm.s32 $0x3EBC;
	v11 =	vld [tilespmem:s23+$0x0];
	(v2sf) =	vpush v13, $0x1;
	s19 =	spop (v2sf)  }
.LBB2_10:
0x350: {  	s11 =	sadd.s32 $0x2, s11;
	v19 =	vld [tilespmem:s18+$0x0];
	s5 =	sadd.s32 $0x28, s5;
	(v2sf) =	vpush v13, $0x0;
	s20 =	spop (v2sf);
	v10 =	vadd.bf16 v5, v10  }
0x351: {  	v3 =	vadd.bf16 v14, v3;
	p0 =	slt.u32 s11, $0x27E;
	v13 =	vld [tilespmem:s14+$0x10];
	s18 =	spop (v2sf);
	(v2sf) =	vpush v2, $0xB;
	s14 =	smov.u32 s5  }
0x352: {  	v7 =	vadd.bf16 v1, v7;
	v14 =	vld [tilespmem:s19+$0x0];
	s19 =	spop (v2sf);
	(v2sf) =	vpush v2, $0xC  }
0x353: {  	v1 =	vadd.bf16 v16, v3;
	v20 =	vld [tilespmem:s15+$0x0];
	s15 =	spop (v2sf);
	(v2sf) =	vpush v2, $0xD  }
0x354: {  	v3 =	vadd.bf16 v17, v18;
	v16 =	vld [tilespmem:s20+$0x0];
	(v2sf) =	vpush v2, $0xE;
	s20 =	spop (v2sf)  }
0x355: {  	v6 =	vadd.bf16 v11, v6;
	v5 =	vld [tilespmem:s20+$0x0];
	v9 =	vadd.bf16 v19, v9;
	s20 =	spop (v2sf)  }
0x356: {  	v12 =	vadd.bf16 v15, v12;
	v8 =	vadd.bf16 v1, v8;
	v11 =	vld [tilespmem:s5+$0x0];
	v13 =	vshll.u32 v13, $0x6;
	s21 =	spop (v2sf)  }
0x357: {  	v15 =	vld [tilespmem:s5+$0xFFFFFFEC];
	v1 =	vadd.bf16 v9, v3;
	v3 =	vshra.s32 v13, $0x2;
	(v2sf) =	vpush v2, $0xF;
	s22 =	spop (v2sf)  }
0x358: {  	v2 =	vadd.bf16 v12, v7;
	v7 =	vunpack.i.u.bf16.f32 v8;
	v8 =	vunpack.i.l.bf16.f32 v8;
	v9 =	vld [tilespmem:s22+$0x0];
	s22 =	spop (v2sf)  }
0x359: {  	v12 =	vld [tilespmem:s16+$0x0];
	s16 =	spop (v2sf);
	(v2sf) =	vpush v3, $0x0;
	[tilespmem:s7+$0x10] =	vst v7  }
0x35a: {  	v10 =	vadd.bf16 v10, v2;
	v7 =	vld [tilespmem:s16+$0x0];
	s16 =	spop (v2sf);
	(v2sf) =	vpush v3, $0x1  }
0x35b: {  	v2 =	vshll.u32 v11, $0x6;
	v11 =	vld [tilespmem:s16+$0x0];
	s16 =	spop (v2sf);
	(v2sf) =	vpush v3, $0x2;
	[tilespmem:s7+$0x0] =	vst v8  }
0x35c: {  	v17 =	vunpack.i.u.bf16.f32 v10;
	v13 =	vshll.u32 v15, $0x6;
	v8 =	vshra.s32 v2, $0x2;
	v15 =	vld [tilespmem:s16+$0x0];
	s16 =	spop (v2sf)  }
0x35d: {  	v2 =	vshra.s32 v13, $0x2;
	v13 =	vld [tilespmem:s16+$0x0];
	s23 =	spop (v2sf);
	(v2sf) =	vpush v3, $0x3;
	v3 =	vunpack.i.l.bf16.f32 v10;
	[tilespmem:s7+$0xFFFFFFF0] =	vst v17  }
0x35e: {  	v4 =	vadd.bf16 v9, v4;
	(v2sf) =	vpush v2, $0x0;
	v10 =	vld [tilespmem:s17+$0x0];
	s16 =	spop (v2sf);
	[tilespmem:s7+$0xFFFFFFE0] =	vst v3;
	s7 =	smov.u32 s6;
	s6 =	smov.u32 s12  }
0x35f: {  	v9 =	vadd.bf16 v12, v14;
	(v2sf) =	vpush v2, $0x1;
	v3 =	vld [tilespmem:s21+$0x0];
	s21 =	spop (v2sf)  }
0x360: {  	(v2sf) =	vpush v2, $0x2;
	v12 =	vld [tilespmem:s23+$0x0];
	v7 =	vadd.bf16 v11, v7;
	s23 =	spop (v2sf)  }
0x361: {  	(v2sf) =	vpush v2, $0x3;
	v11 =	vld [tilespmem:s22+$0x0];
	s17 =	spop (v2sf)  }
0x362: {  	v4 =	vadd.bf16 v4, v6;
	(v2sf) =	vpush v2, $0x4;
	v14 =	vld [tilespmem:s13+$0x0];
	s13 =	spop (v2sf)  }
0x363: {  	(v2sf) =	vpush v8, $0x5;
	v6 =	vld [tilespmem:s10+$0x0];
	v10 =	vadd.bf16 v10, v16;
	s22 =	spop (v2sf)  }
0x364: {  	(v2sf) =	vpush v8, $0xD;
	v16 =	vld [tilespmem:s9+$0x0]  }
0x365: {  	(v2sf) =	vpush v8, $0x0;
	v17 =	vld [tilespmem:s23+$0x0]  }
0x366: {  	v13 =	vadd.bf16 v13, v15;
	(v2sf) =	vpush v2, $0x5;
	v18 =	vld [tilespmem:s21+$0x0];
	s21 =	spop (v2sf)  }
0x367: {  	(v2sf) =	vpush v2, $0x6;
	v15 =	vld [tilespmem:s20+$0x0];
	v12 =	vadd.bf16 v14, v12  }
0x368: {  	(v2sf) =	vpush v8, $0x2;
	v14 =	vld [tilespmem:s15+$0x0];
	s9 =	spop (v2sf)  }
0x369: {  	(v2sf) =	vpush v8, $0x1;
	v19 =	vld [tilespmem:s19+$0x0];
	v10 =	vadd.bf16 v10, v12;
	s19 =	spop (v2sf)  }
0x36a: {  	v16 =	vadd.bf16 v16, v20;
	v12 =	vld [tilespmem:s5+$0xFFFFFFFC];
	(v2sf) =	vpush v8, $0xF;
	s20 =	spop (v2sf)  }
0x36b: {  	v11 =	vadd.bf16 v11, v3;
	(v2sf) =	vpush v2, $0x7;
	v20 =	vld [tilespmem:s18+$0x0]  }
0x36c: {  	v7 =	vadd.bf16 v13, v7;
	(v2sf) =	vpush v8, $0x4;
	v21 =	vld [tilespmem:s8+$0x0];
	s18 =	spop (v2sf)  }
0x36d: {  	v9 =	vadd.bf16 v11, v9;
	s15 =	spop (v2sf);
	(v2sf) =	vpush v8, $0xE;
	v3 =	vld [tilespmem:s9+$0x0]  }
0x36e: {  	v22 =	vadd.bf16 v10, v7;
	s9 =	spop (v2sf);
	(v2sf) =	vpush v2, $0x8;
	v11 =	vld [tilespmem:s16+$0x0]  }
0x36f: {  	v5 =	vadd.bf16 v5, v15;
	v7 =	vshll.u32 v12, $0x6;
	s10 =	spop (v2sf);
	(v2sf) =	vpush v2, $0x9;
	v12 =	vld [tilespmem:s21+$0x0]  }
0x370: {  	v17 =	vadd.bf16 v17, v14;
	v13 =	vshra.s32 v7, $0x2;
	s8 =	spop (v2sf);
	(v2sf) =	vpush v2, $0xA;
	v15 =	vld [tilespmem:s22+$0x0]  }
0x371: {  	s21 =	spop (v2sf);
	(v2sf) =	vpush v13, $0x3;
	v23 =	vld [tilespmem:s13+$0x0];
	v6 =	vadd.bf16 v21, v6  }
0x372: {  	v19 =	vadd.bf16 v19, v20;
	(v2sf) =	vpush v13, $0x2;
	s16 =	spop (v2sf);
	v21 =	vld [tilespmem:s17+$0x0]  }
0x373: {  	(v2sf) =	vpush v8, $0x6;
	s13 =	spop (v2sf);
	v7 =	vadd.bf16 v6, v16;
	v16 =	vld [tilespmem:s18+$0x0]  }
0x374: {  	v10 =	vadd.bf16 v11, v18;
	s17 =	spop (v2sf);
	(v2sf) =	vpush v8, $0x3;
	v18 =	vld [tilespmem:s20+$0x0]  }
0x375: {  	v20 =	vadd.bf16 v9, v4;
	v6 =	vld [tilespmem:s17+$0x0];
	s18 =	spop (v2sf);
	(v2sf) =	vpush v8, $0x7  }
0x376: {  	v15 =	vadd.bf16 v12, v15;
	s17 =	spop (v2sf);
	(v2sf) =	vpush v8, $0x8;
	v14 =	vld [tilespmem:s19+$0x0]  }
.Ltmp4:
0x377: {  	v9 =	vld [tilespmem:s17+$0x0];
	s17 =	spop (v2sf);
	(v2sf) =	vpush v8, $0x9;
	v21 =	vadd.bf16 v23, v21;
	(pc) =	sbr.rel @p0 .LBB2_10-.Ltmp4, $4  }
0x378: {  	v12 =	vadd.bf16 v17, v19;
	v4 =	vld [tilespmem:s17+$0x0];
	s17 =	spop (v2sf);
	(v2sf) =	vpush v8, $0xA  }
0x379: {  	v11 =	vld [tilespmem:s17+$0x0];
	(v2sf) =	vpush v8, $0xB;
	s17 =	spop (v2sf);
	v16 =	vadd.bf16 v16, v18  }
0x37a: {  	v15 =	vadd.bf16 v15, v21;
	v17 =	vld [tilespmem:s18+$0x0];
	s18 =	spop (v2sf);
	(v2sf) =	vpush v8, $0xC  }
0x37b: {  	s12 =	sadd.s32 $0x40, s12;
	v8 =	vadd.bf16 v22, v20;
	v18 =	vld [tilespmem:s21+$0x0];
	(v2sf) =	vpush v13, $0x1;
	s19 =	spop (v2sf)  }
0x37c: {  	v19 =	vld [tilespmem:s18+$0x0]  }
0x37d: {  	v20 =	vld [tilespmem:s14+$0x10]  }
0x37e: {  	(v2sf) =	vpush v13, $0x0;
	v13 =	vld [tilespmem:s19+$0x0]  }
0x37f: {  	v21 =	vld [tilespmem:s15+$0x0]  }
0x380: {  	v25 =	vld [tilespmem:s16+$0x0]  }
0x381: {  	v29 =	vld [tilespmem:s17+$0x0]  }
0x382: {  	v33 =	vld [tilespmem:s10+$0x0]  }
0x383: {  	s11 =	spop (v2sf);
	v34 =	vld [tilespmem:s9+$0x0];
	v1 =	vadd.bf16 v1, v7;
	v7 =	vadd.bf16 v15, v12  }
0x384: {  	v3 =	vadd.bf16 v14, v3;
	s5 =	spop (v2sf);
	v22 =	vld [tilespmem:s11+$0x0]  }
0x385: {  	(v2sf) =	vpush v2, $0xB;
	s12 =	spop (v2sf);
	v1 =	vadd.bf16 v7, v1;
	v7 =	vld [tilespmem:s5+$0x0]  }
0x386: {  	(v2sf) =	vpush v2, $0xC;
	v3 =	vadd.bf16 v16, v3;
	s14 =	spop (v2sf);
	v15 =	vld [tilespmem:s12+$0x0]  }
0x387: {  	(v2sf) =	vpush v2, $0xD;
	s22 =	spop (v2sf);
	v12 =	vld [tilespmem:s14+$0x0]  }
0x388: {  	(v2sf) =	vpush v2, $0xE;
	v3 =	vadd.bf16 v3, v8;
	v8 =	vld [tilespmem:s8+$0x0];
	s15 =	spop (v2sf)  }
0x389: {  	v23 =	vld [tilespmem:s22+$0x0];
	v20 =	vshll.u32 v20, $0x6;
	s11 =	spop (v2sf)  }
0x38a: {  	v5 =	vadd.bf16 v5, v10;
	(v2sf) =	vpush v2, $0xF;
	v20 =	vshra.s32 v20, $0x2;
	v10 =	vld [tilespmem:s15+$0x0];
	s23 =	spop (v2sf)  }
0x38b: {  	(v2sf) =	vpush v20, $0x0;
	v24 =	vld [tilespmem:s23+$0x0];
	s19 =	spop (v2sf)  }
0x38c: {  	(v2sf) =	vpush v20, $0x1;
	s20 =	spop (v2sf);
	v32 =	vld [tilespmem:s19+$0x0]  }
0x38d: {  	(v2sf) =	vpush v20, $0x2;
	v26 =	vld [tilespmem:s20+$0x0]  }
0x38e: {  	s21 =	spop (v2sf);
	(v2sf) =	vpush v20, $0x3;
	v20 =	vld [tilespmem:s13+$0x0]  }
0x38f: {  	v2 =	vld [tilespmem:s21+$0x0];
	s22 =	spop (v2sf)  }
0x390: {  	v27 =	vld [tilespmem:s22+$0x0];
	s23 =	spop (v2sf)  }
0x391: {  	v28 =	vld [tilespmem:s23+$0x0];
	s17 =	spop (v2sf)  }
0x392: {  	v31 =	vld [tilespmem:s17+$0x0];
	s19 =	spop (v2sf)  }
0x393: {  	v30 =	vld [tilespmem:s11+$0x0];
	s20 =	spop (v2sf)  }
0x394: {  	v6 =	vadd.bf16 v11, v6;
	v11 =	vadd.bf16 v25, v13;
	v13 =	vld [tilespmem:s19+$0x0];
	s21 =	spop (v2sf)  }
0x395: {  	v14 =	vadd.bf16 v17, v18;
	v36 =	vld [tilespmem:s20+$0x0];
	s22 =	spop (v2sf)  }
0x396: {  	v9 =	vadd.bf16 v19, v9;
	v2 =	vadd.bf16 v2, v26;
	v35 =	vld [tilespmem:s21+$0x0];
	s23 =	spop (v2sf)  }
0x397: {  	v17 =	vadd.bf16 v28, v27;
	s15 =	spop (v2sf);
	v18 =	vadd.bf16 v20, v31;
	v20 =	vld [tilespmem:s23+$0x0]  }
0x398: {  	v9 =	vadd.bf16 v9, v14;
	v4 =	vadd.bf16 v24, v4;
	v19 =	vld [tilespmem:s15+$0x0]  }
0x399: {  	v14 =	vadd.bf16 v29, v22;
	s16 =	spop (v2sf);
	v2 =	vadd.bf16 v17, v2;
	v17 =	vld [tilespmem:s22+$0x0]  }
0x39a: {  	v4 =	vadd.bf16 v4, v6;
	v6 =	vadd.bf16 v32, v30;
	v16 =	vld [tilespmem:s16+$0x0];
	s17 =	spop (v2sf)  }
0x39b: {  	v1 =	vadd.bf16 v5, v1;
	v14 =	vadd.bf16 v14, v18;
	v5 =	vld [tilespmem:s17+$0x0];
	s18 =	spop (v2sf)  }
0x39c: {  	v7 =	vadd.bf16 v15, v7;
	v6 =	vadd.bf16 v6, v11;
	s19 =	spop (v2sf);
	v58 =	vld [tilespmem:s18+$0x0]  }
0x39d: {  	v8 =	vadd.bf16 v8, v33;
	v2 =	vadd.bf16 v14, v2;
	s20 =	spop (v2sf);
	v14 =	vld [tilespmem:s19+$0x0]  }
0x39e: {  	v10 =	vadd.bf16 v23, v10;
	v4 =	vadd.bf16 v6, v4;
	v11 =	vld [tilespmem:s20+$0x0]  }
0x39f: {  	v18 =	vadd.bf16 v34, v21;
	v12 =	vadd.bf16 v35, v12  }
0x3a0: {  	v15 =	vadd.bf16 v20, v17;
	v6 =	vadd.bf16 v16, v19  }
0x3a1: {  	v13 =	vadd.bf16 v13, v36;
	v8 =	vadd.bf16 v8, v18  }
0x3a2: {  	v7 =	vadd.bf16 v12, v7;
	v6 =	vadd.bf16 v6, v15  }
0x3a3: {  	v5 =	vadd.bf16 v58, v5;
	v11 =	vadd.bf16 v11, v14  }
0x3a4: {  	v2 =	vadd.bf16 v2, v4;
	v4 =	vadd.bf16 v9, v8  }
0x3a5: {  	v8 =	vunpack.i.u.bf16.f32 v3;
	v6 =	vadd.bf16 v6, v7;
	v5 =	vadd.bf16 v11, v5  }
0x3a6: {  	v3 =	vunpack.i.l.bf16.f32 v3;
	[tilespmem:s7+$0x10] =	vst v8;
	v7 =	vadd.bf16 v10, v13  }
0x3a7: {  	[tilespmem:s7+$0x0] =	vst v3;
	v3 =	vunpack.i.u.bf16.f32 v1;
	v4 =	vadd.bf16 v6, v4;
	v2 =	vadd.bf16 v5, v2  }
0x3a8: {  	v1 =	vunpack.i.l.bf16.f32 v1;
	[tilespmem:s7+$0xFFFFFFF0] =	vst v3  }
0x3a9: {  	[tilespmem:s7+$0xFFFFFFE0] =	vst v1;
	v3 =	vadd.bf16 v7, v4;
	v1 =	vunpack.i.u.bf16.f32 v2  }
0x3aa: {  	v2 =	vunpack.i.l.bf16.f32 v2;
	[tilespmem:s6+$0x10] =	vst v1  }
0x3ab: {  	[tilespmem:s6+$0x0] =	vst v2;
	v1 =	vunpack.i.u.bf16.f32 v3  }
0x3ac: {  	v2 =	vunpack.i.l.bf16.f32 v3;
	[tilespmem:s6+$0xFFFFFFF0] =	vst v1  }
0x3ad: {  	[tilespmem:s6+$0xFFFFFFE0] =	vst v2  }
0x3ae: {  	s21 =	rddreg [dreg:$0xe]  }
0x3af: {  	[hbm4b:s21+s2] =	stream.linear.scatter [tilespmem:s30], [sflag:$0x3], $0x5000, $0x38;
	[tilespmem:$0x142A0] =	vst v63  }
0x3b0: {  	s22 =	rddreg [dreg:$0xf]  }
0x3b1: {  	[tilespmem:s25], [sflag:$0x1] =	stream.linear.gather [hbm4b:s22+s2], $0x3200, $0x38;
	[tilespmem:$0x142A0] =	vst v63  }
0x3b2: {  	_ =	swait.ge [sflag:s31], $0x3200  }
0x3b3: {  	[sflag:s31] =	ssyncset.done $0x0  }
0x3b4: {  	[sflag:s31] =	ssyncadd.s32 $0xFFFFCE00  }
0x3b5: {  	_ =	swait.ge [sflag:s3], $0x5000  }
0x3b6: {  	[sflag:s3] =	ssyncset.done $0x0  }
0x3b7: {  	s5 =	simm.s32 $0x70B4;
	[sflag:s3] =	ssyncadd.s32 $0xFFFFB000  }
0x3b8: {  	v1 =	vld [tilespmem:s5+$0xFFFFFFDC];
	_ =	sdelay $0x4  }
0x3b9: {  	v2 =	vld [tilespmem:s5+$0xFFFFFFF0];
	v1 =	vshll.u32 v1, $0x6  }
0x3ba: {  	v1 =	vshra.s32 v1, $0x2  }
0x3bb: {  	(v2sf) =	vpush v1, $0x0  }
0x3bc: {  	(v2sf) =	vpush v1, $0x1  }
0x3bd: {  	(v2sf) =	vpush v1, $0x2  }
0x3be: {  	v2 =	vshll.u32 v2, $0x6;
	(v2sf) =	vpush v1, $0x3  }
0x3bf: {  	v2 =	vshra.s32 v2, $0x2;
	(v2sf) =	vpush v1, $0x4  }
0x3c0: {  	(v2sf) =	vpush v2, $0x5  }
0x3c1: {  	(v2sf) =	vpush v2, $0xD  }
0x3c2: {  	(v2sf) =	vpush v2, $0x0  }
0x3c3: {  	(v2sf) =	vpush v1, $0x5  }
0x3c4: {  	(v2sf) =	vpush v1, $0x6  }
0x3c5: {  	(v2sf) =	vpush v2, $0x2  }
0x3c6: {  	(v2sf) =	vpush v2, $0x1  }
0x3c7: {  	v3 =	vld [tilespmem:s5+$0xFFFFFFEC];
	(v2sf) =	vpush v2, $0xF  }
0x3c8: {  	(v2sf) =	vpush v1, $0x7  }
0x3c9: {  	(v2sf) =	vpush v2, $0x4  }
0x3ca: {  	s12 =	spop (v2sf);
	(v2sf) =	vpush v2, $0xE  }
0x3cb: {  	s7 =	spop (v2sf);
	(v2sf) =	vpush v1, $0x8  }
0x3cc: {  	v3 =	vshll.u32 v3, $0x6;
	s8 =	spop (v2sf);
	(v2sf) =	vpush v1, $0x9  }
0x3cd: {  	v3 =	vshra.s32 v3, $0x2;
	s6 =	spop (v2sf);
	(v2sf) =	vpush v1, $0xA  }
0x3ce: {  	s23 =	spop (v2sf);
	(v2sf) =	vpush v3, $0x3  }
0x3cf: {  	(v2sf) =	vpush v3, $0x2;
	s14 =	spop (v2sf)  }
0x3d0: {  	(v2sf) =	vpush v2, $0x6;
	s10 =	spop (v2sf)  }
0x3d1: {  	s16 =	spop (v2sf);
	(v2sf) =	vpush v2, $0x3  }
0x3d2: {  	v12 =	vld [tilespmem:s12+$0x0];
	s17 =	spop (v2sf);
	(v2sf) =	vpush v2, $0x7  }
0x3d3: {  	v9 =	vld [tilespmem:s23+$0x0];
	s18 =	spop (v2sf)  }
0x3d4: {  	v18 =	vld [tilespmem:s14+$0x0];
	s19 =	spop (v2sf)  }
0x3d5: {  	v4 =	vld [tilespmem:s16+$0x0];
	(v2sf) =	vpush v2, $0x8;
	s20 =	spop (v2sf)  }
0x3d6: {  	v8 =	vld [tilespmem:s17+$0x0];
	(v2sf) =	vpush v2, $0x9;
	s15 =	spop (v2sf)  }
0x3d7: {  	v5 =	vld [tilespmem:s18+$0x0];
	(v2sf) =	vpush v2, $0xA;
	s21 =	spop (v2sf)  }
0x3d8: {  	v6 =	vld [tilespmem:s19+$0x0];
	s22 =	spop (v2sf)  }
0x3d9: {  	v7 =	vld [tilespmem:s20+$0x0];
	(v2sf) =	vpush v2, $0xB;
	s23 =	spop (v2sf)  }
0x3da: {  	(v2sf) =	vpush v2, $0xC;
	v10 =	vld [tilespmem:s21+$0x0];
	s9 =	spop (v2sf)  }
0x3db: {  	v2 =	vld [tilespmem:s5+$0x0];
	s5 =	simm.s32 $0x70DC;
	(v2sf) =	vpush v3, $0x1;
	s11 =	spop (v2sf)  }
0x3dc: {  	v15 =	vld [tilespmem:s5+$0xFFFFFFDC];
	(v2sf) =	vpush v3, $0x0;
	s12 =	spop (v2sf)  }
0x3dd: {  	v11 =	vld [tilespmem:s22+$0x0];
	(v2sf) =	vpush v1, $0xB;
	s17 =	spop (v2sf)  }
0x3de: {  	v14 =	vld [tilespmem:s5+$0xFFFFFFF0];
	(v2sf) =	vpush v1, $0xC;
	s13 =	spop (v2sf)  }
0x3df: {  	v3 =	vld [tilespmem:s23+$0x0];
	s16 =	spop (v2sf);
	(v2sf) =	vpush v1, $0xD  }
0x3e0: {  	v13 =	vld [tilespmem:s17+$0x0];
	s18 =	spop (v2sf);
	(v2sf) =	vpush v1, $0xE  }
0x3e1: {  	v2 =	vshll.u32 v2, $0x6;
	v16 =	vld [tilespmem:s18+$0x0];
	s19 =	spop (v2sf);
	(v2sf) =	vpush v1, $0xF;
	v1 =	vshll.u32 v15, $0x6  }
0x3e2: {  	v17 =	vshra.s32 v2, $0x2;
	v2 =	vshra.s32 v1, $0x2;
	v1 =	vadd.bf16 v8, v9;
	v8 =	vld [tilespmem:s15+$0x0]  }
0x3e3: {  	v9 =	vld [tilespmem:s16+$0x0]  }
0x3e4: {  	v5 =	vadd.bf16 v10, v5;
	s20 =	spop (v2sf);
	(v2sf) =	vpush v17, $0x0;
	v10 =	vld [tilespmem:s19+$0x0]  }
0x3e5: {  	v19 =	vld [tilespmem:s20+$0x0];
	s21 =	spop (v2sf);
	(v2sf) =	vpush v17, $0x1  }
0x3e6: {  	v20 =	vld [tilespmem:s21+$0x0];
	s22 =	spop (v2sf);
	(v2sf) =	vpush v17, $0x2  }
0x3e7: {  	v1 =	vadd.bf16 v5, v1;
	v5 =	vshll.u32 v14, $0x6;
	v14 =	vld [tilespmem:s8+$0x0];
	(v2sf) =	vpush v17, $0x3  }
0x3e8: {  	v15 =	vld [tilespmem:s22+$0x0];
	s23 =	spop (v2sf);
	(v2sf) =	vpush v2, $0x0  }
0x3e9: {  	v4 =	vadd.bf16 v7, v4;
	v17 =	vld [tilespmem:s7+$0x0];
	(v2sf) =	vpush v2, $0x1  }
0x3ea: {  	v11 =	vadd.bf16 v18, v11;
	v59 =	vld [tilespmem:s23+$0x0];
	(v2sf) =	vpush v2, $0x2  }
0x3eb: {  	v60 =	vshra.s32 v5, $0x2;
	v5 =	vadd.bf16 v16, v6;
	v6 =	vld [tilespmem:s10+$0x0];
	s15 =	spop (v2sf);
	(v2sf) =	vpush v2, $0x3  }
0x3ec: {  	v9 =	vadd.bf16 v10, v9;
	v10 =	vld [tilespmem:s6+$0x0];
	s14 =	spop (v2sf);
	(v2sf) =	vpush v2, $0x4  }
0x3ed: {  	v3 =	vadd.bf16 v8, v3;
	v7 =	vld [tilespmem:s15+$0x0];
	s17 =	spop (v2sf);
	(v2sf) =	vpush v60, $0x5  }
0x3ee: {  	v4 =	vadd.bf16 v5, v4;
	v5 =	vld [tilespmem:s13+$0x0];
	s18 =	spop (v2sf);
	(v2sf) =	vpush v60, $0xD  }
0x3ef: {  	v16 =	vadd.bf16 v20, v19;
	v19 =	vld [tilespmem:s11+$0x0];
	s7 =	spop (v2sf);
	(v2sf) =	vpush v60, $0x0  }
0x3f0: {  	v20 =	vld [tilespmem:s5+$0xFFFFFFEC];
	v9 =	vadd.bf16 v9, v11;
	s16 =	spop (v2sf);
	(v2sf) =	vpush v2, $0x5  }
0x3f1: {  	v11 =	vld [tilespmem:s14+$0x0];
	v12 =	vadd.bf16 v17, v12;
	s19 =	spop (v2sf);
	(v2sf) =	vpush v2, $0x6  }
0x3f2: {  	v17 =	vld [tilespmem:s9+$0x0];
	v6 =	vadd.bf16 v6, v7;
	s20 =	spop (v2sf);
	(v2sf) =	vpush v60, $0x2  }
0x3f3: {  	v18 =	vld [tilespmem:s18+$0x0];
	v7 =	vadd.bf16 v59, v15;
	s21 =	spop (v2sf);
	(v2sf) =	vpush v60, $0x1  }
0x3f4: {  	v15 =	vld [tilespmem:s12+$0x0];
	v5 =	vadd.bf16 v13, v5;
	s22 =	spop (v2sf);
	(v2sf) =	vpush v60, $0xF  }
0x3f5: {  	v8 =	vld [tilespmem:s17+$0x0];
	v6 =	vadd.bf16 v3, v6;
	s23 =	spop (v2sf);
	(v2sf) =	vpush v2, $0x7  }
0x3f6: {  	v62 =	vld [tilespmem:s7+$0x0];
	v7 =	vadd.bf16 v7, v16;
	(v2sf) =	vpush v60, $0x4;
	s18 =	spop (v2sf)  }
0x3f7: {  	v17 =	vadd.bf16 v19, v17;
	v16 =	vld [tilespmem:s20+$0x0];
	s15 =	spop (v2sf);
	(v2sf) =	vpush v60, $0xE  }
0x3f8: {  	v61 =	vadd.bf16 v6, v7;
	v6 =	vshll.u32 v20, $0x6;
	v20 =	vld [tilespmem:s19+$0x0];
	s9 =	spop (v2sf);
	(v2sf) =	vpush v2, $0x8  }
0x3f9: {  	v15 =	vadd.bf16 v18, v15;
	v18 =	vld [tilespmem:s16+$0x0];
	s10 =	spop (v2sf);
	(v2sf) =	vpush v2, $0x9  }
0x3fa: {  	v13 =	vshra.s32 v6, $0x2;
	v6 =	vadd.bf16 v10, v14;
	s8 =	spop (v2sf);
	(v2sf) =	vpush v2, $0xA  }
0x3fb: {  	v10 =	vadd.bf16 v11, v8;
	s13 =	spop (v2sf);
	(v2sf) =	vpush v13, $0x3  }
0x3fc: {  	v3 =	vld [tilespmem:s21+$0x0];
	v7 =	vadd.bf16 v6, v12;
	(v2sf) =	vpush v13, $0x2;
	s16 =	spop (v2sf)  }
0x3fd: {  	v14 =	vld [tilespmem:s22+$0x0];
	v20 =	vadd.bf16 v16, v20;
	(v2sf) =	vpush v60, $0x6;
	s14 =	spop (v2sf)  }
0x3fe: {  	v8 =	vld [tilespmem:s23+$0x0];
	v18 =	vadd.bf16 v18, v62;
	s19 =	spop (v2sf);
	(v2sf) =	vpush v60, $0x3  }
0x3ff: {  	v12 =	vadd.bf16 v15, v17;
	v19 =	vld [tilespmem:s18+$0x0];
	s20 =	spop (v2sf);
	(v2sf) =	vpush v60, $0x7  }
0x400: {  	v15 =	vadd.bf16 v20, v18;
	v18 =	vld [tilespmem:s13+$0x0];
	s21 =	spop (v2sf);
	(v2sf) =	vpush v60, $0x8  }
0x401: {  	v6 =	vld [tilespmem:s19+$0x0];
	s22 =	spop (v2sf);
	(v2sf) =	vpush v60, $0x9  }
0x402: {  	v17 =	vld [tilespmem:s20+$0x0];
	s23 =	spop (v2sf);
	(v2sf) =	vpush v60, $0xA  }
0x403: {  	s6 =	simm.s32 $0xF2D0;
	v63 =	vadd.bf16 v9, v4;
	v9 =	vld [tilespmem:s21+$0x0];
	(v2sf) =	vpush v60, $0xB;
	s17 =	spop (v2sf)  }
0x404: {  	s11 =	simm.s32 $0x2;
	s12 =	simm.s32 $0xF310;
	v16 =	vadd.bf16 v19, v8;
	v4 =	vld [tilespmem:s22+$0x0];
	s18 =	spop (v2sf);
	(v2sf) =	vpush v60, $0xC  }
0x405: {  	s7 =	simm.s32 $0xF310;
	s13 =	simm.s32 $0x7104;
	v8 =	vadd.bf16 v61, v63;
	v11 =	vld [tilespmem:s23+$0x0];
	(v2sf) =	vpush v13, $0x1;
	s19 =	spop (v2sf)  }
.LBB2_12:
0x406: {  	s11 =	sadd.s32 $0x2, s11;
	v19 =	vld [tilespmem:s18+$0x0];
	s12 =	sadd.s32 $0x40, s12;
	(v2sf) =	vpush v13, $0x0;
	s20 =	spop (v2sf);
	v10 =	vadd.bf16 v5, v10  }
0x407: {  	v3 =	vadd.bf16 v14, v3;
	p0 =	slt.u32 s11, $0x27E;
	v13 =	vld [tilespmem:s5+$0x0];
	s18 =	spop (v2sf);
	(v2sf) =	vpush v2, $0xB;
	s5 =	smov.u32 s13  }
0x408: {  	v7 =	vadd.bf16 v1, v7;
	v14 =	vld [tilespmem:s19+$0x0];
	s19 =	spop (v2sf);
	(v2sf) =	vpush v2, $0xC  }
0x409: {  	v1 =	vadd.bf16 v16, v3;
	v20 =	vld [tilespmem:s15+$0x0];
	s15 =	spop (v2sf);
	(v2sf) =	vpush v2, $0xD  }
0x40a: {  	v3 =	vadd.bf16 v17, v18;
	v16 =	vld [tilespmem:s20+$0x0];
	(v2sf) =	vpush v2, $0xE;
	s20 =	spop (v2sf)  }
0x40b: {  	v6 =	vadd.bf16 v11, v6;
	v5 =	vld [tilespmem:s20+$0x0];
	v9 =	vadd.bf16 v19, v9;
	s20 =	spop (v2sf)  }
0x40c: {  	v12 =	vadd.bf16 v15, v12;
	v8 =	vadd.bf16 v1, v8;
	v11 =	vld [tilespmem:s13+$0xFFFFFFF0];
	v13 =	vshll.u32 v13, $0x6;
	s21 =	spop (v2sf)  }
0x40d: {  	v15 =	vld [tilespmem:s13+$0xFFFFFFDC];
	v1 =	vadd.bf16 v9, v3;
	v3 =	vshra.s32 v13, $0x2;
	(v2sf) =	vpush v2, $0xF;
	s22 =	spop (v2sf)  }
0x40e: {  	v2 =	vadd.bf16 v12, v7;
	v7 =	vunpack.i.u.bf16.f32 v8;
	v8 =	vunpack.i.l.bf16.f32 v8;
	v9 =	vld [tilespmem:s22+$0x0];
	s22 =	spop (v2sf)  }
0x40f: {  	v12 =	vld [tilespmem:s16+$0x0];
	s16 =	spop (v2sf);
	(v2sf) =	vpush v3, $0x0;
	[tilespmem:s6+$0x0] =	vst v7  }
0x410: {  	v10 =	vadd.bf16 v10, v2;
	v7 =	vld [tilespmem:s16+$0x0];
	s16 =	spop (v2sf);
	(v2sf) =	vpush v3, $0x1  }
0x411: {  	v2 =	vshll.u32 v11, $0x6;
	v11 =	vld [tilespmem:s16+$0x0];
	s16 =	spop (v2sf);
	(v2sf) =	vpush v3, $0x2;
	[tilespmem:s6+$0xFFFFFFF0] =	vst v8  }
0x412: {  	v17 =	vunpack.i.u.bf16.f32 v10;
	v13 =	vshll.u32 v15, $0x6;
	v8 =	vshra.s32 v2, $0x2;
	v15 =	vld [tilespmem:s16+$0x0];
	s16 =	spop (v2sf)  }
0x413: {  	v2 =	vshra.s32 v13, $0x2;
	v13 =	vld [tilespmem:s16+$0x0];
	s23 =	spop (v2sf);
	(v2sf) =	vpush v3, $0x3;
	v3 =	vunpack.i.l.bf16.f32 v10;
	[tilespmem:s6+$0xFFFFFFE0] =	vst v17  }
0x414: {  	v4 =	vadd.bf16 v9, v4;
	(v2sf) =	vpush v2, $0x0;
	v10 =	vld [tilespmem:s17+$0x0];
	s16 =	spop (v2sf);
	[tilespmem:s6+$0xFFFFFFD0] =	vst v3;
	s6 =	smov.u32 s7;
	s7 =	smov.u32 s12  }
0x415: {  	v9 =	vadd.bf16 v12, v14;
	(v2sf) =	vpush v2, $0x1;
	v3 =	vld [tilespmem:s21+$0x0];
	s21 =	spop (v2sf)  }
0x416: {  	(v2sf) =	vpush v2, $0x2;
	v12 =	vld [tilespmem:s23+$0x0];
	v7 =	vadd.bf16 v11, v7;
	s23 =	spop (v2sf)  }
0x417: {  	(v2sf) =	vpush v2, $0x3;
	v11 =	vld [tilespmem:s22+$0x0];
	s17 =	spop (v2sf)  }
0x418: {  	v4 =	vadd.bf16 v4, v6;
	(v2sf) =	vpush v2, $0x4;
	v14 =	vld [tilespmem:s14+$0x0];
	s14 =	spop (v2sf)  }
0x419: {  	(v2sf) =	vpush v8, $0x5;
	v6 =	vld [tilespmem:s10+$0x0];
	v10 =	vadd.bf16 v10, v16;
	s22 =	spop (v2sf)  }
0x41a: {  	(v2sf) =	vpush v8, $0xD;
	v16 =	vld [tilespmem:s9+$0x0]  }
0x41b: {  	(v2sf) =	vpush v8, $0x0;
	v17 =	vld [tilespmem:s23+$0x0]  }
0x41c: {  	v13 =	vadd.bf16 v13, v15;
	(v2sf) =	vpush v2, $0x5;
	v18 =	vld [tilespmem:s21+$0x0];
	s21 =	spop (v2sf)  }
0x41d: {  	(v2sf) =	vpush v2, $0x6;
	v15 =	vld [tilespmem:s20+$0x0];
	v12 =	vadd.bf16 v14, v12  }
0x41e: {  	(v2sf) =	vpush v8, $0x2;
	v14 =	vld [tilespmem:s15+$0x0];
	s9 =	spop (v2sf)  }
0x41f: {  	(v2sf) =	vpush v8, $0x1;
	v19 =	vld [tilespmem:s19+$0x0];
	v10 =	vadd.bf16 v10, v12;
	s19 =	spop (v2sf)  }
0x420: {  	v16 =	vadd.bf16 v16, v20;
	v12 =	vld [tilespmem:s13+$0xFFFFFFEC];
	(v2sf) =	vpush v8, $0xF;
	s20 =	spop (v2sf)  }
0x421: {  	v11 =	vadd.bf16 v11, v3;
	(v2sf) =	vpush v2, $0x7;
	v20 =	vld [tilespmem:s18+$0x0]  }
0x422: {  	v7 =	vadd.bf16 v13, v7;
	(v2sf) =	vpush v8, $0x4;
	v21 =	vld [tilespmem:s8+$0x0];
	s18 =	spop (v2sf)  }
0x423: {  	v9 =	vadd.bf16 v11, v9;
	s15 =	spop (v2sf);
	(v2sf) =	vpush v8, $0xE;
	v3 =	vld [tilespmem:s9+$0x0]  }
0x424: {  	v22 =	vadd.bf16 v10, v7;
	s9 =	spop (v2sf);
	(v2sf) =	vpush v2, $0x8;
	v11 =	vld [tilespmem:s16+$0x0]  }
0x425: {  	v5 =	vadd.bf16 v5, v15;
	v7 =	vshll.u32 v12, $0x6;
	s10 =	spop (v2sf);
	(v2sf) =	vpush v2, $0x9;
	v12 =	vld [tilespmem:s21+$0x0]  }
0x426: {  	v17 =	vadd.bf16 v17, v14;
	v13 =	vshra.s32 v7, $0x2;
	s8 =	spop (v2sf);
	(v2sf) =	vpush v2, $0xA;
	v15 =	vld [tilespmem:s22+$0x0]  }
0x427: {  	s21 =	spop (v2sf);
	(v2sf) =	vpush v13, $0x3;
	v23 =	vld [tilespmem:s14+$0x0];
	v6 =	vadd.bf16 v21, v6  }
0x428: {  	v19 =	vadd.bf16 v19, v20;
	(v2sf) =	vpush v13, $0x2;
	s16 =	spop (v2sf);
	v21 =	vld [tilespmem:s17+$0x0]  }
0x429: {  	(v2sf) =	vpush v8, $0x6;
	s14 =	spop (v2sf);
	v7 =	vadd.bf16 v6, v16;
	v16 =	vld [tilespmem:s18+$0x0]  }
0x42a: {  	v10 =	vadd.bf16 v11, v18;
	s17 =	spop (v2sf);
	(v2sf) =	vpush v8, $0x3;
	v18 =	vld [tilespmem:s20+$0x0]  }
0x42b: {  	v20 =	vadd.bf16 v9, v4;
	v6 =	vld [tilespmem:s17+$0x0];
	s18 =	spop (v2sf);
	(v2sf) =	vpush v8, $0x7  }
0x42c: {  	v15 =	vadd.bf16 v12, v15;
	s17 =	spop (v2sf);
	(v2sf) =	vpush v8, $0x8;
	v14 =	vld [tilespmem:s19+$0x0]  }
.Ltmp5:
0x42d: {  	v9 =	vld [tilespmem:s17+$0x0];
	s17 =	spop (v2sf);
	(v2sf) =	vpush v8, $0x9;
	v21 =	vadd.bf16 v23, v21;
	(pc) =	sbr.rel @p0 .LBB2_12-.Ltmp5, $4  }
0x42e: {  	v12 =	vadd.bf16 v17, v19;
	v4 =	vld [tilespmem:s17+$0x0];
	s17 =	spop (v2sf);
	(v2sf) =	vpush v8, $0xA  }
0x42f: {  	v11 =	vld [tilespmem:s17+$0x0];
	(v2sf) =	vpush v8, $0xB;
	s17 =	spop (v2sf);
	v16 =	vadd.bf16 v16, v18  }
0x430: {  	v15 =	vadd.bf16 v15, v21;
	v17 =	vld [tilespmem:s18+$0x0];
	s18 =	spop (v2sf);
	(v2sf) =	vpush v8, $0xC  }
0x431: {  	s13 =	sadd.s32 $0x28, s13;
	v8 =	vadd.bf16 v22, v20;
	v18 =	vld [tilespmem:s21+$0x0];
	(v2sf) =	vpush v13, $0x1;
	s19 =	spop (v2sf)  }
0x432: {  	v19 =	vld [tilespmem:s18+$0x0]  }
0x433: {  	v20 =	vld [tilespmem:s5+$0x0]  }
0x434: {  	(v2sf) =	vpush v13, $0x0;
	v13 =	vld [tilespmem:s19+$0x0]  }
0x435: {  	v21 =	vld [tilespmem:s15+$0x0]  }
0x436: {  	v25 =	vld [tilespmem:s16+$0x0]  }
0x437: {  	v29 =	vld [tilespmem:s17+$0x0]  }
0x438: {  	v33 =	vld [tilespmem:s10+$0x0]  }
0x439: {  	s12 =	spop (v2sf);
	v34 =	vld [tilespmem:s9+$0x0];
	v1 =	vadd.bf16 v1, v7;
	v7 =	vadd.bf16 v15, v12  }
0x43a: {  	v3 =	vadd.bf16 v14, v3;
	s11 =	spop (v2sf);
	v22 =	vld [tilespmem:s12+$0x0]  }
0x43b: {  	(v2sf) =	vpush v2, $0xB;
	s13 =	spop (v2sf);
	v1 =	vadd.bf16 v7, v1;
	v7 =	vld [tilespmem:s11+$0x0]  }
0x43c: {  	(v2sf) =	vpush v2, $0xC;
	v3 =	vadd.bf16 v16, v3;
	s5 =	spop (v2sf);
	v15 =	vld [tilespmem:s13+$0x0]  }
0x43d: {  	(v2sf) =	vpush v2, $0xD;
	s23 =	spop (v2sf);
	v12 =	vld [tilespmem:s5+$0x0]  }
0x43e: {  	(v2sf) =	vpush v2, $0xE;
	v3 =	vadd.bf16 v3, v8;
	v8 =	vld [tilespmem:s8+$0x0];
	s15 =	spop (v2sf)  }
0x43f: {  	v23 =	vld [tilespmem:s23+$0x0];
	v20 =	vshll.u32 v20, $0x6;
	s12 =	spop (v2sf)  }
0x440: {  	v5 =	vadd.bf16 v5, v10;
	(v2sf) =	vpush v2, $0xF;
	v20 =	vshra.s32 v20, $0x2;
	v10 =	vld [tilespmem:s15+$0x0];
	s19 =	spop (v2sf)  }
0x441: {  	(v2sf) =	vpush v20, $0x0;
	v30 =	vld [tilespmem:s12+$0x0];
	s18 =	spop (v2sf)  }
0x442: {  	v24 =	vld [tilespmem:s19+$0x0];
	(v2sf) =	vpush v20, $0x1;
	s20 =	spop (v2sf)  }
0x443: {  	(v2sf) =	vpush v20, $0x2;
	v26 =	vld [tilespmem:s20+$0x0]  }
0x444: {  	s21 =	spop (v2sf);
	(v2sf) =	vpush v20, $0x3;
	v20 =	vld [tilespmem:s14+$0x0]  }
0x445: {  	v2 =	vld [tilespmem:s21+$0x0];
	s22 =	spop (v2sf)  }
0x446: {  	v27 =	vld [tilespmem:s22+$0x0];
	s23 =	spop (v2sf)  }
0x447: {  	v28 =	vld [tilespmem:s23+$0x0];
	s19 =	spop (v2sf)  }
0x448: {  	v31 =	vld [tilespmem:s19+$0x0];
	s20 =	spop (v2sf)  }
0x449: {  	v32 =	vld [tilespmem:s18+$0x0];
	s21 =	spop (v2sf)  }
0x44a: {  	v6 =	vadd.bf16 v11, v6;
	v11 =	vadd.bf16 v25, v13;
	v13 =	vld [tilespmem:s20+$0x0];
	s22 =	spop (v2sf)  }
0x44b: {  	v14 =	vadd.bf16 v17, v18;
	v36 =	vld [tilespmem:s21+$0x0];
	s23 =	spop (v2sf)  }
0x44c: {  	v9 =	vadd.bf16 v19, v9;
	v2 =	vadd.bf16 v2, v26;
	v35 =	vld [tilespmem:s22+$0x0];
	s14 =	spop (v2sf)  }
0x44d: {  	v17 =	vadd.bf16 v28, v27;
	s15 =	spop (v2sf);
	v18 =	vadd.bf16 v20, v31;
	v20 =	vld [tilespmem:s14+$0x0]  }
0x44e: {  	v9 =	vadd.bf16 v9, v14;
	v4 =	vadd.bf16 v24, v4;
	v19 =	vld [tilespmem:s15+$0x0]  }
0x44f: {  	v14 =	vadd.bf16 v29, v22;
	s16 =	spop (v2sf);
	v2 =	vadd.bf16 v17, v2;
	v17 =	vld [tilespmem:s23+$0x0]  }
0x450: {  	v4 =	vadd.bf16 v4, v6;
	v6 =	vadd.bf16 v32, v30;
	v16 =	vld [tilespmem:s16+$0x0];
	s17 =	spop (v2sf)  }
0x451: {  	v1 =	vadd.bf16 v5, v1;
	v14 =	vadd.bf16 v14, v18;
	v5 =	vld [tilespmem:s17+$0x0];
	s18 =	spop (v2sf)  }
0x452: {  	v7 =	vadd.bf16 v15, v7;
	v6 =	vadd.bf16 v6, v11;
	s19 =	spop (v2sf);
	v58 =	vld [tilespmem:s18+$0x0]  }
0x453: {  	v8 =	vadd.bf16 v8, v33;
	v2 =	vadd.bf16 v14, v2;
	s20 =	spop (v2sf);
	v14 =	vld [tilespmem:s19+$0x0]  }
0x454: {  	v10 =	vadd.bf16 v23, v10;
	v4 =	vadd.bf16 v6, v4;
	v11 =	vld [tilespmem:s20+$0x0]  }
0x455: {  	v18 =	vadd.bf16 v34, v21;
	v12 =	vadd.bf16 v35, v12  }
0x456: {  	v15 =	vadd.bf16 v20, v17;
	v6 =	vadd.bf16 v16, v19  }
0x457: {  	v13 =	vadd.bf16 v13, v36;
	v8 =	vadd.bf16 v8, v18  }
0x458: {  	v7 =	vadd.bf16 v12, v7;
	v6 =	vadd.bf16 v6, v15  }
0x459: {  	v5 =	vadd.bf16 v58, v5;
	v11 =	vadd.bf16 v11, v14  }
0x45a: {  	v2 =	vadd.bf16 v2, v4;
	v4 =	vadd.bf16 v9, v8  }
0x45b: {  	v8 =	vunpack.i.u.bf16.f32 v3;
	v6 =	vadd.bf16 v6, v7;
	v5 =	vadd.bf16 v11, v5  }
0x45c: {  	v3 =	vunpack.i.l.bf16.f32 v3;
	[tilespmem:s6+$0x0] =	vst v8;
	v7 =	vadd.bf16 v10, v13  }
0x45d: {  	[tilespmem:s6+$0xFFFFFFF0] =	vst v3;
	v3 =	vunpack.i.u.bf16.f32 v1;
	v4 =	vadd.bf16 v6, v4;
	v2 =	vadd.bf16 v5, v2  }
0x45e: {  	v1 =	vunpack.i.l.bf16.f32 v1;
	[tilespmem:s6+$0xFFFFFFE0] =	vst v3  }
0x45f: {  	[tilespmem:s6+$0xFFFFFFD0] =	vst v1;
	v3 =	vadd.bf16 v7, v4;
	v1 =	vunpack.i.u.bf16.f32 v2  }
0x460: {  	v2 =	vunpack.i.l.bf16.f32 v2;
	[tilespmem:s7+$0x0] =	vst v1  }
0x461: {  	[tilespmem:s7+$0xFFFFFFF0] =	vst v2;
	v1 =	vunpack.i.u.bf16.f32 v3  }
0x462: {  	v2 =	vunpack.i.l.bf16.f32 v3;
	[tilespmem:s7+$0xFFFFFFE0] =	vst v1  }
0x463: {  	[tilespmem:s7+$0xFFFFFFD0] =	vst v2  }
0x464: {  	s21 =	rddreg [dreg:$0x10]  }
0x465: {  	[hbm4b:s21+s2] =	stream.linear.scatter [tilespmem:s1], [sflag:$0x4], $0x5000, $0x38;
	[tilespmem:$0x142A0] =	vst v63  }
0x466: {  	s22 =	rddreg [dreg:$0x11]  }
0x467: {  	[tilespmem:s28], [sflag:$0x2] =	stream.linear.gather [hbm4b:s22+s2], $0x3200, $0x38;
	[tilespmem:$0x142A0] =	vst v63  }
0x468: {  	_ =	swait.ge [sflag:s29], $0x3200  }
0x469: {  	[sflag:s29] =	ssyncset.done $0x0  }
0x46a: {  	[sflag:s29] =	ssyncadd.s32 $0xFFFFCE00  }
0x46b: {  	_ =	swait.ge [sflag:s0], $0x5000  }
0x46c: {  	[sflag:s0] =	ssyncset.done $0x0  }
0x46d: {  	s5 =	simm.s32 $0x3E94;
	[sflag:s0] =	ssyncadd.s32 $0xFFFFB000  }
0x46e: {  	v1 =	vld [tilespmem:s5+$0xFFFFFFEC];
	_ =	sdelay $0x4  }
0x46f: {  	v2 =	vld [tilespmem:s5+$0x0];
	v1 =	vshll.u32 v1, $0x6  }
0x470: {  	v1 =	vshra.s32 v1, $0x2  }
0x471: {  	(v2sf) =	vpush v1, $0x0  }
0x472: {  	(v2sf) =	vpush v1, $0x1  }
0x473: {  	(v2sf) =	vpush v1, $0x2  }
0x474: {  	v2 =	vshll.u32 v2, $0x6;
	(v2sf) =	vpush v1, $0x3  }
0x475: {  	v2 =	vshra.s32 v2, $0x2;
	(v2sf) =	vpush v1, $0x4  }
0x476: {  	(v2sf) =	vpush v2, $0x5  }
0x477: {  	(v2sf) =	vpush v2, $0xD  }
0x478: {  	(v2sf) =	vpush v2, $0x0  }
0x479: {  	(v2sf) =	vpush v1, $0x5  }
0x47a: {  	(v2sf) =	vpush v1, $0x6  }
0x47b: {  	(v2sf) =	vpush v2, $0x2  }
0x47c: {  	(v2sf) =	vpush v2, $0x1  }
0x47d: {  	v3 =	vld [tilespmem:s5+$0xFFFFFFFC];
	(v2sf) =	vpush v2, $0xF  }
0x47e: {  	(v2sf) =	vpush v1, $0x7  }
0x47f: {  	(v2sf) =	vpush v2, $0x4  }
0x480: {  	s12 =	spop (v2sf);
	(v2sf) =	vpush v2, $0xE  }
0x481: {  	s7 =	spop (v2sf);
	(v2sf) =	vpush v1, $0x8  }
0x482: {  	v3 =	vshll.u32 v3, $0x6;
	s8 =	spop (v2sf);
	(v2sf) =	vpush v1, $0x9  }
0x483: {  	v3 =	vshra.s32 v3, $0x2;
	s6 =	spop (v2sf);
	(v2sf) =	vpush v1, $0xA  }
0x484: {  	s23 =	spop (v2sf);
	(v2sf) =	vpush v3, $0x3  }
0x485: {  	(v2sf) =	vpush v3, $0x2;
	s14 =	spop (v2sf)  }
0x486: {  	(v2sf) =	vpush v2, $0x6;
	s10 =	spop (v2sf)  }
0x487: {  	s16 =	spop (v2sf);
	(v2sf) =	vpush v2, $0x3  }
0x488: {  	v12 =	vld [tilespmem:s12+$0x0];
	s17 =	spop (v2sf);
	(v2sf) =	vpush v2, $0x7  }
0x489: {  	v9 =	vld [tilespmem:s23+$0x0];
	s18 =	spop (v2sf)  }
0x48a: {  	v18 =	vld [tilespmem:s14+$0x0];
	s19 =	spop (v2sf)  }
0x48b: {  	v4 =	vld [tilespmem:s16+$0x0];
	(v2sf) =	vpush v2, $0x8;
	s20 =	spop (v2sf)  }
0x48c: {  	v8 =	vld [tilespmem:s17+$0x0];
	(v2sf) =	vpush v2, $0x9;
	s15 =	spop (v2sf)  }
0x48d: {  	v5 =	vld [tilespmem:s18+$0x0];
	(v2sf) =	vpush v2, $0xA;
	s21 =	spop (v2sf)  }
0x48e: {  	v6 =	vld [tilespmem:s19+$0x0];
	s22 =	spop (v2sf)  }
0x48f: {  	v7 =	vld [tilespmem:s20+$0x0];
	(v2sf) =	vpush v2, $0xB;
	s23 =	spop (v2sf)  }
0x490: {  	(v2sf) =	vpush v2, $0xC;
	v10 =	vld [tilespmem:s21+$0x0];
	s9 =	spop (v2sf)  }
0x491: {  	v2 =	vld [tilespmem:s5+$0x10];
	s5 =	simm.s32 $0x3EBC;
	(v2sf) =	vpush v3, $0x1;
	s11 =	spop (v2sf)  }
0x492: {  	v15 =	vld [tilespmem:s5+$0xFFFFFFEC];
	(v2sf) =	vpush v3, $0x0;
	s12 =	spop (v2sf)  }
0x493: {  	v11 =	vld [tilespmem:s22+$0x0];
	(v2sf) =	vpush v1, $0xB;
	s17 =	spop (v2sf)  }
0x494: {  	v14 =	vld [tilespmem:s5+$0x0];
	(v2sf) =	vpush v1, $0xC;
	s13 =	spop (v2sf)  }
0x495: {  	v3 =	vld [tilespmem:s23+$0x0];
	s16 =	spop (v2sf);
	(v2sf) =	vpush v1, $0xD  }
0x496: {  	v13 =	vld [tilespmem:s17+$0x0];
	s18 =	spop (v2sf);
	(v2sf) =	vpush v1, $0xE  }
0x497: {  	v2 =	vshll.u32 v2, $0x6;
	v16 =	vld [tilespmem:s18+$0x0];
	s19 =	spop (v2sf);
	(v2sf) =	vpush v1, $0xF;
	v1 =	vshll.u32 v15, $0x6  }
0x498: {  	v17 =	vshra.s32 v2, $0x2;
	v2 =	vshra.s32 v1, $0x2;
	v1 =	vadd.bf16 v8, v9;
	v8 =	vld [tilespmem:s15+$0x0]  }
0x499: {  	v9 =	vld [tilespmem:s16+$0x0]  }
0x49a: {  	v5 =	vadd.bf16 v10, v5;
	s20 =	spop (v2sf);
	(v2sf) =	vpush v17, $0x0;
	v10 =	vld [tilespmem:s19+$0x0]  }
0x49b: {  	v19 =	vld [tilespmem:s20+$0x0];
	s21 =	spop (v2sf);
	(v2sf) =	vpush v17, $0x1  }
0x49c: {  	v20 =	vld [tilespmem:s21+$0x0];
	s22 =	spop (v2sf);
	(v2sf) =	vpush v17, $0x2  }
0x49d: {  	v1 =	vadd.bf16 v5, v1;
	v5 =	vshll.u32 v14, $0x6;
	v14 =	vld [tilespmem:s8+$0x0];
	(v2sf) =	vpush v17, $0x3  }
0x49e: {  	v15 =	vld [tilespmem:s22+$0x0];
	s23 =	spop (v2sf);
	(v2sf) =	vpush v2, $0x0  }
0x49f: {  	v4 =	vadd.bf16 v7, v4;
	v17 =	vld [tilespmem:s7+$0x0];
	(v2sf) =	vpush v2, $0x1  }
0x4a0: {  	v11 =	vadd.bf16 v18, v11;
	v59 =	vld [tilespmem:s23+$0x0];
	(v2sf) =	vpush v2, $0x2  }
0x4a1: {  	v60 =	vshra.s32 v5, $0x2;
	v5 =	vadd.bf16 v16, v6;
	v6 =	vld [tilespmem:s10+$0x0];
	s15 =	spop (v2sf);
	(v2sf) =	vpush v2, $0x3  }
0x4a2: {  	v9 =	vadd.bf16 v10, v9;
	v10 =	vld [tilespmem:s6+$0x0];
	s14 =	spop (v2sf);
	(v2sf) =	vpush v2, $0x4  }
0x4a3: {  	v3 =	vadd.bf16 v8, v3;
	v7 =	vld [tilespmem:s15+$0x0];
	s17 =	spop (v2sf);
	(v2sf) =	vpush v60, $0x5  }
0x4a4: {  	v4 =	vadd.bf16 v5, v4;
	v5 =	vld [tilespmem:s13+$0x0];
	s18 =	spop (v2sf);
	(v2sf) =	vpush v60, $0xD  }
0x4a5: {  	v16 =	vadd.bf16 v20, v19;
	v19 =	vld [tilespmem:s11+$0x0];
	s7 =	spop (v2sf);
	(v2sf) =	vpush v60, $0x0  }
0x4a6: {  	v20 =	vld [tilespmem:s5+$0xFFFFFFFC];
	v9 =	vadd.bf16 v9, v11;
	s16 =	spop (v2sf);
	(v2sf) =	vpush v2, $0x5  }
0x4a7: {  	v11 =	vld [tilespmem:s14+$0x0];
	v12 =	vadd.bf16 v17, v12;
	s19 =	spop (v2sf);
	(v2sf) =	vpush v2, $0x6  }
0x4a8: {  	v17 =	vld [tilespmem:s9+$0x0];
	v6 =	vadd.bf16 v6, v7;
	s20 =	spop (v2sf);
	(v2sf) =	vpush v60, $0x2  }
0x4a9: {  	v18 =	vld [tilespmem:s18+$0x0];
	v7 =	vadd.bf16 v59, v15;
	s21 =	spop (v2sf);
	(v2sf) =	vpush v60, $0x1  }
0x4aa: {  	v15 =	vld [tilespmem:s12+$0x0];
	v5 =	vadd.bf16 v13, v5;
	s22 =	spop (v2sf);
	(v2sf) =	vpush v60, $0xF  }
0x4ab: {  	v8 =	vld [tilespmem:s17+$0x0];
	v6 =	vadd.bf16 v3, v6;
	s23 =	spop (v2sf);
	(v2sf) =	vpush v2, $0x7  }
0x4ac: {  	v62 =	vld [tilespmem:s7+$0x0];
	v7 =	vadd.bf16 v7, v16;
	(v2sf) =	vpush v60, $0x4;
	s18 =	spop (v2sf)  }
0x4ad: {  	v17 =	vadd.bf16 v19, v17;
	v16 =	vld [tilespmem:s20+$0x0];
	s15 =	spop (v2sf);
	(v2sf) =	vpush v60, $0xE  }
0x4ae: {  	v61 =	vadd.bf16 v6, v7;
	v6 =	vshll.u32 v20, $0x6;
	v20 =	vld [tilespmem:s19+$0x0];
	s9 =	spop (v2sf);
	(v2sf) =	vpush v2, $0x8  }
0x4af: {  	v15 =	vadd.bf16 v18, v15;
	v18 =	vld [tilespmem:s16+$0x0];
	s10 =	spop (v2sf);
	(v2sf) =	vpush v2, $0x9  }
0x4b0: {  	v13 =	vshra.s32 v6, $0x2;
	v6 =	vadd.bf16 v10, v14;
	s8 =	spop (v2sf);
	(v2sf) =	vpush v2, $0xA  }
0x4b1: {  	v10 =	vadd.bf16 v11, v8;
	s14 =	spop (v2sf);
	(v2sf) =	vpush v13, $0x3  }
0x4b2: {  	v3 =	vld [tilespmem:s21+$0x0];
	v7 =	vadd.bf16 v6, v12;
	(v2sf) =	vpush v13, $0x2;
	s16 =	spop (v2sf)  }
0x4b3: {  	v14 =	vld [tilespmem:s22+$0x0];
	v20 =	vadd.bf16 v16, v20;
	(v2sf) =	vpush v60, $0x6;
	s13 =	spop (v2sf)  }
0x4b4: {  	v8 =	vld [tilespmem:s23+$0x0];
	v18 =	vadd.bf16 v18, v62;
	s19 =	spop (v2sf);
	(v2sf) =	vpush v60, $0x3  }
0x4b5: {  	v12 =	vadd.bf16 v15, v17;
	v19 =	vld [tilespmem:s18+$0x0];
	s20 =	spop (v2sf);
	(v2sf) =	vpush v60, $0x7  }
0x4b6: {  	v15 =	vadd.bf16 v20, v18;
	v18 =	vld [tilespmem:s14+$0x0];
	s21 =	spop (v2sf);
	(v2sf) =	vpush v60, $0x8  }
0x4b7: {  	v6 =	vld [tilespmem:s19+$0x0];
	s22 =	spop (v2sf);
	(v2sf) =	vpush v60, $0x9  }
0x4b8: {  	v17 =	vld [tilespmem:s20+$0x0];
	s23 =	spop (v2sf);
	(v2sf) =	vpush v60, $0xA  }
0x4b9: {  	s6 =	simm.s32 $0xA300;
	v63 =	vadd.bf16 v9, v4;
	v9 =	vld [tilespmem:s21+$0x0];
	(v2sf) =	vpush v60, $0xB;
	s17 =	spop (v2sf)  }
0x4ba: {  	s11 =	simm.s32 $0x2;
	s7 =	simm.s32 $0xA2C0;
	v16 =	vadd.bf16 v19, v8;
	v4 =	vld [tilespmem:s22+$0x0];
	s18 =	spop (v2sf);
	(v2sf) =	vpush v60, $0xC  }
0x4bb: {  	s12 =	simm.s32 $0xA340;
	v8 =	vadd.bf16 v61, v63;
	s14 =	simm.s32 $0x3EBC;
	v11 =	vld [tilespmem:s23+$0x0];
	(v2sf) =	vpush v13, $0x1;
	s19 =	spop (v2sf)  }
.LBB2_14:
0x4bc: {  	s11 =	sadd.s32 $0x2, s11;
	v19 =	vld [tilespmem:s18+$0x0];
	s5 =	sadd.s32 $0x28, s5;
	(v2sf) =	vpush v13, $0x0;
	s20 =	spop (v2sf);
	v10 =	vadd.bf16 v5, v10  }
0x4bd: {  	v3 =	vadd.bf16 v14, v3;
	p0 =	slt.u32 s11, $0x27E;
	v13 =	vld [tilespmem:s14+$0x10];
	s18 =	spop (v2sf);
	(v2sf) =	vpush v2, $0xB;
	s14 =	smov.u32 s5  }
0x4be: {  	v7 =	vadd.bf16 v1, v7;
	v14 =	vld [tilespmem:s19+$0x0];
	s19 =	spop (v2sf);
	(v2sf) =	vpush v2, $0xC  }
0x4bf: {  	v1 =	vadd.bf16 v16, v3;
	v20 =	vld [tilespmem:s15+$0x0];
	s15 =	spop (v2sf);
	(v2sf) =	vpush v2, $0xD  }
0x4c0: {  	v3 =	vadd.bf16 v17, v18;
	v16 =	vld [tilespmem:s20+$0x0];
	(v2sf) =	vpush v2, $0xE;
	s20 =	spop (v2sf)  }
0x4c1: {  	v6 =	vadd.bf16 v11, v6;
	v5 =	vld [tilespmem:s20+$0x0];
	v9 =	vadd.bf16 v19, v9;
	s20 =	spop (v2sf)  }
0x4c2: {  	v12 =	vadd.bf16 v15, v12;
	v8 =	vadd.bf16 v1, v8;
	v11 =	vld [tilespmem:s5+$0x0];
	v13 =	vshll.u32 v13, $0x6;
	s21 =	spop (v2sf)  }
0x4c3: {  	v15 =	vld [tilespmem:s5+$0xFFFFFFEC];
	v1 =	vadd.bf16 v9, v3;
	v3 =	vshra.s32 v13, $0x2;
	(v2sf) =	vpush v2, $0xF;
	s22 =	spop (v2sf)  }
0x4c4: {  	v2 =	vadd.bf16 v12, v7;
	v7 =	vunpack.i.u.bf16.f32 v8;
	v8 =	vunpack.i.l.bf16.f32 v8;
	v9 =	vld [tilespmem:s22+$0x0];
	s22 =	spop (v2sf)  }
0x4c5: {  	v12 =	vld [tilespmem:s16+$0x0];
	s16 =	spop (v2sf);
	(v2sf) =	vpush v3, $0x0;
	[tilespmem:s7+$0x10] =	vst v7  }
0x4c6: {  	v10 =	vadd.bf16 v10, v2;
	v7 =	vld [tilespmem:s16+$0x0];
	s16 =	spop (v2sf);
	(v2sf) =	vpush v3, $0x1  }
0x4c7: {  	v2 =	vshll.u32 v11, $0x6;
	v11 =	vld [tilespmem:s16+$0x0];
	s16 =	spop (v2sf);
	(v2sf) =	vpush v3, $0x2;
	[tilespmem:s7+$0x0] =	vst v8  }
0x4c8: {  	v17 =	vunpack.i.u.bf16.f32 v10;
	v13 =	vshll.u32 v15, $0x6;
	v8 =	vshra.s32 v2, $0x2;
	v15 =	vld [tilespmem:s16+$0x0];
	s16 =	spop (v2sf)  }
0x4c9: {  	v2 =	vshra.s32 v13, $0x2;
	v13 =	vld [tilespmem:s16+$0x0];
	s23 =	spop (v2sf);
	(v2sf) =	vpush v3, $0x3;
	v3 =	vunpack.i.l.bf16.f32 v10;
	[tilespmem:s7+$0xFFFFFFF0] =	vst v17  }
0x4ca: {  	v4 =	vadd.bf16 v9, v4;
	(v2sf) =	vpush v2, $0x0;
	v10 =	vld [tilespmem:s17+$0x0];
	s16 =	spop (v2sf);
	[tilespmem:s7+$0xFFFFFFE0] =	vst v3;
	s7 =	smov.u32 s6;
	s6 =	smov.u32 s12  }
0x4cb: {  	v9 =	vadd.bf16 v12, v14;
	(v2sf) =	vpush v2, $0x1;
	v3 =	vld [tilespmem:s21+$0x0];
	s21 =	spop (v2sf)  }
0x4cc: {  	(v2sf) =	vpush v2, $0x2;
	v12 =	vld [tilespmem:s23+$0x0];
	v7 =	vadd.bf16 v11, v7;
	s23 =	spop (v2sf)  }
0x4cd: {  	(v2sf) =	vpush v2, $0x3;
	v11 =	vld [tilespmem:s22+$0x0];
	s17 =	spop (v2sf)  }
0x4ce: {  	v4 =	vadd.bf16 v4, v6;
	(v2sf) =	vpush v2, $0x4;
	v14 =	vld [tilespmem:s13+$0x0];
	s13 =	spop (v2sf)  }
0x4cf: {  	(v2sf) =	vpush v8, $0x5;
	v6 =	vld [tilespmem:s10+$0x0];
	v10 =	vadd.bf16 v10, v16;
	s22 =	spop (v2sf)  }
0x4d0: {  	(v2sf) =	vpush v8, $0xD;
	v16 =	vld [tilespmem:s9+$0x0]  }
0x4d1: {  	(v2sf) =	vpush v8, $0x0;
	v17 =	vld [tilespmem:s23+$0x0]  }
0x4d2: {  	v13 =	vadd.bf16 v13, v15;
	(v2sf) =	vpush v2, $0x5;
	v18 =	vld [tilespmem:s21+$0x0];
	s21 =	spop (v2sf)  }
0x4d3: {  	(v2sf) =	vpush v2, $0x6;
	v15 =	vld [tilespmem:s20+$0x0];
	v12 =	vadd.bf16 v14, v12  }
0x4d4: {  	(v2sf) =	vpush v8, $0x2;
	v14 =	vld [tilespmem:s15+$0x0];
	s9 =	spop (v2sf)  }
0x4d5: {  	(v2sf) =	vpush v8, $0x1;
	v19 =	vld [tilespmem:s19+$0x0];
	v10 =	vadd.bf16 v10, v12;
	s19 =	spop (v2sf)  }
0x4d6: {  	v16 =	vadd.bf16 v16, v20;
	v12 =	vld [tilespmem:s5+$0xFFFFFFFC];
	(v2sf) =	vpush v8, $0xF;
	s20 =	spop (v2sf)  }
0x4d7: {  	v11 =	vadd.bf16 v11, v3;
	(v2sf) =	vpush v2, $0x7;
	v20 =	vld [tilespmem:s18+$0x0]  }
0x4d8: {  	v7 =	vadd.bf16 v13, v7;
	(v2sf) =	vpush v8, $0x4;
	v21 =	vld [tilespmem:s8+$0x0];
	s18 =	spop (v2sf)  }
0x4d9: {  	v9 =	vadd.bf16 v11, v9;
	s15 =	spop (v2sf);
	(v2sf) =	vpush v8, $0xE;
	v3 =	vld [tilespmem:s9+$0x0]  }
0x4da: {  	v22 =	vadd.bf16 v10, v7;
	s9 =	spop (v2sf);
	(v2sf) =	vpush v2, $0x8;
	v11 =	vld [tilespmem:s16+$0x0]  }
0x4db: {  	v5 =	vadd.bf16 v5, v15;
	v7 =	vshll.u32 v12, $0x6;
	s10 =	spop (v2sf);
	(v2sf) =	vpush v2, $0x9;
	v12 =	vld [tilespmem:s21+$0x0]  }
0x4dc: {  	v17 =	vadd.bf16 v17, v14;
	v13 =	vshra.s32 v7, $0x2;
	s8 =	spop (v2sf);
	(v2sf) =	vpush v2, $0xA;
	v15 =	vld [tilespmem:s22+$0x0]  }
0x4dd: {  	s21 =	spop (v2sf);
	(v2sf) =	vpush v13, $0x3;
	v23 =	vld [tilespmem:s13+$0x0];
	v6 =	vadd.bf16 v21, v6  }
0x4de: {  	v19 =	vadd.bf16 v19, v20;
	(v2sf) =	vpush v13, $0x2;
	s16 =	spop (v2sf);
	v21 =	vld [tilespmem:s17+$0x0]  }
0x4df: {  	(v2sf) =	vpush v8, $0x6;
	s13 =	spop (v2sf);
	v7 =	vadd.bf16 v6, v16;
	v16 =	vld [tilespmem:s18+$0x0]  }
0x4e0: {  	v10 =	vadd.bf16 v11, v18;
	s17 =	spop (v2sf);
	(v2sf) =	vpush v8, $0x3;
	v18 =	vld [tilespmem:s20+$0x0]  }
0x4e1: {  	v20 =	vadd.bf16 v9, v4;
	v6 =	vld [tilespmem:s17+$0x0];
	s18 =	spop (v2sf);
	(v2sf) =	vpush v8, $0x7  }
0x4e2: {  	v15 =	vadd.bf16 v12, v15;
	s17 =	spop (v2sf);
	(v2sf) =	vpush v8, $0x8;
	v14 =	vld [tilespmem:s19+$0x0]  }
.Ltmp6:
0x4e3: {  	v9 =	vld [tilespmem:s17+$0x0];
	s17 =	spop (v2sf);
	(v2sf) =	vpush v8, $0x9;
	v21 =	vadd.bf16 v23, v21;
	(pc) =	sbr.rel @p0 .LBB2_14-.Ltmp6, $4  }
0x4e4: {  	v12 =	vadd.bf16 v17, v19;
	v4 =	vld [tilespmem:s17+$0x0];
	s17 =	spop (v2sf);
	(v2sf) =	vpush v8, $0xA  }
0x4e5: {  	v11 =	vld [tilespmem:s17+$0x0];
	(v2sf) =	vpush v8, $0xB;
	s17 =	spop (v2sf);
	v16 =	vadd.bf16 v16, v18  }
0x4e6: {  	v15 =	vadd.bf16 v15, v21;
	v17 =	vld [tilespmem:s18+$0x0];
	s18 =	spop (v2sf);
	(v2sf) =	vpush v8, $0xC  }
0x4e7: {  	s12 =	sadd.s32 $0x40, s12;
	v8 =	vadd.bf16 v22, v20;
	v18 =	vld [tilespmem:s21+$0x0];
	(v2sf) =	vpush v13, $0x1;
	s19 =	spop (v2sf)  }
0x4e8: {  	v19 =	vld [tilespmem:s18+$0x0]  }
0x4e9: {  	v20 =	vld [tilespmem:s14+$0x10]  }
0x4ea: {  	(v2sf) =	vpush v13, $0x0;
	v13 =	vld [tilespmem:s19+$0x0]  }
0x4eb: {  	v21 =	vld [tilespmem:s15+$0x0]  }
0x4ec: {  	v25 =	vld [tilespmem:s16+$0x0]  }
0x4ed: {  	v29 =	vld [tilespmem:s17+$0x0]  }
0x4ee: {  	v33 =	vld [tilespmem:s10+$0x0]  }
0x4ef: {  	s11 =	spop (v2sf);
	v34 =	vld [tilespmem:s9+$0x0];
	v1 =	vadd.bf16 v1, v7;
	v7 =	vadd.bf16 v15, v12  }
0x4f0: {  	v3 =	vadd.bf16 v14, v3;
	s5 =	spop (v2sf);
	v22 =	vld [tilespmem:s11+$0x0]  }
0x4f1: {  	(v2sf) =	vpush v2, $0xB;
	s12 =	spop (v2sf);
	v1 =	vadd.bf16 v7, v1;
	v7 =	vld [tilespmem:s5+$0x0]  }
0x4f2: {  	(v2sf) =	vpush v2, $0xC;
	v3 =	vadd.bf16 v16, v3;
	s14 =	spop (v2sf);
	v15 =	vld [tilespmem:s12+$0x0]  }
0x4f3: {  	(v2sf) =	vpush v2, $0xD;
	s22 =	spop (v2sf);
	v12 =	vld [tilespmem:s14+$0x0]  }
0x4f4: {  	(v2sf) =	vpush v2, $0xE;
	v3 =	vadd.bf16 v3, v8;
	v8 =	vld [tilespmem:s8+$0x0];
	s15 =	spop (v2sf)  }
0x4f5: {  	v23 =	vld [tilespmem:s22+$0x0];
	v20 =	vshll.u32 v20, $0x6;
	s11 =	spop (v2sf)  }
0x4f6: {  	v5 =	vadd.bf16 v5, v10;
	(v2sf) =	vpush v2, $0xF;
	v20 =	vshra.s32 v20, $0x2;
	v10 =	vld [tilespmem:s15+$0x0];
	s23 =	spop (v2sf)  }
0x4f7: {  	(v2sf) =	vpush v20, $0x0;
	v24 =	vld [tilespmem:s23+$0x0];
	s19 =	spop (v2sf)  }
0x4f8: {  	(v2sf) =	vpush v20, $0x1;
	s20 =	spop (v2sf);
	v32 =	vld [tilespmem:s19+$0x0]  }
0x4f9: {  	(v2sf) =	vpush v20, $0x2;
	v26 =	vld [tilespmem:s20+$0x0]  }
0x4fa: {  	s21 =	spop (v2sf);
	(v2sf) =	vpush v20, $0x3;
	v20 =	vld [tilespmem:s13+$0x0]  }
0x4fb: {  	v2 =	vld [tilespmem:s21+$0x0];
	s22 =	spop (v2sf)  }
0x4fc: {  	v27 =	vld [tilespmem:s22+$0x0];
	s23 =	spop (v2sf)  }
0x4fd: {  	v28 =	vld [tilespmem:s23+$0x0];
	s17 =	spop (v2sf)  }
0x4fe: {  	v31 =	vld [tilespmem:s17+$0x0];
	s19 =	spop (v2sf)  }
0x4ff: {  	v30 =	vld [tilespmem:s11+$0x0];
	s20 =	spop (v2sf)  }
0x500: {  	v6 =	vadd.bf16 v11, v6;
	v11 =	vadd.bf16 v25, v13;
	v13 =	vld [tilespmem:s19+$0x0];
	s21 =	spop (v2sf)  }
0x501: {  	v14 =	vadd.bf16 v17, v18;
	v36 =	vld [tilespmem:s20+$0x0];
	s22 =	spop (v2sf)  }
0x502: {  	v9 =	vadd.bf16 v19, v9;
	v2 =	vadd.bf16 v2, v26;
	v35 =	vld [tilespmem:s21+$0x0];
	s23 =	spop (v2sf)  }
0x503: {  	v17 =	vadd.bf16 v28, v27;
	s15 =	spop (v2sf);
	v18 =	vadd.bf16 v20, v31;
	v20 =	vld [tilespmem:s23+$0x0]  }
0x504: {  	v9 =	vadd.bf16 v9, v14;
	v4 =	vadd.bf16 v24, v4;
	v19 =	vld [tilespmem:s15+$0x0]  }
0x505: {  	v14 =	vadd.bf16 v29, v22;
	s16 =	spop (v2sf);
	v2 =	vadd.bf16 v17, v2;
	v17 =	vld [tilespmem:s22+$0x0]  }
0x506: {  	v4 =	vadd.bf16 v4, v6;
	v6 =	vadd.bf16 v32, v30;
	v16 =	vld [tilespmem:s16+$0x0];
	s17 =	spop (v2sf)  }
0x507: {  	v1 =	vadd.bf16 v5, v1;
	v14 =	vadd.bf16 v14, v18;
	v5 =	vld [tilespmem:s17+$0x0];
	s18 =	spop (v2sf)  }
0x508: {  	v7 =	vadd.bf16 v15, v7;
	v6 =	vadd.bf16 v6, v11;
	s19 =	spop (v2sf);
	v58 =	vld [tilespmem:s18+$0x0]  }
0x509: {  	v8 =	vadd.bf16 v8, v33;
	v2 =	vadd.bf16 v14, v2;
	s20 =	spop (v2sf);
	v14 =	vld [tilespmem:s19+$0x0]  }
0x50a: {  	v10 =	vadd.bf16 v23, v10;
	v4 =	vadd.bf16 v6, v4;
	v11 =	vld [tilespmem:s20+$0x0]  }
0x50b: {  	v18 =	vadd.bf16 v34, v21;
	v12 =	vadd.bf16 v35, v12  }
0x50c: {  	v15 =	vadd.bf16 v20, v17;
	v6 =	vadd.bf16 v16, v19  }
0x50d: {  	v13 =	vadd.bf16 v13, v36;
	v8 =	vadd.bf16 v8, v18  }
0x50e: {  	v7 =	vadd.bf16 v12, v7;
	v6 =	vadd.bf16 v6, v15  }
0x50f: {  	v5 =	vadd.bf16 v58, v5;
	v11 =	vadd.bf16 v11, v14  }
0x510: {  	v2 =	vadd.bf16 v2, v4;
	v4 =	vadd.bf16 v9, v8  }
0x511: {  	v8 =	vunpack.i.u.bf16.f32 v3;
	v6 =	vadd.bf16 v6, v7;
	v5 =	vadd.bf16 v11, v5  }
0x512: {  	v3 =	vunpack.i.l.bf16.f32 v3;
	[tilespmem:s7+$0x10] =	vst v8;
	v7 =	vadd.bf16 v10, v13  }
0x513: {  	[tilespmem:s7+$0x0] =	vst v3;
	v3 =	vunpack.i.u.bf16.f32 v1;
	v4 =	vadd.bf16 v6, v4;
	v2 =	vadd.bf16 v5, v2  }
0x514: {  	v1 =	vunpack.i.l.bf16.f32 v1;
	[tilespmem:s7+$0xFFFFFFF0] =	vst v3  }
0x515: {  	[tilespmem:s7+$0xFFFFFFE0] =	vst v1;
	v3 =	vadd.bf16 v7, v4;
	v1 =	vunpack.i.u.bf16.f32 v2  }
0x516: {  	v2 =	vunpack.i.l.bf16.f32 v2;
	[tilespmem:s6+$0x10] =	vst v1  }
0x517: {  	[tilespmem:s6+$0x0] =	vst v2;
	v1 =	vunpack.i.u.bf16.f32 v3  }
0x518: {  	v2 =	vunpack.i.l.bf16.f32 v3;
	[tilespmem:s6+$0xFFFFFFF0] =	vst v1  }
0x519: {  	[tilespmem:s6+$0xFFFFFFE0] =	vst v2  }
0x51a: {  	s21 =	rddreg [dreg:$0x12]  }
0x51b: {  	[hbm4b:s21+s2] =	stream.linear.scatter [tilespmem:s30], [sflag:$0x3], $0x5000, $0x38;
	[tilespmem:$0x142A0] =	vst v63  }
0x51c: {  	s22 =	rddreg [dreg:$0x13]  }
0x51d: {  	[tilespmem:s25], [sflag:$0x1] =	stream.linear.gather [hbm4b:s22+s2], $0x3200, $0x38;
	[tilespmem:$0x142A0] =	vst v63  }
0x51e: {  	_ =	swait.ge [sflag:s31], $0x3200  }
0x51f: {  	[sflag:s31] =	ssyncset.done $0x0  }
0x520: {  	[sflag:s31] =	ssyncadd.s32 $0xFFFFCE00  }
0x521: {  	_ =	swait.ge [sflag:s3], $0x5000  }
0x522: {  	[sflag:s3] =	ssyncset.done $0x0  }
0x523: {  	s5 =	simm.s32 $0x70B4;
	[sflag:s3] =	ssyncadd.s32 $0xFFFFB000  }
0x524: {  	v1 =	vld [tilespmem:s5+$0xFFFFFFDC];
	_ =	sdelay $0x4  }
0x525: {  	v2 =	vld [tilespmem:s5+$0xFFFFFFF0];
	v1 =	vshll.u32 v1, $0x6  }
0x526: {  	v1 =	vshra.s32 v1, $0x2  }
0x527: {  	(v2sf) =	vpush v1, $0x0  }
0x528: {  	(v2sf) =	vpush v1, $0x1  }
0x529: {  	(v2sf) =	vpush v1, $0x2  }
0x52a: {  	v2 =	vshll.u32 v2, $0x6;
	(v2sf) =	vpush v1, $0x3  }
0x52b: {  	v2 =	vshra.s32 v2, $0x2;
	(v2sf) =	vpush v1, $0x4  }
0x52c: {  	(v2sf) =	vpush v2, $0x5  }
0x52d: {  	(v2sf) =	vpush v2, $0xD  }
0x52e: {  	(v2sf) =	vpush v2, $0x0  }
0x52f: {  	(v2sf) =	vpush v1, $0x5  }
0x530: {  	(v2sf) =	vpush v1, $0x6  }
0x531: {  	(v2sf) =	vpush v2, $0x2  }
0x532: {  	(v2sf) =	vpush v2, $0x1  }
0x533: {  	v3 =	vld [tilespmem:s5+$0xFFFFFFEC];
	(v2sf) =	vpush v2, $0xF  }
0x534: {  	(v2sf) =	vpush v1, $0x7  }
0x535: {  	(v2sf) =	vpush v2, $0x4  }
0x536: {  	s12 =	spop (v2sf);
	(v2sf) =	vpush v2, $0xE  }
0x537: {  	s7 =	spop (v2sf);
	(v2sf) =	vpush v1, $0x8  }
0x538: {  	v3 =	vshll.u32 v3, $0x6;
	s8 =	spop (v2sf);
	(v2sf) =	vpush v1, $0x9  }
0x539: {  	v3 =	vshra.s32 v3, $0x2;
	s6 =	spop (v2sf);
	(v2sf) =	vpush v1, $0xA  }
0x53a: {  	s23 =	spop (v2sf);
	(v2sf) =	vpush v3, $0x3  }
0x53b: {  	(v2sf) =	vpush v3, $0x2;
	s14 =	spop (v2sf)  }
0x53c: {  	(v2sf) =	vpush v2, $0x6;
	s10 =	spop (v2sf)  }
0x53d: {  	s16 =	spop (v2sf);
	(v2sf) =	vpush v2, $0x3  }
0x53e: {  	v12 =	vld [tilespmem:s12+$0x0];
	s17 =	spop (v2sf);
	(v2sf) =	vpush v2, $0x7  }
0x53f: {  	v9 =	vld [tilespmem:s23+$0x0];
	s18 =	spop (v2sf)  }
0x540: {  	v18 =	vld [tilespmem:s14+$0x0];
	s19 =	spop (v2sf)  }
0x541: {  	v4 =	vld [tilespmem:s16+$0x0];
	(v2sf) =	vpush v2, $0x8;
	s20 =	spop (v2sf)  }
0x542: {  	v8 =	vld [tilespmem:s17+$0x0];
	(v2sf) =	vpush v2, $0x9;
	s15 =	spop (v2sf)  }
0x543: {  	v5 =	vld [tilespmem:s18+$0x0];
	(v2sf) =	vpush v2, $0xA;
	s21 =	spop (v2sf)  }
0x544: {  	v6 =	vld [tilespmem:s19+$0x0];
	s22 =	spop (v2sf)  }
0x545: {  	v7 =	vld [tilespmem:s20+$0x0];
	(v2sf) =	vpush v2, $0xB;
	s23 =	spop (v2sf)  }
0x546: {  	(v2sf) =	vpush v2, $0xC;
	v10 =	vld [tilespmem:s21+$0x0];
	s9 =	spop (v2sf)  }
0x547: {  	v2 =	vld [tilespmem:s5+$0x0];
	s5 =	simm.s32 $0x70DC;
	(v2sf) =	vpush v3, $0x1;
	s11 =	spop (v2sf)  }
0x548: {  	v15 =	vld [tilespmem:s5+$0xFFFFFFDC];
	(v2sf) =	vpush v3, $0x0;
	s12 =	spop (v2sf)  }
0x549: {  	v11 =	vld [tilespmem:s22+$0x0];
	(v2sf) =	vpush v1, $0xB;
	s17 =	spop (v2sf)  }
0x54a: {  	v14 =	vld [tilespmem:s5+$0xFFFFFFF0];
	(v2sf) =	vpush v1, $0xC;
	s13 =	spop (v2sf)  }
0x54b: {  	v3 =	vld [tilespmem:s23+$0x0];
	s16 =	spop (v2sf);
	(v2sf) =	vpush v1, $0xD  }
0x54c: {  	v13 =	vld [tilespmem:s17+$0x0];
	s18 =	spop (v2sf);
	(v2sf) =	vpush v1, $0xE  }
0x54d: {  	v2 =	vshll.u32 v2, $0x6;
	v16 =	vld [tilespmem:s18+$0x0];
	s19 =	spop (v2sf);
	(v2sf) =	vpush v1, $0xF;
	v1 =	vshll.u32 v15, $0x6  }
0x54e: {  	v17 =	vshra.s32 v2, $0x2;
	v2 =	vshra.s32 v1, $0x2;
	v1 =	vadd.bf16 v8, v9;
	v8 =	vld [tilespmem:s15+$0x0]  }
0x54f: {  	v9 =	vld [tilespmem:s16+$0x0]  }
0x550: {  	v5 =	vadd.bf16 v10, v5;
	s20 =	spop (v2sf);
	(v2sf) =	vpush v17, $0x0;
	v10 =	vld [tilespmem:s19+$0x0]  }
0x551: {  	v19 =	vld [tilespmem:s20+$0x0];
	s21 =	spop (v2sf);
	(v2sf) =	vpush v17, $0x1  }
0x552: {  	v20 =	vld [tilespmem:s21+$0x0];
	s22 =	spop (v2sf);
	(v2sf) =	vpush v17, $0x2  }
0x553: {  	v1 =	vadd.bf16 v5, v1;
	v5 =	vshll.u32 v14, $0x6;
	v14 =	vld [tilespmem:s8+$0x0];
	(v2sf) =	vpush v17, $0x3  }
0x554: {  	v15 =	vld [tilespmem:s22+$0x0];
	s23 =	spop (v2sf);
	(v2sf) =	vpush v2, $0x0  }
0x555: {  	v4 =	vadd.bf16 v7, v4;
	v17 =	vld [tilespmem:s7+$0x0];
	(v2sf) =	vpush v2, $0x1  }
0x556: {  	v11 =	vadd.bf16 v18, v11;
	v59 =	vld [tilespmem:s23+$0x0];
	(v2sf) =	vpush v2, $0x2  }
0x557: {  	v60 =	vshra.s32 v5, $0x2;
	v5 =	vadd.bf16 v16, v6;
	v6 =	vld [tilespmem:s10+$0x0];
	s15 =	spop (v2sf);
	(v2sf) =	vpush v2, $0x3  }
0x558: {  	v9 =	vadd.bf16 v10, v9;
	v10 =	vld [tilespmem:s6+$0x0];
	s14 =	spop (v2sf);
	(v2sf) =	vpush v2, $0x4  }
0x559: {  	v3 =	vadd.bf16 v8, v3;
	v7 =	vld [tilespmem:s15+$0x0];
	s17 =	spop (v2sf);
	(v2sf) =	vpush v60, $0x5  }
0x55a: {  	v4 =	vadd.bf16 v5, v4;
	v5 =	vld [tilespmem:s13+$0x0];
	s18 =	spop (v2sf);
	(v2sf) =	vpush v60, $0xD  }
0x55b: {  	v16 =	vadd.bf16 v20, v19;
	v19 =	vld [tilespmem:s11+$0x0];
	s7 =	spop (v2sf);
	(v2sf) =	vpush v60, $0x0  }
0x55c: {  	v20 =	vld [tilespmem:s5+$0xFFFFFFEC];
	v9 =	vadd.bf16 v9, v11;
	s16 =	spop (v2sf);
	(v2sf) =	vpush v2, $0x5  }
0x55d: {  	v11 =	vld [tilespmem:s14+$0x0];
	v12 =	vadd.bf16 v17, v12;
	s19 =	spop (v2sf);
	(v2sf) =	vpush v2, $0x6  }
0x55e: {  	v17 =	vld [tilespmem:s9+$0x0];
	v6 =	vadd.bf16 v6, v7;
	s20 =	spop (v2sf);
	(v2sf) =	vpush v60, $0x2  }
0x55f: {  	v18 =	vld [tilespmem:s18+$0x0];
	v7 =	vadd.bf16 v59, v15;
	s21 =	spop (v2sf);
	(v2sf) =	vpush v60, $0x1  }
0x560: {  	v15 =	vld [tilespmem:s12+$0x0];
	v5 =	vadd.bf16 v13, v5;
	s22 =	spop (v2sf);
	(v2sf) =	vpush v60, $0xF  }
0x561: {  	v8 =	vld [tilespmem:s17+$0x0];
	v6 =	vadd.bf16 v3, v6;
	s23 =	spop (v2sf);
	(v2sf) =	vpush v2, $0x7  }
0x562: {  	v62 =	vld [tilespmem:s7+$0x0];
	v7 =	vadd.bf16 v7, v16;
	(v2sf) =	vpush v60, $0x4;
	s18 =	spop (v2sf)  }
0x563: {  	v17 =	vadd.bf16 v19, v17;
	v16 =	vld [tilespmem:s20+$0x0];
	s15 =	spop (v2sf);
	(v2sf) =	vpush v60, $0xE  }
0x564: {  	v61 =	vadd.bf16 v6, v7;
	v6 =	vshll.u32 v20, $0x6;
	v20 =	vld [tilespmem:s19+$0x0];
	s9 =	spop (v2sf);
	(v2sf) =	vpush v2, $0x8  }
0x565: {  	v15 =	vadd.bf16 v18, v15;
	v18 =	vld [tilespmem:s16+$0x0];
	s10 =	spop (v2sf);
	(v2sf) =	vpush v2, $0x9  }
0x566: {  	v13 =	vshra.s32 v6, $0x2;
	v6 =	vadd.bf16 v10, v14;
	s8 =	spop (v2sf);
	(v2sf) =	vpush v2, $0xA  }
0x567: {  	v10 =	vadd.bf16 v11, v8;
	s13 =	spop (v2sf);
	(v2sf) =	vpush v13, $0x3  }
0x568: {  	v3 =	vld [tilespmem:s21+$0x0];
	v7 =	vadd.bf16 v6, v12;
	(v2sf) =	vpush v13, $0x2;
	s16 =	spop (v2sf)  }
0x569: {  	v14 =	vld [tilespmem:s22+$0x0];
	v20 =	vadd.bf16 v16, v20;
	(v2sf) =	vpush v60, $0x6;
	s14 =	spop (v2sf)  }
0x56a: {  	v8 =	vld [tilespmem:s23+$0x0];
	v18 =	vadd.bf16 v18, v62;
	s19 =	spop (v2sf);
	(v2sf) =	vpush v60, $0x3  }
0x56b: {  	v12 =	vadd.bf16 v15, v17;
	v19 =	vld [tilespmem:s18+$0x0];
	s20 =	spop (v2sf);
	(v2sf) =	vpush v60, $0x7  }
0x56c: {  	v15 =	vadd.bf16 v20, v18;
	v18 =	vld [tilespmem:s13+$0x0];
	s21 =	spop (v2sf);
	(v2sf) =	vpush v60, $0x8  }
0x56d: {  	v6 =	vld [tilespmem:s19+$0x0];
	s22 =	spop (v2sf);
	(v2sf) =	vpush v60, $0x9  }
0x56e: {  	v17 =	vld [tilespmem:s20+$0x0];
	s23 =	spop (v2sf);
	(v2sf) =	vpush v60, $0xA  }
0x56f: {  	s6 =	simm.s32 $0xF2D0;
	v63 =	vadd.bf16 v9, v4;
	v9 =	vld [tilespmem:s21+$0x0];
	(v2sf) =	vpush v60, $0xB;
	s17 =	spop (v2sf)  }
0x570: {  	s11 =	simm.s32 $0x2;
	s12 =	simm.s32 $0xF310;
	v16 =	vadd.bf16 v19, v8;
	v4 =	vld [tilespmem:s22+$0x0];
	s18 =	spop (v2sf);
	(v2sf) =	vpush v60, $0xC  }
0x571: {  	s7 =	simm.s32 $0xF310;
	s13 =	simm.s32 $0x7104;
	v8 =	vadd.bf16 v61, v63;
	v11 =	vld [tilespmem:s23+$0x0];
	(v2sf) =	vpush v13, $0x1;
	s19 =	spop (v2sf)  }
.LBB2_16:
0x572: {  	s11 =	sadd.s32 $0x2, s11;
	v19 =	vld [tilespmem:s18+$0x0];
	s12 =	sadd.s32 $0x40, s12;
	(v2sf) =	vpush v13, $0x0;
	s20 =	spop (v2sf);
	v10 =	vadd.bf16 v5, v10  }
0x573: {  	v3 =	vadd.bf16 v14, v3;
	p0 =	slt.u32 s11, $0x27E;
	v13 =	vld [tilespmem:s5+$0x0];
	s18 =	spop (v2sf);
	(v2sf) =	vpush v2, $0xB;
	s5 =	smov.u32 s13  }
0x574: {  	v7 =	vadd.bf16 v1, v7;
	v14 =	vld [tilespmem:s19+$0x0];
	s19 =	spop (v2sf);
	(v2sf) =	vpush v2, $0xC  }
0x575: {  	v1 =	vadd.bf16 v16, v3;
	v20 =	vld [tilespmem:s15+$0x0];
	s15 =	spop (v2sf);
	(v2sf) =	vpush v2, $0xD  }
0x576: {  	v3 =	vadd.bf16 v17, v18;
	v16 =	vld [tilespmem:s20+$0x0];
	(v2sf) =	vpush v2, $0xE;
	s20 =	spop (v2sf)  }
0x577: {  	v6 =	vadd.bf16 v11, v6;
	v5 =	vld [tilespmem:s20+$0x0];
	v9 =	vadd.bf16 v19, v9;
	s20 =	spop (v2sf)  }
0x578: {  	v12 =	vadd.bf16 v15, v12;
	v8 =	vadd.bf16 v1, v8;
	v11 =	vld [tilespmem:s13+$0xFFFFFFF0];
	v13 =	vshll.u32 v13, $0x6;
	s21 =	spop (v2sf)  }
0x579: {  	v15 =	vld [tilespmem:s13+$0xFFFFFFDC];
	v1 =	vadd.bf16 v9, v3;
	v3 =	vshra.s32 v13, $0x2;
	(v2sf) =	vpush v2, $0xF;
	s22 =	spop (v2sf)  }
0x57a: {  	v2 =	vadd.bf16 v12, v7;
	v7 =	vunpack.i.u.bf16.f32 v8;
	v8 =	vunpack.i.l.bf16.f32 v8;
	v9 =	vld [tilespmem:s22+$0x0];
	s22 =	spop (v2sf)  }
0x57b: {  	v12 =	vld [tilespmem:s16+$0x0];
	s16 =	spop (v2sf);
	(v2sf) =	vpush v3, $0x0;
	[tilespmem:s6+$0x0] =	vst v7  }
0x57c: {  	v10 =	vadd.bf16 v10, v2;
	v7 =	vld [tilespmem:s16+$0x0];
	s16 =	spop (v2sf);
	(v2sf) =	vpush v3, $0x1  }
0x57d: {  	v2 =	vshll.u32 v11, $0x6;
	v11 =	vld [tilespmem:s16+$0x0];
	s16 =	spop (v2sf);
	(v2sf) =	vpush v3, $0x2;
	[tilespmem:s6+$0xFFFFFFF0] =	vst v8  }
0x57e: {  	v17 =	vunpack.i.u.bf16.f32 v10;
	v13 =	vshll.u32 v15, $0x6;
	v8 =	vshra.s32 v2, $0x2;
	v15 =	vld [tilespmem:s16+$0x0];
	s16 =	spop (v2sf)  }
0x57f: {  	v2 =	vshra.s32 v13, $0x2;
	v13 =	vld [tilespmem:s16+$0x0];
	s23 =	spop (v2sf);
	(v2sf) =	vpush v3, $0x3;
	v3 =	vunpack.i.l.bf16.f32 v10;
	[tilespmem:s6+$0xFFFFFFE0] =	vst v17  }
0x580: {  	v4 =	vadd.bf16 v9, v4;
	(v2sf) =	vpush v2, $0x0;
	v10 =	vld [tilespmem:s17+$0x0];
	s16 =	spop (v2sf);
	[tilespmem:s6+$0xFFFFFFD0] =	vst v3;
	s6 =	smov.u32 s7;
	s7 =	smov.u32 s12  }
0x581: {  	v9 =	vadd.bf16 v12, v14;
	(v2sf) =	vpush v2, $0x1;
	v3 =	vld [tilespmem:s21+$0x0];
	s21 =	spop (v2sf)  }
0x582: {  	(v2sf) =	vpush v2, $0x2;
	v12 =	vld [tilespmem:s23+$0x0];
	v7 =	vadd.bf16 v11, v7;
	s23 =	spop (v2sf)  }
0x583: {  	(v2sf) =	vpush v2, $0x3;
	v11 =	vld [tilespmem:s22+$0x0];
	s17 =	spop (v2sf)  }
0x584: {  	v4 =	vadd.bf16 v4, v6;
	(v2sf) =	vpush v2, $0x4;
	v14 =	vld [tilespmem:s14+$0x0];
	s14 =	spop (v2sf)  }
0x585: {  	(v2sf) =	vpush v8, $0x5;
	v6 =	vld [tilespmem:s10+$0x0];
	v10 =	vadd.bf16 v10, v16;
	s22 =	spop (v2sf)  }
0x586: {  	(v2sf) =	vpush v8, $0xD;
	v16 =	vld [tilespmem:s9+$0x0]  }
0x587: {  	(v2sf) =	vpush v8, $0x0;
	v17 =	vld [tilespmem:s23+$0x0]  }
0x588: {  	v13 =	vadd.bf16 v13, v15;
	(v2sf) =	vpush v2, $0x5;
	v18 =	vld [tilespmem:s21+$0x0];
	s21 =	spop (v2sf)  }
0x589: {  	(v2sf) =	vpush v2, $0x6;
	v15 =	vld [tilespmem:s20+$0x0];
	v12 =	vadd.bf16 v14, v12  }
0x58a: {  	(v2sf) =	vpush v8, $0x2;
	v14 =	vld [tilespmem:s15+$0x0];
	s9 =	spop (v2sf)  }
0x58b: {  	(v2sf) =	vpush v8, $0x1;
	v19 =	vld [tilespmem:s19+$0x0];
	v10 =	vadd.bf16 v10, v12;
	s19 =	spop (v2sf)  }
0x58c: {  	v16 =	vadd.bf16 v16, v20;
	v12 =	vld [tilespmem:s13+$0xFFFFFFEC];
	(v2sf) =	vpush v8, $0xF;
	s20 =	spop (v2sf)  }
0x58d: {  	v11 =	vadd.bf16 v11, v3;
	(v2sf) =	vpush v2, $0x7;
	v20 =	vld [tilespmem:s18+$0x0]  }
0x58e: {  	v7 =	vadd.bf16 v13, v7;
	(v2sf) =	vpush v8, $0x4;
	v21 =	vld [tilespmem:s8+$0x0];
	s18 =	spop (v2sf)  }
0x58f: {  	v9 =	vadd.bf16 v11, v9;
	s15 =	spop (v2sf);
	(v2sf) =	vpush v8, $0xE;
	v3 =	vld [tilespmem:s9+$0x0]  }
0x590: {  	v22 =	vadd.bf16 v10, v7;
	s9 =	spop (v2sf);
	(v2sf) =	vpush v2, $0x8;
	v11 =	vld [tilespmem:s16+$0x0]  }
0x591: {  	v5 =	vadd.bf16 v5, v15;
	v7 =	vshll.u32 v12, $0x6;
	s10 =	spop (v2sf);
	(v2sf) =	vpush v2, $0x9;
	v12 =	vld [tilespmem:s21+$0x0]  }
0x592: {  	v17 =	vadd.bf16 v17, v14;
	v13 =	vshra.s32 v7, $0x2;
	s8 =	spop (v2sf);
	(v2sf) =	vpush v2, $0xA;
	v15 =	vld [tilespmem:s22+$0x0]  }
0x593: {  	s21 =	spop (v2sf);
	(v2sf) =	vpush v13, $0x3;
	v23 =	vld [tilespmem:s14+$0x0];
	v6 =	vadd.bf16 v21, v6  }
0x594: {  	v19 =	vadd.bf16 v19, v20;
	(v2sf) =	vpush v13, $0x2;
	s16 =	spop (v2sf);
	v21 =	vld [tilespmem:s17+$0x0]  }
0x595: {  	(v2sf) =	vpush v8, $0x6;
	s14 =	spop (v2sf);
	v7 =	vadd.bf16 v6, v16;
	v16 =	vld [tilespmem:s18+$0x0]  }
0x596: {  	v10 =	vadd.bf16 v11, v18;
	s17 =	spop (v2sf);
	(v2sf) =	vpush v8, $0x3;
	v18 =	vld [tilespmem:s20+$0x0]  }
0x597: {  	v20 =	vadd.bf16 v9, v4;
	v6 =	vld [tilespmem:s17+$0x0];
	s18 =	spop (v2sf);
	(v2sf) =	vpush v8, $0x7  }
0x598: {  	v15 =	vadd.bf16 v12, v15;
	s17 =	spop (v2sf);
	(v2sf) =	vpush v8, $0x8;
	v14 =	vld [tilespmem:s19+$0x0]  }
.Ltmp7:
0x599: {  	v9 =	vld [tilespmem:s17+$0x0];
	s17 =	spop (v2sf);
	(v2sf) =	vpush v8, $0x9;
	v21 =	vadd.bf16 v23, v21;
	(pc) =	sbr.rel @p0 .LBB2_16-.Ltmp7, $4  }
0x59a: {  	v12 =	vadd.bf16 v17, v19;
	v4 =	vld [tilespmem:s17+$0x0];
	s17 =	spop (v2sf);
	(v2sf) =	vpush v8, $0xA  }
0x59b: {  	v11 =	vld [tilespmem:s17+$0x0];
	(v2sf) =	vpush v8, $0xB;
	s17 =	spop (v2sf);
	v16 =	vadd.bf16 v16, v18  }
0x59c: {  	v15 =	vadd.bf16 v15, v21;
	v17 =	vld [tilespmem:s18+$0x0];
	s18 =	spop (v2sf);
	(v2sf) =	vpush v8, $0xC  }
0x59d: {  	s13 =	sadd.s32 $0x28, s13;
	v8 =	vadd.bf16 v22, v20;
	v18 =	vld [tilespmem:s21+$0x0];
	(v2sf) =	vpush v13, $0x1;
	s19 =	spop (v2sf)  }
0x59e: {  	v19 =	vld [tilespmem:s18+$0x0]  }
0x59f: {  	v20 =	vld [tilespmem:s5+$0x0]  }
0x5a0: {  	(v2sf) =	vpush v13, $0x0;
	v13 =	vld [tilespmem:s19+$0x0]  }
0x5a1: {  	v21 =	vld [tilespmem:s15+$0x0]  }
0x5a2: {  	v25 =	vld [tilespmem:s16+$0x0]  }
0x5a3: {  	v29 =	vld [tilespmem:s17+$0x0]  }
0x5a4: {  	v33 =	vld [tilespmem:s10+$0x0]  }
0x5a5: {  	s12 =	spop (v2sf);
	v34 =	vld [tilespmem:s9+$0x0];
	v1 =	vadd.bf16 v1, v7;
	v7 =	vadd.bf16 v15, v12  }
0x5a6: {  	v3 =	vadd.bf16 v14, v3;
	s11 =	spop (v2sf);
	v22 =	vld [tilespmem:s12+$0x0]  }
0x5a7: {  	(v2sf) =	vpush v2, $0xB;
	s13 =	spop (v2sf);
	v1 =	vadd.bf16 v7, v1;
	v7 =	vld [tilespmem:s11+$0x0]  }
0x5a8: {  	(v2sf) =	vpush v2, $0xC;
	v3 =	vadd.bf16 v16, v3;
	s5 =	spop (v2sf);
	v15 =	vld [tilespmem:s13+$0x0]  }
0x5a9: {  	(v2sf) =	vpush v2, $0xD;
	s23 =	spop (v2sf);
	v12 =	vld [tilespmem:s5+$0x0]  }
0x5aa: {  	(v2sf) =	vpush v2, $0xE;
	v3 =	vadd.bf16 v3, v8;
	v8 =	vld [tilespmem:s8+$0x0];
	s15 =	spop (v2sf)  }
0x5ab: {  	v23 =	vld [tilespmem:s23+$0x0];
	v20 =	vshll.u32 v20, $0x6;
	s12 =	spop (v2sf)  }
0x5ac: {  	v5 =	vadd.bf16 v5, v10;
	(v2sf) =	vpush v2, $0xF;
	v20 =	vshra.s32 v20, $0x2;
	v10 =	vld [tilespmem:s15+$0x0];
	s19 =	spop (v2sf)  }
0x5ad: {  	(v2sf) =	vpush v20, $0x0;
	v30 =	vld [tilespmem:s12+$0x0];
	s18 =	spop (v2sf)  }
0x5ae: {  	v24 =	vld [tilespmem:s19+$0x0];
	(v2sf) =	vpush v20, $0x1;
	s20 =	spop (v2sf)  }
0x5af: {  	(v2sf) =	vpush v20, $0x2;
	v26 =	vld [tilespmem:s20+$0x0]  }
0x5b0: {  	s21 =	spop (v2sf);
	(v2sf) =	vpush v20, $0x3;
	v20 =	vld [tilespmem:s14+$0x0]  }
0x5b1: {  	v2 =	vld [tilespmem:s21+$0x0];
	s22 =	spop (v2sf)  }
0x5b2: {  	v27 =	vld [tilespmem:s22+$0x0];
	s23 =	spop (v2sf)  }
0x5b3: {  	v28 =	vld [tilespmem:s23+$0x0];
	s19 =	spop (v2sf)  }
0x5b4: {  	v31 =	vld [tilespmem:s19+$0x0];
	s20 =	spop (v2sf)  }
0x5b5: {  	v32 =	vld [tilespmem:s18+$0x0];
	s21 =	spop (v2sf)  }
0x5b6: {  	v6 =	vadd.bf16 v11, v6;
	v11 =	vadd.bf16 v25, v13;
	v13 =	vld [tilespmem:s20+$0x0];
	s22 =	spop (v2sf)  }
0x5b7: {  	v14 =	vadd.bf16 v17, v18;
	v36 =	vld [tilespmem:s21+$0x0];
	s23 =	spop (v2sf)  }
0x5b8: {  	v9 =	vadd.bf16 v19, v9;
	v2 =	vadd.bf16 v2, v26;
	v35 =	vld [tilespmem:s22+$0x0];
	s14 =	spop (v2sf)  }
0x5b9: {  	v17 =	vadd.bf16 v28, v27;
	s15 =	spop (v2sf);
	v18 =	vadd.bf16 v20, v31;
	v20 =	vld [tilespmem:s14+$0x0]  }
0x5ba: {  	v9 =	vadd.bf16 v9, v14;
	v4 =	vadd.bf16 v24, v4;
	v19 =	vld [tilespmem:s15+$0x0]  }
0x5bb: {  	v14 =	vadd.bf16 v29, v22;
	s16 =	spop (v2sf);
	v2 =	vadd.bf16 v17, v2;
	v17 =	vld [tilespmem:s23+$0x0]  }
0x5bc: {  	v4 =	vadd.bf16 v4, v6;
	v6 =	vadd.bf16 v32, v30;
	v16 =	vld [tilespmem:s16+$0x0];
	s17 =	spop (v2sf)  }
0x5bd: {  	v1 =	vadd.bf16 v5, v1;
	v14 =	vadd.bf16 v14, v18;
	v5 =	vld [tilespmem:s17+$0x0];
	s18 =	spop (v2sf)  }
0x5be: {  	v7 =	vadd.bf16 v15, v7;
	v6 =	vadd.bf16 v6, v11;
	s19 =	spop (v2sf);
	v58 =	vld [tilespmem:s18+$0x0]  }
0x5bf: {  	v8 =	vadd.bf16 v8, v33;
	v2 =	vadd.bf16 v14, v2;
	s20 =	spop (v2sf);
	v14 =	vld [tilespmem:s19+$0x0]  }
0x5c0: {  	v10 =	vadd.bf16 v23, v10;
	v4 =	vadd.bf16 v6, v4;
	v11 =	vld [tilespmem:s20+$0x0]  }
0x5c1: {  	v18 =	vadd.bf16 v34, v21;
	v12 =	vadd.bf16 v35, v12  }
0x5c2: {  	v15 =	vadd.bf16 v20, v17;
	v6 =	vadd.bf16 v16, v19  }
0x5c3: {  	v13 =	vadd.bf16 v13, v36;
	v8 =	vadd.bf16 v8, v18  }
0x5c4: {  	v7 =	vadd.bf16 v12, v7;
	v6 =	vadd.bf16 v6, v15  }
0x5c5: {  	v5 =	vadd.bf16 v58, v5;
	v11 =	vadd.bf16 v11, v14  }
0x5c6: {  	v2 =	vadd.bf16 v2, v4;
	v4 =	vadd.bf16 v9, v8  }
0x5c7: {  	v8 =	vunpack.i.u.bf16.f32 v3;
	v6 =	vadd.bf16 v6, v7;
	v5 =	vadd.bf16 v11, v5  }
0x5c8: {  	v3 =	vunpack.i.l.bf16.f32 v3;
	[tilespmem:s6+$0x0] =	vst v8;
	v7 =	vadd.bf16 v10, v13  }
0x5c9: {  	[tilespmem:s6+$0xFFFFFFF0] =	vst v3;
	v3 =	vunpack.i.u.bf16.f32 v1;
	v4 =	vadd.bf16 v6, v4;
	v2 =	vadd.bf16 v5, v2  }
0x5ca: {  	v1 =	vunpack.i.l.bf16.f32 v1;
	[tilespmem:s6+$0xFFFFFFE0] =	vst v3  }
0x5cb: {  	[tilespmem:s6+$0xFFFFFFD0] =	vst v1;
	v3 =	vadd.bf16 v7, v4;
	v1 =	vunpack.i.u.bf16.f32 v2  }
0x5cc: {  	v2 =	vunpack.i.l.bf16.f32 v2;
	[tilespmem:s7+$0x0] =	vst v1  }
0x5cd: {  	[tilespmem:s7+$0xFFFFFFF0] =	vst v2;
	v1 =	vunpack.i.u.bf16.f32 v3  }
0x5ce: {  	v2 =	vunpack.i.l.bf16.f32 v3;
	[tilespmem:s7+$0xFFFFFFE0] =	vst v1  }
0x5cf: {  	[tilespmem:s7+$0xFFFFFFD0] =	vst v2  }
0x5d0: {  	s21 =	rddreg [dreg:$0x14]  }
0x5d1: {  	[hbm4b:s21+s2] =	stream.linear.scatter [tilespmem:s1], [sflag:$0x4], $0x5000, $0x38;
	[tilespmem:$0x142A0] =	vst v63  }
0x5d2: {  	s22 =	rddreg [dreg:$0x15]  }
0x5d3: {  	[tilespmem:s28], [sflag:$0x2] =	stream.linear.gather [hbm4b:s22+s2], $0x3200, $0x38;
	[tilespmem:$0x142A0] =	vst v63  }
0x5d4: {  	_ =	swait.ge [sflag:s29], $0x3200  }
0x5d5: {  	[sflag:s29] =	ssyncset.done $0x0  }
0x5d6: {  	[sflag:s29] =	ssyncadd.s32 $0xFFFFCE00  }
0x5d7: {  	_ =	swait.ge [sflag:s0], $0x5000  }
0x5d8: {  	[sflag:s0] =	ssyncset.done $0x0  }
0x5d9: {  	s5 =	simm.s32 $0x3E94;
	[sflag:s0] =	ssyncadd.s32 $0xFFFFB000  }
0x5da: {  	v1 =	vld [tilespmem:s5+$0xFFFFFFEC];
	_ =	sdelay $0x4  }
0x5db: {  	v2 =	vld [tilespmem:s5+$0x0];
	v1 =	vshll.u32 v1, $0x6  }
0x5dc: {  	v1 =	vshra.s32 v1, $0x2  }
0x5dd: {  	(v2sf) =	vpush v1, $0x0  }
0x5de: {  	(v2sf) =	vpush v1, $0x1  }
0x5df: {  	(v2sf) =	vpush v1, $0x2  }
0x5e0: {  	v2 =	vshll.u32 v2, $0x6;
	(v2sf) =	vpush v1, $0x3  }
0x5e1: {  	v2 =	vshra.s32 v2, $0x2;
	(v2sf) =	vpush v1, $0x4  }
0x5e2: {  	(v2sf) =	vpush v2, $0x5  }
0x5e3: {  	(v2sf) =	vpush v2, $0xD  }
0x5e4: {  	(v2sf) =	vpush v2, $0x0  }
0x5e5: {  	(v2sf) =	vpush v1, $0x5  }
0x5e6: {  	(v2sf) =	vpush v1, $0x6  }
0x5e7: {  	(v2sf) =	vpush v2, $0x2  }
0x5e8: {  	(v2sf) =	vpush v2, $0x1  }
0x5e9: {  	v3 =	vld [tilespmem:s5+$0xFFFFFFFC];
	(v2sf) =	vpush v2, $0xF  }
0x5ea: {  	(v2sf) =	vpush v1, $0x7  }
0x5eb: {  	(v2sf) =	vpush v2, $0x4  }
0x5ec: {  	s12 =	spop (v2sf);
	(v2sf) =	vpush v2, $0xE  }
0x5ed: {  	s7 =	spop (v2sf);
	(v2sf) =	vpush v1, $0x8  }
0x5ee: {  	v3 =	vshll.u32 v3, $0x6;
	s8 =	spop (v2sf);
	(v2sf) =	vpush v1, $0x9  }
0x5ef: {  	v3 =	vshra.s32 v3, $0x2;
	s6 =	spop (v2sf);
	(v2sf) =	vpush v1, $0xA  }
0x5f0: {  	s23 =	spop (v2sf);
	(v2sf) =	vpush v3, $0x3  }
0x5f1: {  	(v2sf) =	vpush v3, $0x2;
	s14 =	spop (v2sf)  }
0x5f2: {  	(v2sf) =	vpush v2, $0x6;
	s10 =	spop (v2sf)  }
0x5f3: {  	s16 =	spop (v2sf);
	(v2sf) =	vpush v2, $0x3  }
0x5f4: {  	v12 =	vld [tilespmem:s12+$0x0];
	s17 =	spop (v2sf);
	(v2sf) =	vpush v2, $0x7  }
0x5f5: {  	v9 =	vld [tilespmem:s23+$0x0];
	s18 =	spop (v2sf)  }
0x5f6: {  	v18 =	vld [tilespmem:s14+$0x0];
	s19 =	spop (v2sf)  }
0x5f7: {  	v4 =	vld [tilespmem:s16+$0x0];
	(v2sf) =	vpush v2, $0x8;
	s20 =	spop (v2sf)  }
0x5f8: {  	v8 =	vld [tilespmem:s17+$0x0];
	(v2sf) =	vpush v2, $0x9;
	s15 =	spop (v2sf)  }
0x5f9: {  	v5 =	vld [tilespmem:s18+$0x0];
	(v2sf) =	vpush v2, $0xA;
	s21 =	spop (v2sf)  }
0x5fa: {  	v6 =	vld [tilespmem:s19+$0x0];
	s22 =	spop (v2sf)  }
0x5fb: {  	v7 =	vld [tilespmem:s20+$0x0];
	(v2sf) =	vpush v2, $0xB;
	s23 =	spop (v2sf)  }
0x5fc: {  	(v2sf) =	vpush v2, $0xC;
	v10 =	vld [tilespmem:s21+$0x0];
	s9 =	spop (v2sf)  }
0x5fd: {  	v2 =	vld [tilespmem:s5+$0x10];
	s5 =	simm.s32 $0x3EBC;
	(v2sf) =	vpush v3, $0x1;
	s11 =	spop (v2sf)  }
0x5fe: {  	v15 =	vld [tilespmem:s5+$0xFFFFFFEC];
	(v2sf) =	vpush v3, $0x0;
	s12 =	spop (v2sf)  }
0x5ff: {  	v11 =	vld [tilespmem:s22+$0x0];
	(v2sf) =	vpush v1, $0xB;
	s17 =	spop (v2sf)  }
0x600: {  	v14 =	vld [tilespmem:s5+$0x0];
	(v2sf) =	vpush v1, $0xC;
	s13 =	spop (v2sf)  }
0x601: {  	v3 =	vld [tilespmem:s23+$0x0];
	s16 =	spop (v2sf);
	(v2sf) =	vpush v1, $0xD  }
0x602: {  	v13 =	vld [tilespmem:s17+$0x0];
	s18 =	spop (v2sf);
	(v2sf) =	vpush v1, $0xE  }
0x603: {  	v2 =	vshll.u32 v2, $0x6;
	v16 =	vld [tilespmem:s18+$0x0];
	s19 =	spop (v2sf);
	(v2sf) =	vpush v1, $0xF;
	v1 =	vshll.u32 v15, $0x6  }
0x604: {  	v17 =	vshra.s32 v2, $0x2;
	v2 =	vshra.s32 v1, $0x2;
	v1 =	vadd.bf16 v8, v9;
	v8 =	vld [tilespmem:s15+$0x0]  }
0x605: {  	v9 =	vld [tilespmem:s16+$0x0]  }
0x606: {  	v5 =	vadd.bf16 v10, v5;
	s20 =	spop (v2sf);
	(v2sf) =	vpush v17, $0x0;
	v10 =	vld [tilespmem:s19+$0x0]  }
0x607: {  	v19 =	vld [tilespmem:s20+$0x0];
	s21 =	spop (v2sf);
	(v2sf) =	vpush v17, $0x1  }
0x608: {  	v20 =	vld [tilespmem:s21+$0x0];
	s22 =	spop (v2sf);
	(v2sf) =	vpush v17, $0x2  }
0x609: {  	v1 =	vadd.bf16 v5, v1;
	v5 =	vshll.u32 v14, $0x6;
	v14 =	vld [tilespmem:s8+$0x0];
	(v2sf) =	vpush v17, $0x3  }
0x60a: {  	v15 =	vld [tilespmem:s22+$0x0];
	s23 =	spop (v2sf);
	(v2sf) =	vpush v2, $0x0  }
0x60b: {  	v4 =	vadd.bf16 v7, v4;
	v17 =	vld [tilespmem:s7+$0x0];
	(v2sf) =	vpush v2, $0x1  }
0x60c: {  	v11 =	vadd.bf16 v18, v11;
	v59 =	vld [tilespmem:s23+$0x0];
	(v2sf) =	vpush v2, $0x2  }
0x60d: {  	v60 =	vshra.s32 v5, $0x2;
	v5 =	vadd.bf16 v16, v6;
	v6 =	vld [tilespmem:s10+$0x0];
	s15 =	spop (v2sf);
	(v2sf) =	vpush v2, $0x3  }
0x60e: {  	v9 =	vadd.bf16 v10, v9;
	v10 =	vld [tilespmem:s6+$0x0];
	s14 =	spop (v2sf);
	(v2sf) =	vpush v2, $0x4  }
0x60f: {  	v3 =	vadd.bf16 v8, v3;
	v7 =	vld [tilespmem:s15+$0x0];
	s17 =	spop (v2sf);
	(v2sf) =	vpush v60, $0x5  }
0x610: {  	v4 =	vadd.bf16 v5, v4;
	v5 =	vld [tilespmem:s13+$0x0];
	s18 =	spop (v2sf);
	(v2sf) =	vpush v60, $0xD  }
0x611: {  	v16 =	vadd.bf16 v20, v19;
	v19 =	vld [tilespmem:s11+$0x0];
	s7 =	spop (v2sf);
	(v2sf) =	vpush v60, $0x0  }
0x612: {  	v20 =	vld [tilespmem:s5+$0xFFFFFFFC];
	v9 =	vadd.bf16 v9, v11;
	s16 =	spop (v2sf);
	(v2sf) =	vpush v2, $0x5  }
0x613: {  	v11 =	vld [tilespmem:s14+$0x0];
	v12 =	vadd.bf16 v17, v12;
	s19 =	spop (v2sf);
	(v2sf) =	vpush v2, $0x6  }
0x614: {  	v17 =	vld [tilespmem:s9+$0x0];
	v6 =	vadd.bf16 v6, v7;
	s20 =	spop (v2sf);
	(v2sf) =	vpush v60, $0x2  }
0x615: {  	v18 =	vld [tilespmem:s18+$0x0];
	v7 =	vadd.bf16 v59, v15;
	s21 =	spop (v2sf);
	(v2sf) =	vpush v60, $0x1  }
0x616: {  	v15 =	vld [tilespmem:s12+$0x0];
	v5 =	vadd.bf16 v13, v5;
	s22 =	spop (v2sf);
	(v2sf) =	vpush v60, $0xF  }
0x617: {  	v8 =	vld [tilespmem:s17+$0x0];
	v6 =	vadd.bf16 v3, v6;
	s23 =	spop (v2sf);
	(v2sf) =	vpush v2, $0x7  }
0x618: {  	v62 =	vld [tilespmem:s7+$0x0];
	v7 =	vadd.bf16 v7, v16;
	(v2sf) =	vpush v60, $0x4;
	s18 =	spop (v2sf)  }
0x619: {  	v17 =	vadd.bf16 v19, v17;
	v16 =	vld [tilespmem:s20+$0x0];
	s15 =	spop (v2sf);
	(v2sf) =	vpush v60, $0xE  }
0x61a: {  	v61 =	vadd.bf16 v6, v7;
	v6 =	vshll.u32 v20, $0x6;
	v20 =	vld [tilespmem:s19+$0x0];
	s9 =	spop (v2sf);
	(v2sf) =	vpush v2, $0x8  }
0x61b: {  	v15 =	vadd.bf16 v18, v15;
	v18 =	vld [tilespmem:s16+$0x0];
	s10 =	spop (v2sf);
	(v2sf) =	vpush v2, $0x9  }
0x61c: {  	v13 =	vshra.s32 v6, $0x2;
	v6 =	vadd.bf16 v10, v14;
	s8 =	spop (v2sf);
	(v2sf) =	vpush v2, $0xA  }
0x61d: {  	v10 =	vadd.bf16 v11, v8;
	s14 =	spop (v2sf);
	(v2sf) =	vpush v13, $0x3  }
0x61e: {  	v3 =	vld [tilespmem:s21+$0x0];
	v7 =	vadd.bf16 v6, v12;
	(v2sf) =	vpush v13, $0x2;
	s16 =	spop (v2sf)  }
0x61f: {  	v14 =	vld [tilespmem:s22+$0x0];
	v20 =	vadd.bf16 v16, v20;
	(v2sf) =	vpush v60, $0x6;
	s13 =	spop (v2sf)  }
0x620: {  	v8 =	vld [tilespmem:s23+$0x0];
	v18 =	vadd.bf16 v18, v62;
	s19 =	spop (v2sf);
	(v2sf) =	vpush v60, $0x3  }
0x621: {  	v12 =	vadd.bf16 v15, v17;
	v19 =	vld [tilespmem:s18+$0x0];
	s20 =	spop (v2sf);
	(v2sf) =	vpush v60, $0x7  }
0x622: {  	v15 =	vadd.bf16 v20, v18;
	v18 =	vld [tilespmem:s14+$0x0];
	s21 =	spop (v2sf);
	(v2sf) =	vpush v60, $0x8  }
0x623: {  	v6 =	vld [tilespmem:s19+$0x0];
	s22 =	spop (v2sf);
	(v2sf) =	vpush v60, $0x9  }
0x624: {  	v17 =	vld [tilespmem:s20+$0x0];
	s23 =	spop (v2sf);
	(v2sf) =	vpush v60, $0xA  }
0x625: {  	s6 =	simm.s32 $0xA300;
	v63 =	vadd.bf16 v9, v4;
	v9 =	vld [tilespmem:s21+$0x0];
	(v2sf) =	vpush v60, $0xB;
	s17 =	spop (v2sf)  }
0x626: {  	s11 =	simm.s32 $0x2;
	s7 =	simm.s32 $0xA2C0;
	v16 =	vadd.bf16 v19, v8;
	v4 =	vld [tilespmem:s22+$0x0];
	s18 =	spop (v2sf);
	(v2sf) =	vpush v60, $0xC  }
0x627: {  	s12 =	simm.s32 $0xA340;
	v8 =	vadd.bf16 v61, v63;
	s14 =	simm.s32 $0x3EBC;
	v11 =	vld [tilespmem:s23+$0x0];
	(v2sf) =	vpush v13, $0x1;
	s19 =	spop (v2sf)  }
.LBB2_18:
0x628: {  	s11 =	sadd.s32 $0x2, s11;
	v19 =	vld [tilespmem:s18+$0x0];
	s5 =	sadd.s32 $0x28, s5;
	(v2sf) =	vpush v13, $0x0;
	s20 =	spop (v2sf);
	v10 =	vadd.bf16 v5, v10  }
0x629: {  	v3 =	vadd.bf16 v14, v3;
	p0 =	slt.u32 s11, $0x27E;
	v13 =	vld [tilespmem:s14+$0x10];
	s18 =	spop (v2sf);
	(v2sf) =	vpush v2, $0xB;
	s14 =	smov.u32 s5  }
0x62a: {  	v7 =	vadd.bf16 v1, v7;
	v14 =	vld [tilespmem:s19+$0x0];
	s19 =	spop (v2sf);
	(v2sf) =	vpush v2, $0xC  }
0x62b: {  	v1 =	vadd.bf16 v16, v3;
	v20 =	vld [tilespmem:s15+$0x0];
	s15 =	spop (v2sf);
	(v2sf) =	vpush v2, $0xD  }
0x62c: {  	v3 =	vadd.bf16 v17, v18;
	v16 =	vld [tilespmem:s20+$0x0];
	(v2sf) =	vpush v2, $0xE;
	s20 =	spop (v2sf)  }
0x62d: {  	v6 =	vadd.bf16 v11, v6;
	v5 =	vld [tilespmem:s20+$0x0];
	v9 =	vadd.bf16 v19, v9;
	s20 =	spop (v2sf)  }
0x62e: {  	v12 =	vadd.bf16 v15, v12;
	v8 =	vadd.bf16 v1, v8;
	v11 =	vld [tilespmem:s5+$0x0];
	v13 =	vshll.u32 v13, $0x6;
	s21 =	spop (v2sf)  }
0x62f: {  	v15 =	vld [tilespmem:s5+$0xFFFFFFEC];
	v1 =	vadd.bf16 v9, v3;
	v3 =	vshra.s32 v13, $0x2;
	(v2sf) =	vpush v2, $0xF;
	s22 =	spop (v2sf)  }
0x630: {  	v2 =	vadd.bf16 v12, v7;
	v7 =	vunpack.i.u.bf16.f32 v8;
	v8 =	vunpack.i.l.bf16.f32 v8;
	v9 =	vld [tilespmem:s22+$0x0];
	s22 =	spop (v2sf)  }
0x631: {  	v12 =	vld [tilespmem:s16+$0x0];
	s16 =	spop (v2sf);
	(v2sf) =	vpush v3, $0x0;
	[tilespmem:s7+$0x10] =	vst v7  }
0x632: {  	v10 =	vadd.bf16 v10, v2;
	v7 =	vld [tilespmem:s16+$0x0];
	s16 =	spop (v2sf);
	(v2sf) =	vpush v3, $0x1  }
0x633: {  	v2 =	vshll.u32 v11, $0x6;
	v11 =	vld [tilespmem:s16+$0x0];
	s16 =	spop (v2sf);
	(v2sf) =	vpush v3, $0x2;
	[tilespmem:s7+$0x0] =	vst v8  }
0x634: {  	v17 =	vunpack.i.u.bf16.f32 v10;
	v13 =	vshll.u32 v15, $0x6;
	v8 =	vshra.s32 v2, $0x2;
	v15 =	vld [tilespmem:s16+$0x0];
	s16 =	spop (v2sf)  }
0x635: {  	v2 =	vshra.s32 v13, $0x2;
	v13 =	vld [tilespmem:s16+$0x0];
	s23 =	spop (v2sf);
	(v2sf) =	vpush v3, $0x3;
	v3 =	vunpack.i.l.bf16.f32 v10;
	[tilespmem:s7+$0xFFFFFFF0] =	vst v17  }
0x636: {  	v4 =	vadd.bf16 v9, v4;
	(v2sf) =	vpush v2, $0x0;
	v10 =	vld [tilespmem:s17+$0x0];
	s16 =	spop (v2sf);
	[tilespmem:s7+$0xFFFFFFE0] =	vst v3;
	s7 =	smov.u32 s6;
	s6 =	smov.u32 s12  }
0x637: {  	v9 =	vadd.bf16 v12, v14;
	(v2sf) =	vpush v2, $0x1;
	v3 =	vld [tilespmem:s21+$0x0];
	s21 =	spop (v2sf)  }
0x638: {  	(v2sf) =	vpush v2, $0x2;
	v12 =	vld [tilespmem:s23+$0x0];
	v7 =	vadd.bf16 v11, v7;
	s23 =	spop (v2sf)  }
0x639: {  	(v2sf) =	vpush v2, $0x3;
	v11 =	vld [tilespmem:s22+$0x0];
	s17 =	spop (v2sf)  }
0x63a: {  	v4 =	vadd.bf16 v4, v6;
	(v2sf) =	vpush v2, $0x4;
	v14 =	vld [tilespmem:s13+$0x0];
	s13 =	spop (v2sf)  }
0x63b: {  	(v2sf) =	vpush v8, $0x5;
	v6 =	vld [tilespmem:s10+$0x0];
	v10 =	vadd.bf16 v10, v16;
	s22 =	spop (v2sf)  }
0x63c: {  	(v2sf) =	vpush v8, $0xD;
	v16 =	vld [tilespmem:s9+$0x0]  }
0x63d: {  	(v2sf) =	vpush v8, $0x0;
	v17 =	vld [tilespmem:s23+$0x0]  }
0x63e: {  	v13 =	vadd.bf16 v13, v15;
	(v2sf) =	vpush v2, $0x5;
	v18 =	vld [tilespmem:s21+$0x0];
	s21 =	spop (v2sf)  }
0x63f: {  	(v2sf) =	vpush v2, $0x6;
	v15 =	vld [tilespmem:s20+$0x0];
	v12 =	vadd.bf16 v14, v12  }
0x640: {  	(v2sf) =	vpush v8, $0x2;
	v14 =	vld [tilespmem:s15+$0x0];
	s9 =	spop (v2sf)  }
0x641: {  	(v2sf) =	vpush v8, $0x1;
	v19 =	vld [tilespmem:s19+$0x0];
	v10 =	vadd.bf16 v10, v12;
	s19 =	spop (v2sf)  }
0x642: {  	v16 =	vadd.bf16 v16, v20;
	v12 =	vld [tilespmem:s5+$0xFFFFFFFC];
	(v2sf) =	vpush v8, $0xF;
	s20 =	spop (v2sf)  }
0x643: {  	v11 =	vadd.bf16 v11, v3;
	(v2sf) =	vpush v2, $0x7;
	v20 =	vld [tilespmem:s18+$0x0]  }
0x644: {  	v7 =	vadd.bf16 v13, v7;
	(v2sf) =	vpush v8, $0x4;
	v21 =	vld [tilespmem:s8+$0x0];
	s18 =	spop (v2sf)  }
0x645: {  	v9 =	vadd.bf16 v11, v9;
	s15 =	spop (v2sf);
	(v2sf) =	vpush v8, $0xE;
	v3 =	vld [tilespmem:s9+$0x0]  }
0x646: {  	v22 =	vadd.bf16 v10, v7;
	s9 =	spop (v2sf);
	(v2sf) =	vpush v2, $0x8;
	v11 =	vld [tilespmem:s16+$0x0]  }
0x647: {  	v5 =	vadd.bf16 v5, v15;
	v7 =	vshll.u32 v12, $0x6;
	s10 =	spop (v2sf);
	(v2sf) =	vpush v2, $0x9;
	v12 =	vld [tilespmem:s21+$0x0]  }
0x648: {  	v17 =	vadd.bf16 v17, v14;
	v13 =	vshra.s32 v7, $0x2;
	s8 =	spop (v2sf);
	(v2sf) =	vpush v2, $0xA;
	v15 =	vld [tilespmem:s22+$0x0]  }
0x649: {  	s21 =	spop (v2sf);
	(v2sf) =	vpush v13, $0x3;
	v23 =	vld [tilespmem:s13+$0x0];
	v6 =	vadd.bf16 v21, v6  }
0x64a: {  	v19 =	vadd.bf16 v19, v20;
	(v2sf) =	vpush v13, $0x2;
	s16 =	spop (v2sf);
	v21 =	vld [tilespmem:s17+$0x0]  }
0x64b: {  	(v2sf) =	vpush v8, $0x6;
	s13 =	spop (v2sf);
	v7 =	vadd.bf16 v6, v16;
	v16 =	vld [tilespmem:s18+$0x0]  }
0x64c: {  	v10 =	vadd.bf16 v11, v18;
	s17 =	spop (v2sf);
	(v2sf) =	vpush v8, $0x3;
	v18 =	vld [tilespmem:s20+$0x0]  }
0x64d: {  	v20 =	vadd.bf16 v9, v4;
	v6 =	vld [tilespmem:s17+$0x0];
	s18 =	spop (v2sf);
	(v2sf) =	vpush v8, $0x7  }
0x64e: {  	v15 =	vadd.bf16 v12, v15;
	s17 =	spop (v2sf);
	(v2sf) =	vpush v8, $0x8;
	v14 =	vld [tilespmem:s19+$0x0]  }
.Ltmp8:
0x64f: {  	v9 =	vld [tilespmem:s17+$0x0];
	s17 =	spop (v2sf);
	(v2sf) =	vpush v8, $0x9;
	v21 =	vadd.bf16 v23, v21;
	(pc) =	sbr.rel @p0 .LBB2_18-.Ltmp8, $4  }
0x650: {  	v12 =	vadd.bf16 v17, v19;
	v4 =	vld [tilespmem:s17+$0x0];
	s17 =	spop (v2sf);
	(v2sf) =	vpush v8, $0xA  }
0x651: {  	v11 =	vld [tilespmem:s17+$0x0];
	(v2sf) =	vpush v8, $0xB;
	s17 =	spop (v2sf);
	v16 =	vadd.bf16 v16, v18  }
0x652: {  	v15 =	vadd.bf16 v15, v21;
	v17 =	vld [tilespmem:s18+$0x0];
	s18 =	spop (v2sf);
	(v2sf) =	vpush v8, $0xC  }
0x653: {  	s12 =	sadd.s32 $0x40, s12;
	v8 =	vadd.bf16 v22, v20;
	v18 =	vld [tilespmem:s21+$0x0];
	(v2sf) =	vpush v13, $0x1;
	s19 =	spop (v2sf)  }
0x654: {  	v19 =	vld [tilespmem:s18+$0x0]  }
0x655: {  	v20 =	vld [tilespmem:s14+$0x10]  }
0x656: {  	(v2sf) =	vpush v13, $0x0;
	v13 =	vld [tilespmem:s19+$0x0]  }
0x657: {  	v21 =	vld [tilespmem:s15+$0x0]  }
0x658: {  	v25 =	vld [tilespmem:s16+$0x0]  }
0x659: {  	v29 =	vld [tilespmem:s17+$0x0]  }
0x65a: {  	v33 =	vld [tilespmem:s10+$0x0]  }
0x65b: {  	s11 =	spop (v2sf);
	v34 =	vld [tilespmem:s9+$0x0];
	v1 =	vadd.bf16 v1, v7;
	v7 =	vadd.bf16 v15, v12  }
0x65c: {  	v3 =	vadd.bf16 v14, v3;
	s5 =	spop (v2sf);
	v22 =	vld [tilespmem:s11+$0x0]  }
0x65d: {  	(v2sf) =	vpush v2, $0xB;
	s12 =	spop (v2sf);
	v1 =	vadd.bf16 v7, v1;
	v7 =	vld [tilespmem:s5+$0x0]  }
0x65e: {  	(v2sf) =	vpush v2, $0xC;
	v3 =	vadd.bf16 v16, v3;
	s14 =	spop (v2sf);
	v15 =	vld [tilespmem:s12+$0x0]  }
0x65f: {  	(v2sf) =	vpush v2, $0xD;
	s23 =	spop (v2sf);
	v12 =	vld [tilespmem:s14+$0x0]  }
0x660: {  	(v2sf) =	vpush v2, $0xE;
	v3 =	vadd.bf16 v3, v8;
	v8 =	vld [tilespmem:s8+$0x0];
	s15 =	spop (v2sf)  }
0x661: {  	v23 =	vld [tilespmem:s23+$0x0];
	v20 =	vshll.u32 v20, $0x6;
	s11 =	spop (v2sf)  }
0x662: {  	v5 =	vadd.bf16 v5, v10;
	(v2sf) =	vpush v2, $0xF;
	v20 =	vshra.s32 v20, $0x2;
	v10 =	vld [tilespmem:s15+$0x0];
	s19 =	spop (v2sf)  }
0x663: {  	(v2sf) =	vpush v20, $0x0;
	v30 =	vld [tilespmem:s11+$0x0];
	s18 =	spop (v2sf)  }
0x664: {  	v24 =	vld [tilespmem:s19+$0x0];
	(v2sf) =	vpush v20, $0x1;
	s20 =	spop (v2sf)  }
0x665: {  	(v2sf) =	vpush v20, $0x2;
	v26 =	vld [tilespmem:s20+$0x0]  }
0x666: {  	s21 =	spop (v2sf);
	(v2sf) =	vpush v20, $0x3;
	v20 =	vld [tilespmem:s13+$0x0]  }
0x667: {  	v2 =	vld [tilespmem:s21+$0x0];
	s22 =	spop (v2sf)  }
0x668: {  	v27 =	vld [tilespmem:s22+$0x0];
	s23 =	spop (v2sf)  }
0x669: {  	v28 =	vld [tilespmem:s23+$0x0];
	s19 =	spop (v2sf)  }
0x66a: {  	v31 =	vld [tilespmem:s19+$0x0];
	s20 =	spop (v2sf)  }
0x66b: {  	v32 =	vld [tilespmem:s18+$0x0];
	s21 =	spop (v2sf)  }
0x66c: {  	v6 =	vadd.bf16 v11, v6;
	v11 =	vadd.bf16 v25, v13;
	v13 =	vld [tilespmem:s20+$0x0];
	s22 =	spop (v2sf)  }
0x66d: {  	v14 =	vadd.bf16 v17, v18;
	v36 =	vld [tilespmem:s21+$0x0];
	s23 =	spop (v2sf)  }
0x66e: {  	v9 =	vadd.bf16 v19, v9;
	v2 =	vadd.bf16 v2, v26;
	v35 =	vld [tilespmem:s22+$0x0];
	s15 =	spop (v2sf)  }
0x66f: {  	v17 =	vadd.bf16 v28, v27;
	s16 =	spop (v2sf);
	v18 =	vadd.bf16 v20, v31;
	v20 =	vld [tilespmem:s15+$0x0]  }
0x670: {  	v9 =	vadd.bf16 v9, v14;
	v4 =	vadd.bf16 v24, v4;
	v19 =	vld [tilespmem:s16+$0x0]  }
0x671: {  	v14 =	vadd.bf16 v29, v22;
	s17 =	spop (v2sf);
	v2 =	vadd.bf16 v17, v2;
	v17 =	vld [tilespmem:s23+$0x0]  }
0x672: {  	v4 =	vadd.bf16 v4, v6;
	v6 =	vadd.bf16 v32, v30;
	v16 =	vld [tilespmem:s17+$0x0];
	s18 =	spop (v2sf)  }
0x673: {  	v1 =	vadd.bf16 v5, v1;
	v14 =	vadd.bf16 v14, v18;
	v5 =	vld [tilespmem:s18+$0x0];
	s19 =	spop (v2sf)  }
0x674: {  	v7 =	vadd.bf16 v15, v7;
	v6 =	vadd.bf16 v6, v11;
	s20 =	spop (v2sf);
	v58 =	vld [tilespmem:s19+$0x0]  }
0x675: {  	v8 =	vadd.bf16 v8, v33;
	v2 =	vadd.bf16 v14, v2;
	s21 =	spop (v2sf);
	v14 =	vld [tilespmem:s20+$0x0]  }
0x676: {  	v10 =	vadd.bf16 v23, v10;
	v4 =	vadd.bf16 v6, v4;
	v11 =	vld [tilespmem:s21+$0x0]  }
0x677: {  	v18 =	vadd.bf16 v34, v21;
	v12 =	vadd.bf16 v35, v12  }
0x678: {  	v15 =	vadd.bf16 v20, v17;
	v6 =	vadd.bf16 v16, v19  }
0x679: {  	v13 =	vadd.bf16 v13, v36;
	v8 =	vadd.bf16 v8, v18  }
0x67a: {  	v7 =	vadd.bf16 v12, v7;
	v6 =	vadd.bf16 v6, v15  }
0x67b: {  	v5 =	vadd.bf16 v58, v5;
	v11 =	vadd.bf16 v11, v14  }
0x67c: {  	v2 =	vadd.bf16 v2, v4;
	v4 =	vadd.bf16 v9, v8  }
0x67d: {  	v8 =	vunpack.i.u.bf16.f32 v3;
	v6 =	vadd.bf16 v6, v7;
	v5 =	vadd.bf16 v11, v5  }
0x67e: {  	v3 =	vunpack.i.l.bf16.f32 v3;
	[tilespmem:s7+$0x10] =	vst v8;
	v7 =	vadd.bf16 v10, v13  }
0x67f: {  	[tilespmem:s7+$0x0] =	vst v3;
	v3 =	vunpack.i.u.bf16.f32 v1;
	v4 =	vadd.bf16 v6, v4;
	v2 =	vadd.bf16 v5, v2  }
0x680: {  	v1 =	vunpack.i.l.bf16.f32 v1;
	[tilespmem:s7+$0xFFFFFFF0] =	vst v3  }
0x681: {  	[tilespmem:s7+$0xFFFFFFE0] =	vst v1;
	v3 =	vadd.bf16 v7, v4;
	v1 =	vunpack.i.u.bf16.f32 v2  }
0x682: {  	v2 =	vunpack.i.l.bf16.f32 v2;
	[tilespmem:s6+$0x10] =	vst v1  }
0x683: {  	[tilespmem:s6+$0x0] =	vst v2;
	v1 =	vunpack.i.u.bf16.f32 v3  }
0x684: {  	v2 =	vunpack.i.l.bf16.f32 v3;
	[tilespmem:s6+$0xFFFFFFF0] =	vst v1  }
0x685: {  	[tilespmem:s6+$0xFFFFFFE0] =	vst v2  }
0x686: {  	s22 =	rddreg [dreg:$0x16]  }
0x687: {  	[hbm4b:s22+s2] =	stream.linear.scatter [tilespmem:s30], [sflag:$0x3], $0x5000, $0x38;
	[tilespmem:$0x142A0] =	vst v63  }
0x688: {  	_ =	swait.ge [sflag:s31], $0x3200  }
0x689: {  	[sflag:s31] =	ssyncset.done $0x0  }
0x68a: {  	[sflag:s31] =	ssyncadd.s32 $0xFFFFCE00  }
0x68b: {  	_ =	swait.ge [sflag:s3], $0x5000  }
0x68c: {  	[sflag:s3] =	ssyncset.done $0x0  }
0x68d: {  	s5 =	simm.s32 $0x70B4;
	[sflag:s3] =	ssyncadd.s32 $0xFFFFB000  }
0x68e: {  	v1 =	vld [tilespmem:s5+$0xFFFFFFDC];
	_ =	sdelay $0x4  }
0x68f: {  	v2 =	vld [tilespmem:s5+$0xFFFFFFF0];
	v1 =	vshll.u32 v1, $0x6  }
0x690: {  	v1 =	vshra.s32 v1, $0x2  }
0x691: {  	(v2sf) =	vpush v1, $0x0  }
0x692: {  	(v2sf) =	vpush v1, $0x1  }
0x693: {  	(v2sf) =	vpush v1, $0x2  }
0x694: {  	v2 =	vshll.u32 v2, $0x6;
	(v2sf) =	vpush v1, $0x3  }
0x695: {  	v2 =	vshra.s32 v2, $0x2;
	(v2sf) =	vpush v1, $0x4  }
0x696: {  	(v2sf) =	vpush v2, $0x5  }
0x697: {  	(v2sf) =	vpush v2, $0xD  }
0x698: {  	(v2sf) =	vpush v2, $0x0  }
0x699: {  	(v2sf) =	vpush v1, $0x5  }
0x69a: {  	(v2sf) =	vpush v1, $0x6  }
0x69b: {  	(v2sf) =	vpush v2, $0x2  }
0x69c: {  	(v2sf) =	vpush v2, $0x1  }
0x69d: {  	v3 =	vld [tilespmem:s5+$0xFFFFFFEC];
	(v2sf) =	vpush v2, $0xF  }
0x69e: {  	(v2sf) =	vpush v1, $0x7  }
0x69f: {  	(v2sf) =	vpush v2, $0x4  }
0x6a0: {  	s12 =	spop (v2sf);
	(v2sf) =	vpush v2, $0xE  }
0x6a1: {  	s7 =	spop (v2sf);
	(v2sf) =	vpush v1, $0x8  }
0x6a2: {  	v3 =	vshll.u32 v3, $0x6;
	s8 =	spop (v2sf);
	(v2sf) =	vpush v1, $0x9  }
0x6a3: {  	v3 =	vshra.s32 v3, $0x2;
	s6 =	spop (v2sf);
	(v2sf) =	vpush v1, $0xA  }
0x6a4: {  	s23 =	spop (v2sf);
	(v2sf) =	vpush v3, $0x3  }
0x6a5: {  	(v2sf) =	vpush v3, $0x2;
	s14 =	spop (v2sf)  }
0x6a6: {  	(v2sf) =	vpush v2, $0x6;
	s10 =	spop (v2sf)  }
0x6a7: {  	s16 =	spop (v2sf);
	(v2sf) =	vpush v2, $0x3  }
0x6a8: {  	v12 =	vld [tilespmem:s12+$0x0];
	s17 =	spop (v2sf);
	(v2sf) =	vpush v2, $0x7  }
0x6a9: {  	v9 =	vld [tilespmem:s23+$0x0];
	s18 =	spop (v2sf)  }
0x6aa: {  	v18 =	vld [tilespmem:s14+$0x0];
	s19 =	spop (v2sf)  }
0x6ab: {  	v4 =	vld [tilespmem:s16+$0x0];
	(v2sf) =	vpush v2, $0x8;
	s20 =	spop (v2sf)  }
0x6ac: {  	v8 =	vld [tilespmem:s17+$0x0];
	(v2sf) =	vpush v2, $0x9;
	s15 =	spop (v2sf)  }
0x6ad: {  	v5 =	vld [tilespmem:s18+$0x0];
	(v2sf) =	vpush v2, $0xA;
	s21 =	spop (v2sf)  }
0x6ae: {  	v6 =	vld [tilespmem:s19+$0x0];
	s22 =	spop (v2sf)  }
0x6af: {  	v7 =	vld [tilespmem:s20+$0x0];
	(v2sf) =	vpush v2, $0xB;
	s23 =	spop (v2sf)  }
0x6b0: {  	(v2sf) =	vpush v2, $0xC;
	v10 =	vld [tilespmem:s21+$0x0];
	s9 =	spop (v2sf)  }
0x6b1: {  	v2 =	vld [tilespmem:s5+$0x0];
	s5 =	simm.s32 $0x70DC;
	(v2sf) =	vpush v3, $0x1;
	s11 =	spop (v2sf)  }
0x6b2: {  	v15 =	vld [tilespmem:s5+$0xFFFFFFDC];
	(v2sf) =	vpush v3, $0x0;
	s12 =	spop (v2sf)  }
0x6b3: {  	v11 =	vld [tilespmem:s22+$0x0];
	(v2sf) =	vpush v1, $0xB;
	s17 =	spop (v2sf)  }
0x6b4: {  	v14 =	vld [tilespmem:s5+$0xFFFFFFF0];
	(v2sf) =	vpush v1, $0xC;
	s13 =	spop (v2sf)  }
0x6b5: {  	v3 =	vld [tilespmem:s23+$0x0];
	s16 =	spop (v2sf);
	(v2sf) =	vpush v1, $0xD  }
0x6b6: {  	v13 =	vld [tilespmem:s17+$0x0];
	s18 =	spop (v2sf);
	(v2sf) =	vpush v1, $0xE  }
0x6b7: {  	v2 =	vshll.u32 v2, $0x6;
	v16 =	vld [tilespmem:s18+$0x0];
	s19 =	spop (v2sf);
	(v2sf) =	vpush v1, $0xF;
	v1 =	vshll.u32 v15, $0x6  }
0x6b8: {  	v17 =	vshra.s32 v2, $0x2;
	v2 =	vshra.s32 v1, $0x2;
	v1 =	vadd.bf16 v8, v9;
	v8 =	vld [tilespmem:s15+$0x0]  }
0x6b9: {  	v9 =	vld [tilespmem:s16+$0x0]  }
0x6ba: {  	v5 =	vadd.bf16 v10, v5;
	s20 =	spop (v2sf);
	(v2sf) =	vpush v17, $0x0;
	v10 =	vld [tilespmem:s19+$0x0]  }
0x6bb: {  	v19 =	vld [tilespmem:s20+$0x0];
	s21 =	spop (v2sf);
	(v2sf) =	vpush v17, $0x1  }
0x6bc: {  	v20 =	vld [tilespmem:s21+$0x0];
	s22 =	spop (v2sf);
	(v2sf) =	vpush v17, $0x2  }
0x6bd: {  	v1 =	vadd.bf16 v5, v1;
	v5 =	vshll.u32 v14, $0x6;
	v14 =	vld [tilespmem:s8+$0x0];
	(v2sf) =	vpush v17, $0x3  }
0x6be: {  	v15 =	vld [tilespmem:s22+$0x0];
	s23 =	spop (v2sf);
	(v2sf) =	vpush v2, $0x0  }
0x6bf: {  	v4 =	vadd.bf16 v7, v4;
	v17 =	vld [tilespmem:s7+$0x0];
	(v2sf) =	vpush v2, $0x1  }
0x6c0: {  	v11 =	vadd.bf16 v18, v11;
	v59 =	vld [tilespmem:s23+$0x0];
	(v2sf) =	vpush v2, $0x2  }
0x6c1: {  	v60 =	vshra.s32 v5, $0x2;
	v5 =	vadd.bf16 v16, v6;
	v6 =	vld [tilespmem:s10+$0x0];
	s15 =	spop (v2sf);
	(v2sf) =	vpush v2, $0x3  }
0x6c2: {  	v9 =	vadd.bf16 v10, v9;
	v10 =	vld [tilespmem:s6+$0x0];
	s14 =	spop (v2sf);
	(v2sf) =	vpush v2, $0x4  }
0x6c3: {  	v3 =	vadd.bf16 v8, v3;
	v7 =	vld [tilespmem:s15+$0x0];
	s17 =	spop (v2sf);
	(v2sf) =	vpush v60, $0x5  }
0x6c4: {  	v4 =	vadd.bf16 v5, v4;
	v5 =	vld [tilespmem:s13+$0x0];
	s18 =	spop (v2sf);
	(v2sf) =	vpush v60, $0xD  }
0x6c5: {  	v16 =	vadd.bf16 v20, v19;
	v19 =	vld [tilespmem:s11+$0x0];
	s7 =	spop (v2sf);
	(v2sf) =	vpush v60, $0x0  }
0x6c6: {  	v20 =	vld [tilespmem:s5+$0xFFFFFFEC];
	v9 =	vadd.bf16 v9, v11;
	s16 =	spop (v2sf);
	(v2sf) =	vpush v2, $0x5  }
0x6c7: {  	v11 =	vld [tilespmem:s14+$0x0];
	v12 =	vadd.bf16 v17, v12;
	s19 =	spop (v2sf);
	(v2sf) =	vpush v2, $0x6  }
0x6c8: {  	v17 =	vld [tilespmem:s9+$0x0];
	v6 =	vadd.bf16 v6, v7;
	s20 =	spop (v2sf);
	(v2sf) =	vpush v60, $0x2  }
0x6c9: {  	v18 =	vld [tilespmem:s18+$0x0];
	v7 =	vadd.bf16 v59, v15;
	s21 =	spop (v2sf);
	(v2sf) =	vpush v60, $0x1  }
0x6ca: {  	v15 =	vld [tilespmem:s12+$0x0];
	v5 =	vadd.bf16 v13, v5;
	s22 =	spop (v2sf);
	(v2sf) =	vpush v60, $0xF  }
0x6cb: {  	v8 =	vld [tilespmem:s17+$0x0];
	v6 =	vadd.bf16 v3, v6;
	s23 =	spop (v2sf);
	(v2sf) =	vpush v2, $0x7  }
0x6cc: {  	v62 =	vld [tilespmem:s7+$0x0];
	v7 =	vadd.bf16 v7, v16;
	(v2sf) =	vpush v60, $0x4;
	s18 =	spop (v2sf)  }
0x6cd: {  	v17 =	vadd.bf16 v19, v17;
	v16 =	vld [tilespmem:s20+$0x0];
	s15 =	spop (v2sf);
	(v2sf) =	vpush v60, $0xE  }
0x6ce: {  	v61 =	vadd.bf16 v6, v7;
	v6 =	vshll.u32 v20, $0x6;
	v20 =	vld [tilespmem:s19+$0x0];
	s9 =	spop (v2sf);
	(v2sf) =	vpush v2, $0x8  }
0x6cf: {  	v15 =	vadd.bf16 v18, v15;
	v18 =	vld [tilespmem:s16+$0x0];
	s10 =	spop (v2sf);
	(v2sf) =	vpush v2, $0x9  }
0x6d0: {  	v13 =	vshra.s32 v6, $0x2;
	v6 =	vadd.bf16 v10, v14;
	s8 =	spop (v2sf);
	(v2sf) =	vpush v2, $0xA  }
0x6d1: {  	v10 =	vadd.bf16 v11, v8;
	s13 =	spop (v2sf);
	(v2sf) =	vpush v13, $0x3  }
0x6d2: {  	v3 =	vld [tilespmem:s21+$0x0];
	v7 =	vadd.bf16 v6, v12;
	(v2sf) =	vpush v13, $0x2;
	s16 =	spop (v2sf)  }
0x6d3: {  	v14 =	vld [tilespmem:s22+$0x0];
	v20 =	vadd.bf16 v16, v20;
	(v2sf) =	vpush v60, $0x6;
	s14 =	spop (v2sf)  }
0x6d4: {  	v8 =	vld [tilespmem:s23+$0x0];
	v18 =	vadd.bf16 v18, v62;
	s19 =	spop (v2sf);
	(v2sf) =	vpush v60, $0x3  }
0x6d5: {  	v12 =	vadd.bf16 v15, v17;
	v19 =	vld [tilespmem:s18+$0x0];
	s20 =	spop (v2sf);
	(v2sf) =	vpush v60, $0x7  }
0x6d6: {  	v15 =	vadd.bf16 v20, v18;
	v18 =	vld [tilespmem:s13+$0x0];
	s21 =	spop (v2sf);
	(v2sf) =	vpush v60, $0x8  }
0x6d7: {  	v6 =	vld [tilespmem:s19+$0x0];
	s22 =	spop (v2sf);
	(v2sf) =	vpush v60, $0x9  }
0x6d8: {  	v17 =	vld [tilespmem:s20+$0x0];
	s23 =	spop (v2sf);
	(v2sf) =	vpush v60, $0xA  }
0x6d9: {  	s6 =	simm.s32 $0xF2D0;
	v63 =	vadd.bf16 v9, v4;
	v9 =	vld [tilespmem:s21+$0x0];
	(v2sf) =	vpush v60, $0xB;
	s17 =	spop (v2sf)  }
0x6da: {  	s11 =	simm.s32 $0x2;
	s12 =	simm.s32 $0xF310;
	v16 =	vadd.bf16 v19, v8;
	v4 =	vld [tilespmem:s22+$0x0];
	s18 =	spop (v2sf);
	(v2sf) =	vpush v60, $0xC  }
0x6db: {  	s7 =	simm.s32 $0xF310;
	s13 =	simm.s32 $0x7104;
	v8 =	vadd.bf16 v61, v63;
	v11 =	vld [tilespmem:s23+$0x0];
	(v2sf) =	vpush v13, $0x1;
	s19 =	spop (v2sf)  }
.LBB2_20:
0x6dc: {  	s11 =	sadd.s32 $0x2, s11;
	v19 =	vld [tilespmem:s18+$0x0];
	s12 =	sadd.s32 $0x40, s12;
	(v2sf) =	vpush v13, $0x0;
	s20 =	spop (v2sf);
	v10 =	vadd.bf16 v5, v10  }
0x6dd: {  	v3 =	vadd.bf16 v14, v3;
	p0 =	slt.u32 s11, $0x27E;
	v13 =	vld [tilespmem:s5+$0x0];
	s18 =	spop (v2sf);
	(v2sf) =	vpush v2, $0xB;
	s5 =	smov.u32 s13  }
0x6de: {  	v7 =	vadd.bf16 v1, v7;
	v14 =	vld [tilespmem:s19+$0x0];
	s19 =	spop (v2sf);
	(v2sf) =	vpush v2, $0xC  }
0x6df: {  	v1 =	vadd.bf16 v16, v3;
	v20 =	vld [tilespmem:s15+$0x0];
	s15 =	spop (v2sf);
	(v2sf) =	vpush v2, $0xD  }
0x6e0: {  	v3 =	vadd.bf16 v17, v18;
	v16 =	vld [tilespmem:s20+$0x0];
	(v2sf) =	vpush v2, $0xE;
	s20 =	spop (v2sf)  }
0x6e1: {  	v6 =	vadd.bf16 v11, v6;
	v5 =	vld [tilespmem:s20+$0x0];
	v9 =	vadd.bf16 v19, v9;
	s20 =	spop (v2sf)  }
0x6e2: {  	v12 =	vadd.bf16 v15, v12;
	v8 =	vadd.bf16 v1, v8;
	v11 =	vld [tilespmem:s13+$0xFFFFFFF0];
	v13 =	vshll.u32 v13, $0x6;
	s21 =	spop (v2sf)  }
0x6e3: {  	v15 =	vld [tilespmem:s13+$0xFFFFFFDC];
	v1 =	vadd.bf16 v9, v3;
	v3 =	vshra.s32 v13, $0x2;
	(v2sf) =	vpush v2, $0xF;
	s22 =	spop (v2sf)  }
0x6e4: {  	v2 =	vadd.bf16 v12, v7;
	v7 =	vunpack.i.u.bf16.f32 v8;
	v8 =	vunpack.i.l.bf16.f32 v8;
	v9 =	vld [tilespmem:s22+$0x0];
	s22 =	spop (v2sf)  }
0x6e5: {  	v12 =	vld [tilespmem:s16+$0x0];
	s16 =	spop (v2sf);
	(v2sf) =	vpush v3, $0x0;
	[tilespmem:s6+$0x0] =	vst v7  }
0x6e6: {  	v10 =	vadd.bf16 v10, v2;
	v7 =	vld [tilespmem:s16+$0x0];
	s16 =	spop (v2sf);
	(v2sf) =	vpush v3, $0x1  }
0x6e7: {  	v2 =	vshll.u32 v11, $0x6;
	v11 =	vld [tilespmem:s16+$0x0];
	s16 =	spop (v2sf);
	(v2sf) =	vpush v3, $0x2;
	[tilespmem:s6+$0xFFFFFFF0] =	vst v8  }
0x6e8: {  	v17 =	vunpack.i.u.bf16.f32 v10;
	v13 =	vshll.u32 v15, $0x6;
	v8 =	vshra.s32 v2, $0x2;
	v15 =	vld [tilespmem:s16+$0x0];
	s16 =	spop (v2sf)  }
0x6e9: {  	v2 =	vshra.s32 v13, $0x2;
	v13 =	vld [tilespmem:s16+$0x0];
	s23 =	spop (v2sf);
	(v2sf) =	vpush v3, $0x3;
	v3 =	vunpack.i.l.bf16.f32 v10;
	[tilespmem:s6+$0xFFFFFFE0] =	vst v17  }
0x6ea: {  	v4 =	vadd.bf16 v9, v4;
	(v2sf) =	vpush v2, $0x0;
	v10 =	vld [tilespmem:s17+$0x0];
	s16 =	spop (v2sf);
	[tilespmem:s6+$0xFFFFFFD0] =	vst v3;
	s6 =	smov.u32 s7;
	s7 =	smov.u32 s12  }
0x6eb: {  	v9 =	vadd.bf16 v12, v14;
	(v2sf) =	vpush v2, $0x1;
	v3 =	vld [tilespmem:s21+$0x0];
	s21 =	spop (v2sf)  }
0x6ec: {  	(v2sf) =	vpush v2, $0x2;
	v12 =	vld [tilespmem:s23+$0x0];
	v7 =	vadd.bf16 v11, v7;
	s23 =	spop (v2sf)  }
0x6ed: {  	(v2sf) =	vpush v2, $0x3;
	v11 =	vld [tilespmem:s22+$0x0];
	s17 =	spop (v2sf)  }
0x6ee: {  	v4 =	vadd.bf16 v4, v6;
	(v2sf) =	vpush v2, $0x4;
	v14 =	vld [tilespmem:s14+$0x0];
	s14 =	spop (v2sf)  }
0x6ef: {  	(v2sf) =	vpush v8, $0x5;
	v6 =	vld [tilespmem:s10+$0x0];
	v10 =	vadd.bf16 v10, v16;
	s22 =	spop (v2sf)  }
0x6f0: {  	(v2sf) =	vpush v8, $0xD;
	v16 =	vld [tilespmem:s9+$0x0]  }
0x6f1: {  	(v2sf) =	vpush v8, $0x0;
	v17 =	vld [tilespmem:s23+$0x0]  }
0x6f2: {  	v13 =	vadd.bf16 v13, v15;
	(v2sf) =	vpush v2, $0x5;
	v18 =	vld [tilespmem:s21+$0x0];
	s21 =	spop (v2sf)  }
0x6f3: {  	(v2sf) =	vpush v2, $0x6;
	v15 =	vld [tilespmem:s20+$0x0];
	v12 =	vadd.bf16 v14, v12  }
0x6f4: {  	(v2sf) =	vpush v8, $0x2;
	v14 =	vld [tilespmem:s15+$0x0];
	s9 =	spop (v2sf)  }
0x6f5: {  	(v2sf) =	vpush v8, $0x1;
	v19 =	vld [tilespmem:s19+$0x0];
	v10 =	vadd.bf16 v10, v12;
	s19 =	spop (v2sf)  }
0x6f6: {  	v16 =	vadd.bf16 v16, v20;
	v12 =	vld [tilespmem:s13+$0xFFFFFFEC];
	(v2sf) =	vpush v8, $0xF;
	s20 =	spop (v2sf)  }
0x6f7: {  	v11 =	vadd.bf16 v11, v3;
	(v2sf) =	vpush v2, $0x7;
	v20 =	vld [tilespmem:s18+$0x0]  }
0x6f8: {  	v7 =	vadd.bf16 v13, v7;
	(v2sf) =	vpush v8, $0x4;
	v21 =	vld [tilespmem:s8+$0x0];
	s18 =	spop (v2sf)  }
0x6f9: {  	v9 =	vadd.bf16 v11, v9;
	s15 =	spop (v2sf);
	(v2sf) =	vpush v8, $0xE;
	v3 =	vld [tilespmem:s9+$0x0]  }
0x6fa: {  	v22 =	vadd.bf16 v10, v7;
	s9 =	spop (v2sf);
	(v2sf) =	vpush v2, $0x8;
	v11 =	vld [tilespmem:s16+$0x0]  }
0x6fb: {  	v5 =	vadd.bf16 v5, v15;
	v7 =	vshll.u32 v12, $0x6;
	s10 =	spop (v2sf);
	(v2sf) =	vpush v2, $0x9;
	v12 =	vld [tilespmem:s21+$0x0]  }
0x6fc: {  	v17 =	vadd.bf16 v17, v14;
	v13 =	vshra.s32 v7, $0x2;
	s8 =	spop (v2sf);
	(v2sf) =	vpush v2, $0xA;
	v15 =	vld [tilespmem:s22+$0x0]  }
0x6fd: {  	s21 =	spop (v2sf);
	(v2sf) =	vpush v13, $0x3;
	v23 =	vld [tilespmem:s14+$0x0];
	v6 =	vadd.bf16 v21, v6  }
0x6fe: {  	v19 =	vadd.bf16 v19, v20;
	(v2sf) =	vpush v13, $0x2;
	s16 =	spop (v2sf);
	v21 =	vld [tilespmem:s17+$0x0]  }
0x6ff: {  	(v2sf) =	vpush v8, $0x6;
	s14 =	spop (v2sf);
	v7 =	vadd.bf16 v6, v16;
	v16 =	vld [tilespmem:s18+$0x0]  }
0x700: {  	v10 =	vadd.bf16 v11, v18;
	s17 =	spop (v2sf);
	(v2sf) =	vpush v8, $0x3;
	v18 =	vld [tilespmem:s20+$0x0]  }
0x701: {  	v20 =	vadd.bf16 v9, v4;
	v6 =	vld [tilespmem:s17+$0x0];
	s18 =	spop (v2sf);
	(v2sf) =	vpush v8, $0x7  }
0x702: {  	v15 =	vadd.bf16 v12, v15;
	s17 =	spop (v2sf);
	(v2sf) =	vpush v8, $0x8;
	v14 =	vld [tilespmem:s19+$0x0]  }
.Ltmp9:
0x703: {  	v9 =	vld [tilespmem:s17+$0x0];
	s17 =	spop (v2sf);
	(v2sf) =	vpush v8, $0x9;
	v21 =	vadd.bf16 v23, v21;
	(pc) =	sbr.rel @p0 .LBB2_20-.Ltmp9, $4  }
0x704: {  	v12 =	vadd.bf16 v17, v19;
	v4 =	vld [tilespmem:s17+$0x0];
	s17 =	spop (v2sf);
	(v2sf) =	vpush v8, $0xA  }
0x705: {  	v11 =	vld [tilespmem:s17+$0x0];
	(v2sf) =	vpush v8, $0xB;
	s17 =	spop (v2sf);
	v16 =	vadd.bf16 v16, v18  }
0x706: {  	v15 =	vadd.bf16 v15, v21;
	v17 =	vld [tilespmem:s18+$0x0];
	s18 =	spop (v2sf);
	(v2sf) =	vpush v8, $0xC  }
0x707: {  	s13 =	sadd.s32 $0x28, s13;
	v8 =	vadd.bf16 v22, v20;
	v18 =	vld [tilespmem:s21+$0x0];
	(v2sf) =	vpush v13, $0x1;
	s19 =	spop (v2sf)  }
0x708: {  	v19 =	vld [tilespmem:s18+$0x0]  }
0x709: {  	v20 =	vld [tilespmem:s5+$0x0]  }
0x70a: {  	v62 =	vld [tilespmem:s19+$0x0]  }
0x70b: {  	v21 =	vld [tilespmem:s15+$0x0]  }
0x70c: {  	v25 =	vld [tilespmem:s16+$0x0]  }
0x70d: {  	s12 =	spop (v2sf);
	v29 =	vld [tilespmem:s17+$0x0]  }
0x70e: {  	v63 =	vld [tilespmem:s14+$0x0];
	s11 =	spop (v2sf)  }
0x70f: {  	v33 =	vld [tilespmem:s10+$0x0];
	s13 =	spop (v2sf)  }
0x710: {  	v34 =	vld [tilespmem:s9+$0x0];
	s5 =	spop (v2sf)  }
0x711: {  	(v2sf) =	vpush v13, $0x0;
	v43 =	vld [tilespmem:s8+$0x0];
	s19 =	spop (v2sf)  }
0x712: {  	(v2sf) =	vpush v2, $0xB;
	v22 =	vld [tilespmem:s12+$0x0];
	s15 =	spop (v2sf)  }
0x713: {  	(v2sf) =	vpush v2, $0xC;
	v42 =	vld [tilespmem:s11+$0x0];
	s12 =	spop (v2sf)  }
0x714: {  	v41 =	vld [tilespmem:s13+$0x0];
	(v2sf) =	vpush v2, $0xD;
	s20 =	spop (v2sf)  }
0x715: {  	v39 =	vld [tilespmem:s5+$0x0];
	v20 =	vshll.u32 v20, $0x6;
	(v2sf) =	vpush v2, $0xE;
	s18 =	spop (v2sf)  }
0x716: {  	v23 =	vld [tilespmem:s19+$0x0];
	v20 =	vshra.s32 v20, $0x2;
	(v2sf) =	vpush v2, $0xF;
	s21 =	spop (v2sf)  }
0x717: {  	v37 =	vld [tilespmem:s15+$0x0];
	(v2sf) =	vpush v20, $0x0;
	s22 =	spop (v2sf)  }
0x718: {  	v30 =	vld [tilespmem:s12+$0x0];
	(v2sf) =	vpush v20, $0x1;
	s23 =	spop (v2sf)  }
0x719: {  	v24 =	vld [tilespmem:s20+$0x0];
	s19 =	spop (v2sf);
	(v2sf) =	vpush v20, $0x2  }
0x71a: {  	v32 =	vld [tilespmem:s18+$0x0];
	(v2sf) =	vpush v20, $0x3  }
0x71b: {  	v26 =	vld [tilespmem:s21+$0x0]  }
0x71c: {  	v3 =	vadd.bf16 v14, v3;
	v2 =	vld [tilespmem:s22+$0x0]  }
0x71d: {  	v1 =	vadd.bf16 v1, v7;
	v38 =	vadd.bf16 v15, v12;
	v27 =	vld [tilespmem:s23+$0x0]  }
0x71e: {  	v5 =	vadd.bf16 v5, v10;
	v28 =	vld [tilespmem:s19+$0x0];
	s20 =	spop (v2sf)  }
0x71f: {  	v3 =	vadd.bf16 v16, v3;
	v1 =	vadd.bf16 v38, v1;
	v31 =	vld [tilespmem:s20+$0x0];
	s21 =	spop (v2sf)  }
0x720: {  	v6 =	vadd.bf16 v11, v6;
	v40 =	vadd.bf16 v17, v18;
	s22 =	spop (v2sf);
	v46 =	vld [tilespmem:s21+$0x0]  }
0x721: {  	v3 =	vadd.bf16 v3, v8;
	v9 =	vadd.bf16 v19, v9;
	s23 =	spop (v2sf);
	v36 =	vld [tilespmem:s22+$0x0]  }
0x722: {  	v55 =	vadd.bf16 v34, v21;
	v8 =	vadd.bf16 v43, v33;
	v35 =	vld [tilespmem:s23+$0x0];
	s14 =	spop (v2sf)  }
0x723: {  	v1 =	vadd.bf16 v5, v1;
	v45 =	vadd.bf16 v25, v62;
	v54 =	vld [tilespmem:s14+$0x0];
	s16 =	spop (v2sf)  }
0x724: {  	v9 =	vadd.bf16 v9, v40;
	v8 =	vadd.bf16 v8, v55;
	s17 =	spop (v2sf);
	v53 =	vld [tilespmem:s16+$0x0]  }
0x725: {  	v47 =	vadd.bf16 v29, v22;
	v7 =	vadd.bf16 v41, v42;
	s18 =	spop (v2sf);
	v51 =	vld [tilespmem:s17+$0x0]  }
0x726: {  	v61 =	vadd.bf16 v9, v8;
	v10 =	vadd.bf16 v23, v37;
	s19 =	spop (v2sf);
	v48 =	vld [tilespmem:s18+$0x0]  }
0x727: {  	v4 =	vadd.bf16 v24, v4;
	v52 =	vadd.bf16 v32, v30;
	v44 =	vld [tilespmem:s19+$0x0];
	s20 =	spop (v2sf)  }
0x728: {  	v2 =	vadd.bf16 v2, v26;
	v49 =	vadd.bf16 v28, v27;
	v58 =	vld [tilespmem:s20+$0x0];
	s21 =	spop (v2sf)  }
0x729: {  	v4 =	vadd.bf16 v4, v6;
	v50 =	vadd.bf16 v63, v31;
	s22 =	spop (v2sf);
	v57 =	vld [tilespmem:s21+$0x0]  }
0x72a: {  	v6 =	vadd.bf16 v52, v45;
	v2 =	vadd.bf16 v49, v2;
	v56 =	vld [tilespmem:s22+$0x0]  }
0x72b: {  	v14 =	vadd.bf16 v47, v50;
	v12 =	vadd.bf16 v35, v39  }
0x72c: {  	v60 =	vadd.bf16 v53, v54;
	v59 =	vadd.bf16 v48, v51  }
0x72d: {  	v4 =	vadd.bf16 v6, v4;
	v2 =	vadd.bf16 v14, v2  }
0x72e: {  	v7 =	vadd.bf16 v12, v7;
	v6 =	vadd.bf16 v59, v60  }
0x72f: {  	v5 =	vadd.bf16 v58, v44;
	v11 =	vadd.bf16 v56, v57  }
0x730: {  	v13 =	vadd.bf16 v46, v36;
	v2 =	vadd.bf16 v2, v4  }
0x731: {  	v62 =	vunpack.i.u.bf16.f32 v3;
	v6 =	vadd.bf16 v6, v7;
	v5 =	vadd.bf16 v11, v5  }
0x732: {  	v3 =	vunpack.i.l.bf16.f32 v3;
	[tilespmem:s6+$0x0] =	vst v62;
	v63 =	vadd.bf16 v10, v13  }
0x733: {  	[tilespmem:s6+$0xFFFFFFF0] =	vst v3;
	v3 =	vunpack.i.u.bf16.f32 v1;
	v4 =	vadd.bf16 v6, v61;
	v2 =	vadd.bf16 v5, v2  }
0x734: {  	v1 =	vunpack.i.l.bf16.f32 v1;
	[tilespmem:s6+$0xFFFFFFE0] =	vst v3  }
0x735: {  	[tilespmem:s6+$0xFFFFFFD0] =	vst v1;
	v3 =	vadd.bf16 v63, v4;
	v1 =	vunpack.i.u.bf16.f32 v2  }
0x736: {  	v2 =	vunpack.i.l.bf16.f32 v2;
	[tilespmem:s7+$0x0] =	vst v1  }
0x737: {  	[tilespmem:s7+$0xFFFFFFF0] =	vst v2;
	v1 =	vunpack.i.u.bf16.f32 v3  }
0x738: {  	v2 =	vunpack.i.l.bf16.f32 v3;
	[tilespmem:s7+$0xFFFFFFE0] =	vst v1  }
0x739: {  	[tilespmem:s7+$0xFFFFFFD0] =	vst v2  }
0x73a: {  	s4 =	sadd.s32 $0x1, s4;
	s23 =	rddreg [dreg:$0x17]  }
0x73b: {  	[hbm4b:s23+s2] =	stream.linear.scatter [tilespmem:s1], [sflag:$0x4], $0x5000, $0x38;
	[tilespmem:$0x142A0] =	vst v63  }
0x73c: {  	p0 =	sne.s32 s4, s24;
	_ =	swait.ge [sflag:s0], $0x5000  }
.Ltmp10:
0x73d: {  	[sflag:s0] =	ssyncset.done $0x0;
	(pc) =	sbr.rel @p0 .LBB2_1-.Ltmp10, $4  }
0x73e: {  	[sflag:s0] =	ssyncadd.s32 $0xFFFFB000  }
0x73f: {  	_ =	swait.ge [sflag:s3], $0x5000  }
0x740: {  	[sflag:s3] =	ssyncset.done $0x0  }
0x741: {  	[sflag:s3] =	ssyncadd.s32 $0xFFFFB000  }
0x742: {  	_ =	sfence.sel $0x180000  }
0x743: {  	[bflag:$0x0] =	sbarrier.arrive $0xFFFF  }
0x744: {  	_ =	strace $0x90000047  }
0x745: {  	s0 =	stileid.u32;
	[bflag:$0x2] =	sbarrier.arrive $0xFFFF  }
0x746: {  	p0 =	sne.s32 s0, $0x0;
	s0 =	rddreg [dreg:$0x2]  }
0x747: {  	s0 =	sadd.s32 @!p0 $0x100000, s0  }
0x748: {  	[sflag:s0] =	ssyncadd.tile.s32 @!p0 $0x1;
	_ =	shalt  }
.Lfunc_end2:
_tile_overlayer_lowered:
.L_overlay_start_2:
0x749: {  	(tag) =	ssettag $0x2  }
0x74a: {  	s0 =	rddreg [dreg:$0x0];
	s2 =	stileid.u32  }
0x74b: {  	s1 =	rddreg [dreg:$0x1];
	p0 =	sne.s32 s2, $0x0  }
0x74c: {  	s3 =	rddreg [dreg:$0x2];
	[bflag:$0x3] =	sbarrier.arrive $0xFFFF;
	s2 =	simm.s32 @!p0 $0x1C05  }
0x74d: {  	[timem:s3], [sflag:s2] =	dma.local @!p0 [hbm:s0], s1  }
0x74e: {  	s0 =	simm.s32 @!p0 $0x5  }
0x74f: {  	_ =	swait.ge @!p0 [sflag:s0], s1  }
0x750: {  	s1 =	ssub.s32 @!p0 $0x0, s1;
	[sflag:s0] =	ssyncset.done @!p0 $0x0  }
0x751: {  	[sflag:s0] =	ssyncadd.s32 @!p0 s1  }
0x752: {  	[bflag:$0x3] =	sbarrier.arrive $0xFFFF  }
0x753: {  	_ =	shalt  }

</sc_bundles>
